<compile_context>
chip_gen: v7x
topology: tpu7x:2x2x1
jax: 0.10.2.dev20260603
libtpu: 0.0.44.dev20260713+nightly
codegen_flags: <defaults>
</compile_context>

<pallas_src>
import jax
import jax.numpy as jnp
from jax import lax
from jax.experimental import pallas as pl
from jax.experimental.pallas import tpu as pltpu
from jax.experimental.pallas import tpu_sc as plsc

N = 100000
D = 128
G = 256

NC = 2
NS = 16
L = 16

SC_ROWS = 64000
RB = 2000
NBLK = (N - SC_ROWS) // RB
OFF = SC_ROWS // RB

DH = D // NC
QD = DH // L
W = DH + L
SPAN = 8 * -(-SC_ROWS // (NS * 8))
C = 512
B = C // L
NCH = -(-SPAN // C)
NSLOT = NCH + (NCH % 2)
SUBW = 128
STRIPE = G // NS
GSEG = G // NS


def _body(feat_hbm, ids_hbm, osum_hbm, ocnt_hbm,
          fb_a, fb_b, acc, zbuf, sum_buf, cnt_buf, idx2, acc_sh,
          ids_va, ids_vb, sem_a, sem_b):
    c = lax.axis_index("c")
    s = lax.axis_index("s")
    col0 = c * DH

    ones16 = jnp.ones((L,), jnp.float32)
    zero16 = jnp.zeros((L,), jnp.float32)
    full16 = jnp.full((L,), float(L), jnp.float32)
    pos = lax.iota(jnp.int32, L)

    for i in range(G // SUBW):
        for q in range(SUBW // L):
            idx2[i, pl.ds(q * L, L)] = pos + (i * SUBW + q * L)
    for r in range(STRIPE):
        for q in range(W // L):
            zbuf[r, pl.ds(q * L, L)] = zero16

    def zrow(r, carry):
        for q in range(W // L):
            acc[r, pl.ds(q * L, L)] = zero16
        return carry
    lax.fori_loop(0, G, zrow, 0)
    pltpu.sync_copy(zbuf, acc_sh.at[pl.ds(s * STRIPE, STRIPE)])
    plsc.subcore_barrier()

    start = s * SPAN
    end = jnp.minimum(start + SPAN, SC_ROWS)

    def issue_load(k, fb, ids_v, sem):
        lo = jnp.minimum(start + k * C, end - C)
        pltpu.async_copy(feat_hbm.at[pl.ds(lo, C), pl.ds(col0, DH)],
                         fb, sem)
        pltpu.async_copy(ids_hbm.at[pl.ds(lo, C)], ids_v, sem)

    def wait_load(k, fb, ids_v, sem):
        lo = jnp.minimum(start + k * C, end - C)
        pltpu.make_async_copy(feat_hbm.at[pl.ds(lo, C), pl.ds(col0, DH)],
                              fb, sem).wait()
        pltpu.make_async_copy(ids_hbm.at[pl.ds(lo, C)], ids_v, sem).wait()

    def process(k, fb, ids_sm):
        lo_un = start + k * C
        delta = lo_un - jnp.minimum(lo_un, end - C)

        def block(b, carry):
            r0 = b * L
            idvec = ids_sm[pl.ds(r0, L)]
            id_first = idvec[0]
            id_last = idvec[L - 1]

            def fast(_):
                regs = [zero16] * QD
                for rr in range(L):
                    for q in range(QD):
                        regs[q] = regs[q] + fb[r0 + rr, pl.ds(q * L, L)]
                for q in range(QD):
                    plsc.addupdate(acc.at[id_first, pl.ds(q * L, L)],
                                   regs[q])
                plsc.addupdate(acc.at[id_first, pl.ds(DH, L)], full16)
                return 0

            def slow(_):
                for rr in range(L):
                    def live(_, rr=rr):
                        sid = idvec[rr]
                        for q in range(QD):
                            plsc.addupdate(acc.at[sid, pl.ds(q * L, L)],
                                           fb[r0 + rr, pl.ds(q * L, L)])
                        plsc.addupdate(acc.at[sid, pl.ds(DH, L)], ones16)
                        return 0
                    lax.cond(r0 + rr >= delta, live, lambda _: 0, 0)
                return 0

            uniform = jnp.logical_and(id_first == id_last, r0 >= delta)
            lax.cond(uniform, fast, slow, 0)
            return carry

        return lax.fori_loop(0, B, block, 0)

    issue_load(0, fb_a, ids_va, sem_a)

    def two_slots(kk, carry):
        k0 = 2 * kk
        wait_load(k0, fb_a, ids_va, sem_a)
        issue_load(k0 + 1, fb_b, ids_vb, sem_b)
        process(k0, fb_a, ids_va)
        wait_load(k0 + 1, fb_b, ids_vb, sem_b)
        issue_load(k0 + 2, fb_a, ids_va, sem_a)
        process(k0 + 1, fb_b, ids_vb)
        return carry

    lax.fori_loop(0, NSLOT // 2, two_slots, 0)
    wait_load(NSLOT, fb_a, ids_va, sem_a)

    for i in range(G // SUBW):
        pltpu.sync_copy(acc.at[pl.ds(i * SUBW, SUBW)],
                        acc_sh.at[idx2.at[i]], add=True)
    plsc.subcore_barrier()

    g0 = s * GSEG
    pltpu.sync_copy(acc_sh.at[pl.ds(g0, GSEG)], sum_buf)
    pltpu.sync_copy(sum_buf.at[:, pl.ds(0, DH)],
                    osum_hbm.at[pl.ds(g0, GSEG), pl.ds(col0, DH)])

    @pl.when(c == 0)
    def _():
        for g in range(GSEG):
            cnt_buf[g] = sum_buf[g, pl.ds(DH, L)]
        pltpu.sync_copy(cnt_buf, ocnt_hbm.at[pl.ds(g0, GSEG)])


def _tc_block(ids_ref, x_ref, osum_ref, ocnt_ref):
    step = pl.program_id(0)
    ids = ids_ref[0, 0, :]
    iot = lax.broadcasted_iota(jnp.int32, (RB, G), 1)
    oh = (ids[:, None] == iot).astype(jnp.float32)
    partial = lax.dot_general(oh, x_ref[...],
                              dimension_numbers=(((0,), (0,)), ((), ())),
                              preferred_element_type=jnp.float32)
    ones_row = jnp.ones((8, RB), jnp.float32)
    cnt = lax.dot_general(ones_row, oh,
                          dimension_numbers=(((1,), (0,)), ((), ())),
                          preferred_element_type=jnp.float32)

    @pl.when(step == 0)
    def _():
        osum_ref[...] = jnp.zeros_like(osum_ref)
        ocnt_ref[...] = jnp.zeros_like(ocnt_ref)

    osum_ref[...] += partial
    ocnt_ref[...] += cnt


@jax.jit
def _pooled(feat, graph_ids):
    ids32 = graph_ids.astype(jnp.int32)

    mesh = plsc.VectorSubcoreMesh(core_axis_name="c", subcore_axis_name="s")
    sc = pl.kernel(
        _body,
        out_type=(jax.ShapeDtypeStruct((G, D), jnp.float32),
                  jax.ShapeDtypeStruct((G, L), jnp.float32)),
        mesh=mesh,
        compiler_params=pltpu.CompilerParams(use_tc_tiling_on_sc=False,
                                             has_side_effects=False),
        scratch_types=[
            pltpu.VMEM((C, DH), jnp.float32),
            pltpu.VMEM((C, DH), jnp.float32),
            pltpu.VMEM((G, W), jnp.float32),
            pltpu.VMEM((STRIPE, W), jnp.float32),
            pltpu.VMEM((GSEG, W), jnp.float32),
            pltpu.VMEM((GSEG, L), jnp.float32),
            pltpu.VMEM((G // SUBW, SUBW), jnp.int32),
            pltpu.VMEM_SHARED((G, W), jnp.float32),
            pltpu.VMEM((C,), jnp.int32),
            pltpu.VMEM((C,), jnp.int32),
            pltpu.SemaphoreType.DMA,
            pltpu.SemaphoreType.DMA,
        ],
    )
    sc_sum, sc_cnt = sc(feat, ids32)

    ids3 = ids32.reshape(N // RB, 1, RB)
    tc_sum, tc_cnt = pl.pallas_call(
        _tc_block,
        grid=(NBLK,),
        in_specs=[
            pl.BlockSpec((1, 1, RB), lambda i: (OFF + i, 0, 0)),
            pl.BlockSpec((RB, D), lambda i: (OFF + i, 0)),
        ],
        out_specs=[
            pl.BlockSpec((G, D), lambda i: (0, 0)),
            pl.BlockSpec((8, G), lambda i: (0, 0)),
        ],
        out_shape=(jax.ShapeDtypeStruct((G, D), jnp.float32),
                   jax.ShapeDtypeStruct((8, G), jnp.float32)),
    )(ids3, feat)

    sums = sc_sum + tc_sum
    cnts = sc_cnt[:, 0] + tc_cnt[0]
    return sums / jnp.clip(cnts, 1.0)[:, None]


def kernel(feat, graph_ids, num_graphs):
    pooled = _pooled(feat, graph_ids)
    valid = jnp.arange(G)[:, None] < num_graphs
    return jnp.where(valid, pooled, jnp.zeros_like(pooled))

# --- scband reference (transcript-rebuilt; emitter-appended) ---
"""Pipeline reference for scband-avg-pooling-32890859553608 (READ-ONLY COPY).

The authoritative reference and input builder live on the scoring server;
editing this copy changes nothing except your own understanding.
"""

import jax, jax.numpy as jnp
import numpy as np

N = 100000
D = 128
G = 256


def setup_inputs(seed: int = 0) -> dict:
    key = jax.random.key(seed)
    k1, k2 = jax.random.split(key)
    feat = jax.random.normal(k1, (N, D), dtype=jnp.float32)
    # sorted segment ids: nodes of each graph are contiguous, as in a DGL batched graph
    graph_ids = jnp.sort(jax.random.randint(k2, (N,), 0, G))
    return {"feat": feat, "graph_ids": graph_ids, "num_graphs": G}


def reference(feat, graph_ids, num_graphs):
    # AvgPooling readout == mean_nodes: per-graph mean of node features
    num_segments = G
    sums = jax.ops.segment_sum(feat, graph_ids, num_segments=num_segments)
    counts = jax.ops.segment_sum(
        jnp.ones((feat.shape[0],), dtype=feat.dtype), graph_ids, num_segments=num_segments
    )
    counts = jnp.clip(counts, 1.0)  # guard empty graphs, matches DGL behavior of no NaN blowup
    readout = sums / counts[:, None]
    valid = (jnp.arange(num_segments) < num_graphs)[:, None]
    readout = jnp.where(valid, readout, jnp.zeros_like(readout))
    return readout

if __name__ == "__main__":
    import jax
    _d = setup_inputs()
    print(jax.jit(kernel)(*tuple(_d.values())))

</pallas_src>

<mosaic_0001>
#map = affine_map<(d0, d1) -> (0, 0)>
#map1 = affine_map<(d0, d1) -> (0)>
module attributes {stable_mosaic.version = 14 : i64} {
  func.func @_body(%arg0: i32, %arg1: i32, %arg2: memref<100000x128xf32, #tpu.memory_space<hbm>>, %arg3: memref<100000xi32, #tpu.memory_space<hbm>>, %arg4: memref<256x128xf32, #tpu.memory_space<hbm>>, %arg5: memref<256x16xf32, #tpu.memory_space<hbm>>, %arg6: memref<512x64xf32, #tpu.memory_space<vmem>>, %arg7: memref<512x64xf32, #tpu.memory_space<vmem>>, %arg8: memref<256x80xf32, #tpu.memory_space<vmem>>, %arg9: memref<16x80xf32, #tpu.memory_space<vmem>>, %arg10: memref<16x80xf32, #tpu.memory_space<vmem>>, %arg11: memref<16x16xf32, #tpu.memory_space<vmem>>, %arg12: memref<2x128xi32, #tpu.memory_space<vmem>>, %arg13: memref<256x80xf32, #tpu.memory_space<vmem_shared>>, %arg14: memref<512xi32, #tpu.memory_space<vmem>>, %arg15: memref<512xi32, #tpu.memory_space<vmem>>, %arg16: memref<!tpu.dma_semaphore, #tpu.memory_space<semaphore_mem>>, %arg17: memref<!tpu.dma_semaphore, #tpu.memory_space<semaphore_mem>>) attributes {dimension_semantics = [#tpu.dimension_semantics<core_parallel>, #tpu.dimension_semantics<subcore_parallel>], iteration_bounds = array<i64: 2, 16>, scalar_prefetch = 0 : i64, scratch_operands = 12 : i64, tpu.core_type = #tpu.core_type<sc_vector_subcore>, window_params = [{transform_indices = #map}, {transform_indices = #map1}, {transform_indices = #map}, {transform_indices = #map}]} {
    %mul3A = arith.constant 64 : i32
    %mul3A_0 = arith.muli %arg0, %mul3A : i32
    %broadcast_in_dim3A = arith.constant 1.000000e+00 : f32
    %broadcast_in_dim3A_1 = vector.broadcast %broadcast_in_dim3A : f32 to vector<16xf32>
    %broadcast_in_dim3A_2 = arith.constant 0.000000e+00 : f32
    %broadcast_in_dim3A_3 = vector.broadcast %broadcast_in_dim3A_2 : f32 to vector<16xf32>
    %broadcast_in_dim3A_4 = arith.constant 1.600000e+01 : f32
    %broadcast_in_dim3A_5 = vector.broadcast %broadcast_in_dim3A_4 : f32 to vector<16xf32>
    %iota3A = tpu.iota {dimensions = array<i32: 0>} : vector<16xi32>
    %add3A = arith.constant 0 : i32
    %add3A_6 = vector.broadcast %add3A : i32 to vector<16xi32>
    %add3A_7 = arith.addi %iota3A, %add3A_6 : vector<16xi32>
    %swap3A = arith.constant 0 : i32
    %swap3A_8 = arith.index_cast %swap3A : i32 to index
    %swap3A_9 = arith.constant 0 : index
    %swap3A_10 = tpu.vector_load %arg12[%swap3A_8, %swap3A_9] {strides = array<i32>} : memref<2x128xi32, #tpu.memory_space<vmem>>, vector<1x16xi32>,
    %swap3A_11 = vector.shape_cast %swap3A_10 : vector<1x16xi32> to vector<16xi32>
    %swap3A_12 = vector.shape_cast %add3A_7 : vector<16xi32> to vector<1x16xi32>
    tpu.vector_store %arg12[%swap3A_8, %swap3A_9], %swap3A_12 {strides = array<i32>} : memref<2x128xi32, #tpu.memory_space<vmem>>, vector<1x16xi32>,
    %add3A_13 = arith.constant 16 : i32
    %add3A_14 = vector.broadcast %add3A_13 : i32 to vector<16xi32>
    %add3A_15 = arith.addi %iota3A, %add3A_14 : vector<16xi32>
    %swap3A_16 = arith.constant 0 : i32
    %swap3A_17 = arith.index_cast %swap3A_16 : i32 to index
    %swap3A_18 = arith.constant 16 : index
    %swap3A_19 = tpu.vector_load %arg12[%swap3A_17, %swap3A_18] {strides = array<i32>} : memref<2x128xi32, #tpu.memory_space<vmem>>, vector<1x16xi32>,
    %swap3A_20 = vector.shape_cast %swap3A_19 : vector<1x16xi32> to vector<16xi32>
    %swap3A_21 = vector.shape_cast %add3A_15 : vector<16xi32> to vector<1x16xi32>
    tpu.vector_store %arg12[%swap3A_17, %swap3A_18], %swap3A_21 {strides = array<i32>} : memref<2x128xi32, #tpu.memory_space<vmem>>, vector<1x16xi32>,
    %add3A_22 = arith.constant 32 : i32
    %add3A_23 = vector.broadcast %add3A_22 : i32 to vector<16xi32>
    %add3A_24 = arith.addi %iota3A, %add3A_23 : vector<16xi32>
    %swap3A_25 = arith.constant 0 : i32
    %swap3A_26 = arith.index_cast %swap3A_25 : i32 to index
    %swap3A_27 = arith.constant 32 : index
    %swap3A_28 = tpu.vector_load %arg12[%swap3A_26, %swap3A_27] {strides = array<i32>} : memref<2x128xi32, #tpu.memory_space<vmem>>, vector<1x16xi32>,
    %swap3A_29 = vector.shape_cast %swap3A_28 : vector<1x16xi32> to vector<16xi32>
    %swap3A_30 = vector.shape_cast %add3A_24 : vector<16xi32> to vector<1x16xi32>
    tpu.vector_store %arg12[%swap3A_26, %swap3A_27], %swap3A_30 {strides = array<i32>} : memref<2x128xi32, #tpu.memory_space<vmem>>, vector<1x16xi32>,
    %add3A_31 = arith.constant 48 : i32
    %add3A_32 = vector.broadcast %add3A_31 : i32 to vector<16xi32>
    %add3A_33 = arith.addi %iota3A, %add3A_32 : vector<16xi32>
    %swap3A_34 = arith.constant 0 : i32
    %swap3A_35 = arith.index_cast %swap3A_34 : i32 to index
    %swap3A_36 = arith.constant 48 : index
    %swap3A_37 = tpu.vector_load %arg12[%swap3A_35, %swap3A_36] {strides = array<i32>} : memref<2x128xi32, #tpu.memory_space<vmem>>, vector<1x16xi32>,
    %swap3A_38 = vector.shape_cast %swap3A_37 : vector<1x16xi32> to vector<16xi32>
    %swap3A_39 = vector.shape_cast %add3A_33 : vector<16xi32> to vector<1x16xi32>
    tpu.vector_store %arg12[%swap3A_35, %swap3A_36], %swap3A_39 {strides = array<i32>} : memref<2x128xi32, #tpu.memory_space<vmem>>, vector<1x16xi32>,
    %add3A_40 = arith.constant 64 : i32
    %add3A_41 = vector.broadcast %add3A_40 : i32 to vector<16xi32>
    %add3A_42 = arith.addi %iota3A, %add3A_41 : vector<16xi32>
    %swap3A_43 = arith.constant 0 : i32
    %swap3A_44 = arith.index_cast %swap3A_43 : i32 to index
    %swap3A_45 = arith.constant 64 : index
    %swap3A_46 = tpu.vector_load %arg12[%swap3A_44, %swap3A_45] {strides = array<i32>} : memref<2x128xi32, #tpu.memory_space<vmem>>, vector<1x16xi32>,
    %swap3A_47 = vector.shape_cast %swap3A_46 : vector<1x16xi32> to vector<16xi32>
    %swap3A_48 = vector.shape_cast %add3A_42 : vector<16xi32> to vector<1x16xi32>
    tpu.vector_store %arg12[%swap3A_44, %swap3A_45], %swap3A_48 {strides = array<i32>} : memref<2x128xi32, #tpu.memory_space<vmem>>, vector<1x16xi32>,
    %add3A_49 = arith.constant 80 : i32
    %add3A_50 = vector.broadcast %add3A_49 : i32 to vector<16xi32>
    %add3A_51 = arith.addi %iota3A, %add3A_50 : vector<16xi32>
    %swap3A_52 = arith.constant 0 : i32
    %swap3A_53 = arith.index_cast %swap3A_52 : i32 to index
    %swap3A_54 = arith.constant 80 : index
    %swap3A_55 = tpu.vector_load %arg12[%swap3A_53, %swap3A_54] {strides = array<i32>} : memref<2x128xi32, #tpu.memory_space<vmem>>, vector<1x16xi32>,
    %swap3A_56 = vector.shape_cast %swap3A_55 : vector<1x16xi32> to vector<16xi32>
    %swap3A_57 = vector.shape_cast %add3A_51 : vector<16xi32> to vector<1x16xi32>
    tpu.vector_store %arg12[%swap3A_53, %swap3A_54], %swap3A_57 {strides = array<i32>} : memref<2x128xi32, #tpu.memory_space<vmem>>, vector<1x16xi32>,
    %add3A_58 = arith.constant 96 : i32
    %add3A_59 = vector.broadcast %add3A_58 : i32 to vector<16xi32>
    %add3A_60 = arith.addi %iota3A, %add3A_59 : vector<16xi32>
    %swap3A_61 = arith.constant 0 : i32
    %swap3A_62 = arith.index_cast %swap3A_61 : i32 to index
    %swap3A_63 = arith.constant 96 : index
    %swap3A_64 = tpu.vector_load %arg12[%swap3A_62, %swap3A_63] {strides = array<i32>} : memref<2x128xi32, #tpu.memory_space<vmem>>, vector<1x16xi32>,
    %swap3A_65 = vector.shape_cast %swap3A_64 : vector<1x16xi32> to vector<16xi32>
    %swap3A_66 = vector.shape_cast %add3A_60 : vector<16xi32> to vector<1x16xi32>
    tpu.vector_store %arg12[%swap3A_62, %swap3A_63], %swap3A_66 {strides = array<i32>} : memref<2x128xi32, #tpu.memory_space<vmem>>, vector<1x16xi32>,
    %add3A_67 = arith.constant 112 : i32
    %add3A_68 = vector.broadcast %add3A_67 : i32 to vector<16xi32>
    %add3A_69 = arith.addi %iota3A, %add3A_68 : vector<16xi32>
    %swap3A_70 = arith.constant 0 : i32
    %swap3A_71 = arith.index_cast %swap3A_70 : i32 to index
    %swap3A_72 = arith.constant 112 : index
    %swap3A_73 = tpu.vector_load %arg12[%swap3A_71, %swap3A_72] {strides = array<i32>} : memref<2x128xi32, #tpu.memory_space<vmem>>, vector<1x16xi32>,
    %swap3A_74 = vector.shape_cast %swap3A_73 : vector<1x16xi32> to vector<16xi32>
    %swap3A_75 = vector.shape_cast %add3A_69 : vector<16xi32> to vector<1x16xi32>
    tpu.vector_store %arg12[%swap3A_71, %swap3A_72], %swap3A_75 {strides = array<i32>} : memref<2x128xi32, #tpu.memory_space<vmem>>, vector<1x16xi32>,
    %add3A_76 = arith.constant 128 : i32
    %add3A_77 = vector.broadcast %add3A_76 : i32 to vector<16xi32>
    %add3A_78 = arith.addi %iota3A, %add3A_77 : vector<16xi32>
    %swap3A_79 = arith.constant 1 : i32
    %swap3A_80 = arith.index_cast %swap3A_79 : i32 to index
    %swap3A_81 = arith.constant 0 : index
    %swap3A_82 = tpu.vector_load %arg12[%swap3A_80, %swap3A_81] {strides = array<i32>} : memref<2x128xi32, #tpu.memory_space<vmem>>, vector<1x16xi32>,
    %swap3A_83 = vector.shape_cast %swap3A_82 : vector<1x16xi32> to vector<16xi32>
    %swap3A_84 = vector.shape_cast %add3A_78 : vector<16xi32> to vector<1x16xi32>
    tpu.vector_store %arg12[%swap3A_80, %swap3A_81], %swap3A_84 {strides = array<i32>} : memref<2x128xi32, #tpu.memory_space<vmem>>, vector<1x16xi32>,
    %add3A_85 = arith.constant 144 : i32
    %add3A_86 = vector.broadcast %add3A_85 : i32 to vector<16xi32>
    %add3A_87 = arith.addi %iota3A, %add3A_86 : vector<16xi32>
    %swap3A_88 = arith.constant 1 : i32
    %swap3A_89 = arith.index_cast %swap3A_88 : i32 to index
    %swap3A_90 = arith.constant 16 : index
    %swap3A_91 = tpu.vector_load %arg12[%swap3A_89, %swap3A_90] {strides = array<i32>} : memref<2x128xi32, #tpu.memory_space<vmem>>, vector<1x16xi32>,
    %swap3A_92 = vector.shape_cast %swap3A_91 : vector<1x16xi32> to vector<16xi32>
    %swap3A_93 = vector.shape_cast %add3A_87 : vector<16xi32> to vector<1x16xi32>
    tpu.vector_store %arg12[%swap3A_89, %swap3A_90], %swap3A_93 {strides = array<i32>} : memref<2x128xi32, #tpu.memory_space<vmem>>, vector<1x16xi32>,
    %add3A_94 = arith.constant 160 : i32
    %add3A_95 = vector.broadcast %add3A_94 : i32 to vector<16xi32>
    %add3A_96 = arith.addi %iota3A, %add3A_95 : vector<16xi32>
    %swap3A_97 = arith.constant 1 : i32
    %swap3A_98 = arith.index_cast %swap3A_97 : i32 to index
    %swap3A_99 = arith.constant 32 : index
    %swap3A_100 = tpu.vector_load %arg12[%swap3A_98, %swap3A_99] {strides = array<i32>} : memref<2x128xi32, #tpu.memory_space<vmem>>, vector<1x16xi32>,
    %swap3A_101 = vector.shape_cast %swap3A_100 : vector<1x16xi32> to vector<16xi32>
    %swap3A_102 = vector.shape_cast %add3A_96 : vector<16xi32> to vector<1x16xi32>
    tpu.vector_store %arg12[%swap3A_98, %swap3A_99], %swap3A_102 {strides = array<i32>} : memref<2x128xi32, #tpu.memory_space<vmem>>, vector<1x16xi32>,
    %add3A_103 = arith.constant 176 : i32
    %add3A_104 = vector.broadcast %add3A_103 : i32 to vector<16xi32>
    %add3A_105 = arith.addi %iota3A, %add3A_104 : vector<16xi32>
    %swap3A_106 = arith.constant 1 : i32
    %swap3A_107 = arith.index_cast %swap3A_106 : i32 to index
    %swap3A_108 = arith.constant 48 : index
    %swap3A_109 = tpu.vector_load %arg12[%swap3A_107, %swap3A_108] {strides = array<i32>} : memref<2x128xi32, #tpu.memory_space<vmem>>, vector<1x16xi32>,
    %swap3A_110 = vector.shape_cast %swap3A_109 : vector<1x16xi32> to vector<16xi32>
    %swap3A_111 = vector.shape_cast %add3A_105 : vector<16xi32> to vector<1x16xi32>
    tpu.vector_store %arg12[%swap3A_107, %swap3A_108], %swap3A_111 {strides = array<i32>} : memref<2x128xi32, #tpu.memory_space<vmem>>, vector<1x16xi32>,
    %add3A_112 = arith.constant 192 : i32
    %add3A_113 = vector.broadcast %add3A_112 : i32 to vector<16xi32>
    %add3A_114 = arith.addi %iota3A, %add3A_113 : vector<16xi32>
    %swap3A_115 = arith.constant 1 : i32
    %swap3A_116 = arith.index_cast %swap3A_115 : i32 to index
    %swap3A_117 = arith.constant 64 : index
    %swap3A_118 = tpu.vector_load %arg12[%swap3A_116, %swap3A_117] {strides = array<i32>} : memref<2x128xi32, #tpu.memory_space<vmem>>, vector<1x16xi32>,
    %swap3A_119 = vector.shape_cast %swap3A_118 : vector<1x16xi32> to vector<16xi32>
    %swap3A_120 = vector.shape_cast %add3A_114 : vector<16xi32> to vector<1x16xi32>
    tpu.vector_store %arg12[%swap3A_116, %swap3A_117], %swap3A_120 {strides = array<i32>} : memref<2x128xi32, #tpu.memory_space<vmem>>, vector<1x16xi32>,
    %add3A_121 = arith.constant 208 : i32
    %add3A_122 = vector.broadcast %add3A_121 : i32 to vector<16xi32>
    %add3A_123 = arith.addi %iota3A, %add3A_122 : vector<16xi32>
    %swap3A_124 = arith.constant 1 : i32
    %swap3A_125 = arith.index_cast %swap3A_124 : i32 to index
    %swap3A_126 = arith.constant 80 : index
    %swap3A_127 = tpu.vector_load %arg12[%swap3A_125, %swap3A_126] {strides = array<i32>} : memref<2x128xi32, #tpu.memory_space<vmem>>, vector<1x16xi32>,
    %swap3A_128 = vector.shape_cast %swap3A_127 : vector<1x16xi32> to vector<16xi32>
    %swap3A_129 = vector.shape_cast %add3A_123 : vector<16xi32> to vector<1x16xi32>
    tpu.vector_store %arg12[%swap3A_125, %swap3A_126], %swap3A_129 {strides = array<i32>} : memref<2x128xi32, #tpu.memory_space<vmem>>, vector<1x16xi32>,
    %add3A_130 = arith.constant 224 : i32
    %add3A_131 = vector.broadcast %add3A_130 : i32 to vector<16xi32>
    %add3A_132 = arith.addi %iota3A, %add3A_131 : vector<16xi32>
    %swap3A_133 = arith.constant 1 : i32
    %swap3A_134 = arith.index_cast %swap3A_133 : i32 to index
    %swap3A_135 = arith.constant 96 : index
    %swap3A_136 = tpu.vector_load %arg12[%swap3A_134, %swap3A_135] {strides = array<i32>} : memref<2x128xi32, #tpu.memory_space<vmem>>, vector<1x16xi32>,
    %swap3A_137 = vector.shape_cast %swap3A_136 : vector<1x16xi32> to vector<16xi32>
    %swap3A_138 = vector.shape_cast %add3A_132 : vector<16xi32> to vector<1x16xi32>
    tpu.vector_store %arg12[%swap3A_134, %swap3A_135], %swap3A_138 {strides = array<i32>} : memref<2x128xi32, #tpu.memory_space<vmem>>, vector<1x16xi32>,
    %add3A_139 = arith.constant 240 : i32
    %add3A_140 = vector.broadcast %add3A_139 : i32 to vector<16xi32>
    %add3A_141 = arith.addi %iota3A, %add3A_140 : vector<16xi32>
    %swap3A_142 = arith.constant 1 : i32
    %swap3A_143 = arith.index_cast %swap3A_142 : i32 to index
    %swap3A_144 = arith.constant 112 : index
    %swap3A_145 = tpu.vector_load %arg12[%swap3A_143, %swap3A_144] {strides = array<i32>} : memref<2x128xi32, #tpu.memory_space<vmem>>, vector<1x16xi32>,
    %swap3A_146 = vector.shape_cast %swap3A_145 : vector<1x16xi32> to vector<16xi32>
    %swap3A_147 = vector.shape_cast %add3A_141 : vector<16xi32> to vector<1x16xi32>
    tpu.vector_store %arg12[%swap3A_143, %swap3A_144], %swap3A_147 {strides = array<i32>} : memref<2x128xi32, #tpu.memory_space<vmem>>, vector<1x16xi32>,
    %swap3A_148 = arith.constant 0 : i32
    %swap3A_149 = arith.index_cast %swap3A_148 : i32 to index
    %swap3A_150 = arith.constant 0 : index
    %swap3A_151 = tpu.vector_load %arg9[%swap3A_149, %swap3A_150] {strides = array<i32>} : memref<16x80xf32, #tpu.memory_space<vmem>>, vector<1x16xf32>,
    %swap3A_152 = vector.shape_cast %swap3A_151 : vector<1x16xf32> to vector<16xf32>
    %swap3A_153 = vector.shape_cast %broadcast_in_dim3A_3 : vector<16xf32> to vector<1x16xf32>
    tpu.vector_store %arg9[%swap3A_149, %swap3A_150], %swap3A_153 {strides = array<i32>} : memref<16x80xf32, #tpu.memory_space<vmem>>, vector<1x16xf32>,
    %swap3A_154 = arith.constant 0 : i32
    %swap3A_155 = arith.index_cast %swap3A_154 : i32 to index
    %swap3A_156 = arith.constant 16 : index
    %swap3A_157 = tpu.vector_load %arg9[%swap3A_155, %swap3A_156] {strides = array<i32>} : memref<16x80xf32, #tpu.memory_space<vmem>>, vector<1x16xf32>,
    %swap3A_158 = vector.shape_cast %swap3A_157 : vector<1x16xf32> to vector<16xf32>
    %swap3A_159 = vector.shape_cast %broadcast_in_dim3A_3 : vector<16xf32> to vector<1x16xf32>
    tpu.vector_store %arg9[%swap3A_155, %swap3A_156], %swap3A_159 {strides = array<i32>} : memref<16x80xf32, #tpu.memory_space<vmem>>, vector<1x16xf32>,
    %swap3A_160 = arith.constant 0 : i32
    %swap3A_161 = arith.index_cast %swap3A_160 : i32 to index
    %swap3A_162 = arith.constant 32 : index
    %swap3A_163 = tpu.vector_load %arg9[%swap3A_161, %swap3A_162] {strides = array<i32>} : memref<16x80xf32, #tpu.memory_space<vmem>>, vector<1x16xf32>,
    %swap3A_164 = vector.shape_cast %swap3A_163 : vector<1x16xf32> to vector<16xf32>
    %swap3A_165 = vector.shape_cast %broadcast_in_dim3A_3 : vector<16xf32> to vector<1x16xf32>
    tpu.vector_store %arg9[%swap3A_161, %swap3A_162], %swap3A_165 {strides = array<i32>} : memref<16x80xf32, #tpu.memory_space<vmem>>, vector<1x16xf32>,
    %swap3A_166 = arith.constant 0 : i32
    %swap3A_167 = arith.index_cast %swap3A_166 : i32 to index
    %swap3A_168 = arith.constant 48 : index
    %swap3A_169 = tpu.vector_load %arg9[%swap3A_167, %swap3A_168] {strides = array<i32>} : memref<16x80xf32, #tpu.memory_space<vmem>>, vector<1x16xf32>,
    %swap3A_170 = vector.shape_cast %swap3A_169 : vector<1x16xf32> to vector<16xf32>
    %swap3A_171 = vector.shape_cast %broadcast_in_dim3A_3 : vector<16xf32> to vector<1x16xf32>
    tpu.vector_store %arg9[%swap3A_167, %swap3A_168], %swap3A_171 {strides = array<i32>} : memref<16x80xf32, #tpu.memory_space<vmem>>, vector<1x16xf32>,
    %swap3A_172 = arith.constant 0 : i32
    %swap3A_173 = arith.index_cast %swap3A_172 : i32 to index
    %swap3A_174 = arith.constant 64 : index
    %swap3A_175 = tpu.vector_load %arg9[%swap3A_173, %swap3A_174] {strides = array<i32>} : memref<16x80xf32, #tpu.memory_space<vmem>>, vector<1x16xf32>,
    %swap3A_176 = vector.shape_cast %swap3A_175 : vector<1x16xf32> to vector<16xf32>
    %swap3A_177 = vector.shape_cast %broadcast_in_dim3A_3 : vector<16xf32> to vector<1x16xf32>
    tpu.vector_store %arg9[%swap3A_173, %swap3A_174], %swap3A_177 {strides = array<i32>} : memref<16x80xf32, #tpu.memory_space<vmem>>, vector<1x16xf32>,
    %swap3A_178 = arith.constant 1 : i32
    %swap3A_179 = arith.index_cast %swap3A_178 : i32 to index
    %swap3A_180 = arith.constant 0 : index
    %swap3A_181 = tpu.vector_load %arg9[%swap3A_179, %swap3A_180] {strides = array<i32>} : memref<16x80xf32, #tpu.memory_space<vmem>>, vector<1x16xf32>,
    %swap3A_182 = vector.shape_cast %swap3A_181 : vector<1x16xf32> to vector<16xf32>
    %swap3A_183 = vector.shape_cast %broadcast_in_dim3A_3 : vector<16xf32> to vector<1x16xf32>
    tpu.vector_store %arg9[%swap3A_179, %swap3A_180], %swap3A_183 {strides = array<i32>} : memref<16x80xf32, #tpu.memory_space<vmem>>, vector<1x16xf32>,
    %swap3A_184 = arith.constant 1 : i32
    %swap3A_185 = arith.index_cast %swap3A_184 : i32 to index
    %swap3A_186 = arith.constant 16 : index
    %swap3A_187 = tpu.vector_load %arg9[%swap3A_185, %swap3A_186] {strides = array<i32>} : memref<16x80xf32, #tpu.memory_space<vmem>>, vector<1x16xf32>,
    %swap3A_188 = vector.shape_cast %swap3A_187 : vector<1x16xf32> to vector<16xf32>
    %swap3A_189 = vector.shape_cast %broadcast_in_dim3A_3 : vector<16xf32> to vector<1x16xf32>
    tpu.vector_store %arg9[%swap3A_185, %swap3A_186], %swap3A_189 {strides = array<i32>} : memref<16x80xf32, #tpu.memory_space<vmem>>, vector<1x16xf32>,
    %swap3A_190 = arith.constant 1 : i32
    %swap3A_191 = arith.index_cast %swap3A_190 : i32 to index
    %swap3A_192 = arith.constant 32 : index
    %swap3A_193 = tpu.vector_load %arg9[%swap3A_191, %swap3A_192] {strides = array<i32>} : memref<16x80xf32, #tpu.memory_space<vmem>>, vector<1x16xf32>,
    %swap3A_194 = vector.shape_cast %swap3A_193 : vector<1x16xf32> to vector<16xf32>
    %swap3A_195 = vector.shape_cast %broadcast_in_dim3A_3 : vector<16xf32> to vector<1x16xf32>
    tpu.vector_store %arg9[%swap3A_191, %swap3A_192], %swap3A_195 {strides = array<i32>} : memref<16x80xf32, #tpu.memory_space<vmem>>, vector<1x16xf32>,
    %swap3A_196 = arith.constant 1 : i32
    %swap3A_197 = arith.index_cast %swap3A_196 : i32 to index
    %swap3A_198 = arith.constant 48 : index
    %swap3A_199 = tpu.vector_load %arg9[%swap3A_197, %swap3A_198] {strides = array<i32>} : memref<16x80xf32, #tpu.memory_space<vmem>>, vector<1x16xf32>,
    %swap3A_200 = vector.shape_cast %swap3A_199 : vector<1x16xf32> to vector<16xf32>
    %swap3A_201 = vector.shape_cast %broadcast_in_dim3A_3 : vector<16xf32> to vector<1x16xf32>
    tpu.vector_store %arg9[%swap3A_197, %swap3A_198], %swap3A_201 {strides = array<i32>} : memref<16x80xf32, #tpu.memory_space<vmem>>, vector<1x16xf32>,
    %swap3A_202 = arith.constant 1 : i32
    %swap3A_203 = arith.index_cast %swap3A_202 : i32 to index
    %swap3A_204 = arith.constant 64 : index
    %swap3A_205 = tpu.vector_load %arg9[%swap3A_203, %swap3A_204] {strides = array<i32>} : memref<16x80xf32, #tpu.memory_space<vmem>>, vector<1x16xf32>,
    %swap3A_206 = vector.shape_cast %swap3A_205 : vector<1x16xf32> to vector<16xf32>
    %swap3A_207 = vector.shape_cast %broadcast_in_dim3A_3 : vector<16xf32> to vector<1x16xf32>
    tpu.vector_store %arg9[%swap3A_203, %swap3A_204], %swap3A_207 {strides = array<i32>} : memref<16x80xf32, #tpu.memory_space<vmem>>, vector<1x16xf32>,
    %swap3A_208 = arith.constant 2 : i32
    %swap3A_209 = arith.index_cast %swap3A_208 : i32 to index
    %swap3A_210 = arith.constant 0 : index
    %swap3A_211 = tpu.vector_load %arg9[%swap3A_209, %swap3A_210] {strides = array<i32>} : memref<16x80xf32, #tpu.memory_space<vmem>>, vector<1x16xf32>,
    %swap3A_212 = vector.shape_cast %swap3A_211 : vector<1x16xf32> to vector<16xf32>
    %swap3A_213 = vector.shape_cast %broadcast_in_dim3A_3 : vector<16xf32> to vector<1x16xf32>
    tpu.vector_store %arg9[%swap3A_209, %swap3A_210], %swap3A_213 {strides = array<i32>} : memref<16x80xf32, #tpu.memory_space<vmem>>, vector<1x16xf32>,
    %swap3A_214 = arith.constant 2 : i32
    %swap3A_215 = arith.index_cast %swap3A_214 : i32 to index
    %swap3A_216 = arith.constant 16 : index
    %swap3A_217 = tpu.vector_load %arg9[%swap3A_215, %swap3A_216] {strides = array<i32>} : memref<16x80xf32, #tpu.memory_space<vmem>>, vector<1x16xf32>,
    %swap3A_218 = vector.shape_cast %swap3A_217 : vector<1x16xf32> to vector<16xf32>
    %swap3A_219 = vector.shape_cast %broadcast_in_dim3A_3 : vector<16xf32> to vector<1x16xf32>
    tpu.vector_store %arg9[%swap3A_215, %swap3A_216], %swap3A_219 {strides = array<i32>} : memref<16x80xf32, #tpu.memory_space<vmem>>, vector<1x16xf32>,
    %swap3A_220 = arith.constant 2 : i32
    %swap3A_221 = arith.index_cast %swap3A_220 : i32 to index
    %swap3A_222 = arith.constant 32 : index
    %swap3A_223 = tpu.vector_load %arg9[%swap3A_221, %swap3A_222] {strides = array<i32>} : memref<16x80xf32, #tpu.memory_space<vmem>>, vector<1x16xf32>,
    %swap3A_224 = vector.shape_cast %swap3A_223 : vector<1x16xf32> to vector<16xf32>
    %swap3A_225 = vector.shape_cast %broadcast_in_dim3A_3 : vector<16xf32> to vector<1x16xf32>
    tpu.vector_store %arg9[%swap3A_221, %swap3A_222], %swap3A_225 {strides = array<i32>} : memref<16x80xf32, #tpu.memory_space<vmem>>, vector<1x16xf32>,
    %swap3A_226 = arith.constant 2 : i32
    %swap3A_227 = arith.index_cast %swap3A_226 : i32 to index
    %swap3A_228 = arith.constant 48 : index
    %swap3A_229 = tpu.vector_load %arg9[%swap3A_227, %swap3A_228] {strides = array<i32>} : memref<16x80xf32, #tpu.memory_space<vmem>>, vector<1x16xf32>,
    %swap3A_230 = vector.shape_cast %swap3A_229 : vector<1x16xf32> to vector<16xf32>
    %swap3A_231 = vector.shape_cast %broadcast_in_dim3A_3 : vector<16xf32> to vector<1x16xf32>
    tpu.vector_store %arg9[%swap3A_227, %swap3A_228], %swap3A_231 {strides = array<i32>} : memref<16x80xf32, #tpu.memory_space<vmem>>, vector<1x16xf32>,
    %swap3A_232 = arith.constant 2 : i32
    %swap3A_233 = arith.index_cast %swap3A_232 : i32 to index
    %swap3A_234 = arith.constant 64 : index
    %swap3A_235 = tpu.vector_load %arg9[%swap3A_233, %swap3A_234] {strides = array<i32>} : memref<16x80xf32, #tpu.memory_space<vmem>>, vector<1x16xf32>,
    %swap3A_236 = vector.shape_cast %swap3A_235 : vector<1x16xf32> to vector<16xf32>
    %swap3A_237 = vector.shape_cast %broadcast_in_dim3A_3 : vector<16xf32> to vector<1x16xf32>
    tpu.vector_store %arg9[%swap3A_233, %swap3A_234], %swap3A_237 {strides = array<i32>} : memref<16x80xf32, #tpu.memory_space<vmem>>, vector<1x16xf32>,
    %swap3A_238 = arith.constant 3 : i32
    %swap3A_239 = arith.index_cast %swap3A_238 : i32 to index
    %swap3A_240 = arith.constant 0 : index
    %swap3A_241 = tpu.vector_load %arg9[%swap3A_239, %swap3A_240] {strides = array<i32>} : memref<16x80xf32, #tpu.memory_space<vmem>>, vector<1x16xf32>,
    %swap3A_242 = vector.shape_cast %swap3A_241 : vector<1x16xf32> to vector<16xf32>
    %swap3A_243 = vector.shape_cast %broadcast_in_dim3A_3 : vector<16xf32> to vector<1x16xf32>
    tpu.vector_store %arg9[%swap3A_239, %swap3A_240], %swap3A_243 {strides = array<i32>} : memref<16x80xf32, #tpu.memory_space<vmem>>, vector<1x16xf32>,
    %swap3A_244 = arith.constant 3 : i32
    %swap3A_245 = arith.index_cast %swap3A_244 : i32 to index
    %swap3A_246 = arith.constant 16 : index
    %swap3A_247 = tpu.vector_load %arg9[%swap3A_245, %swap3A_246] {strides = array<i32>} : memref<16x80xf32, #tpu.memory_space<vmem>>, vector<1x16xf32>,
    %swap3A_248 = vector.shape_cast %swap3A_247 : vector<1x16xf32> to vector<16xf32>
    %swap3A_249 = vector.shape_cast %broadcast_in_dim3A_3 : vector<16xf32> to vector<1x16xf32>
    tpu.vector_store %arg9[%swap3A_245, %swap3A_246], %swap3A_249 {strides = array<i32>} : memref<16x80xf32, #tpu.memory_space<vmem>>, vector<1x16xf32>,
    %swap3A_250 = arith.constant 3 : i32
    %swap3A_251 = arith.index_cast %swap3A_250 : i32 to index
    %swap3A_252 = arith.constant 32 : index
    %swap3A_253 = tpu.vector_load %arg9[%swap3A_251, %swap3A_252] {strides = array<i32>} : memref<16x80xf32, #tpu.memory_space<vmem>>, vector<1x16xf32>,
    %swap3A_254 = vector.shape_cast %swap3A_253 : vector<1x16xf32> to vector<16xf32>
    %swap3A_255 = vector.shape_cast %broadcast_in_dim3A_3 : vector<16xf32> to vector<1x16xf32>
    tpu.vector_store %arg9[%swap3A_251, %swap3A_252], %swap3A_255 {strides = array<i32>} : memref<16x80xf32, #tpu.memory_space<vmem>>, vector<1x16xf32>,
    %swap3A_256 = arith.constant 3 : i32
    %swap3A_257 = arith.index_cast %swap3A_256 : i32 to index
    %swap3A_258 = arith.constant 48 : index
    %swap3A_259 = tpu.vector_load %arg9[%swap3A_257, %swap3A_258] {strides = array<i32>} : memref<16x80xf32, #tpu.memory_space<vmem>>, vector<1x16xf32>,
    %swap3A_260 = vector.shape_cast %swap3A_259 : vector<1x16xf32> to vector<16xf32>
    %swap3A_261 = vector.shape_cast %broadcast_in_dim3A_3 : vector<16xf32> to vector<1x16xf32>
    tpu.vector_store %arg9[%swap3A_257, %swap3A_258], %swap3A_261 {strides = array<i32>} : memref<16x80xf32, #tpu.memory_space<vmem>>, vector<1x16xf32>,
    %swap3A_262 = arith.constant 3 : i32
    %swap3A_263 = arith.index_cast %swap3A_262 : i32 to index
    %swap3A_264 = arith.constant 64 : index
    %swap3A_265 = tpu.vector_load %arg9[%swap3A_263, %swap3A_264] {strides = array<i32>} : memref<16x80xf32, #tpu.memory_space<vmem>>, vector<1x16xf32>,
    %swap3A_266 = vector.shape_cast %swap3A_265 : vector<1x16xf32> to vector<16xf32>
    %swap3A_267 = vector.shape_cast %broadcast_in_dim3A_3 : vector<16xf32> to vector<1x16xf32>
    tpu.vector_store %arg9[%swap3A_263, %swap3A_264], %swap3A_267 {strides = array<i32>} : memref<16x80xf32, #tpu.memory_space<vmem>>, vector<1x16xf32>,
    %swap3A_268 = arith.constant 4 : i32
    %swap3A_269 = arith.index_cast %swap3A_268 : i32 to index
    %swap3A_270 = arith.constant 0 : index
    %swap3A_271 = tpu.vector_load %arg9[%swap3A_269, %swap3A_270] {strides = array<i32>} : memref<16x80xf32, #tpu.memory_space<vmem>>, vector<1x16xf32>,
    %swap3A_272 = vector.shape_cast %swap3A_271 : vector<1x16xf32> to vector<16xf32>
    %swap3A_273 = vector.shape_cast %broadcast_in_dim3A_3 : vector<16xf32> to vector<1x16xf32>
    tpu.vector_store %arg9[%swap3A_269, %swap3A_270], %swap3A_273 {strides = array<i32>} : memref<16x80xf32, #tpu.memory_space<vmem>>, vector<1x16xf32>,
    %swap3A_274 = arith.constant 4 : i32
    %swap3A_275 = arith.index_cast %swap3A_274 : i32 to index
    %swap3A_276 = arith.constant 16 : index
    %swap3A_277 = tpu.vector_load %arg9[%swap3A_275, %swap3A_276] {strides = array<i32>} : memref<16x80xf32, #tpu.memory_space<vmem>>, vector<1x16xf32>,
    %swap3A_278 = vector.shape_cast %swap3A_277 : vector<1x16xf32> to vector<16xf32>
    %swap3A_279 = vector.shape_cast %broadcast_in_dim3A_3 : vector<16xf32> to vector<1x16xf32>
    tpu.vector_store %arg9[%swap3A_275, %swap3A_276], %swap3A_279 {strides = array<i32>} : memref<16x80xf32, #tpu.memory_space<vmem>>, vector<1x16xf32>,
    %swap3A_280 = arith.constant 4 : i32
    %swap3A_281 = arith.index_cast %swap3A_280 : i32 to index
    %swap3A_282 = arith.constant 32 : index
    %swap3A_283 = tpu.vector_load %arg9[%swap3A_281, %swap3A_282] {strides = array<i32>} : memref<16x80xf32, #tpu.memory_space<vmem>>, vector<1x16xf32>,
    %swap3A_284 = vector.shape_cast %swap3A_283 : vector<1x16xf32> to vector<16xf32>
    %swap3A_285 = vector.shape_cast %broadcast_in_dim3A_3 : vector<16xf32> to vector<1x16xf32>
    tpu.vector_store %arg9[%swap3A_281, %swap3A_282], %swap3A_285 {strides = array<i32>} : memref<16x80xf32, #tpu.memory_space<vmem>>, vector<1x16xf32>,
    %swap3A_286 = arith.constant 4 : i32
    %swap3A_287 = arith.index_cast %swap3A_286 : i32 to index
    %swap3A_288 = arith.constant 48 : index
    %swap3A_289 = tpu.vector_load %arg9[%swap3A_287, %swap3A_288] {strides = array<i32>} : memref<16x80xf32, #tpu.memory_space<vmem>>, vector<1x16xf32>,
    %swap3A_290 = vector.shape_cast %swap3A_289 : vector<1x16xf32> to vector<16xf32>
    %swap3A_291 = vector.shape_cast %broadcast_in_dim3A_3 : vector<16xf32> to vector<1x16xf32>
    tpu.vector_store %arg9[%swap3A_287, %swap3A_288], %swap3A_291 {strides = array<i32>} : memref<16x80xf32, #tpu.memory_space<vmem>>, vector<1x16xf32>,
    %swap3A_292 = arith.constant 4 : i32
    %swap3A_293 = arith.index_cast %swap3A_292 : i32 to index
    %swap3A_294 = arith.constant 64 : index
    %swap3A_295 = tpu.vector_load %arg9[%swap3A_293, %swap3A_294] {strides = array<i32>} : memref<16x80xf32, #tpu.memory_space<vmem>>, vector<1x16xf32>,
    %swap3A_296 = vector.shape_cast %swap3A_295 : vector<1x16xf32> to vector<16xf32>
    %swap3A_297 = vector.shape_cast %broadcast_in_dim3A_3 : vector<16xf32> to vector<1x16xf32>
    tpu.vector_store %arg9[%swap3A_293, %swap3A_294], %swap3A_297 {strides = array<i32>} : memref<16x80xf32, #tpu.memory_space<vmem>>, vector<1x16xf32>,
    %swap3A_298 = arith.constant 5 : i32
    %swap3A_299 = arith.index_cast %swap3A_298 : i32 to index
    %swap3A_300 = arith.constant 0 : index
    %swap3A_301 = tpu.vector_load %arg9[%swap3A_299, %swap3A_300] {strides = array<i32>} : memref<16x80xf32, #tpu.memory_space<vmem>>, vector<1x16xf32>,
    %swap3A_302 = vector.shape_cast %swap3A_301 : vector<1x16xf32> to vector<16xf32>
    %swap3A_303 = vector.shape_cast %broadcast_in_dim3A_3 : vector<16xf32> to vector<1x16xf32>
    tpu.vector_store %arg9[%swap3A_299, %swap3A_300], %swap3A_303 {strides = array<i32>} : memref<16x80xf32, #tpu.memory_space<vmem>>, vector<1x16xf32>,
    %swap3A_304 = arith.constant 5 : i32
    %swap3A_305 = arith.index_cast %swap3A_304 : i32 to index
    %swap3A_306 = arith.constant 16 : index
    %swap3A_307 = tpu.vector_load %arg9[%swap3A_305, %swap3A_306] {strides = array<i32>} : memref<16x80xf32, #tpu.memory_space<vmem>>, vector<1x16xf32>,
    %swap3A_308 = vector.shape_cast %swap3A_307 : vector<1x16xf32> to vector<16xf32>
    %swap3A_309 = vector.shape_cast %broadcast_in_dim3A_3 : vector<16xf32> to vector<1x16xf32>
    tpu.vector_store %arg9[%swap3A_305, %swap3A_306], %swap3A_309 {strides = array<i32>} : memref<16x80xf32, #tpu.memory_space<vmem>>, vector<1x16xf32>,
    %swap3A_310 = arith.constant 5 : i32
    %swap3A_311 = arith.index_cast %swap3A_310 : i32 to index
    %swap3A_312 = arith.constant 32 : index
    %swap3A_313 = tpu.vector_load %arg9[%swap3A_311, %swap3A_312] {strides = array<i32>} : memref<16x80xf32, #tpu.memory_space<vmem>>, vector<1x16xf32>,
    %swap3A_314 = vector.shape_cast %swap3A_313 : vector<1x16xf32> to vector<16xf32>
    %swap3A_315 = vector.shape_cast %broadcast_in_dim3A_3 : vector<16xf32> to vector<1x16xf32>
    tpu.vector_store %arg9[%swap3A_311, %swap3A_312], %swap3A_315 {strides = array<i32>} : memref<16x80xf32, #tpu.memory_space<vmem>>, vector<1x16xf32>,
    %swap3A_316 = arith.constant 5 : i32
    %swap3A_317 = arith.index_cast %swap3A_316 : i32 to index
    %swap3A_318 = arith.constant 48 : index
    %swap3A_319 = tpu.vector_load %arg9[%swap3A_317, %swap3A_318] {strides = array<i32>} : memref<16x80xf32, #tpu.memory_space<vmem>>, vector<1x16xf32>,
    %swap3A_320 = vector.shape_cast %swap3A_319 : vector<1x16xf32> to vector<16xf32>
    %swap3A_321 = vector.shape_cast %broadcast_in_dim3A_3 : vector<16xf32> to vector<1x16xf32>
    tpu.vector_store %arg9[%swap3A_317, %swap3A_318], %swap3A_321 {strides = array<i32>} : memref<16x80xf32, #tpu.memory_space<vmem>>, vector<1x16xf32>,
    %swap3A_322 = arith.constant 5 : i32
    %swap3A_323 = arith.index_cast %swap3A_322 : i32 to index
    %swap3A_324 = arith.constant 64 : index
    %swap3A_325 = tpu.vector_load %arg9[%swap3A_323, %swap3A_324] {strides = array<i32>} : memref<16x80xf32, #tpu.memory_space<vmem>>, vector<1x16xf32>,
    %swap3A_326 = vector.shape_cast %swap3A_325 : vector<1x16xf32> to vector<16xf32>
    %swap3A_327 = vector.shape_cast %broadcast_in_dim3A_3 : vector<16xf32> to vector<1x16xf32>
    tpu.vector_store %arg9[%swap3A_323, %swap3A_324], %swap3A_327 {strides = array<i32>} : memref<16x80xf32, #tpu.memory_space<vmem>>, vector<1x16xf32>,
    %swap3A_328 = arith.constant 6 : i32
    %swap3A_329 = arith.index_cast %swap3A_328 : i32 to index
    %swap3A_330 = arith.constant 0 : index
    %swap3A_331 = tpu.vector_load %arg9[%swap3A_329, %swap3A_330] {strides = array<i32>} : memref<16x80xf32, #tpu.memory_space<vmem>>, vector<1x16xf32>,
    %swap3A_332 = vector.shape_cast %swap3A_331 : vector<1x16xf32> to vector<16xf32>
    %swap3A_333 = vector.shape_cast %broadcast_in_dim3A_3 : vector<16xf32> to vector<1x16xf32>
    tpu.vector_store %arg9[%swap3A_329, %swap3A_330], %swap3A_333 {strides = array<i32>} : memref<16x80xf32, #tpu.memory_space<vmem>>, vector<1x16xf32>,
    %swap3A_334 = arith.constant 6 : i32
    %swap3A_335 = arith.index_cast %swap3A_334 : i32 to index
    %swap3A_336 = arith.constant 16 : index
    %swap3A_337 = tpu.vector_load %arg9[%swap3A_335, %swap3A_336] {strides = array<i32>} : memref<16x80xf32, #tpu.memory_space<vmem>>, vector<1x16xf32>,
    %swap3A_338 = vector.shape_cast %swap3A_337 : vector<1x16xf32> to vector<16xf32>
    %swap3A_339 = vector.shape_cast %broadcast_in_dim3A_3 : vector<16xf32> to vector<1x16xf32>
    tpu.vector_store %arg9[%swap3A_335, %swap3A_336], %swap3A_339 {strides = array<i32>} : memref<16x80xf32, #tpu.memory_space<vmem>>, vector<1x16xf32>,
    %swap3A_340 = arith.constant 6 : i32
    %swap3A_341 = arith.index_cast %swap3A_340 : i32 to index
    %swap3A_342 = arith.constant 32 : index
    %swap3A_343 = tpu.vector_load %arg9[%swap3A_341, %swap3A_342] {strides = array<i32>} : memref<16x80xf32, #tpu.memory_space<vmem>>, vector<1x16xf32>,
    %swap3A_344 = vector.shape_cast %swap3A_343 : vector<1x16xf32> to vector<16xf32>
    %swap3A_345 = vector.shape_cast %broadcast_in_dim3A_3 : vector<16xf32> to vector<1x16xf32>
    tpu.vector_store %arg9[%swap3A_341, %swap3A_342], %swap3A_345 {strides = array<i32>} : memref<16x80xf32, #tpu.memory_space<vmem>>, vector<1x16xf32>,
    %swap3A_346 = arith.constant 6 : i32
    %swap3A_347 = arith.index_cast %swap3A_346 : i32 to index
    %swap3A_348 = arith.constant 48 : index
    %swap3A_349 = tpu.vector_load %arg9[%swap3A_347, %swap3A_348] {strides = array<i32>} : memref<16x80xf32, #tpu.memory_space<vmem>>, vector<1x16xf32>,
    %swap3A_350 = vector.shape_cast %swap3A_349 : vector<1x16xf32> to vector<16xf32>
    %swap3A_351 = vector.shape_cast %broadcast_in_dim3A_3 : vector<16xf32> to vector<1x16xf32>
    tpu.vector_store %arg9[%swap3A_347, %swap3A_348], %swap3A_351 {strides = array<i32>} : memref<16x80xf32, #tpu.memory_space<vmem>>, vector<1x16xf32>,
    %swap3A_352 = arith.constant 6 : i32
    %swap3A_353 = arith.index_cast %swap3A_352 : i32 to index
    %swap3A_354 = arith.constant 64 : index
    %swap3A_355 = tpu.vector_load %arg9[%swap3A_353, %swap3A_354] {strides = array<i32>} : memref<16x80xf32, #tpu.memory_space<vmem>>, vector<1x16xf32>,
    %swap3A_356 = vector.shape_cast %swap3A_355 : vector<1x16xf32> to vector<16xf32>
    %swap3A_357 = vector.shape_cast %broadcast_in_dim3A_3 : vector<16xf32> to vector<1x16xf32>
    tpu.vector_store %arg9[%swap3A_353, %swap3A_354], %swap3A_357 {strides = array<i32>} : memref<16x80xf32, #tpu.memory_space<vmem>>, vector<1x16xf32>,
    %swap3A_358 = arith.constant 7 : i32
    %swap3A_359 = arith.index_cast %swap3A_358 : i32 to index
    %swap3A_360 = arith.constant 0 : index
    %swap3A_361 = tpu.vector_load %arg9[%swap3A_359, %swap3A_360] {strides = array<i32>} : memref<16x80xf32, #tpu.memory_space<vmem>>, vector<1x16xf32>,
    %swap3A_362 = vector.shape_cast %swap3A_361 : vector<1x16xf32> to vector<16xf32>
    %swap3A_363 = vector.shape_cast %broadcast_in_dim3A_3 : vector<16xf32> to vector<1x16xf32>
    tpu.vector_store %arg9[%swap3A_359, %swap3A_360], %swap3A_363 {strides = array<i32>} : memref<16x80xf32, #tpu.memory_space<vmem>>, vector<1x16xf32>,
    %swap3A_364 = arith.constant 7 : i32
    %swap3A_365 = arith.index_cast %swap3A_364 : i32 to index
    %swap3A_366 = arith.constant 16 : index
    %swap3A_367 = tpu.vector_load %arg9[%swap3A_365, %swap3A_366] {strides = array<i32>} : memref<16x80xf32, #tpu.memory_space<vmem>>, vector<1x16xf32>,
    %swap3A_368 = vector.shape_cast %swap3A_367 : vector<1x16xf32> to vector<16xf32>
    %swap3A_369 = vector.shape_cast %broadcast_in_dim3A_3 : vector<16xf32> to vector<1x16xf32>
    tpu.vector_store %arg9[%swap3A_365, %swap3A_366], %swap3A_369 {strides = array<i32>} : memref<16x80xf32, #tpu.memory_space<vmem>>, vector<1x16xf32>,
    %swap3A_370 = arith.constant 7 : i32
    %swap3A_371 = arith.index_cast %swap3A_370 : i32 to index
    %swap3A_372 = arith.constant 32 : index
    %swap3A_373 = tpu.vector_load %arg9[%swap3A_371, %swap3A_372] {strides = array<i32>} : memref<16x80xf32, #tpu.memory_space<vmem>>, vector<1x16xf32>,
    %swap3A_374 = vector.shape_cast %swap3A_373 : vector<1x16xf32> to vector<16xf32>
    %swap3A_375 = vector.shape_cast %broadcast_in_dim3A_3 : vector<16xf32> to vector<1x16xf32>
    tpu.vector_store %arg9[%swap3A_371, %swap3A_372], %swap3A_375 {strides = array<i32>} : memref<16x80xf32, #tpu.memory_space<vmem>>, vector<1x16xf32>,
    %swap3A_376 = arith.constant 7 : i32
    %swap3A_377 = arith.index_cast %swap3A_376 : i32 to index
    %swap3A_378 = arith.constant 48 : index
    %swap3A_379 = tpu.vector_load %arg9[%swap3A_377, %swap3A_378] {strides = array<i32>} : memref<16x80xf32, #tpu.memory_space<vmem>>, vector<1x16xf32>,
    %swap3A_380 = vector.shape_cast %swap3A_379 : vector<1x16xf32> to vector<16xf32>
    %swap3A_381 = vector.shape_cast %broadcast_in_dim3A_3 : vector<16xf32> to vector<1x16xf32>
    tpu.vector_store %arg9[%swap3A_377, %swap3A_378], %swap3A_381 {strides = array<i32>} : memref<16x80xf32, #tpu.memory_space<vmem>>, vector<1x16xf32>,
    %swap3A_382 = arith.constant 7 : i32
    %swap3A_383 = arith.index_cast %swap3A_382 : i32 to index
    %swap3A_384 = arith.constant 64 : index
    %swap3A_385 = tpu.vector_load %arg9[%swap3A_383, %swap3A_384] {strides = array<i32>} : memref<16x80xf32, #tpu.memory_space<vmem>>, vector<1x16xf32>,
    %swap3A_386 = vector.shape_cast %swap3A_385 : vector<1x16xf32> to vector<16xf32>
    %swap3A_387 = vector.shape_cast %broadcast_in_dim3A_3 : vector<16xf32> to vector<1x16xf32>
    tpu.vector_store %arg9[%swap3A_383, %swap3A_384], %swap3A_387 {strides = array<i32>} : memref<16x80xf32, #tpu.memory_space<vmem>>, vector<1x16xf32>,
    %swap3A_388 = arith.constant 8 : i32
    %swap3A_389 = arith.index_cast %swap3A_388 : i32 to index
    %swap3A_390 = arith.constant 0 : index
    %swap3A_391 = tpu.vector_load %arg9[%swap3A_389, %swap3A_390] {strides = array<i32>} : memref<16x80xf32, #tpu.memory_space<vmem>>, vector<1x16xf32>,
    %swap3A_392 = vector.shape_cast %swap3A_391 : vector<1x16xf32> to vector<16xf32>
    %swap3A_393 = vector.shape_cast %broadcast_in_dim3A_3 : vector<16xf32> to vector<1x16xf32>
    tpu.vector_store %arg9[%swap3A_389, %swap3A_390], %swap3A_393 {strides = array<i32>} : memref<16x80xf32, #tpu.memory_space<vmem>>, vector<1x16xf32>,
    %swap3A_394 = arith.constant 8 : i32
    %swap3A_395 = arith.index_cast %swap3A_394 : i32 to index
    %swap3A_396 = arith.constant 16 : index
    %swap3A_397 = tpu.vector_load %arg9[%swap3A_395, %swap3A_396] {strides = array<i32>} : memref<16x80xf32, #tpu.memory_space<vmem>>, vector<1x16xf32>,
    %swap3A_398 = vector.shape_cast %swap3A_397 : vector<1x16xf32> to vector<16xf32>
    %swap3A_399 = vector.shape_cast %broadcast_in_dim3A_3 : vector<16xf32> to vector<1x16xf32>
    tpu.vector_store %arg9[%swap3A_395, %swap3A_396], %swap3A_399 {strides = array<i32>} : memref<16x80xf32, #tpu.memory_space<vmem>>, vector<1x16xf32>,
    %swap3A_400 = arith.constant 8 : i32
    %swap3A_401 = arith.index_cast %swap3A_400 : i32 to index
    %swap3A_402 = arith.constant 32 : index
    %swap3A_403 = tpu.vector_load %arg9[%swap3A_401, %swap3A_402] {strides = array<i32>} : memref<16x80xf32, #tpu.memory_space<vmem>>, vector<1x16xf32>,
    %swap3A_404 = vector.shape_cast %swap3A_403 : vector<1x16xf32> to vector<16xf32>
    %swap3A_405 = vector.shape_cast %broadcast_in_dim3A_3 : vector<16xf32> to vector<1x16xf32>
    tpu.vector_store %arg9[%swap3A_401, %swap3A_402], %swap3A_405 {strides = array<i32>} : memref<16x80xf32, #tpu.memory_space<vmem>>, vector<1x16xf32>,
    %swap3A_406 = arith.constant 8 : i32
    %swap3A_407 = arith.index_cast %swap3A_406 : i32 to index
    %swap3A_408 = arith.constant 48 : index
    %swap3A_409 = tpu.vector_load %arg9[%swap3A_407, %swap3A_408] {strides = array<i32>} : memref<16x80xf32, #tpu.memory_space<vmem>>, vector<1x16xf32>,
    %swap3A_410 = vector.shape_cast %swap3A_409 : vector<1x16xf32> to vector<16xf32>
    %swap3A_411 = vector.shape_cast %broadcast_in_dim3A_3 : vector<16xf32> to vector<1x16xf32>
    tpu.vector_store %arg9[%swap3A_407, %swap3A_408], %swap3A_411 {strides = array<i32>} : memref<16x80xf32, #tpu.memory_space<vmem>>, vector<1x16xf32>,
    %swap3A_412 = arith.constant 8 : i32
    %swap3A_413 = arith.index_cast %swap3A_412 : i32 to index
    %swap3A_414 = arith.constant 64 : index
    %swap3A_415 = tpu.vector_load %arg9[%swap3A_413, %swap3A_414] {strides = array<i32>} : memref<16x80xf32, #tpu.memory_space<vmem>>, vector<1x16xf32>,
    %swap3A_416 = vector.shape_cast %swap3A_415 : vector<1x16xf32> to vector<16xf32>
    %swap3A_417 = vector.shape_cast %broadcast_in_dim3A_3 : vector<16xf32> to vector<1x16xf32>
    tpu.vector_store %arg9[%swap3A_413, %swap3A_414], %swap3A_417 {strides = array<i32>} : memref<16x80xf32, #tpu.memory_space<vmem>>, vector<1x16xf32>,
    %swap3A_418 = arith.constant 9 : i32
    %swap3A_419 = arith.index_cast %swap3A_418 : i32 to index
    %swap3A_420 = arith.constant 0 : index
    %swap3A_421 = tpu.vector_load %arg9[%swap3A_419, %swap3A_420] {strides = array<i32>} : memref<16x80xf32, #tpu.memory_space<vmem>>, vector<1x16xf32>,
    %swap3A_422 = vector.shape_cast %swap3A_421 : vector<1x16xf32> to vector<16xf32>
    %swap3A_423 = vector.shape_cast %broadcast_in_dim3A_3 : vector<16xf32> to vector<1x16xf32>
    tpu.vector_store %arg9[%swap3A_419, %swap3A_420], %swap3A_423 {strides = array<i32>} : memref<16x80xf32, #tpu.memory_space<vmem>>, vector<1x16xf32>,
    %swap3A_424 = arith.constant 9 : i32
    %swap3A_425 = arith.index_cast %swap3A_424 : i32 to index
    %swap3A_426 = arith.constant 16 : index
    %swap3A_427 = tpu.vector_load %arg9[%swap3A_425, %swap3A_426] {strides = array<i32>} : memref<16x80xf32, #tpu.memory_space<vmem>>, vector<1x16xf32>,
    %swap3A_428 = vector.shape_cast %swap3A_427 : vector<1x16xf32> to vector<16xf32>
    %swap3A_429 = vector.shape_cast %broadcast_in_dim3A_3 : vector<16xf32> to vector<1x16xf32>
    tpu.vector_store %arg9[%swap3A_425, %swap3A_426], %swap3A_429 {strides = array<i32>} : memref<16x80xf32, #tpu.memory_space<vmem>>, vector<1x16xf32>,
    %swap3A_430 = arith.constant 9 : i32
    %swap3A_431 = arith.index_cast %swap3A_430 : i32 to index
    %swap3A_432 = arith.constant 32 : index
    %swap3A_433 = tpu.vector_load %arg9[%swap3A_431, %swap3A_432] {strides = array<i32>} : memref<16x80xf32, #tpu.memory_space<vmem>>, vector<1x16xf32>,
    %swap3A_434 = vector.shape_cast %swap3A_433 : vector<1x16xf32> to vector<16xf32>
    %swap3A_435 = vector.shape_cast %broadcast_in_dim3A_3 : vector<16xf32> to vector<1x16xf32>
    tpu.vector_store %arg9[%swap3A_431, %swap3A_432], %swap3A_435 {strides = array<i32>} : memref<16x80xf32, #tpu.memory_space<vmem>>, vector<1x16xf32>,
    %swap3A_436 = arith.constant 9 : i32
    %swap3A_437 = arith.index_cast %swap3A_436 : i32 to index
    %swap3A_438 = arith.constant 48 : index
    %swap3A_439 = tpu.vector_load %arg9[%swap3A_437, %swap3A_438] {strides = array<i32>} : memref<16x80xf32, #tpu.memory_space<vmem>>, vector<1x16xf32>,
    %swap3A_440 = vector.shape_cast %swap3A_439 : vector<1x16xf32> to vector<16xf32>
    %swap3A_441 = vector.shape_cast %broadcast_in_dim3A_3 : vector<16xf32> to vector<1x16xf32>
    tpu.vector_store %arg9[%swap3A_437, %swap3A_438], %swap3A_441 {strides = array<i32>} : memref<16x80xf32, #tpu.memory_space<vmem>>, vector<1x16xf32>,
    %swap3A_442 = arith.constant 9 : i32
    %swap3A_443 = arith.index_cast %swap3A_442 : i32 to index
    %swap3A_444 = arith.constant 64 : index
    %swap3A_445 = tpu.vector_load %arg9[%swap3A_443, %swap3A_444] {strides = array<i32>} : memref<16x80xf32, #tpu.memory_space<vmem>>, vector<1x16xf32>,
    %swap3A_446 = vector.shape_cast %swap3A_445 : vector<1x16xf32> to vector<16xf32>
    %swap3A_447 = vector.shape_cast %broadcast_in_dim3A_3 : vector<16xf32> to vector<1x16xf32>
    tpu.vector_store %arg9[%swap3A_443, %swap3A_444], %swap3A_447 {strides = array<i32>} : memref<16x80xf32, #tpu.memory_space<vmem>>, vector<1x16xf32>,
    %swap3A_448 = arith.constant 10 : i32
    %swap3A_449 = arith.index_cast %swap3A_448 : i32 to index
    %swap3A_450 = arith.constant 0 : index
    %swap3A_451 = tpu.vector_load %arg9[%swap3A_449, %swap3A_450] {strides = array<i32>} : memref<16x80xf32, #tpu.memory_space<vmem>>, vector<1x16xf32>,
    %swap3A_452 = vector.shape_cast %swap3A_451 : vector<1x16xf32> to vector<16xf32>
    %swap3A_453 = vector.shape_cast %broadcast_in_dim3A_3 : vector<16xf32> to vector<1x16xf32>
    tpu.vector_store %arg9[%swap3A_449, %swap3A_450], %swap3A_453 {strides = array<i32>} : memref<16x80xf32, #tpu.memory_space<vmem>>, vector<1x16xf32>,
    %swap3A_454 = arith.constant 10 : i32
    %swap3A_455 = arith.index_cast %swap3A_454 : i32 to index
    %swap3A_456 = arith.constant 16 : index
    %swap3A_457 = tpu.vector_load %arg9[%swap3A_455, %swap3A_456] {strides = array<i32>} : memref<16x80xf32, #tpu.memory_space<vmem>>, vector<1x16xf32>,
    %swap3A_458 = vector.shape_cast %swap3A_457 : vector<1x16xf32> to vector<16xf32>
    %swap3A_459 = vector.shape_cast %broadcast_in_dim3A_3 : vector<16xf32> to vector<1x16xf32>
    tpu.vector_store %arg9[%swap3A_455, %swap3A_456], %swap3A_459 {strides = array<i32>} : memref<16x80xf32, #tpu.memory_space<vmem>>, vector<1x16xf32>,
    %swap3A_460 = arith.constant 10 : i32
    %swap3A_461 = arith.index_cast %swap3A_460 : i32 to index
    %swap3A_462 = arith.constant 32 : index
    %swap3A_463 = tpu.vector_load %arg9[%swap3A_461, %swap3A_462] {strides = array<i32>} : memref<16x80xf32, #tpu.memory_space<vmem>>, vector<1x16xf32>,
    %swap3A_464 = vector.shape_cast %swap3A_463 : vector<1x16xf32> to vector<16xf32>
    %swap3A_465 = vector.shape_cast %broadcast_in_dim3A_3 : vector<16xf32> to vector<1x16xf32>
    tpu.vector_store %arg9[%swap3A_461, %swap3A_462], %swap3A_465 {strides = array<i32>} : memref<16x80xf32, #tpu.memory_space<vmem>>, vector<1x16xf32>,
    %swap3A_466 = arith.constant 10 : i32
    %swap3A_467 = arith.index_cast %swap3A_466 : i32 to index
    %swap3A_468 = arith.constant 48 : index
    %swap3A_469 = tpu.vector_load %arg9[%swap3A_467, %swap3A_468] {strides = array<i32>} : memref<16x80xf32, #tpu.memory_space<vmem>>, vector<1x16xf32>,
    %swap3A_470 = vector.shape_cast %swap3A_469 : vector<1x16xf32> to vector<16xf32>
    %swap3A_471 = vector.shape_cast %broadcast_in_dim3A_3 : vector<16xf32> to vector<1x16xf32>
    tpu.vector_store %arg9[%swap3A_467, %swap3A_468], %swap3A_471 {strides = array<i32>} : memref<16x80xf32, #tpu.memory_space<vmem>>, vector<1x16xf32>,
    %swap3A_472 = arith.constant 10 : i32
    %swap3A_473 = arith.index_cast %swap3A_472 : i32 to index
    %swap3A_474 = arith.constant 64 : index
    %swap3A_475 = tpu.vector_load %arg9[%swap3A_473, %swap3A_474] {strides = array<i32>} : memref<16x80xf32, #tpu.memory_space<vmem>>, vector<1x16xf32>,
    %swap3A_476 = vector.shape_cast %swap3A_475 : vector<1x16xf32> to vector<16xf32>
    %swap3A_477 = vector.shape_cast %broadcast_in_dim3A_3 : vector<16xf32> to vector<1x16xf32>
    tpu.vector_store %arg9[%swap3A_473, %swap3A_474], %swap3A_477 {strides = array<i32>} : memref<16x80xf32, #tpu.memory_space<vmem>>, vector<1x16xf32>,
    %swap3A_478 = arith.constant 11 : i32
    %swap3A_479 = arith.index_cast %swap3A_478 : i32 to index
    %swap3A_480 = arith.constant 0 : index
    %swap3A_481 = tpu.vector_load %arg9[%swap3A_479, %swap3A_480] {strides = array<i32>} : memref<16x80xf32, #tpu.memory_space<vmem>>, vector<1x16xf32>,
    %swap3A_482 = vector.shape_cast %swap3A_481 : vector<1x16xf32> to vector<16xf32>
    %swap3A_483 = vector.shape_cast %broadcast_in_dim3A_3 : vector<16xf32> to vector<1x16xf32>
    tpu.vector_store %arg9[%swap3A_479, %swap3A_480], %swap3A_483 {strides = array<i32>} : memref<16x80xf32, #tpu.memory_space<vmem>>, vector<1x16xf32>,
    %swap3A_484 = arith.constant 11 : i32
    %swap3A_485 = arith.index_cast %swap3A_484 : i32 to index
    %swap3A_486 = arith.constant 16 : index
    %swap3A_487 = tpu.vector_load %arg9[%swap3A_485, %swap3A_486] {strides = array<i32>} : memref<16x80xf32, #tpu.memory_space<vmem>>, vector<1x16xf32>,
    %swap3A_488 = vector.shape_cast %swap3A_487 : vector<1x16xf32> to vector<16xf32>
    %swap3A_489 = vector.shape_cast %broadcast_in_dim3A_3 : vector<16xf32> to vector<1x16xf32>
    tpu.vector_store %arg9[%swap3A_485, %swap3A_486], %swap3A_489 {strides = array<i32>} : memref<16x80xf32, #tpu.memory_space<vmem>>, vector<1x16xf32>,
    %swap3A_490 = arith.constant 11 : i32
    %swap3A_491 = arith.index_cast %swap3A_490 : i32 to index
    %swap3A_492 = arith.constant 32 : index
    %swap3A_493 = tpu.vector_load %arg9[%swap3A_491, %swap3A_492] {strides = array<i32>} : memref<16x80xf32, #tpu.memory_space<vmem>>, vector<1x16xf32>,
    %swap3A_494 = vector.shape_cast %swap3A_493 : vector<1x16xf32> to vector<16xf32>
    %swap3A_495 = vector.shape_cast %broadcast_in_dim3A_3 : vector<16xf32> to vector<1x16xf32>
    tpu.vector_store %arg9[%swap3A_491, %swap3A_492], %swap3A_495 {strides = array<i32>} : memref<16x80xf32, #tpu.memory_space<vmem>>, vector<1x16xf32>,
    %swap3A_496 = arith.constant 11 : i32
    %swap3A_497 = arith.index_cast %swap3A_496 : i32 to index
    %swap3A_498 = arith.constant 48 : index
    %swap3A_499 = tpu.vector_load %arg9[%swap3A_497, %swap3A_498] {strides = array<i32>} : memref<16x80xf32, #tpu.memory_space<vmem>>, vector<1x16xf32>,
    %swap3A_500 = vector.shape_cast %swap3A_499 : vector<1x16xf32> to vector<16xf32>
    %swap3A_501 = vector.shape_cast %broadcast_in_dim3A_3 : vector<16xf32> to vector<1x16xf32>
    tpu.vector_store %arg9[%swap3A_497, %swap3A_498], %swap3A_501 {strides = array<i32>} : memref<16x80xf32, #tpu.memory_space<vmem>>, vector<1x16xf32>,
    %swap3A_502 = arith.constant 11 : i32
    %swap3A_503 = arith.index_cast %swap3A_502 : i32 to index
    %swap3A_504 = arith.constant 64 : index
    %swap3A_505 = tpu.vector_load %arg9[%swap3A_503, %swap3A_504] {strides = array<i32>} : memref<16x80xf32, #tpu.memory_space<vmem>>, vector<1x16xf32>,
    %swap3A_506 = vector.shape_cast %swap3A_505 : vector<1x16xf32> to vector<16xf32>
    %swap3A_507 = vector.shape_cast %broadcast_in_dim3A_3 : vector<16xf32> to vector<1x16xf32>
    tpu.vector_store %arg9[%swap3A_503, %swap3A_504], %swap3A_507 {strides = array<i32>} : memref<16x80xf32, #tpu.memory_space<vmem>>, vector<1x16xf32>,
    %swap3A_508 = arith.constant 12 : i32
    %swap3A_509 = arith.index_cast %swap3A_508 : i32 to index
    %swap3A_510 = arith.constant 0 : index
    %swap3A_511 = tpu.vector_load %arg9[%swap3A_509, %swap3A_510] {strides = array<i32>} : memref<16x80xf32, #tpu.memory_space<vmem>>, vector<1x16xf32>,
    %swap3A_512 = vector.shape_cast %swap3A_511 : vector<1x16xf32> to vector<16xf32>
    %swap3A_513 = vector.shape_cast %broadcast_in_dim3A_3 : vector<16xf32> to vector<1x16xf32>
    tpu.vector_store %arg9[%swap3A_509, %swap3A_510], %swap3A_513 {strides = array<i32>} : memref<16x80xf32, #tpu.memory_space<vmem>>, vector<1x16xf32>,
    %swap3A_514 = arith.constant 12 : i32
    %swap3A_515 = arith.index_cast %swap3A_514 : i32 to index
    %swap3A_516 = arith.constant 16 : index
    %swap3A_517 = tpu.vector_load %arg9[%swap3A_515, %swap3A_516] {strides = array<i32>} : memref<16x80xf32, #tpu.memory_space<vmem>>, vector<1x16xf32>,
    %swap3A_518 = vector.shape_cast %swap3A_517 : vector<1x16xf32> to vector<16xf32>
    %swap3A_519 = vector.shape_cast %broadcast_in_dim3A_3 : vector<16xf32> to vector<1x16xf32>
    tpu.vector_store %arg9[%swap3A_515, %swap3A_516], %swap3A_519 {strides = array<i32>} : memref<16x80xf32, #tpu.memory_space<vmem>>, vector<1x16xf32>,
    %swap3A_520 = arith.constant 12 : i32
    %swap3A_521 = arith.index_cast %swap3A_520 : i32 to index
    %swap3A_522 = arith.constant 32 : index
    %swap3A_523 = tpu.vector_load %arg9[%swap3A_521, %swap3A_522] {strides = array<i32>} : memref<16x80xf32, #tpu.memory_space<vmem>>, vector<1x16xf32>,
    %swap3A_524 = vector.shape_cast %swap3A_523 : vector<1x16xf32> to vector<16xf32>
    %swap3A_525 = vector.shape_cast %broadcast_in_dim3A_3 : vector<16xf32> to vector<1x16xf32>
    tpu.vector_store %arg9[%swap3A_521, %swap3A_522], %swap3A_525 {strides = array<i32>} : memref<16x80xf32, #tpu.memory_space<vmem>>, vector<1x16xf32>,
    %swap3A_526 = arith.constant 12 : i32
    %swap3A_527 = arith.index_cast %swap3A_526 : i32 to index
    %swap3A_528 = arith.constant 48 : index
    %swap3A_529 = tpu.vector_load %arg9[%swap3A_527, %swap3A_528] {strides = array<i32>} : memref<16x80xf32, #tpu.memory_space<vmem>>, vector<1x16xf32>,
    %swap3A_530 = vector.shape_cast %swap3A_529 : vector<1x16xf32> to vector<16xf32>
    %swap3A_531 = vector.shape_cast %broadcast_in_dim3A_3 : vector<16xf32> to vector<1x16xf32>
    tpu.vector_store %arg9[%swap3A_527, %swap3A_528], %swap3A_531 {strides = array<i32>} : memref<16x80xf32, #tpu.memory_space<vmem>>, vector<1x16xf32>,
    %swap3A_532 = arith.constant 12 : i32
    %swap3A_533 = arith.index_cast %swap3A_532 : i32 to index
    %swap3A_534 = arith.constant 64 : index
    %swap3A_535 = tpu.vector_load %arg9[%swap3A_533, %swap3A_534] {strides = array<i32>} : memref<16x80xf32, #tpu.memory_space<vmem>>, vector<1x16xf32>,
    %swap3A_536 = vector.shape_cast %swap3A_535 : vector<1x16xf32> to vector<16xf32>
    %swap3A_537 = vector.shape_cast %broadcast_in_dim3A_3 : vector<16xf32> to vector<1x16xf32>
    tpu.vector_store %arg9[%swap3A_533, %swap3A_534], %swap3A_537 {strides = array<i32>} : memref<16x80xf32, #tpu.memory_space<vmem>>, vector<1x16xf32>,
    %swap3A_538 = arith.constant 13 : i32
    %swap3A_539 = arith.index_cast %swap3A_538 : i32 to index
    %swap3A_540 = arith.constant 0 : index
    %swap3A_541 = tpu.vector_load %arg9[%swap3A_539, %swap3A_540] {strides = array<i32>} : memref<16x80xf32, #tpu.memory_space<vmem>>, vector<1x16xf32>,
    %swap3A_542 = vector.shape_cast %swap3A_541 : vector<1x16xf32> to vector<16xf32>
    %swap3A_543 = vector.shape_cast %broadcast_in_dim3A_3 : vector<16xf32> to vector<1x16xf32>
    tpu.vector_store %arg9[%swap3A_539, %swap3A_540], %swap3A_543 {strides = array<i32>} : memref<16x80xf32, #tpu.memory_space<vmem>>, vector<1x16xf32>,
    %swap3A_544 = arith.constant 13 : i32
    %swap3A_545 = arith.index_cast %swap3A_544 : i32 to index
    %swap3A_546 = arith.constant 16 : index
    %swap3A_547 = tpu.vector_load %arg9[%swap3A_545, %swap3A_546] {strides = array<i32>} : memref<16x80xf32, #tpu.memory_space<vmem>>, vector<1x16xf32>,
    %swap3A_548 = vector.shape_cast %swap3A_547 : vector<1x16xf32> to vector<16xf32>
    %swap3A_549 = vector.shape_cast %broadcast_in_dim3A_3 : vector<16xf32> to vector<1x16xf32>
    tpu.vector_store %arg9[%swap3A_545, %swap3A_546], %swap3A_549 {strides = array<i32>} : memref<16x80xf32, #tpu.memory_space<vmem>>, vector<1x16xf32>,
    %swap3A_550 = arith.constant 13 : i32
    %swap3A_551 = arith.index_cast %swap3A_550 : i32 to index
    %swap3A_552 = arith.constant 32 : index
    %swap3A_553 = tpu.vector_load %arg9[%swap3A_551, %swap3A_552] {strides = array<i32>} : memref<16x80xf32, #tpu.memory_space<vmem>>, vector<1x16xf32>,
    %swap3A_554 = vector.shape_cast %swap3A_553 : vector<1x16xf32> to vector<16xf32>
    %swap3A_555 = vector.shape_cast %broadcast_in_dim3A_3 : vector<16xf32> to vector<1x16xf32>
    tpu.vector_store %arg9[%swap3A_551, %swap3A_552], %swap3A_555 {strides = array<i32>} : memref<16x80xf32, #tpu.memory_space<vmem>>, vector<1x16xf32>,
    %swap3A_556 = arith.constant 13 : i32
    %swap3A_557 = arith.index_cast %swap3A_556 : i32 to index
    %swap3A_558 = arith.constant 48 : index
    %swap3A_559 = tpu.vector_load %arg9[%swap3A_557, %swap3A_558] {strides = array<i32>} : memref<16x80xf32, #tpu.memory_space<vmem>>, vector<1x16xf32>,
    %swap3A_560 = vector.shape_cast %swap3A_559 : vector<1x16xf32> to vector<16xf32>
    %swap3A_561 = vector.shape_cast %broadcast_in_dim3A_3 : vector<16xf32> to vector<1x16xf32>
    tpu.vector_store %arg9[%swap3A_557, %swap3A_558], %swap3A_561 {strides = array<i32>} : memref<16x80xf32, #tpu.memory_space<vmem>>, vector<1x16xf32>,
    %swap3A_562 = arith.constant 13 : i32
    %swap3A_563 = arith.index_cast %swap3A_562 : i32 to index
    %swap3A_564 = arith.constant 64 : index
    %swap3A_565 = tpu.vector_load %arg9[%swap3A_563, %swap3A_564] {strides = array<i32>} : memref<16x80xf32, #tpu.memory_space<vmem>>, vector<1x16xf32>,
    %swap3A_566 = vector.shape_cast %swap3A_565 : vector<1x16xf32> to vector<16xf32>
    %swap3A_567 = vector.shape_cast %broadcast_in_dim3A_3 : vector<16xf32> to vector<1x16xf32>
    tpu.vector_store %arg9[%swap3A_563, %swap3A_564], %swap3A_567 {strides = array<i32>} : memref<16x80xf32, #tpu.memory_space<vmem>>, vector<1x16xf32>,
    %swap3A_568 = arith.constant 14 : i32
    %swap3A_569 = arith.index_cast %swap3A_568 : i32 to index
    %swap3A_570 = arith.constant 0 : index
    %swap3A_571 = tpu.vector_load %arg9[%swap3A_569, %swap3A_570] {strides = array<i32>} : memref<16x80xf32, #tpu.memory_space<vmem>>, vector<1x16xf32>,
    %swap3A_572 = vector.shape_cast %swap3A_571 : vector<1x16xf32> to vector<16xf32>
    %swap3A_573 = vector.shape_cast %broadcast_in_dim3A_3 : vector<16xf32> to vector<1x16xf32>
    tpu.vector_store %arg9[%swap3A_569, %swap3A_570], %swap3A_573 {strides = array<i32>} : memref<16x80xf32, #tpu.memory_space<vmem>>, vector<1x16xf32>,
    %swap3A_574 = arith.constant 14 : i32
    %swap3A_575 = arith.index_cast %swap3A_574 : i32 to index
    %swap3A_576 = arith.constant 16 : index
    %swap3A_577 = tpu.vector_load %arg9[%swap3A_575, %swap3A_576] {strides = array<i32>} : memref<16x80xf32, #tpu.memory_space<vmem>>, vector<1x16xf32>,
    %swap3A_578 = vector.shape_cast %swap3A_577 : vector<1x16xf32> to vector<16xf32>
    %swap3A_579 = vector.shape_cast %broadcast_in_dim3A_3 : vector<16xf32> to vector<1x16xf32>
    tpu.vector_store %arg9[%swap3A_575, %swap3A_576], %swap3A_579 {strides = array<i32>} : memref<16x80xf32, #tpu.memory_space<vmem>>, vector<1x16xf32>,
    %swap3A_580 = arith.constant 14 : i32
    %swap3A_581 = arith.index_cast %swap3A_580 : i32 to index
    %swap3A_582 = arith.constant 32 : index
    %swap3A_583 = tpu.vector_load %arg9[%swap3A_581, %swap3A_582] {strides = array<i32>} : memref<16x80xf32, #tpu.memory_space<vmem>>, vector<1x16xf32>,
    %swap3A_584 = vector.shape_cast %swap3A_583 : vector<1x16xf32> to vector<16xf32>
    %swap3A_585 = vector.shape_cast %broadcast_in_dim3A_3 : vector<16xf32> to vector<1x16xf32>
    tpu.vector_store %arg9[%swap3A_581, %swap3A_582], %swap3A_585 {strides = array<i32>} : memref<16x80xf32, #tpu.memory_space<vmem>>, vector<1x16xf32>,
    %swap3A_586 = arith.constant 14 : i32
    %swap3A_587 = arith.index_cast %swap3A_586 : i32 to index
    %swap3A_588 = arith.constant 48 : index
    %swap3A_589 = tpu.vector_load %arg9[%swap3A_587, %swap3A_588] {strides = array<i32>} : memref<16x80xf32, #tpu.memory_space<vmem>>, vector<1x16xf32>,
    %swap3A_590 = vector.shape_cast %swap3A_589 : vector<1x16xf32> to vector<16xf32>
    %swap3A_591 = vector.shape_cast %broadcast_in_dim3A_3 : vector<16xf32> to vector<1x16xf32>
    tpu.vector_store %arg9[%swap3A_587, %swap3A_588], %swap3A_591 {strides = array<i32>} : memref<16x80xf32, #tpu.memory_space<vmem>>, vector<1x16xf32>,
    %swap3A_592 = arith.constant 14 : i32
    %swap3A_593 = arith.index_cast %swap3A_592 : i32 to index
    %swap3A_594 = arith.constant 64 : index
    %swap3A_595 = tpu.vector_load %arg9[%swap3A_593, %swap3A_594] {strides = array<i32>} : memref<16x80xf32, #tpu.memory_space<vmem>>, vector<1x16xf32>,
    %swap3A_596 = vector.shape_cast %swap3A_595 : vector<1x16xf32> to vector<16xf32>
    %swap3A_597 = vector.shape_cast %broadcast_in_dim3A_3 : vector<16xf32> to vector<1x16xf32>
    tpu.vector_store %arg9[%swap3A_593, %swap3A_594], %swap3A_597 {strides = array<i32>} : memref<16x80xf32, #tpu.memory_space<vmem>>, vector<1x16xf32>,
    %swap3A_598 = arith.constant 15 : i32
    %swap3A_599 = arith.index_cast %swap3A_598 : i32 to index
    %swap3A_600 = arith.constant 0 : index
    %swap3A_601 = tpu.vector_load %arg9[%swap3A_599, %swap3A_600] {strides = array<i32>} : memref<16x80xf32, #tpu.memory_space<vmem>>, vector<1x16xf32>,
    %swap3A_602 = vector.shape_cast %swap3A_601 : vector<1x16xf32> to vector<16xf32>
    %swap3A_603 = vector.shape_cast %broadcast_in_dim3A_3 : vector<16xf32> to vector<1x16xf32>
    tpu.vector_store %arg9[%swap3A_599, %swap3A_600], %swap3A_603 {strides = array<i32>} : memref<16x80xf32, #tpu.memory_space<vmem>>, vector<1x16xf32>,
    %swap3A_604 = arith.constant 15 : i32
    %swap3A_605 = arith.index_cast %swap3A_604 : i32 to index
    %swap3A_606 = arith.constant 16 : index
    %swap3A_607 = tpu.vector_load %arg9[%swap3A_605, %swap3A_606] {strides = array<i32>} : memref<16x80xf32, #tpu.memory_space<vmem>>, vector<1x16xf32>,
    %swap3A_608 = vector.shape_cast %swap3A_607 : vector<1x16xf32> to vector<16xf32>
    %swap3A_609 = vector.shape_cast %broadcast_in_dim3A_3 : vector<16xf32> to vector<1x16xf32>
    tpu.vector_store %arg9[%swap3A_605, %swap3A_606], %swap3A_609 {strides = array<i32>} : memref<16x80xf32, #tpu.memory_space<vmem>>, vector<1x16xf32>,
    %swap3A_610 = arith.constant 15 : i32
    %swap3A_611 = arith.index_cast %swap3A_610 : i32 to index
    %swap3A_612 = arith.constant 32 : index
    %swap3A_613 = tpu.vector_load %arg9[%swap3A_611, %swap3A_612] {strides = array<i32>} : memref<16x80xf32, #tpu.memory_space<vmem>>, vector<1x16xf32>,
    %swap3A_614 = vector.shape_cast %swap3A_613 : vector<1x16xf32> to vector<16xf32>
    %swap3A_615 = vector.shape_cast %broadcast_in_dim3A_3 : vector<16xf32> to vector<1x16xf32>
    tpu.vector_store %arg9[%swap3A_611, %swap3A_612], %swap3A_615 {strides = array<i32>} : memref<16x80xf32, #tpu.memory_space<vmem>>, vector<1x16xf32>,
    %swap3A_616 = arith.constant 15 : i32
    %swap3A_617 = arith.index_cast %swap3A_616 : i32 to index
    %swap3A_618 = arith.constant 48 : index
    %swap3A_619 = tpu.vector_load %arg9[%swap3A_617, %swap3A_618] {strides = array<i32>} : memref<16x80xf32, #tpu.memory_space<vmem>>, vector<1x16xf32>,
    %swap3A_620 = vector.shape_cast %swap3A_619 : vector<1x16xf32> to vector<16xf32>
    %swap3A_621 = vector.shape_cast %broadcast_in_dim3A_3 : vector<16xf32> to vector<1x16xf32>
    tpu.vector_store %arg9[%swap3A_617, %swap3A_618], %swap3A_621 {strides = array<i32>} : memref<16x80xf32, #tpu.memory_space<vmem>>, vector<1x16xf32>,
    %swap3A_622 = arith.constant 15 : i32
    %swap3A_623 = arith.index_cast %swap3A_622 : i32 to index
    %swap3A_624 = arith.constant 64 : index
    %swap3A_625 = tpu.vector_load %arg9[%swap3A_623, %swap3A_624] {strides = array<i32>} : memref<16x80xf32, #tpu.memory_space<vmem>>, vector<1x16xf32>,
    %swap3A_626 = vector.shape_cast %swap3A_625 : vector<1x16xf32> to vector<16xf32>
    %swap3A_627 = vector.shape_cast %broadcast_in_dim3A_3 : vector<16xf32> to vector<1x16xf32>
    tpu.vector_store %arg9[%swap3A_623, %swap3A_624], %swap3A_627 {strides = array<i32>} : memref<16x80xf32, #tpu.memory_space<vmem>>, vector<1x16xf32>,
    %scan3A = arith.constant 0 : i32
    %scan3A_628 = arith.constant 0 : i32
    %scan3A_629 = arith.constant 256 : i32
    %scan3A_630 = arith.addi %scan3A_628, %scan3A_629 : i32
    %scan3A_631 = arith.constant 1 : i32
    scf.for %scan3A_667 = %scan3A_628 to %scan3A_630 step %scan3A_631  : i32 {
      %swap3A_668 = arith.index_cast %scan3A_667 : i32 to index
      %swap3A_669 = arith.constant 0 : index
      %swap3A_670 = tpu.vector_load %arg8[%swap3A_668, %swap3A_669] {strides = array<i32>} : memref<256x80xf32, #tpu.memory_space<vmem>>, vector<1x16xf32>,
      %swap3A_671 = vector.shape_cast %swap3A_670 : vector<1x16xf32> to vector<16xf32>
      %swap3A_672 = vector.shape_cast %broadcast_in_dim3A_3 : vector<16xf32> to vector<1x16xf32>
      tpu.vector_store %arg8[%swap3A_668, %swap3A_669], %swap3A_672 {strides = array<i32>} : memref<256x80xf32, #tpu.memory_space<vmem>>, vector<1x16xf32>,
      %swap3A_673 = arith.index_cast %scan3A_667 : i32 to index
      %swap3A_674 = arith.constant 16 : index
      %swap3A_675 = tpu.vector_load %arg8[%swap3A_673, %swap3A_674] {strides = array<i32>} : memref<256x80xf32, #tpu.memory_space<vmem>>, vector<1x16xf32>,
      %swap3A_676 = vector.shape_cast %swap3A_675 : vector<1x16xf32> to vector<16xf32>
      %swap3A_677 = vector.shape_cast %broadcast_in_dim3A_3 : vector<16xf32> to vector<1x16xf32>
      tpu.vector_store %arg8[%swap3A_673, %swap3A_674], %swap3A_677 {strides = array<i32>} : memref<256x80xf32, #tpu.memory_space<vmem>>, vector<1x16xf32>,
      %swap3A_678 = arith.index_cast %scan3A_667 : i32 to index
      %swap3A_679 = arith.constant 32 : index
      %swap3A_680 = tpu.vector_load %arg8[%swap3A_678, %swap3A_679] {strides = array<i32>} : memref<256x80xf32, #tpu.memory_space<vmem>>, vector<1x16xf32>,
      %swap3A_681 = vector.shape_cast %swap3A_680 : vector<1x16xf32> to vector<16xf32>
      %swap3A_682 = vector.shape_cast %broadcast_in_dim3A_3 : vector<16xf32> to vector<1x16xf32>
      tpu.vector_store %arg8[%swap3A_678, %swap3A_679], %swap3A_682 {strides = array<i32>} : memref<256x80xf32, #tpu.memory_space<vmem>>, vector<1x16xf32>,
      %swap3A_683 = arith.index_cast %scan3A_667 : i32 to index
      %swap3A_684 = arith.constant 48 : index
      %swap3A_685 = tpu.vector_load %arg8[%swap3A_683, %swap3A_684] {strides = array<i32>} : memref<256x80xf32, #tpu.memory_space<vmem>>, vector<1x16xf32>,
      %swap3A_686 = vector.shape_cast %swap3A_685 : vector<1x16xf32> to vector<16xf32>
      %swap3A_687 = vector.shape_cast %broadcast_in_dim3A_3 : vector<16xf32> to vector<1x16xf32>
      tpu.vector_store %arg8[%swap3A_683, %swap3A_684], %swap3A_687 {strides = array<i32>} : memref<256x80xf32, #tpu.memory_space<vmem>>, vector<1x16xf32>,
      %swap3A_688 = arith.index_cast %scan3A_667 : i32 to index
      %swap3A_689 = arith.constant 64 : index
      %swap3A_690 = tpu.vector_load %arg8[%swap3A_688, %swap3A_689] {strides = array<i32>} : memref<256x80xf32, #tpu.memory_space<vmem>>, vector<1x16xf32>,
      %swap3A_691 = vector.shape_cast %swap3A_690 : vector<1x16xf32> to vector<16xf32>
      %swap3A_692 = vector.shape_cast %broadcast_in_dim3A_3 : vector<16xf32> to vector<1x16xf32>
      tpu.vector_store %arg8[%swap3A_688, %swap3A_689], %swap3A_692 {strides = array<i32>} : memref<256x80xf32, #tpu.memory_space<vmem>>, vector<1x16xf32>,
    }
    %scan3A_632 = arith.constant 256 : i32
    %mul3A_633 = arith.constant 16 : i32
    %mul3A_634 = arith.muli %arg1, %mul3A_633 : i32
    "tpu.region"() ({
      %run_scoped3A_667 = tpu.sem_alloc : memref<!tpu.dma_semaphore, #tpu.memory_space<semaphore_mem>>
      %dma_start3A_668 = arith.constant 0 : i32
      %dma_start3A_669 = tpu.memref_slice %arg13[%mul3A_634, %dma_start3A_668] : memref<256x80xf32, #tpu.memory_space<vmem_shared>> -> memref<16x80xf32, #tpu.memory_space<vmem_shared>>
      %dma_start3A_670 = arith.constant 0 : i32
      %dma_start3A_671 = tpu.memref_slice %arg13[%mul3A_634, %dma_start3A_670] : memref<256x80xf32, #tpu.memory_space<vmem_shared>> -> memref<16x80xf32, #tpu.memory_space<vmem_shared>>
      tpu.enqueue_dma source(%arg9 : memref<16x80xf32, #tpu.memory_space<vmem>>) target(%dma_start3A_671 : memref<16x80xf32, #tpu.memory_space<vmem_shared>>) target_semaphore(%run_scoped3A_667 : memref<!tpu.dma_semaphore, #tpu.memory_space<semaphore_mem>>)
      %dma_wait3A_672 = arith.constant 0 : i32
      %dma_wait3A_673 = tpu.memref_slice %arg13[%mul3A_634, %dma_wait3A_672] : memref<256x80xf32, #tpu.memory_space<vmem_shared>> -> memref<16x80xf32, #tpu.memory_space<vmem_shared>>
      %dma_wait3A_674 = arith.constant 0 : i32
      %dma_wait3A_675 = tpu.memref_slice %arg13[%mul3A_634, %dma_wait3A_674] : memref<256x80xf32, #tpu.memory_space<vmem_shared>> -> memref<16x80xf32, #tpu.memory_space<vmem_shared>>
      tpu.wait_dma2 semaphore(%run_scoped3A_667 : memref<!tpu.dma_semaphore, #tpu.memory_space<semaphore_mem>>) src(%arg9 : memref<16x80xf32, #tpu.memory_space<vmem>>) dst(%dma_wait3A_675 : memref<16x80xf32, #tpu.memory_space<vmem_shared>>)
      tpu.yield
    }) : () -> ()
    %barrier3A = arith.constant 0 : index
    tpu.barrier barrier_id(%barrier3A)
    %mul3A_635 = arith.constant 4000 : i32
    %mul3A_636 = arith.muli %arg1, %mul3A_635 : i32
    %add3A_637 = arith.constant 4000 : i32
    %add3A_638 = arith.addi %mul3A_636, %add3A_637 : i32
    %min3A = arith.constant 64000 : i32
    %min3A_639 = arith.minsi %add3A_638, %min3A : i32
    %add3A_640 = arith.constant 0 : i32
    %add3A_641 = arith.addi %mul3A_636, %add3A_640 : i32
    %sub3A = arith.constant 512 : i32
    %sub3A_642 = arith.subi %min3A_639, %sub3A : i32
    %min3A_643 = arith.minsi %add3A_641, %sub3A_642 : i32
    %dma_start3A = tpu.memref_slice %arg2[%min3A_643, %mul3A_0] : memref<100000x128xf32, #tpu.memory_space<hbm>> -> memref<512x64xf32, #tpu.memory_space<hbm>>
    %dma_start3A_644 = tpu.memref_slice %arg2[%min3A_643, %mul3A_0] : memref<100000x128xf32, #tpu.memory_space<hbm>> -> memref<512x64xf32, #tpu.memory_space<hbm>>
    tpu.enqueue_dma source(%dma_start3A_644 : memref<512x64xf32, #tpu.memory_space<hbm>>) target(%arg6 : memref<512x64xf32, #tpu.memory_space<vmem>>) target_semaphore(%arg16 : memref<!tpu.dma_semaphore, #tpu.memory_space<semaphore_mem>>)
    %dma_start3A_645 = tpu.memref_slice %arg3[%min3A_643] : memref<100000xi32, #tpu.memory_space<hbm>> -> memref<512xi32, #tpu.memory_space<hbm>>
    %dma_start3A_646 = tpu.memref_slice %arg3[%min3A_643] : memref<100000xi32, #tpu.memory_space<hbm>> -> memref<512xi32, #tpu.memory_space<hbm>>
    tpu.enqueue_dma source(%dma_start3A_646 : memref<512xi32, #tpu.memory_space<hbm>>) target(%arg14 : memref<512xi32, #tpu.memory_space<vmem>>) target_semaphore(%arg16 : memref<!tpu.dma_semaphore, #tpu.memory_space<semaphore_mem>>)
    %scan3A_647 = arith.constant 0 : i32
    %scan3A_648 = arith.constant 0 : i32
    %scan3A_649 = arith.constant 4 : i32
    %scan3A_650 = arith.addi %scan3A_648, %scan3A_649 : i32
    %scan3A_651 = arith.constant 1 : i32
    scf.for %scan3A_667 = %scan3A_648 to %scan3A_650 step %scan3A_651  : i32 {
      %mul3A_668 = arith.constant 2 : i32
      %mul3A_669 = arith.muli %mul3A_668, %scan3A_667 : i32
      %mul3A_670 = arith.constant 512 : i32
      %mul3A_671 = arith.muli %mul3A_669, %mul3A_670 : i32
      %add3A_672 = arith.addi %mul3A_636, %mul3A_671 : i32
      %sub3A_673 = arith.constant 512 : i32
      %sub3A_674 = arith.subi %min3A_639, %sub3A_673 : i32
      %min3A_675 = arith.minsi %add3A_672, %sub3A_674 : i32
      %dma_wait3A_676 = tpu.memref_slice %arg2[%min3A_675, %mul3A_0] : memref<100000x128xf32, #tpu.memory_space<hbm>> -> memref<512x64xf32, #tpu.memory_space<hbm>>
      %dma_wait3A_677 = tpu.memref_slice %arg2[%min3A_675, %mul3A_0] : memref<100000x128xf32, #tpu.memory_space<hbm>> -> memref<512x64xf32, #tpu.memory_space<hbm>>
      tpu.wait_dma2 semaphore(%arg16 : memref<!tpu.dma_semaphore, #tpu.memory_space<semaphore_mem>>) src(%dma_wait3A_677 : memref<512x64xf32, #tpu.memory_space<hbm>>) dst(%arg6 : memref<512x64xf32, #tpu.memory_space<vmem>>)
      %dma_wait3A_678 = tpu.memref_slice %arg3[%min3A_675] : memref<100000xi32, #tpu.memory_space<hbm>> -> memref<512xi32, #tpu.memory_space<hbm>>
      %dma_wait3A_679 = tpu.memref_slice %arg3[%min3A_675] : memref<100000xi32, #tpu.memory_space<hbm>> -> memref<512xi32, #tpu.memory_space<hbm>>
      tpu.wait_dma2 semaphore(%arg16 : memref<!tpu.dma_semaphore, #tpu.memory_space<semaphore_mem>>) src(%dma_wait3A_679 : memref<512xi32, #tpu.memory_space<hbm>>) dst(%arg14 : memref<512xi32, #tpu.memory_space<vmem>>)
      %add3A_680 = arith.constant 1 : i32
      %add3A_681 = arith.addi %mul3A_669, %add3A_680 : i32
      %mul3A_682 = arith.constant 512 : i32
      %mul3A_683 = arith.muli %add3A_681, %mul3A_682 : i32
      %add3A_684 = arith.addi %mul3A_636, %mul3A_683 : i32
      %sub3A_685 = arith.constant 512 : i32
      %sub3A_686 = arith.subi %min3A_639, %sub3A_685 : i32
      %min3A_687 = arith.minsi %add3A_684, %sub3A_686 : i32
      %dma_start3A_688 = tpu.memref_slice %arg2[%min3A_687, %mul3A_0] : memref<100000x128xf32, #tpu.memory_space<hbm>> -> memref<512x64xf32, #tpu.memory_space<hbm>>
      %dma_start3A_689 = tpu.memref_slice %arg2[%min3A_687, %mul3A_0] : memref<100000x128xf32, #tpu.memory_space<hbm>> -> memref<512x64xf32, #tpu.memory_space<hbm>>
      tpu.enqueue_dma source(%dma_start3A_689 : memref<512x64xf32, #tpu.memory_space<hbm>>) target(%arg7 : memref<512x64xf32, #tpu.memory_space<vmem>>) target_semaphore(%arg17 : memref<!tpu.dma_semaphore, #tpu.memory_space<semaphore_mem>>)
      %dma_start3A_690 = tpu.memref_slice %arg3[%min3A_687] : memref<100000xi32, #tpu.memory_space<hbm>> -> memref<512xi32, #tpu.memory_space<hbm>>
      %dma_start3A_691 = tpu.memref_slice %arg3[%min3A_687] : memref<100000xi32, #tpu.memory_space<hbm>> -> memref<512xi32, #tpu.memory_space<hbm>>
      tpu.enqueue_dma source(%dma_start3A_691 : memref<512xi32, #tpu.memory_space<hbm>>) target(%arg15 : memref<512xi32, #tpu.memory_space<vmem>>) target_semaphore(%arg17 : memref<!tpu.dma_semaphore, #tpu.memory_space<semaphore_mem>>)
      %mul3A_692 = arith.constant 512 : i32
      %mul3A_693 = arith.muli %mul3A_669, %mul3A_692 : i32
      %add3A_694 = arith.addi %mul3A_636, %mul3A_693 : i32
      %sub3A_695 = arith.constant 512 : i32
      %sub3A_696 = arith.subi %min3A_639, %sub3A_695 : i32
      %min3A_697 = arith.minsi %add3A_694, %sub3A_696 : i32
      %sub3A_698 = arith.subi %add3A_694, %min3A_697 : i32
      %scan3A_699 = arith.constant 0 : i32
      %scan3A_700 = arith.constant 0 : i32
      %scan3A_701 = arith.constant 32 : i32
      %scan3A_702 = arith.addi %scan3A_700, %scan3A_701 : i32
      %scan3A_703 = arith.constant 1 : i32
      scf.for %scan3A_744 = %scan3A_700 to %scan3A_702 step %scan3A_703  : i32 {
        %mul3A_745 = arith.constant 16 : i32
        %mul3A_746 = arith.muli %scan3A_744, %mul3A_745 : i32
        %get3A = arith.index_cast %mul3A_746 : i32 to index
        %get3A_747 = tpu.vector_load %arg14[%get3A] {strides = array<i32>} : memref<512xi32, #tpu.memory_space<vmem>>, vector<16xi32>,
        %get3A_748 = vector.shape_cast %get3A_747 : vector<16xi32> to vector<16xi32>
        %slice3A = vector.extract_strided_slice %get3A_748 {offsets = [0], sizes = [1], strides = [1]} : vector<16xi32> to vector<1xi32>
        %squeeze3A = vector.extract %slice3A[0] : i32 from vector<1xi32>
        %slice3A_749 = vector.extract_strided_slice %get3A_748 {offsets = [15], sizes = [1], strides = [1]} : vector<16xi32> to vector<1xi32>
        %squeeze3A_750 = vector.extract %slice3A_749[0] : i32 from vector<1xi32>
        %eq3A_751 = arith.cmpi eq, %squeeze3A, %squeeze3A_750 : i32
        %ge3A = arith.cmpi sge, %mul3A_746, %sub3A_698 : i32
        %and3A = arith.andi %eq3A_751, %ge3A : i1
        %convert_element_type3A_752 = arith.extui %and3A : i1 to i32
        %cond3A_753 = arith.constant 0 : i32
        %cond3A_754 = arith.constant 0 : i32
        %cond3A_755 = arith.cmpi ne, %convert_element_type3A_752, %cond3A_754 : i32
        %cond3A_756 = scf.if %cond3A_755 -> (i32) {
          %add3A_757 = arith.constant 0 : i32
          %add3A_758 = arith.addi %mul3A_746, %add3A_757 : i32
          %get3A_759 = arith.index_cast %add3A_758 : i32 to index
          %get3A_760 = arith.constant 0 : index
          %get3A_761 = tpu.vector_load %arg6[%get3A_759, %get3A_760] {strides = array<i32>} : memref<512x64xf32, #tpu.memory_space<vmem>>, vector<1x16xf32>,
          %get3A_762 = vector.shape_cast %get3A_761 : vector<1x16xf32> to vector<16xf32>
          %add3A_763 = arith.addf %broadcast_in_dim3A_3, %get3A_762 : vector<16xf32>
          %add3A_764 = arith.constant 0 : i32
          %add3A_765 = arith.addi %mul3A_746, %add3A_764 : i32
          %get3A_766 = arith.index_cast %add3A_765 : i32 to index
          %get3A_767 = arith.constant 16 : index
          %get3A_768 = tpu.vector_load %arg6[%get3A_766, %get3A_767] {strides = array<i32>} : memref<512x64xf32, #tpu.memory_space<vmem>>, vector<1x16xf32>,
          %get3A_769 = vector.shape_cast %get3A_768 : vector<1x16xf32> to vector<16xf32>
          %add3A_770 = arith.addf %broadcast_in_dim3A_3, %get3A_769 : vector<16xf32>
          %add3A_771 = arith.constant 0 : i32
          %add3A_772 = arith.addi %mul3A_746, %add3A_771 : i32
          %get3A_773 = arith.index_cast %add3A_772 : i32 to index
          %get3A_774 = arith.constant 32 : index
          %get3A_775 = tpu.vector_load %arg6[%get3A_773, %get3A_774] {strides = array<i32>} : memref<512x64xf32, #tpu.memory_space<vmem>>, vector<1x16xf32>,
          %get3A_776 = vector.shape_cast %get3A_775 : vector<1x16xf32> to vector<16xf32>
          %add3A_777 = arith.addf %broadcast_in_dim3A_3, %get3A_776 : vector<16xf32>
          %add3A_778 = arith.constant 0 : i32
          %add3A_779 = arith.addi %mul3A_746, %add3A_778 : i32
          %get3A_780 = arith.index_cast %add3A_779 : i32 to index
          %get3A_781 = arith.constant 48 : index
          %get3A_782 = tpu.vector_load %arg6[%get3A_780, %get3A_781] {strides = array<i32>} : memref<512x64xf32, #tpu.memory_space<vmem>>, vector<1x16xf32>,
          %get3A_783 = vector.shape_cast %get3A_782 : vector<1x16xf32> to vector<16xf32>
          %add3A_784 = arith.addf %broadcast_in_dim3A_3, %get3A_783 : vector<16xf32>
          %add3A_785 = arith.constant 1 : i32
          %add3A_786 = arith.addi %mul3A_746, %add3A_785 : i32
          %get3A_787 = arith.index_cast %add3A_786 : i32 to index
          %get3A_788 = arith.constant 0 : index
          %get3A_789 = tpu.vector_load %arg6[%get3A_787, %get3A_788] {strides = array<i32>} : memref<512x64xf32, #tpu.memory_space<vmem>>, vector<1x16xf32>,
          %get3A_790 = vector.shape_cast %get3A_789 : vector<1x16xf32> to vector<16xf32>
          %add3A_791 = arith.addf %add3A_763, %get3A_790 : vector<16xf32>
          %add3A_792 = arith.constant 1 : i32
          %add3A_793 = arith.addi %mul3A_746, %add3A_792 : i32
          %get3A_794 = arith.index_cast %add3A_793 : i32 to index
          %get3A_795 = arith.constant 16 : index
          %get3A_796 = tpu.vector_load %arg6[%get3A_794, %get3A_795] {strides = array<i32>} : memref<512x64xf32, #tpu.memory_space<vmem>>, vector<1x16xf32>,
          %get3A_797 = vector.shape_cast %get3A_796 : vector<1x16xf32> to vector<16xf32>
          %add3A_798 = arith.addf %add3A_770, %get3A_797 : vector<16xf32>
          %add3A_799 = arith.constant 1 : i32
          %add3A_800 = arith.addi %mul3A_746, %add3A_799 : i32
          %get3A_801 = arith.index_cast %add3A_800 : i32 to index
          %get3A_802 = arith.constant 32 : index
          %get3A_803 = tpu.vector_load %arg6[%get3A_801, %get3A_802] {strides = array<i32>} : memref<512x64xf32, #tpu.memory_space<vmem>>, vector<1x16xf32>,
          %get3A_804 = vector.shape_cast %get3A_803 : vector<1x16xf32> to vector<16xf32>
          %add3A_805 = arith.addf %add3A_777, %get3A_804 : vector<16xf32>
          %add3A_806 = arith.constant 1 : i32
          %add3A_807 = arith.addi %mul3A_746, %add3A_806 : i32
          %get3A_808 = arith.index_cast %add3A_807 : i32 to index
          %get3A_809 = arith.constant 48 : index
          %get3A_810 = tpu.vector_load %arg6[%get3A_808, %get3A_809] {strides = array<i32>} : memref<512x64xf32, #tpu.memory_space<vmem>>, vector<1x16xf32>,
          %get3A_811 = vector.shape_cast %get3A_810 : vector<1x16xf32> to vector<16xf32>
          %add3A_812 = arith.addf %add3A_784, %get3A_811 : vector<16xf32>
          %add3A_813 = arith.constant 2 : i32
          %add3A_814 = arith.addi %mul3A_746, %add3A_813 : i32
          %get3A_815 = arith.index_cast %add3A_814 : i32 to index
          %get3A_816 = arith.constant 0 : index
          %get3A_817 = tpu.vector_load %arg6[%get3A_815, %get3A_816] {strides = array<i32>} : memref<512x64xf32, #tpu.memory_space<vmem>>, vector<1x16xf32>,
          %get3A_818 = vector.shape_cast %get3A_817 : vector<1x16xf32> to vector<16xf32>
          %add3A_819 = arith.addf %add3A_791, %get3A_818 : vector<16xf32>
          %add3A_820 = arith.constant 2 : i32
          %add3A_821 = arith.addi %mul3A_746, %add3A_820 : i32
          %get3A_822 = arith.index_cast %add3A_821 : i32 to index
          %get3A_823 = arith.constant 16 : index
          %get3A_824 = tpu.vector_load %arg6[%get3A_822, %get3A_823] {strides = array<i32>} : memref<512x64xf32, #tpu.memory_space<vmem>>, vector<1x16xf32>,
          %get3A_825 = vector.shape_cast %get3A_824 : vector<1x16xf32> to vector<16xf32>
          %add3A_826 = arith.addf %add3A_798, %get3A_825 : vector<16xf32>
          %add3A_827 = arith.constant 2 : i32
          %add3A_828 = arith.addi %mul3A_746, %add3A_827 : i32
          %get3A_829 = arith.index_cast %add3A_828 : i32 to index
          %get3A_830 = arith.constant 32 : index
          %get3A_831 = tpu.vector_load %arg6[%get3A_829, %get3A_830] {strides = array<i32>} : memref<512x64xf32, #tpu.memory_space<vmem>>, vector<1x16xf32>,
          %get3A_832 = vector.shape_cast %get3A_831 : vector<1x16xf32> to vector<16xf32>
          %add3A_833 = arith.addf %add3A_805, %get3A_832 : vector<16xf32>
          %add3A_834 = arith.constant 2 : i32
          %add3A_835 = arith.addi %mul3A_746, %add3A_834 : i32
          %get3A_836 = arith.index_cast %add3A_835 : i32 to index
          %get3A_837 = arith.constant 48 : index
          %get3A_838 = tpu.vector_load %arg6[%get3A_836, %get3A_837] {strides = array<i32>} : memref<512x64xf32, #tpu.memory_space<vmem>>, vector<1x16xf32>,
          %get3A_839 = vector.shape_cast %get3A_838 : vector<1x16xf32> to vector<16xf32>
          %add3A_840 = arith.addf %add3A_812, %get3A_839 : vector<16xf32>
          %add3A_841 = arith.constant 3 : i32
          %add3A_842 = arith.addi %mul3A_746, %add3A_841 : i32
          %get3A_843 = arith.index_cast %add3A_842 : i32 to index
          %get3A_844 = arith.constant 0 : index
          %get3A_845 = tpu.vector_load %arg6[%get3A_843, %get3A_844] {strides = array<i32>} : memref<512x64xf32, #tpu.memory_space<vmem>>, vector<1x16xf32>,
          %get3A_846 = vector.shape_cast %get3A_845 : vector<1x16xf32> to vector<16xf32>
          %add3A_847 = arith.addf %add3A_819, %get3A_846 : vector<16xf32>
          %add3A_848 = arith.constant 3 : i32
          %add3A_849 = arith.addi %mul3A_746, %add3A_848 : i32
          %get3A_850 = arith.index_cast %add3A_849 : i32 to index
          %get3A_851 = arith.constant 16 : index
          %get3A_852 = tpu.vector_load %arg6[%get3A_850, %get3A_851] {strides = array<i32>} : memref<512x64xf32, #tpu.memory_space<vmem>>, vector<1x16xf32>,
          %get3A_853 = vector.shape_cast %get3A_852 : vector<1x16xf32> to vector<16xf32>
          %add3A_854 = arith.addf %add3A_826, %get3A_853 : vector<16xf32>
          %add3A_855 = arith.constant 3 : i32
          %add3A_856 = arith.addi %mul3A_746, %add3A_855 : i32
          %get3A_857 = arith.index_cast %add3A_856 : i32 to index
          %get3A_858 = arith.constant 32 : index
          %get3A_859 = tpu.vector_load %arg6[%get3A_857, %get3A_858] {strides = array<i32>} : memref<512x64xf32, #tpu.memory_space<vmem>>, vector<1x16xf32>,
          %get3A_860 = vector.shape_cast %get3A_859 : vector<1x16xf32> to vector<16xf32>
          %add3A_861 = arith.addf %add3A_833, %get3A_860 : vector<16xf32>
          %add3A_862 = arith.constant 3 : i32
          %add3A_863 = arith.addi %mul3A_746, %add3A_862 : i32
          %get3A_864 = arith.index_cast %add3A_863 : i32 to index
          %get3A_865 = arith.constant 48 : index
          %get3A_866 = tpu.vector_load %arg6[%get3A_864, %get3A_865] {strides = array<i32>} : memref<512x64xf32, #tpu.memory_space<vmem>>, vector<1x16xf32>,
          %get3A_867 = vector.shape_cast %get3A_866 : vector<1x16xf32> to vector<16xf32>
          %add3A_868 = arith.addf %add3A_840, %get3A_867 : vector<16xf32>
          %add3A_869 = arith.constant 4 : i32
          %add3A_870 = arith.addi %mul3A_746, %add3A_869 : i32
          %get3A_871 = arith.index_cast %add3A_870 : i32 to index
          %get3A_872 = arith.constant 0 : index
          %get3A_873 = tpu.vector_load %arg6[%get3A_871, %get3A_872] {strides = array<i32>} : memref<512x64xf32, #tpu.memory_space<vmem>>, vector<1x16xf32>,
          %get3A_874 = vector.shape_cast %get3A_873 : vector<1x16xf32> to vector<16xf32>
          %add3A_875 = arith.addf %add3A_847, %get3A_874 : vector<16xf32>
          %add3A_876 = arith.constant 4 : i32
          %add3A_877 = arith.addi %mul3A_746, %add3A_876 : i32
          %get3A_878 = arith.index_cast %add3A_877 : i32 to index
          %get3A_879 = arith.constant 16 : index
          %get3A_880 = tpu.vector_load %arg6[%get3A_878, %get3A_879] {strides = array<i32>} : memref<512x64xf32, #tpu.memory_space<vmem>>, vector<1x16xf32>,
          %get3A_881 = vector.shape_cast %get3A_880 : vector<1x16xf32> to vector<16xf32>
          %add3A_882 = arith.addf %add3A_854, %get3A_881 : vector<16xf32>
          %add3A_883 = arith.constant 4 : i32
          %add3A_884 = arith.addi %mul3A_746, %add3A_883 : i32
          %get3A_885 = arith.index_cast %add3A_884 : i32 to index
          %get3A_886 = arith.constant 32 : index
          %get3A_887 = tpu.vector_load %arg6[%get3A_885, %get3A_886] {strides = array<i32>} : memref<512x64xf32, #tpu.memory_space<vmem>>, vector<1x16xf32>,
          %get3A_888 = vector.shape_cast %get3A_887 : vector<1x16xf32> to vector<16xf32>
          %add3A_889 = arith.addf %add3A_861, %get3A_888 : vector<16xf32>
          %add3A_890 = arith.constant 4 : i32
          %add3A_891 = arith.addi %mul3A_746, %add3A_890 : i32
          %get3A_892 = arith.index_cast %add3A_891 : i32 to index
          %get3A_893 = arith.constant 48 : index
          %get3A_894 = tpu.vector_load %arg6[%get3A_892, %get3A_893] {strides = array<i32>} : memref<512x64xf32, #tpu.memory_space<vmem>>, vector<1x16xf32>,
          %get3A_895 = vector.shape_cast %get3A_894 : vector<1x16xf32> to vector<16xf32>
          %add3A_896 = arith.addf %add3A_868, %get3A_895 : vector<16xf32>
          %add3A_897 = arith.constant 5 : i32
          %add3A_898 = arith.addi %mul3A_746, %add3A_897 : i32
          %get3A_899 = arith.index_cast %add3A_898 : i32 to index
          %get3A_900 = arith.constant 0 : index
          %get3A_901 = tpu.vector_load %arg6[%get3A_899, %get3A_900] {strides = array<i32>} : memref<512x64xf32, #tpu.memory_space<vmem>>, vector<1x16xf32>,
          %get3A_902 = vector.shape_cast %get3A_901 : vector<1x16xf32> to vector<16xf32>
          %add3A_903 = arith.addf %add3A_875, %get3A_902 : vector<16xf32>
          %add3A_904 = arith.constant 5 : i32
          %add3A_905 = arith.addi %mul3A_746, %add3A_904 : i32
          %get3A_906 = arith.index_cast %add3A_905 : i32 to index
          %get3A_907 = arith.constant 16 : index
          %get3A_908 = tpu.vector_load %arg6[%get3A_906, %get3A_907] {strides = array<i32>} : memref<512x64xf32, #tpu.memory_space<vmem>>, vector<1x16xf32>,
          %get3A_909 = vector.shape_cast %get3A_908 : vector<1x16xf32> to vector<16xf32>
          %add3A_910 = arith.addf %add3A_882, %get3A_909 : vector<16xf32>
          %add3A_911 = arith.constant 5 : i32
          %add3A_912 = arith.addi %mul3A_746, %add3A_911 : i32
          %get3A_913 = arith.index_cast %add3A_912 : i32 to index
          %get3A_914 = arith.constant 32 : index
          %get3A_915 = tpu.vector_load %arg6[%get3A_913, %get3A_914] {strides = array<i32>} : memref<512x64xf32, #tpu.memory_space<vmem>>, vector<1x16xf32>,
          %get3A_916 = vector.shape_cast %get3A_915 : vector<1x16xf32> to vector<16xf32>
          %add3A_917 = arith.addf %add3A_889, %get3A_916 : vector<16xf32>
          %add3A_918 = arith.constant 5 : i32
          %add3A_919 = arith.addi %mul3A_746, %add3A_918 : i32
          %get3A_920 = arith.index_cast %add3A_919 : i32 to index
          %get3A_921 = arith.constant 48 : index
          %get3A_922 = tpu.vector_load %arg6[%get3A_920, %get3A_921] {strides = array<i32>} : memref<512x64xf32, #tpu.memory_space<vmem>>, vector<1x16xf32>,
          %get3A_923 = vector.shape_cast %get3A_922 : vector<1x16xf32> to vector<16xf32>
          %add3A_924 = arith.addf %add3A_896, %get3A_923 : vector<16xf32>
          %add3A_925 = arith.constant 6 : i32
          %add3A_926 = arith.addi %mul3A_746, %add3A_925 : i32
          %get3A_927 = arith.index_cast %add3A_926 : i32 to index
          %get3A_928 = arith.constant 0 : index
          %get3A_929 = tpu.vector_load %arg6[%get3A_927, %get3A_928] {strides = array<i32>} : memref<512x64xf32, #tpu.memory_space<vmem>>, vector<1x16xf32>,
          %get3A_930 = vector.shape_cast %get3A_929 : vector<1x16xf32> to vector<16xf32>
          %add3A_931 = arith.addf %add3A_903, %get3A_930 : vector<16xf32>
          %add3A_932 = arith.constant 6 : i32
          %add3A_933 = arith.addi %mul3A_746, %add3A_932 : i32
          %get3A_934 = arith.index_cast %add3A_933 : i32 to index
          %get3A_935 = arith.constant 16 : index
          %get3A_936 = tpu.vector_load %arg6[%get3A_934, %get3A_935] {strides = array<i32>} : memref<512x64xf32, #tpu.memory_space<vmem>>, vector<1x16xf32>,
          %get3A_937 = vector.shape_cast %get3A_936 : vector<1x16xf32> to vector<16xf32>
          %add3A_938 = arith.addf %add3A_910, %get3A_937 : vector<16xf32>
          %add3A_939 = arith.constant 6 : i32
          %add3A_940 = arith.addi %mul3A_746, %add3A_939 : i32
          %get3A_941 = arith.index_cast %add3A_940 : i32 to index
          %get3A_942 = arith.constant 32 : index
          %get3A_943 = tpu.vector_load %arg6[%get3A_941, %get3A_942] {strides = array<i32>} : memref<512x64xf32, #tpu.memory_space<vmem>>, vector<1x16xf32>,
          %get3A_944 = vector.shape_cast %get3A_943 : vector<1x16xf32> to vector<16xf32>
          %add3A_945 = arith.addf %add3A_917, %get3A_944 : vector<16xf32>
          %add3A_946 = arith.constant 6 : i32
          %add3A_947 = arith.addi %mul3A_746, %add3A_946 : i32
          %get3A_948 = arith.index_cast %add3A_947 : i32 to index
          %get3A_949 = arith.constant 48 : index
          %get3A_950 = tpu.vector_load %arg6[%get3A_948, %get3A_949] {strides = array<i32>} : memref<512x64xf32, #tpu.memory_space<vmem>>, vector<1x16xf32>,
          %get3A_951 = vector.shape_cast %get3A_950 : vector<1x16xf32> to vector<16xf32>
          %add3A_952 = arith.addf %add3A_924, %get3A_951 : vector<16xf32>
          %add3A_953 = arith.constant 7 : i32
          %add3A_954 = arith.addi %mul3A_746, %add3A_953 : i32
          %get3A_955 = arith.index_cast %add3A_954 : i32 to index
          %get3A_956 = arith.constant 0 : index
          %get3A_957 = tpu.vector_load %arg6[%get3A_955, %get3A_956] {strides = array<i32>} : memref<512x64xf32, #tpu.memory_space<vmem>>, vector<1x16xf32>,
          %get3A_958 = vector.shape_cast %get3A_957 : vector<1x16xf32> to vector<16xf32>
          %add3A_959 = arith.addf %add3A_931, %get3A_958 : vector<16xf32>
          %add3A_960 = arith.constant 7 : i32
          %add3A_961 = arith.addi %mul3A_746, %add3A_960 : i32
          %get3A_962 = arith.index_cast %add3A_961 : i32 to index
          %get3A_963 = arith.constant 16 : index
          %get3A_964 = tpu.vector_load %arg6[%get3A_962, %get3A_963] {strides = array<i32>} : memref<512x64xf32, #tpu.memory_space<vmem>>, vector<1x16xf32>,
          %get3A_965 = vector.shape_cast %get3A_964 : vector<1x16xf32> to vector<16xf32>
          %add3A_966 = arith.addf %add3A_938, %get3A_965 : vector<16xf32>
          %add3A_967 = arith.constant 7 : i32
          %add3A_968 = arith.addi %mul3A_746, %add3A_967 : i32
          %get3A_969 = arith.index_cast %add3A_968 : i32 to index
          %get3A_970 = arith.constant 32 : index
          %get3A_971 = tpu.vector_load %arg6[%get3A_969, %get3A_970] {strides = array<i32>} : memref<512x64xf32, #tpu.memory_space<vmem>>, vector<1x16xf32>,
          %get3A_972 = vector.shape_cast %get3A_971 : vector<1x16xf32> to vector<16xf32>
          %add3A_973 = arith.addf %add3A_945, %get3A_972 : vector<16xf32>
          %add3A_974 = arith.constant 7 : i32
          %add3A_975 = arith.addi %mul3A_746, %add3A_974 : i32
          %get3A_976 = arith.index_cast %add3A_975 : i32 to index
          %get3A_977 = arith.constant 48 : index
          %get3A_978 = tpu.vector_load %arg6[%get3A_976, %get3A_977] {strides = array<i32>} : memref<512x64xf32, #tpu.memory_space<vmem>>, vector<1x16xf32>,
          %get3A_979 = vector.shape_cast %get3A_978 : vector<1x16xf32> to vector<16xf32>
          %add3A_980 = arith.addf %add3A_952, %get3A_979 : vector<16xf32>
          %add3A_981 = arith.constant 8 : i32
          %add3A_982 = arith.addi %mul3A_746, %add3A_981 : i32
          %get3A_983 = arith.index_cast %add3A_982 : i32 to index
          %get3A_984 = arith.constant 0 : index
          %get3A_985 = tpu.vector_load %arg6[%get3A_983, %get3A_984] {strides = array<i32>} : memref<512x64xf32, #tpu.memory_space<vmem>>, vector<1x16xf32>,
          %get3A_986 = vector.shape_cast %get3A_985 : vector<1x16xf32> to vector<16xf32>
          %add3A_987 = arith.addf %add3A_959, %get3A_986 : vector<16xf32>
          %add3A_988 = arith.constant 8 : i32
          %add3A_989 = arith.addi %mul3A_746, %add3A_988 : i32
          %get3A_990 = arith.index_cast %add3A_989 : i32 to index
          %get3A_991 = arith.constant 16 : index
          %get3A_992 = tpu.vector_load %arg6[%get3A_990, %get3A_991] {strides = array<i32>} : memref<512x64xf32, #tpu.memory_space<vmem>>, vector<1x16xf32>,
          %get3A_993 = vector.shape_cast %get3A_992 : vector<1x16xf32> to vector<16xf32>
          %add3A_994 = arith.addf %add3A_966, %get3A_993 : vector<16xf32>
          %add3A_995 = arith.constant 8 : i32
          %add3A_996 = arith.addi %mul3A_746, %add3A_995 : i32
          %get3A_997 = arith.index_cast %add3A_996 : i32 to index
          %get3A_998 = arith.constant 32 : index
          %get3A_999 = tpu.vector_load %arg6[%get3A_997, %get3A_998] {strides = array<i32>} : memref<512x64xf32, #tpu.memory_space<vmem>>, vector<1x16xf32>,
          %get3A_1000 = vector.shape_cast %get3A_999 : vector<1x16xf32> to vector<16xf32>
          %add3A_1001 = arith.addf %add3A_973, %get3A_1000 : vector<16xf32>
          %add3A_1002 = arith.constant 8 : i32
          %add3A_1003 = arith.addi %mul3A_746, %add3A_1002 : i32
          %get3A_1004 = arith.index_cast %add3A_1003 : i32 to index
          %get3A_1005 = arith.constant 48 : index
          %get3A_1006 = tpu.vector_load %arg6[%get3A_1004, %get3A_1005] {strides = array<i32>} : memref<512x64xf32, #tpu.memory_space<vmem>>, vector<1x16xf32>,
          %get3A_1007 = vector.shape_cast %get3A_1006 : vector<1x16xf32> to vector<16xf32>
          %add3A_1008 = arith.addf %add3A_980, %get3A_1007 : vector<16xf32>
          %add3A_1009 = arith.constant 9 : i32
          %add3A_1010 = arith.addi %mul3A_746, %add3A_1009 : i32
          %get3A_1011 = arith.index_cast %add3A_1010 : i32 to index
          %get3A_1012 = arith.constant 0 : index
          %get3A_1013 = tpu.vector_load %arg6[%get3A_1011, %get3A_1012] {strides = array<i32>} : memref<512x64xf32, #tpu.memory_space<vmem>>, vector<1x16xf32>,
          %get3A_1014 = vector.shape_cast %get3A_1013 : vector<1x16xf32> to vector<16xf32>
          %add3A_1015 = arith.addf %add3A_987, %get3A_1014 : vector<16xf32>
          %add3A_1016 = arith.constant 9 : i32
          %add3A_1017 = arith.addi %mul3A_746, %add3A_1016 : i32
          %get3A_1018 = arith.index_cast %add3A_1017 : i32 to index
          %get3A_1019 = arith.constant 16 : index
          %get3A_1020 = tpu.vector_load %arg6[%get3A_1018, %get3A_1019] {strides = array<i32>} : memref<512x64xf32, #tpu.memory_space<vmem>>, vector<1x16xf32>,
          %get3A_1021 = vector.shape_cast %get3A_1020 : vector<1x16xf32> to vector<16xf32>
          %add3A_1022 = arith.addf %add3A_994, %get3A_1021 : vector<16xf32>
          %add3A_1023 = arith.constant 9 : i32
          %add3A_1024 = arith.addi %mul3A_746, %add3A_1023 : i32
          %get3A_1025 = arith.index_cast %add3A_1024 : i32 to index
          %get3A_1026 = arith.constant 32 : index
          %get3A_1027 = tpu.vector_load %arg6[%get3A_1025, %get3A_1026] {strides = array<i32>} : memref<512x64xf32, #tpu.memory_space<vmem>>, vector<1x16xf32>,
          %get3A_1028 = vector.shape_cast %get3A_1027 : vector<1x16xf32> to vector<16xf32>
          %add3A_1029 = arith.addf %add3A_1001, %get3A_1028 : vector<16xf32>
          %add3A_1030 = arith.constant 9 : i32
          %add3A_1031 = arith.addi %mul3A_746, %add3A_1030 : i32
          %get3A_1032 = arith.index_cast %add3A_1031 : i32 to index
          %get3A_1033 = arith.constant 48 : index
          %get3A_1034 = tpu.vector_load %arg6[%get3A_1032, %get3A_1033] {strides = array<i32>} : memref<512x64xf32, #tpu.memory_space<vmem>>, vector<1x16xf32>,
          %get3A_1035 = vector.shape_cast %get3A_1034 : vector<1x16xf32> to vector<16xf32>
          %add3A_1036 = arith.addf %add3A_1008, %get3A_1035 : vector<16xf32>
          %add3A_1037 = arith.constant 10 : i32
          %add3A_1038 = arith.addi %mul3A_746, %add3A_1037 : i32
          %get3A_1039 = arith.index_cast %add3A_1038 : i32 to index
          %get3A_1040 = arith.constant 0 : index
          %get3A_1041 = tpu.vector_load %arg6[%get3A_1039, %get3A_1040] {strides = array<i32>} : memref<512x64xf32, #tpu.memory_space<vmem>>, vector<1x16xf32>,
          %get3A_1042 = vector.shape_cast %get3A_1041 : vector<1x16xf32> to vector<16xf32>
          %add3A_1043 = arith.addf %add3A_1015, %get3A_1042 : vector<16xf32>
          %add3A_1044 = arith.constant 10 : i32
          %add3A_1045 = arith.addi %mul3A_746, %add3A_1044 : i32
          %get3A_1046 = arith.index_cast %add3A_1045 : i32 to index
          %get3A_1047 = arith.constant 16 : index
          %get3A_1048 = tpu.vector_load %arg6[%get3A_1046, %get3A_1047] {strides = array<i32>} : memref<512x64xf32, #tpu.memory_space<vmem>>, vector<1x16xf32>,
          %get3A_1049 = vector.shape_cast %get3A_1048 : vector<1x16xf32> to vector<16xf32>
          %add3A_1050 = arith.addf %add3A_1022, %get3A_1049 : vector<16xf32>
          %add3A_1051 = arith.constant 10 : i32
          %add3A_1052 = arith.addi %mul3A_746, %add3A_1051 : i32
          %get3A_1053 = arith.index_cast %add3A_1052 : i32 to index
          %get3A_1054 = arith.constant 32 : index
          %get3A_1055 = tpu.vector_load %arg6[%get3A_1053, %get3A_1054] {strides = array<i32>} : memref<512x64xf32, #tpu.memory_space<vmem>>, vector<1x16xf32>,
          %get3A_1056 = vector.shape_cast %get3A_1055 : vector<1x16xf32> to vector<16xf32>
          %add3A_1057 = arith.addf %add3A_1029, %get3A_1056 : vector<16xf32>
          %add3A_1058 = arith.constant 10 : i32
          %add3A_1059 = arith.addi %mul3A_746, %add3A_1058 : i32
          %get3A_1060 = arith.index_cast %add3A_1059 : i32 to index
          %get3A_1061 = arith.constant 48 : index
          %get3A_1062 = tpu.vector_load %arg6[%get3A_1060, %get3A_1061] {strides = array<i32>} : memref<512x64xf32, #tpu.memory_space<vmem>>, vector<1x16xf32>,
          %get3A_1063 = vector.shape_cast %get3A_1062 : vector<1x16xf32> to vector<16xf32>
          %add3A_1064 = arith.addf %add3A_1036, %get3A_1063 : vector<16xf32>
          %add3A_1065 = arith.constant 11 : i32
          %add3A_1066 = arith.addi %mul3A_746, %add3A_1065 : i32
          %get3A_1067 = arith.index_cast %add3A_1066 : i32 to index
          %get3A_1068 = arith.constant 0 : index
          %get3A_1069 = tpu.vector_load %arg6[%get3A_1067, %get3A_1068] {strides = array<i32>} : memref<512x64xf32, #tpu.memory_space<vmem>>, vector<1x16xf32>,
          %get3A_1070 = vector.shape_cast %get3A_1069 : vector<1x16xf32> to vector<16xf32>
          %add3A_1071 = arith.addf %add3A_1043, %get3A_1070 : vector<16xf32>
          %add3A_1072 = arith.constant 11 : i32
          %add3A_1073 = arith.addi %mul3A_746, %add3A_1072 : i32
          %get3A_1074 = arith.index_cast %add3A_1073 : i32 to index
          %get3A_1075 = arith.constant 16 : index
          %get3A_1076 = tpu.vector_load %arg6[%get3A_1074, %get3A_1075] {strides = array<i32>} : memref<512x64xf32, #tpu.memory_space<vmem>>, vector<1x16xf32>,
          %get3A_1077 = vector.shape_cast %get3A_1076 : vector<1x16xf32> to vector<16xf32>
          %add3A_1078 = arith.addf %add3A_1050, %get3A_1077 : vector<16xf32>
          %add3A_1079 = arith.constant 11 : i32
          %add3A_1080 = arith.addi %mul3A_746, %add3A_1079 : i32
          %get3A_1081 = arith.index_cast %add3A_1080 : i32 to index
          %get3A_1082 = arith.constant 32 : index
          %get3A_1083 = tpu.vector_load %arg6[%get3A_1081, %get3A_1082] {strides = array<i32>} : memref<512x64xf32, #tpu.memory_space<vmem>>, vector<1x16xf32>,
          %get3A_1084 = vector.shape_cast %get3A_1083 : vector<1x16xf32> to vector<16xf32>
          %add3A_1085 = arith.addf %add3A_1057, %get3A_1084 : vector<16xf32>
          %add3A_1086 = arith.constant 11 : i32
          %add3A_1087 = arith.addi %mul3A_746, %add3A_1086 : i32
          %get3A_1088 = arith.index_cast %add3A_1087 : i32 to index
          %get3A_1089 = arith.constant 48 : index
          %get3A_1090 = tpu.vector_load %arg6[%get3A_1088, %get3A_1089] {strides = array<i32>} : memref<512x64xf32, #tpu.memory_space<vmem>>, vector<1x16xf32>,
          %get3A_1091 = vector.shape_cast %get3A_1090 : vector<1x16xf32> to vector<16xf32>
          %add3A_1092 = arith.addf %add3A_1064, %get3A_1091 : vector<16xf32>
          %add3A_1093 = arith.constant 12 : i32
          %add3A_1094 = arith.addi %mul3A_746, %add3A_1093 : i32
          %get3A_1095 = arith.index_cast %add3A_1094 : i32 to index
          %get3A_1096 = arith.constant 0 : index
          %get3A_1097 = tpu.vector_load %arg6[%get3A_1095, %get3A_1096] {strides = array<i32>} : memref<512x64xf32, #tpu.memory_space<vmem>>, vector<1x16xf32>,
          %get3A_1098 = vector.shape_cast %get3A_1097 : vector<1x16xf32> to vector<16xf32>
          %add3A_1099 = arith.addf %add3A_1071, %get3A_1098 : vector<16xf32>
          %add3A_1100 = arith.constant 12 : i32
          %add3A_1101 = arith.addi %mul3A_746, %add3A_1100 : i32
          %get3A_1102 = arith.index_cast %add3A_1101 : i32 to index
          %get3A_1103 = arith.constant 16 : index
          %get3A_1104 = tpu.vector_load %arg6[%get3A_1102, %get3A_1103] {strides = array<i32>} : memref<512x64xf32, #tpu.memory_space<vmem>>, vector<1x16xf32>,
          %get3A_1105 = vector.shape_cast %get3A_1104 : vector<1x16xf32> to vector<16xf32>
          %add3A_1106 = arith.addf %add3A_1078, %get3A_1105 : vector<16xf32>
          %add3A_1107 = arith.constant 12 : i32
          %add3A_1108 = arith.addi %mul3A_746, %add3A_1107 : i32
          %get3A_1109 = arith.index_cast %add3A_1108 : i32 to index
          %get3A_1110 = arith.constant 32 : index
          %get3A_1111 = tpu.vector_load %arg6[%get3A_1109, %get3A_1110] {strides = array<i32>} : memref<512x64xf32, #tpu.memory_space<vmem>>, vector<1x16xf32>,
          %get3A_1112 = vector.shape_cast %get3A_1111 : vector<1x16xf32> to vector<16xf32>
          %add3A_1113 = arith.addf %add3A_1085, %get3A_1112 : vector<16xf32>
          %add3A_1114 = arith.constant 12 : i32
          %add3A_1115 = arith.addi %mul3A_746, %add3A_1114 : i32
          %get3A_1116 = arith.index_cast %add3A_1115 : i32 to index
          %get3A_1117 = arith.constant 48 : index
          %get3A_1118 = tpu.vector_load %arg6[%get3A_1116, %get3A_1117] {strides = array<i32>} : memref<512x64xf32, #tpu.memory_space<vmem>>, vector<1x16xf32>,
          %get3A_1119 = vector.shape_cast %get3A_1118 : vector<1x16xf32> to vector<16xf32>
          %add3A_1120 = arith.addf %add3A_1092, %get3A_1119 : vector<16xf32>
          %add3A_1121 = arith.constant 13 : i32
          %add3A_1122 = arith.addi %mul3A_746, %add3A_1121 : i32
          %get3A_1123 = arith.index_cast %add3A_1122 : i32 to index
          %get3A_1124 = arith.constant 0 : index
          %get3A_1125 = tpu.vector_load %arg6[%get3A_1123, %get3A_1124] {strides = array<i32>} : memref<512x64xf32, #tpu.memory_space<vmem>>, vector<1x16xf32>,
          %get3A_1126 = vector.shape_cast %get3A_1125 : vector<1x16xf32> to vector<16xf32>
          %add3A_1127 = arith.addf %add3A_1099, %get3A_1126 : vector<16xf32>
          %add3A_1128 = arith.constant 13 : i32
          %add3A_1129 = arith.addi %mul3A_746, %add3A_1128 : i32
          %get3A_1130 = arith.index_cast %add3A_1129 : i32 to index
          %get3A_1131 = arith.constant 16 : index
          %get3A_1132 = tpu.vector_load %arg6[%get3A_1130, %get3A_1131] {strides = array<i32>} : memref<512x64xf32, #tpu.memory_space<vmem>>, vector<1x16xf32>,
          %get3A_1133 = vector.shape_cast %get3A_1132 : vector<1x16xf32> to vector<16xf32>
          %add3A_1134 = arith.addf %add3A_1106, %get3A_1133 : vector<16xf32>
          %add3A_1135 = arith.constant 13 : i32
          %add3A_1136 = arith.addi %mul3A_746, %add3A_1135 : i32
          %get3A_1137 = arith.index_cast %add3A_1136 : i32 to index
          %get3A_1138 = arith.constant 32 : index
          %get3A_1139 = tpu.vector_load %arg6[%get3A_1137, %get3A_1138] {strides = array<i32>} : memref<512x64xf32, #tpu.memory_space<vmem>>, vector<1x16xf32>,
          %get3A_1140 = vector.shape_cast %get3A_1139 : vector<1x16xf32> to vector<16xf32>
          %add3A_1141 = arith.addf %add3A_1113, %get3A_1140 : vector<16xf32>
          %add3A_1142 = arith.constant 13 : i32
          %add3A_1143 = arith.addi %mul3A_746, %add3A_1142 : i32
          %get3A_1144 = arith.index_cast %add3A_1143 : i32 to index
          %get3A_1145 = arith.constant 48 : index
          %get3A_1146 = tpu.vector_load %arg6[%get3A_1144, %get3A_1145] {strides = array<i32>} : memref<512x64xf32, #tpu.memory_space<vmem>>, vector<1x16xf32>,
          %get3A_1147 = vector.shape_cast %get3A_1146 : vector<1x16xf32> to vector<16xf32>
          %add3A_1148 = arith.addf %add3A_1120, %get3A_1147 : vector<16xf32>
          %add3A_1149 = arith.constant 14 : i32
          %add3A_1150 = arith.addi %mul3A_746, %add3A_1149 : i32
          %get3A_1151 = arith.index_cast %add3A_1150 : i32 to index
          %get3A_1152 = arith.constant 0 : index
          %get3A_1153 = tpu.vector_load %arg6[%get3A_1151, %get3A_1152] {strides = array<i32>} : memref<512x64xf32, #tpu.memory_space<vmem>>, vector<1x16xf32>,
          %get3A_1154 = vector.shape_cast %get3A_1153 : vector<1x16xf32> to vector<16xf32>
          %add3A_1155 = arith.addf %add3A_1127, %get3A_1154 : vector<16xf32>
          %add3A_1156 = arith.constant 14 : i32
          %add3A_1157 = arith.addi %mul3A_746, %add3A_1156 : i32
          %get3A_1158 = arith.index_cast %add3A_1157 : i32 to index
          %get3A_1159 = arith.constant 16 : index
          %get3A_1160 = tpu.vector_load %arg6[%get3A_1158, %get3A_1159] {strides = array<i32>} : memref<512x64xf32, #tpu.memory_space<vmem>>, vector<1x16xf32>,
          %get3A_1161 = vector.shape_cast %get3A_1160 : vector<1x16xf32> to vector<16xf32>
          %add3A_1162 = arith.addf %add3A_1134, %get3A_1161 : vector<16xf32>
          %add3A_1163 = arith.constant 14 : i32
          %add3A_1164 = arith.addi %mul3A_746, %add3A_1163 : i32
          %get3A_1165 = arith.index_cast %add3A_1164 : i32 to index
          %get3A_1166 = arith.constant 32 : index
          %get3A_1167 = tpu.vector_load %arg6[%get3A_1165, %get3A_1166] {strides = array<i32>} : memref<512x64xf32, #tpu.memory_space<vmem>>, vector<1x16xf32>,
          %get3A_1168 = vector.shape_cast %get3A_1167 : vector<1x16xf32> to vector<16xf32>
          %add3A_1169 = arith.addf %add3A_1141, %get3A_1168 : vector<16xf32>
          %add3A_1170 = arith.constant 14 : i32
          %add3A_1171 = arith.addi %mul3A_746, %add3A_1170 : i32
          %get3A_1172 = arith.index_cast %add3A_1171 : i32 to index
          %get3A_1173 = arith.constant 48 : index
          %get3A_1174 = tpu.vector_load %arg6[%get3A_1172, %get3A_1173] {strides = array<i32>} : memref<512x64xf32, #tpu.memory_space<vmem>>, vector<1x16xf32>,
          %get3A_1175 = vector.shape_cast %get3A_1174 : vector<1x16xf32> to vector<16xf32>
          %add3A_1176 = arith.addf %add3A_1148, %get3A_1175 : vector<16xf32>
          %add3A_1177 = arith.constant 15 : i32
          %add3A_1178 = arith.addi %mul3A_746, %add3A_1177 : i32
          %get3A_1179 = arith.index_cast %add3A_1178 : i32 to index
          %get3A_1180 = arith.constant 0 : index
          %get3A_1181 = tpu.vector_load %arg6[%get3A_1179, %get3A_1180] {strides = array<i32>} : memref<512x64xf32, #tpu.memory_space<vmem>>, vector<1x16xf32>,
          %get3A_1182 = vector.shape_cast %get3A_1181 : vector<1x16xf32> to vector<16xf32>
          %add3A_1183 = arith.addf %add3A_1155, %get3A_1182 : vector<16xf32>
          %add3A_1184 = arith.constant 15 : i32
          %add3A_1185 = arith.addi %mul3A_746, %add3A_1184 : i32
          %get3A_1186 = arith.index_cast %add3A_1185 : i32 to index
          %get3A_1187 = arith.constant 16 : index
          %get3A_1188 = tpu.vector_load %arg6[%get3A_1186, %get3A_1187] {strides = array<i32>} : memref<512x64xf32, #tpu.memory_space<vmem>>, vector<1x16xf32>,
          %get3A_1189 = vector.shape_cast %get3A_1188 : vector<1x16xf32> to vector<16xf32>
          %add3A_1190 = arith.addf %add3A_1162, %get3A_1189 : vector<16xf32>
          %add3A_1191 = arith.constant 15 : i32
          %add3A_1192 = arith.addi %mul3A_746, %add3A_1191 : i32
          %get3A_1193 = arith.index_cast %add3A_1192 : i32 to index
          %get3A_1194 = arith.constant 32 : index
          %get3A_1195 = tpu.vector_load %arg6[%get3A_1193, %get3A_1194] {strides = array<i32>} : memref<512x64xf32, #tpu.memory_space<vmem>>, vector<1x16xf32>,
          %get3A_1196 = vector.shape_cast %get3A_1195 : vector<1x16xf32> to vector<16xf32>
          %add3A_1197 = arith.addf %add3A_1169, %get3A_1196 : vector<16xf32>
          %add3A_1198 = arith.constant 15 : i32
          %add3A_1199 = arith.addi %mul3A_746, %add3A_1198 : i32
          %get3A_1200 = arith.index_cast %add3A_1199 : i32 to index
          %get3A_1201 = arith.constant 48 : index
          %get3A_1202 = tpu.vector_load %arg6[%get3A_1200, %get3A_1201] {strides = array<i32>} : memref<512x64xf32, #tpu.memory_space<vmem>>, vector<1x16xf32>,
          %get3A_1203 = vector.shape_cast %get3A_1202 : vector<1x16xf32> to vector<16xf32>
          %add3A_1204 = arith.addf %add3A_1176, %get3A_1203 : vector<16xf32>
          %swap3A_1205 = arith.index_cast %squeeze3A : i32 to index
          %swap3A_1206 = arith.constant 0 : index
          %swap3A_1207 = tpu.vector_load %arg8[%swap3A_1205, %swap3A_1206] {strides = array<i32>} : memref<256x80xf32, #tpu.memory_space<vmem>>, vector<1x16xf32>,
          %swap3A_1208 = vector.shape_cast %swap3A_1207 : vector<1x16xf32> to vector<16xf32>
          %swap3A_1209 = vector.shape_cast %add3A_1183 : vector<16xf32> to vector<1x16xf32>
          tpu.vector_store %arg8[%swap3A_1205, %swap3A_1206], %swap3A_1209 {add = true, strides = array<i32>} : memref<256x80xf32, #tpu.memory_space<vmem>>, vector<1x16xf32>,
          %swap3A_1210 = arith.index_cast %squeeze3A : i32 to index
          %swap3A_1211 = arith.constant 16 : index
          %swap3A_1212 = tpu.vector_load %arg8[%swap3A_1210, %swap3A_1211] {strides = array<i32>} : memref<256x80xf32, #tpu.memory_space<vmem>>, vector<1x16xf32>,
          %swap3A_1213 = vector.shape_cast %swap3A_1212 : vector<1x16xf32> to vector<16xf32>
          %swap3A_1214 = vector.shape_cast %add3A_1190 : vector<16xf32> to vector<1x16xf32>
          tpu.vector_store %arg8[%swap3A_1210, %swap3A_1211], %swap3A_1214 {add = true, strides = array<i32>} : memref<256x80xf32, #tpu.memory_space<vmem>>, vector<1x16xf32>,
          %swap3A_1215 = arith.index_cast %squeeze3A : i32 to index
          %swap3A_1216 = arith.constant 32 : index
          %swap3A_1217 = tpu.vector_load %arg8[%swap3A_1215, %swap3A_1216] {strides = array<i32>} : memref<256x80xf32, #tpu.memory_space<vmem>>, vector<1x16xf32>,
          %swap3A_1218 = vector.shape_cast %swap3A_1217 : vector<1x16xf32> to vector<16xf32>
          %swap3A_1219 = vector.shape_cast %add3A_1197 : vector<16xf32> to vector<1x16xf32>
          tpu.vector_store %arg8[%swap3A_1215, %swap3A_1216], %swap3A_1219 {add = true, strides = array<i32>} : memref<256x80xf32, #tpu.memory_space<vmem>>, vector<1x16xf32>,
          %swap3A_1220 = arith.index_cast %squeeze3A : i32 to index
          %swap3A_1221 = arith.constant 48 : index
          %swap3A_1222 = tpu.vector_load %arg8[%swap3A_1220, %swap3A_1221] {strides = array<i32>} : memref<256x80xf32, #tpu.memory_space<vmem>>, vector<1x16xf32>,
          %swap3A_1223 = vector.shape_cast %swap3A_1222 : vector<1x16xf32> to vector<16xf32>
          %swap3A_1224 = vector.shape_cast %add3A_1204 : vector<16xf32> to vector<1x16xf32>
          tpu.vector_store %arg8[%swap3A_1220, %swap3A_1221], %swap3A_1224 {add = true, strides = array<i32>} : memref<256x80xf32, #tpu.memory_space<vmem>>, vector<1x16xf32>,
          %swap3A_1225 = arith.index_cast %squeeze3A : i32 to index
          %swap3A_1226 = arith.constant 64 : index
          %swap3A_1227 = tpu.vector_load %arg8[%swap3A_1225, %swap3A_1226] {strides = array<i32>} : memref<256x80xf32, #tpu.memory_space<vmem>>, vector<1x16xf32>,
          %swap3A_1228 = vector.shape_cast %swap3A_1227 : vector<1x16xf32> to vector<16xf32>
          %swap3A_1229 = vector.shape_cast %broadcast_in_dim3A_5 : vector<16xf32> to vector<1x16xf32>
          tpu.vector_store %arg8[%swap3A_1225, %swap3A_1226], %swap3A_1229 {add = true, strides = array<i32>} : memref<256x80xf32, #tpu.memory_space<vmem>>, vector<1x16xf32>,
          %cond3A_1230 = arith.constant 0 : i32
          scf.yield %cond3A_1230 : i32
        } else {
          %add3A_757 = arith.constant 0 : i32
          %add3A_758 = arith.addi %mul3A_746, %add3A_757 : i32
          %ge3A_759 = arith.cmpi sge, %add3A_758, %sub3A_698 : i32
          %convert_element_type3A_760 = arith.extui %ge3A_759 : i1 to i32
          %cond3A_761 = arith.constant 0 : i32
          %cond3A_762 = arith.constant 0 : i32
          %cond3A_763 = arith.cmpi ne, %convert_element_type3A_760, %cond3A_762 : i32
          %cond3A_764 = scf.if %cond3A_763 -> (i32) {
            %slice3A_886 = vector.extract_strided_slice %get3A_748 {offsets = [0], sizes = [1], strides = [1]} : vector<16xi32> to vector<1xi32>
            %squeeze3A_887 = vector.extract %slice3A_886[0] : i32 from vector<1xi32>
            %add3A_888 = arith.constant 0 : i32
            %add3A_889 = arith.addi %mul3A_746, %add3A_888 : i32
            %get3A_890 = arith.index_cast %add3A_889 : i32 to index
            %get3A_891 = arith.constant 0 : index
            %get3A_892 = tpu.vector_load %arg6[%get3A_890, %get3A_891] {strides = array<i32>} : memref<512x64xf32, #tpu.memory_space<vmem>>, vector<1x16xf32>,
            %get3A_893 = vector.shape_cast %get3A_892 : vector<1x16xf32> to vector<16xf32>
            %swap3A_894 = arith.index_cast %squeeze3A_887 : i32 to index
            %swap3A_895 = arith.constant 0 : index
            %swap3A_896 = tpu.vector_load %arg8[%swap3A_894, %swap3A_895] {strides = array<i32>} : memref<256x80xf32, #tpu.memory_space<vmem>>, vector<1x16xf32>,
            %swap3A_897 = vector.shape_cast %swap3A_896 : vector<1x16xf32> to vector<16xf32>
            %swap3A_898 = vector.shape_cast %get3A_893 : vector<16xf32> to vector<1x16xf32>
            tpu.vector_store %arg8[%swap3A_894, %swap3A_895], %swap3A_898 {add = true, strides = array<i32>} : memref<256x80xf32, #tpu.memory_space<vmem>>, vector<1x16xf32>,
            %add3A_899 = arith.constant 0 : i32
            %add3A_900 = arith.addi %mul3A_746, %add3A_899 : i32
            %get3A_901 = arith.index_cast %add3A_900 : i32 to index
            %get3A_902 = arith.constant 16 : index
            %get3A_903 = tpu.vector_load %arg6[%get3A_901, %get3A_902] {strides = array<i32>} : memref<512x64xf32, #tpu.memory_space<vmem>>, vector<1x16xf32>,
            %get3A_904 = vector.shape_cast %get3A_903 : vector<1x16xf32> to vector<16xf32>
            %swap3A_905 = arith.index_cast %squeeze3A_887 : i32 to index
            %swap3A_906 = arith.constant 16 : index
            %swap3A_907 = tpu.vector_load %arg8[%swap3A_905, %swap3A_906] {strides = array<i32>} : memref<256x80xf32, #tpu.memory_space<vmem>>, vector<1x16xf32>,
            %swap3A_908 = vector.shape_cast %swap3A_907 : vector<1x16xf32> to vector<16xf32>
            %swap3A_909 = vector.shape_cast %get3A_904 : vector<16xf32> to vector<1x16xf32>
            tpu.vector_store %arg8[%swap3A_905, %swap3A_906], %swap3A_909 {add = true, strides = array<i32>} : memref<256x80xf32, #tpu.memory_space<vmem>>, vector<1x16xf32>,
            %add3A_910 = arith.constant 0 : i32
            %add3A_911 = arith.addi %mul3A_746, %add3A_910 : i32
            %get3A_912 = arith.index_cast %add3A_911 : i32 to index
            %get3A_913 = arith.constant 32 : index
            %get3A_914 = tpu.vector_load %arg6[%get3A_912, %get3A_913] {strides = array<i32>} : memref<512x64xf32, #tpu.memory_space<vmem>>, vector<1x16xf32>,
            %get3A_915 = vector.shape_cast %get3A_914 : vector<1x16xf32> to vector<16xf32>
            %swap3A_916 = arith.index_cast %squeeze3A_887 : i32 to index
            %swap3A_917 = arith.constant 32 : index
            %swap3A_918 = tpu.vector_load %arg8[%swap3A_916, %swap3A_917] {strides = array<i32>} : memref<256x80xf32, #tpu.memory_space<vmem>>, vector<1x16xf32>,
            %swap3A_919 = vector.shape_cast %swap3A_918 : vector<1x16xf32> to vector<16xf32>
            %swap3A_920 = vector.shape_cast %get3A_915 : vector<16xf32> to vector<1x16xf32>
            tpu.vector_store %arg8[%swap3A_916, %swap3A_917], %swap3A_920 {add = true, strides = array<i32>} : memref<256x80xf32, #tpu.memory_space<vmem>>, vector<1x16xf32>,
            %add3A_921 = arith.constant 0 : i32
            %add3A_922 = arith.addi %mul3A_746, %add3A_921 : i32
            %get3A_923 = arith.index_cast %add3A_922 : i32 to index
            %get3A_924 = arith.constant 48 : index
            %get3A_925 = tpu.vector_load %arg6[%get3A_923, %get3A_924] {strides = array<i32>} : memref<512x64xf32, #tpu.memory_space<vmem>>, vector<1x16xf32>,
            %get3A_926 = vector.shape_cast %get3A_925 : vector<1x16xf32> to vector<16xf32>
            %swap3A_927 = arith.index_cast %squeeze3A_887 : i32 to index
            %swap3A_928 = arith.constant 48 : index
            %swap3A_929 = tpu.vector_load %arg8[%swap3A_927, %swap3A_928] {strides = array<i32>} : memref<256x80xf32, #tpu.memory_space<vmem>>, vector<1x16xf32>,
            %swap3A_930 = vector.shape_cast %swap3A_929 : vector<1x16xf32> to vector<16xf32>
            %swap3A_931 = vector.shape_cast %get3A_926 : vector<16xf32> to vector<1x16xf32>
            tpu.vector_store %arg8[%swap3A_927, %swap3A_928], %swap3A_931 {add = true, strides = array<i32>} : memref<256x80xf32, #tpu.memory_space<vmem>>, vector<1x16xf32>,
            %swap3A_932 = arith.index_cast %squeeze3A_887 : i32 to index
            %swap3A_933 = arith.constant 64 : index
            %swap3A_934 = tpu.vector_load %arg8[%swap3A_932, %swap3A_933] {strides = array<i32>} : memref<256x80xf32, #tpu.memory_space<vmem>>, vector<1x16xf32>,
            %swap3A_935 = vector.shape_cast %swap3A_934 : vector<1x16xf32> to vector<16xf32>
            %swap3A_936 = vector.shape_cast %broadcast_in_dim3A_1 : vector<16xf32> to vector<1x16xf32>
            tpu.vector_store %arg8[%swap3A_932, %swap3A_933], %swap3A_936 {add = true, strides = array<i32>} : memref<256x80xf32, #tpu.memory_space<vmem>>, vector<1x16xf32>,
            %cond3A_937 = arith.constant 0 : i32
            scf.yield %cond3A_937 : i32
          } else {
            %cond3A_886 = arith.constant 0 : i32
            scf.yield %cond3A_886 : i32
          }
          %add3A_765 = arith.constant 1 : i32
          %add3A_766 = arith.addi %mul3A_746, %add3A_765 : i32
          %ge3A_767 = arith.cmpi sge, %add3A_766, %sub3A_698 : i32
          %convert_element_type3A_768 = arith.extui %ge3A_767 : i1 to i32
          %cond3A_769 = arith.constant 0 : i32
          %cond3A_770 = arith.constant 0 : i32
          %cond3A_771 = arith.cmpi ne, %convert_element_type3A_768, %cond3A_770 : i32
          %cond3A_772 = scf.if %cond3A_771 -> (i32) {
            %slice3A_886 = vector.extract_strided_slice %get3A_748 {offsets = [1], sizes = [1], strides = [1]} : vector<16xi32> to vector<1xi32>
            %squeeze3A_887 = vector.extract %slice3A_886[0] : i32 from vector<1xi32>
            %add3A_888 = arith.constant 1 : i32
            %add3A_889 = arith.addi %mul3A_746, %add3A_888 : i32
            %get3A_890 = arith.index_cast %add3A_889 : i32 to index
            %get3A_891 = arith.constant 0 : index
            %get3A_892 = tpu.vector_load %arg6[%get3A_890, %get3A_891] {strides = array<i32>} : memref<512x64xf32, #tpu.memory_space<vmem>>, vector<1x16xf32>,
            %get3A_893 = vector.shape_cast %get3A_892 : vector<1x16xf32> to vector<16xf32>
            %swap3A_894 = arith.index_cast %squeeze3A_887 : i32 to index
            %swap3A_895 = arith.constant 0 : index
            %swap3A_896 = tpu.vector_load %arg8[%swap3A_894, %swap3A_895] {strides = array<i32>} : memref<256x80xf32, #tpu.memory_space<vmem>>, vector<1x16xf32>,
            %swap3A_897 = vector.shape_cast %swap3A_896 : vector<1x16xf32> to vector<16xf32>
            %swap3A_898 = vector.shape_cast %get3A_893 : vector<16xf32> to vector<1x16xf32>
            tpu.vector_store %arg8[%swap3A_894, %swap3A_895], %swap3A_898 {add = true, strides = array<i32>} : memref<256x80xf32, #tpu.memory_space<vmem>>, vector<1x16xf32>,
            %add3A_899 = arith.constant 1 : i32
            %add3A_900 = arith.addi %mul3A_746, %add3A_899 : i32
            %get3A_901 = arith.index_cast %add3A_900 : i32 to index
            %get3A_902 = arith.constant 16 : index
            %get3A_903 = tpu.vector_load %arg6[%get3A_901, %get3A_902] {strides = array<i32>} : memref<512x64xf32, #tpu.memory_space<vmem>>, vector<1x16xf32>,
            %get3A_904 = vector.shape_cast %get3A_903 : vector<1x16xf32> to vector<16xf32>
            %swap3A_905 = arith.index_cast %squeeze3A_887 : i32 to index
            %swap3A_906 = arith.constant 16 : index
            %swap3A_907 = tpu.vector_load %arg8[%swap3A_905, %swap3A_906] {strides = array<i32>} : memref<256x80xf32, #tpu.memory_space<vmem>>, vector<1x16xf32>,
            %swap3A_908 = vector.shape_cast %swap3A_907 : vector<1x16xf32> to vector<16xf32>
            %swap3A_909 = vector.shape_cast %get3A_904 : vector<16xf32> to vector<1x16xf32>
            tpu.vector_store %arg8[%swap3A_905, %swap3A_906], %swap3A_909 {add = true, strides = array<i32>} : memref<256x80xf32, #tpu.memory_space<vmem>>, vector<1x16xf32>,
            %add3A_910 = arith.constant 1 : i32
            %add3A_911 = arith.addi %mul3A_746, %add3A_910 : i32
            %get3A_912 = arith.index_cast %add3A_911 : i32 to index
            %get3A_913 = arith.constant 32 : index
            %get3A_914 = tpu.vector_load %arg6[%get3A_912, %get3A_913] {strides = array<i32>} : memref<512x64xf32, #tpu.memory_space<vmem>>, vector<1x16xf32>,
            %get3A_915 = vector.shape_cast %get3A_914 : vector<1x16xf32> to vector<16xf32>
            %swap3A_916 = arith.index_cast %squeeze3A_887 : i32 to index
            %swap3A_917 = arith.constant 32 : index
            %swap3A_918 = tpu.vector_load %arg8[%swap3A_916, %swap3A_917] {strides = array<i32>} : memref<256x80xf32, #tpu.memory_space<vmem>>, vector<1x16xf32>,
            %swap3A_919 = vector.shape_cast %swap3A_918 : vector<1x16xf32> to vector<16xf32>
            %swap3A_920 = vector.shape_cast %get3A_915 : vector<16xf32> to vector<1x16xf32>
            tpu.vector_store %arg8[%swap3A_916, %swap3A_917], %swap3A_920 {add = true, strides = array<i32>} : memref<256x80xf32, #tpu.memory_space<vmem>>, vector<1x16xf32>,
            %add3A_921 = arith.constant 1 : i32
            %add3A_922 = arith.addi %mul3A_746, %add3A_921 : i32
            %get3A_923 = arith.index_cast %add3A_922 : i32 to index
            %get3A_924 = arith.constant 48 : index
            %get3A_925 = tpu.vector_load %arg6[%get3A_923, %get3A_924] {strides = array<i32>} : memref<512x64xf32, #tpu.memory_space<vmem>>, vector<1x16xf32>,
            %get3A_926 = vector.shape_cast %get3A_925 : vector<1x16xf32> to vector<16xf32>
            %swap3A_927 = arith.index_cast %squeeze3A_887 : i32 to index
            %swap3A_928 = arith.constant 48 : index
            %swap3A_929 = tpu.vector_load %arg8[%swap3A_927, %swap3A_928] {strides = array<i32>} : memref<256x80xf32, #tpu.memory_space<vmem>>, vector<1x16xf32>,
            %swap3A_930 = vector.shape_cast %swap3A_929 : vector<1x16xf32> to vector<16xf32>
            %swap3A_931 = vector.shape_cast %get3A_926 : vector<16xf32> to vector<1x16xf32>
            tpu.vector_store %arg8[%swap3A_927, %swap3A_928], %swap3A_931 {add = true, strides = array<i32>} : memref<256x80xf32, #tpu.memory_space<vmem>>, vector<1x16xf32>,
            %swap3A_932 = arith.index_cast %squeeze3A_887 : i32 to index
            %swap3A_933 = arith.constant 64 : index
            %swap3A_934 = tpu.vector_load %arg8[%swap3A_932, %swap3A_933] {strides = array<i32>} : memref<256x80xf32, #tpu.memory_space<vmem>>, vector<1x16xf32>,
            %swap3A_935 = vector.shape_cast %swap3A_934 : vector<1x16xf32> to vector<16xf32>
            %swap3A_936 = vector.shape_cast %broadcast_in_dim3A_1 : vector<16xf32> to vector<1x16xf32>
            tpu.vector_store %arg8[%swap3A_932, %swap3A_933], %swap3A_936 {add = true, strides = array<i32>} : memref<256x80xf32, #tpu.memory_space<vmem>>, vector<1x16xf32>,
            %cond3A_937 = arith.constant 0 : i32
            scf.yield %cond3A_937 : i32
          } else {
            %cond3A_886 = arith.constant 0 : i32
            scf.yield %cond3A_886 : i32
          }
          %add3A_773 = arith.constant 2 : i32
          %add3A_774 = arith.addi %mul3A_746, %add3A_773 : i32
          %ge3A_775 = arith.cmpi sge, %add3A_774, %sub3A_698 : i32
          %convert_element_type3A_776 = arith.extui %ge3A_775 : i1 to i32
          %cond3A_777 = arith.constant 0 : i32
          %cond3A_778 = arith.constant 0 : i32
          %cond3A_779 = arith.cmpi ne, %convert_element_type3A_776, %cond3A_778 : i32
          %cond3A_780 = scf.if %cond3A_779 -> (i32) {
            %slice3A_886 = vector.extract_strided_slice %get3A_748 {offsets = [2], sizes = [1], strides = [1]} : vector<16xi32> to vector<1xi32>
            %squeeze3A_887 = vector.extract %slice3A_886[0] : i32 from vector<1xi32>
            %add3A_888 = arith.constant 2 : i32
            %add3A_889 = arith.addi %mul3A_746, %add3A_888 : i32
            %get3A_890 = arith.index_cast %add3A_889 : i32 to index
            %get3A_891 = arith.constant 0 : index
            %get3A_892 = tpu.vector_load %arg6[%get3A_890, %get3A_891] {strides = array<i32>} : memref<512x64xf32, #tpu.memory_space<vmem>>, vector<1x16xf32>,
            %get3A_893 = vector.shape_cast %get3A_892 : vector<1x16xf32> to vector<16xf32>
            %swap3A_894 = arith.index_cast %squeeze3A_887 : i32 to index
            %swap3A_895 = arith.constant 0 : index
            %swap3A_896 = tpu.vector_load %arg8[%swap3A_894, %swap3A_895] {strides = array<i32>} : memref<256x80xf32, #tpu.memory_space<vmem>>, vector<1x16xf32>,
            %swap3A_897 = vector.shape_cast %swap3A_896 : vector<1x16xf32> to vector<16xf32>
            %swap3A_898 = vector.shape_cast %get3A_893 : vector<16xf32> to vector<1x16xf32>
            tpu.vector_store %arg8[%swap3A_894, %swap3A_895], %swap3A_898 {add = true, strides = array<i32>} : memref<256x80xf32, #tpu.memory_space<vmem>>, vector<1x16xf32>,
            %add3A_899 = arith.constant 2 : i32
            %add3A_900 = arith.addi %mul3A_746, %add3A_899 : i32
            %get3A_901 = arith.index_cast %add3A_900 : i32 to index
            %get3A_902 = arith.constant 16 : index
            %get3A_903 = tpu.vector_load %arg6[%get3A_901, %get3A_902] {strides = array<i32>} : memref<512x64xf32, #tpu.memory_space<vmem>>, vector<1x16xf32>,
            %get3A_904 = vector.shape_cast %get3A_903 : vector<1x16xf32> to vector<16xf32>
            %swap3A_905 = arith.index_cast %squeeze3A_887 : i32 to index
            %swap3A_906 = arith.constant 16 : index
            %swap3A_907 = tpu.vector_load %arg8[%swap3A_905, %swap3A_906] {strides = array<i32>} : memref<256x80xf32, #tpu.memory_space<vmem>>, vector<1x16xf32>,
            %swap3A_908 = vector.shape_cast %swap3A_907 : vector<1x16xf32> to vector<16xf32>
            %swap3A_909 = vector.shape_cast %get3A_904 : vector<16xf32> to vector<1x16xf32>
            tpu.vector_store %arg8[%swap3A_905, %swap3A_906], %swap3A_909 {add = true, strides = array<i32>} : memref<256x80xf32, #tpu.memory_space<vmem>>, vector<1x16xf32>,
            %add3A_910 = arith.constant 2 : i32
            %add3A_911 = arith.addi %mul3A_746, %add3A_910 : i32
            %get3A_912 = arith.index_cast %add3A_911 : i32 to index
            %get3A_913 = arith.constant 32 : index
            %get3A_914 = tpu.vector_load %arg6[%get3A_912, %get3A_913] {strides = array<i32>} : memref<512x64xf32, #tpu.memory_space<vmem>>, vector<1x16xf32>,
            %get3A_915 = vector.shape_cast %get3A_914 : vector<1x16xf32> to vector<16xf32>
            %swap3A_916 = arith.index_cast %squeeze3A_887 : i32 to index
            %swap3A_917 = arith.constant 32 : index
            %swap3A_918 = tpu.vector_load %arg8[%swap3A_916, %swap3A_917] {strides = array<i32>} : memref<256x80xf32, #tpu.memory_space<vmem>>, vector<1x16xf32>,
            %swap3A_919 = vector.shape_cast %swap3A_918 : vector<1x16xf32> to vector<16xf32>
            %swap3A_920 = vector.shape_cast %get3A_915 : vector<16xf32> to vector<1x16xf32>
            tpu.vector_store %arg8[%swap3A_916, %swap3A_917], %swap3A_920 {add = true, strides = array<i32>} : memref<256x80xf32, #tpu.memory_space<vmem>>, vector<1x16xf32>,
            %add3A_921 = arith.constant 2 : i32
            %add3A_922 = arith.addi %mul3A_746, %add3A_921 : i32
            %get3A_923 = arith.index_cast %add3A_922 : i32 to index
            %get3A_924 = arith.constant 48 : index
            %get3A_925 = tpu.vector_load %arg6[%get3A_923, %get3A_924] {strides = array<i32>} : memref<512x64xf32, #tpu.memory_space<vmem>>, vector<1x16xf32>,
            %get3A_926 = vector.shape_cast %get3A_925 : vector<1x16xf32> to vector<16xf32>
            %swap3A_927 = arith.index_cast %squeeze3A_887 : i32 to index
            %swap3A_928 = arith.constant 48 : index
            %swap3A_929 = tpu.vector_load %arg8[%swap3A_927, %swap3A_928] {strides = array<i32>} : memref<256x80xf32, #tpu.memory_space<vmem>>, vector<1x16xf32>,
            %swap3A_930 = vector.shape_cast %swap3A_929 : vector<1x16xf32> to vector<16xf32>
            %swap3A_931 = vector.shape_cast %get3A_926 : vector<16xf32> to vector<1x16xf32>
            tpu.vector_store %arg8[%swap3A_927, %swap3A_928], %swap3A_931 {add = true, strides = array<i32>} : memref<256x80xf32, #tpu.memory_space<vmem>>, vector<1x16xf32>,
            %swap3A_932 = arith.index_cast %squeeze3A_887 : i32 to index
            %swap3A_933 = arith.constant 64 : index
            %swap3A_934 = tpu.vector_load %arg8[%swap3A_932, %swap3A_933] {strides = array<i32>} : memref<256x80xf32, #tpu.memory_space<vmem>>, vector<1x16xf32>,
            %swap3A_935 = vector.shape_cast %swap3A_934 : vector<1x16xf32> to vector<16xf32>
            %swap3A_936 = vector.shape_cast %broadcast_in_dim3A_1 : vector<16xf32> to vector<1x16xf32>
            tpu.vector_store %arg8[%swap3A_932, %swap3A_933], %swap3A_936 {add = true, strides = array<i32>} : memref<256x80xf32, #tpu.memory_space<vmem>>, vector<1x16xf32>,
            %cond3A_937 = arith.constant 0 : i32
            scf.yield %cond3A_937 : i32
          } else {
            %cond3A_886 = arith.constant 0 : i32
            scf.yield %cond3A_886 : i32
          }
          %add3A_781 = arith.constant 3 : i32
          %add3A_782 = arith.addi %mul3A_746, %add3A_781 : i32
          %ge3A_783 = arith.cmpi sge, %add3A_782, %sub3A_698 : i32
          %convert_element_type3A_784 = arith.extui %ge3A_783 : i1 to i32
          %cond3A_785 = arith.constant 0 : i32
          %cond3A_786 = arith.constant 0 : i32
          %cond3A_787 = arith.cmpi ne, %convert_element_type3A_784, %cond3A_786 : i32
          %cond3A_788 = scf.if %cond3A_787 -> (i32) {
            %slice3A_886 = vector.extract_strided_slice %get3A_748 {offsets = [3], sizes = [1], strides = [1]} : vector<16xi32> to vector<1xi32>
            %squeeze3A_887 = vector.extract %slice3A_886[0] : i32 from vector<1xi32>
            %add3A_888 = arith.constant 3 : i32
            %add3A_889 = arith.addi %mul3A_746, %add3A_888 : i32
            %get3A_890 = arith.index_cast %add3A_889 : i32 to index
            %get3A_891 = arith.constant 0 : index
            %get3A_892 = tpu.vector_load %arg6[%get3A_890, %get3A_891] {strides = array<i32>} : memref<512x64xf32, #tpu.memory_space<vmem>>, vector<1x16xf32>,
            %get3A_893 = vector.shape_cast %get3A_892 : vector<1x16xf32> to vector<16xf32>
            %swap3A_894 = arith.index_cast %squeeze3A_887 : i32 to index
            %swap3A_895 = arith.constant 0 : index
            %swap3A_896 = tpu.vector_load %arg8[%swap3A_894, %swap3A_895] {strides = array<i32>} : memref<256x80xf32, #tpu.memory_space<vmem>>, vector<1x16xf32>,
            %swap3A_897 = vector.shape_cast %swap3A_896 : vector<1x16xf32> to vector<16xf32>
            %swap3A_898 = vector.shape_cast %get3A_893 : vector<16xf32> to vector<1x16xf32>
            tpu.vector_store %arg8[%swap3A_894, %swap3A_895], %swap3A_898 {add = true, strides = array<i32>} : memref<256x80xf32, #tpu.memory_space<vmem>>, vector<1x16xf32>,
            %add3A_899 = arith.constant 3 : i32
            %add3A_900 = arith.addi %mul3A_746, %add3A_899 : i32
            %get3A_901 = arith.index_cast %add3A_900 : i32 to index
            %get3A_902 = arith.constant 16 : index
            %get3A_903 = tpu.vector_load %arg6[%get3A_901, %get3A_902] {strides = array<i32>} : memref<512x64xf32, #tpu.memory_space<vmem>>, vector<1x16xf32>,
            %get3A_904 = vector.shape_cast %get3A_903 : vector<1x16xf32> to vector<16xf32>
            %swap3A_905 = arith.index_cast %squeeze3A_887 : i32 to index
            %swap3A_906 = arith.constant 16 : index
            %swap3A_907 = tpu.vector_load %arg8[%swap3A_905, %swap3A_906] {strides = array<i32>} : memref<256x80xf32, #tpu.memory_space<vmem>>, vector<1x16xf32>,
            %swap3A_908 = vector.shape_cast %swap3A_907 : vector<1x16xf32> to vector<16xf32>
            %swap3A_909 = vector.shape_cast %get3A_904 : vector<16xf32> to vector<1x16xf32>
            tpu.vector_store %arg8[%swap3A_905, %swap3A_906], %swap3A_909 {add = true, strides = array<i32>} : memref<256x80xf32, #tpu.memory_space<vmem>>, vector<1x16xf32>,
            %add3A_910 = arith.constant 3 : i32
            %add3A_911 = arith.addi %mul3A_746, %add3A_910 : i32
            %get3A_912 = arith.index_cast %add3A_911 : i32 to index
            %get3A_913 = arith.constant 32 : index
            %get3A_914 = tpu.vector_load %arg6[%get3A_912, %get3A_913] {strides = array<i32>} : memref<512x64xf32, #tpu.memory_space<vmem>>, vector<1x16xf32>,
            %get3A_915 = vector.shape_cast %get3A_914 : vector<1x16xf32> to vector<16xf32>
            %swap3A_916 = arith.index_cast %squeeze3A_887 : i32 to index
            %swap3A_917 = arith.constant 32 : index
            %swap3A_918 = tpu.vector_load %arg8[%swap3A_916, %swap3A_917] {strides = array<i32>} : memref<256x80xf32, #tpu.memory_space<vmem>>, vector<1x16xf32>,
            %swap3A_919 = vector.shape_cast %swap3A_918 : vector<1x16xf32> to vector<16xf32>
            %swap3A_920 = vector.shape_cast %get3A_915 : vector<16xf32> to vector<1x16xf32>
            tpu.vector_store %arg8[%swap3A_916, %swap3A_917], %swap3A_920 {add = true, strides = array<i32>} : memref<256x80xf32, #tpu.memory_space<vmem>>, vector<1x16xf32>,
            %add3A_921 = arith.constant 3 : i32
            %add3A_922 = arith.addi %mul3A_746, %add3A_921 : i32
            %get3A_923 = arith.index_cast %add3A_922 : i32 to index
            %get3A_924 = arith.constant 48 : index
            %get3A_925 = tpu.vector_load %arg6[%get3A_923, %get3A_924] {strides = array<i32>} : memref<512x64xf32, #tpu.memory_space<vmem>>, vector<1x16xf32>,
            %get3A_926 = vector.shape_cast %get3A_925 : vector<1x16xf32> to vector<16xf32>
            %swap3A_927 = arith.index_cast %squeeze3A_887 : i32 to index
            %swap3A_928 = arith.constant 48 : index
            %swap3A_929 = tpu.vector_load %arg8[%swap3A_927, %swap3A_928] {strides = array<i32>} : memref<256x80xf32, #tpu.memory_space<vmem>>, vector<1x16xf32>,
            %swap3A_930 = vector.shape_cast %swap3A_929 : vector<1x16xf32> to vector<16xf32>
            %swap3A_931 = vector.shape_cast %get3A_926 : vector<16xf32> to vector<1x16xf32>
            tpu.vector_store %arg8[%swap3A_927, %swap3A_928], %swap3A_931 {add = true, strides = array<i32>} : memref<256x80xf32, #tpu.memory_space<vmem>>, vector<1x16xf32>,
            %swap3A_932 = arith.index_cast %squeeze3A_887 : i32 to index
            %swap3A_933 = arith.constant 64 : index
            %swap3A_934 = tpu.vector_load %arg8[%swap3A_932, %swap3A_933] {strides = array<i32>} : memref<256x80xf32, #tpu.memory_space<vmem>>, vector<1x16xf32>,
            %swap3A_935 = vector.shape_cast %swap3A_934 : vector<1x16xf32> to vector<16xf32>
            %swap3A_936 = vector.shape_cast %broadcast_in_dim3A_1 : vector<16xf32> to vector<1x16xf32>
            tpu.vector_store %arg8[%swap3A_932, %swap3A_933], %swap3A_936 {add = true, strides = array<i32>} : memref<256x80xf32, #tpu.memory_space<vmem>>, vector<1x16xf32>,
            %cond3A_937 = arith.constant 0 : i32
            scf.yield %cond3A_937 : i32
          } else {
            %cond3A_886 = arith.constant 0 : i32
            scf.yield %cond3A_886 : i32
          }
          %add3A_789 = arith.constant 4 : i32
          %add3A_790 = arith.addi %mul3A_746, %add3A_789 : i32
          %ge3A_791 = arith.cmpi sge, %add3A_790, %sub3A_698 : i32
          %convert_element_type3A_792 = arith.extui %ge3A_791 : i1 to i32
          %cond3A_793 = arith.constant 0 : i32
          %cond3A_794 = arith.constant 0 : i32
          %cond3A_795 = arith.cmpi ne, %convert_element_type3A_792, %cond3A_794 : i32
          %cond3A_796 = scf.if %cond3A_795 -> (i32) {
            %slice3A_886 = vector.extract_strided_slice %get3A_748 {offsets = [4], sizes = [1], strides = [1]} : vector<16xi32> to vector<1xi32>
            %squeeze3A_887 = vector.extract %slice3A_886[0] : i32 from vector<1xi32>
            %add3A_888 = arith.constant 4 : i32
            %add3A_889 = arith.addi %mul3A_746, %add3A_888 : i32
            %get3A_890 = arith.index_cast %add3A_889 : i32 to index
            %get3A_891 = arith.constant 0 : index
            %get3A_892 = tpu.vector_load %arg6[%get3A_890, %get3A_891] {strides = array<i32>} : memref<512x64xf32, #tpu.memory_space<vmem>>, vector<1x16xf32>,
            %get3A_893 = vector.shape_cast %get3A_892 : vector<1x16xf32> to vector<16xf32>
            %swap3A_894 = arith.index_cast %squeeze3A_887 : i32 to index
            %swap3A_895 = arith.constant 0 : index
            %swap3A_896 = tpu.vector_load %arg8[%swap3A_894, %swap3A_895] {strides = array<i32>} : memref<256x80xf32, #tpu.memory_space<vmem>>, vector<1x16xf32>,
            %swap3A_897 = vector.shape_cast %swap3A_896 : vector<1x16xf32> to vector<16xf32>
            %swap3A_898 = vector.shape_cast %get3A_893 : vector<16xf32> to vector<1x16xf32>
            tpu.vector_store %arg8[%swap3A_894, %swap3A_895], %swap3A_898 {add = true, strides = array<i32>} : memref<256x80xf32, #tpu.memory_space<vmem>>, vector<1x16xf32>,
            %add3A_899 = arith.constant 4 : i32
            %add3A_900 = arith.addi %mul3A_746, %add3A_899 : i32
            %get3A_901 = arith.index_cast %add3A_900 : i32 to index
            %get3A_902 = arith.constant 16 : index
            %get3A_903 = tpu.vector_load %arg6[%get3A_901, %get3A_902] {strides = array<i32>} : memref<512x64xf32, #tpu.memory_space<vmem>>, vector<1x16xf32>,
            %get3A_904 = vector.shape_cast %get3A_903 : vector<1x16xf32> to vector<16xf32>
            %swap3A_905 = arith.index_cast %squeeze3A_887 : i32 to index
            %swap3A_906 = arith.constant 16 : index
            %swap3A_907 = tpu.vector_load %arg8[%swap3A_905, %swap3A_906] {strides = array<i32>} : memref<256x80xf32, #tpu.memory_space<vmem>>, vector<1x16xf32>,
            %swap3A_908 = vector.shape_cast %swap3A_907 : vector<1x16xf32> to vector<16xf32>
            %swap3A_909 = vector.shape_cast %get3A_904 : vector<16xf32> to vector<1x16xf32>
            tpu.vector_store %arg8[%swap3A_905, %swap3A_906], %swap3A_909 {add = true, strides = array<i32>} : memref<256x80xf32, #tpu.memory_space<vmem>>, vector<1x16xf32>,
            %add3A_910 = arith.constant 4 : i32
            %add3A_911 = arith.addi %mul3A_746, %add3A_910 : i32
            %get3A_912 = arith.index_cast %add3A_911 : i32 to index
            %get3A_913 = arith.constant 32 : index
            %get3A_914 = tpu.vector_load %arg6[%get3A_912, %get3A_913] {strides = array<i32>} : memref<512x64xf32, #tpu.memory_space<vmem>>, vector<1x16xf32>,
            %get3A_915 = vector.shape_cast %get3A_914 : vector<1x16xf32> to vector<16xf32>
            %swap3A_916 = arith.index_cast %squeeze3A_887 : i32 to index
            %swap3A_917 = arith.constant 32 : index
            %swap3A_918 = tpu.vector_load %arg8[%swap3A_916, %swap3A_917] {strides = array<i32>} : memref<256x80xf32, #tpu.memory_space<vmem>>, vector<1x16xf32>,
            %swap3A_919 = vector.shape_cast %swap3A_918 : vector<1x16xf32> to vector<16xf32>
            %swap3A_920 = vector.shape_cast %get3A_915 : vector<16xf32> to vector<1x16xf32>
            tpu.vector_store %arg8[%swap3A_916, %swap3A_917], %swap3A_920 {add = true, strides = array<i32>} : memref<256x80xf32, #tpu.memory_space<vmem>>, vector<1x16xf32>,
            %add3A_921 = arith.constant 4 : i32
            %add3A_922 = arith.addi %mul3A_746, %add3A_921 : i32
            %get3A_923 = arith.index_cast %add3A_922 : i32 to index
            %get3A_924 = arith.constant 48 : index
            %get3A_925 = tpu.vector_load %arg6[%get3A_923, %get3A_924] {strides = array<i32>} : memref<512x64xf32, #tpu.memory_space<vmem>>, vector<1x16xf32>,
            %get3A_926 = vector.shape_cast %get3A_925 : vector<1x16xf32> to vector<16xf32>
            %swap3A_927 = arith.index_cast %squeeze3A_887 : i32 to index
            %swap3A_928 = arith.constant 48 : index
            %swap3A_929 = tpu.vector_load %arg8[%swap3A_927, %swap3A_928] {strides = array<i32>} : memref<256x80xf32, #tpu.memory_space<vmem>>, vector<1x16xf32>,
            %swap3A_930 = vector.shape_cast %swap3A_929 : vector<1x16xf32> to vector<16xf32>
            %swap3A_931 = vector.shape_cast %get3A_926 : vector<16xf32> to vector<1x16xf32>
            tpu.vector_store %arg8[%swap3A_927, %swap3A_928], %swap3A_931 {add = true, strides = array<i32>} : memref<256x80xf32, #tpu.memory_space<vmem>>, vector<1x16xf32>,
            %swap3A_932 = arith.index_cast %squeeze3A_887 : i32 to index
            %swap3A_933 = arith.constant 64 : index
            %swap3A_934 = tpu.vector_load %arg8[%swap3A_932, %swap3A_933] {strides = array<i32>} : memref<256x80xf32, #tpu.memory_space<vmem>>, vector<1x16xf32>,
            %swap3A_935 = vector.shape_cast %swap3A_934 : vector<1x16xf32> to vector<16xf32>
            %swap3A_936 = vector.shape_cast %broadcast_in_dim3A_1 : vector<16xf32> to vector<1x16xf32>
            tpu.vector_store %arg8[%swap3A_932, %swap3A_933], %swap3A_936 {add = true, strides = array<i32>} : memref<256x80xf32, #tpu.memory_space<vmem>>, vector<1x16xf32>,
            %cond3A_937 = arith.constant 0 : i32
            scf.yield %cond3A_937 : i32
          } else {
            %cond3A_886 = arith.constant 0 : i32
            scf.yield %cond3A_886 : i32
          }
          %add3A_797 = arith.constant 5 : i32
          %add3A_798 = arith.addi %mul3A_746, %add3A_797 : i32
          %ge3A_799 = arith.cmpi sge, %add3A_798, %sub3A_698 : i32
          %convert_element_type3A_800 = arith.extui %ge3A_799 : i1 to i32
          %cond3A_801 = arith.constant 0 : i32
          %cond3A_802 = arith.constant 0 : i32
          %cond3A_803 = arith.cmpi ne, %convert_element_type3A_800, %cond3A_802 : i32
          %cond3A_804 = scf.if %cond3A_803 -> (i32) {
            %slice3A_886 = vector.extract_strided_slice %get3A_748 {offsets = [5], sizes = [1], strides = [1]} : vector<16xi32> to vector<1xi32>
            %squeeze3A_887 = vector.extract %slice3A_886[0] : i32 from vector<1xi32>
            %add3A_888 = arith.constant 5 : i32
            %add3A_889 = arith.addi %mul3A_746, %add3A_888 : i32
            %get3A_890 = arith.index_cast %add3A_889 : i32 to index
            %get3A_891 = arith.constant 0 : index
            %get3A_892 = tpu.vector_load %arg6[%get3A_890, %get3A_891] {strides = array<i32>} : memref<512x64xf32, #tpu.memory_space<vmem>>, vector<1x16xf32>,
            %get3A_893 = vector.shape_cast %get3A_892 : vector<1x16xf32> to vector<16xf32>
            %swap3A_894 = arith.index_cast %squeeze3A_887 : i32 to index
            %swap3A_895 = arith.constant 0 : index
            %swap3A_896 = tpu.vector_load %arg8[%swap3A_894, %swap3A_895] {strides = array<i32>} : memref<256x80xf32, #tpu.memory_space<vmem>>, vector<1x16xf32>,
            %swap3A_897 = vector.shape_cast %swap3A_896 : vector<1x16xf32> to vector<16xf32>
            %swap3A_898 = vector.shape_cast %get3A_893 : vector<16xf32> to vector<1x16xf32>
            tpu.vector_store %arg8[%swap3A_894, %swap3A_895], %swap3A_898 {add = true, strides = array<i32>} : memref<256x80xf32, #tpu.memory_space<vmem>>, vector<1x16xf32>,
            %add3A_899 = arith.constant 5 : i32
            %add3A_900 = arith.addi %mul3A_746, %add3A_899 : i32
            %get3A_901 = arith.index_cast %add3A_900 : i32 to index
            %get3A_902 = arith.constant 16 : index
            %get3A_903 = tpu.vector_load %arg6[%get3A_901, %get3A_902] {strides = array<i32>} : memref<512x64xf32, #tpu.memory_space<vmem>>, vector<1x16xf32>,
            %get3A_904 = vector.shape_cast %get3A_903 : vector<1x16xf32> to vector<16xf32>
            %swap3A_905 = arith.index_cast %squeeze3A_887 : i32 to index
            %swap3A_906 = arith.constant 16 : index
            %swap3A_907 = tpu.vector_load %arg8[%swap3A_905, %swap3A_906] {strides = array<i32>} : memref<256x80xf32, #tpu.memory_space<vmem>>, vector<1x16xf32>,
            %swap3A_908 = vector.shape_cast %swap3A_907 : vector<1x16xf32> to vector<16xf32>
            %swap3A_909 = vector.shape_cast %get3A_904 : vector<16xf32> to vector<1x16xf32>
            tpu.vector_store %arg8[%swap3A_905, %swap3A_906], %swap3A_909 {add = true, strides = array<i32>} : memref<256x80xf32, #tpu.memory_space<vmem>>, vector<1x16xf32>,
            %add3A_910 = arith.constant 5 : i32
            %add3A_911 = arith.addi %mul3A_746, %add3A_910 : i32
            %get3A_912 = arith.index_cast %add3A_911 : i32 to index
            %get3A_913 = arith.constant 32 : index
            %get3A_914 = tpu.vector_load %arg6[%get3A_912, %get3A_913] {strides = array<i32>} : memref<512x64xf32, #tpu.memory_space<vmem>>, vector<1x16xf32>,
            %get3A_915 = vector.shape_cast %get3A_914 : vector<1x16xf32> to vector<16xf32>
            %swap3A_916 = arith.index_cast %squeeze3A_887 : i32 to index
            %swap3A_917 = arith.constant 32 : index
            %swap3A_918 = tpu.vector_load %arg8[%swap3A_916, %swap3A_917] {strides = array<i32>} : memref<256x80xf32, #tpu.memory_space<vmem>>, vector<1x16xf32>,
            %swap3A_919 = vector.shape_cast %swap3A_918 : vector<1x16xf32> to vector<16xf32>
            %swap3A_920 = vector.shape_cast %get3A_915 : vector<16xf32> to vector<1x16xf32>
            tpu.vector_store %arg8[%swap3A_916, %swap3A_917], %swap3A_920 {add = true, strides = array<i32>} : memref<256x80xf32, #tpu.memory_space<vmem>>, vector<1x16xf32>,
            %add3A_921 = arith.constant 5 : i32
            %add3A_922 = arith.addi %mul3A_746, %add3A_921 : i32
            %get3A_923 = arith.index_cast %add3A_922 : i32 to index
            %get3A_924 = arith.constant 48 : index
            %get3A_925 = tpu.vector_load %arg6[%get3A_923, %get3A_924] {strides = array<i32>} : memref<512x64xf32, #tpu.memory_space<vmem>>, vector<1x16xf32>,
            %get3A_926 = vector.shape_cast %get3A_925 : vector<1x16xf32> to vector<16xf32>
            %swap3A_927 = arith.index_cast %squeeze3A_887 : i32 to index
            %swap3A_928 = arith.constant 48 : index
            %swap3A_929 = tpu.vector_load %arg8[%swap3A_927, %swap3A_928] {strides = array<i32>} : memref<256x80xf32, #tpu.memory_space<vmem>>, vector<1x16xf32>,
            %swap3A_930 = vector.shape_cast %swap3A_929 : vector<1x16xf32> to vector<16xf32>
            %swap3A_931 = vector.shape_cast %get3A_926 : vector<16xf32> to vector<1x16xf32>
            tpu.vector_store %arg8[%swap3A_927, %swap3A_928], %swap3A_931 {add = true, strides = array<i32>} : memref<256x80xf32, #tpu.memory_space<vmem>>, vector<1x16xf32>,
            %swap3A_932 = arith.index_cast %squeeze3A_887 : i32 to index
            %swap3A_933 = arith.constant 64 : index
            %swap3A_934 = tpu.vector_load %arg8[%swap3A_932, %swap3A_933] {strides = array<i32>} : memref<256x80xf32, #tpu.memory_space<vmem>>, vector<1x16xf32>,
            %swap3A_935 = vector.shape_cast %swap3A_934 : vector<1x16xf32> to vector<16xf32>
            %swap3A_936 = vector.shape_cast %broadcast_in_dim3A_1 : vector<16xf32> to vector<1x16xf32>
            tpu.vector_store %arg8[%swap3A_932, %swap3A_933], %swap3A_936 {add = true, strides = array<i32>} : memref<256x80xf32, #tpu.memory_space<vmem>>, vector<1x16xf32>,
            %cond3A_937 = arith.constant 0 : i32
            scf.yield %cond3A_937 : i32
          } else {
            %cond3A_886 = arith.constant 0 : i32
            scf.yield %cond3A_886 : i32
          }
          %add3A_805 = arith.constant 6 : i32
          %add3A_806 = arith.addi %mul3A_746, %add3A_805 : i32
          %ge3A_807 = arith.cmpi sge, %add3A_806, %sub3A_698 : i32
          %convert_element_type3A_808 = arith.extui %ge3A_807 : i1 to i32
          %cond3A_809 = arith.constant 0 : i32
          %cond3A_810 = arith.constant 0 : i32
          %cond3A_811 = arith.cmpi ne, %convert_element_type3A_808, %cond3A_810 : i32
          %cond3A_812 = scf.if %cond3A_811 -> (i32) {
            %slice3A_886 = vector.extract_strided_slice %get3A_748 {offsets = [6], sizes = [1], strides = [1]} : vector<16xi32> to vector<1xi32>
            %squeeze3A_887 = vector.extract %slice3A_886[0] : i32 from vector<1xi32>
            %add3A_888 = arith.constant 6 : i32
            %add3A_889 = arith.addi %mul3A_746, %add3A_888 : i32
            %get3A_890 = arith.index_cast %add3A_889 : i32 to index
            %get3A_891 = arith.constant 0 : index
            %get3A_892 = tpu.vector_load %arg6[%get3A_890, %get3A_891] {strides = array<i32>} : memref<512x64xf32, #tpu.memory_space<vmem>>, vector<1x16xf32>,
            %get3A_893 = vector.shape_cast %get3A_892 : vector<1x16xf32> to vector<16xf32>
            %swap3A_894 = arith.index_cast %squeeze3A_887 : i32 to index
            %swap3A_895 = arith.constant 0 : index
            %swap3A_896 = tpu.vector_load %arg8[%swap3A_894, %swap3A_895] {strides = array<i32>} : memref<256x80xf32, #tpu.memory_space<vmem>>, vector<1x16xf32>,
            %swap3A_897 = vector.shape_cast %swap3A_896 : vector<1x16xf32> to vector<16xf32>
            %swap3A_898 = vector.shape_cast %get3A_893 : vector<16xf32> to vector<1x16xf32>
            tpu.vector_store %arg8[%swap3A_894, %swap3A_895], %swap3A_898 {add = true, strides = array<i32>} : memref<256x80xf32, #tpu.memory_space<vmem>>, vector<1x16xf32>,
            %add3A_899 = arith.constant 6 : i32
            %add3A_900 = arith.addi %mul3A_746, %add3A_899 : i32
            %get3A_901 = arith.index_cast %add3A_900 : i32 to index
            %get3A_902 = arith.constant 16 : index
            %get3A_903 = tpu.vector_load %arg6[%get3A_901, %get3A_902] {strides = array<i32>} : memref<512x64xf32, #tpu.memory_space<vmem>>, vector<1x16xf32>,
            %get3A_904 = vector.shape_cast %get3A_903 : vector<1x16xf32> to vector<16xf32>
            %swap3A_905 = arith.index_cast %squeeze3A_887 : i32 to index
            %swap3A_906 = arith.constant 16 : index
            %swap3A_907 = tpu.vector_load %arg8[%swap3A_905, %swap3A_906] {strides = array<i32>} : memref<256x80xf32, #tpu.memory_space<vmem>>, vector<1x16xf32>,
            %swap3A_908 = vector.shape_cast %swap3A_907 : vector<1x16xf32> to vector<16xf32>
            %swap3A_909 = vector.shape_cast %get3A_904 : vector<16xf32> to vector<1x16xf32>
            tpu.vector_store %arg8[%swap3A_905, %swap3A_906], %swap3A_909 {add = true, strides = array<i32>} : memref<256x80xf32, #tpu.memory_space<vmem>>, vector<1x16xf32>,
            %add3A_910 = arith.constant 6 : i32
            %add3A_911 = arith.addi %mul3A_746, %add3A_910 : i32
            %get3A_912 = arith.index_cast %add3A_911 : i32 to index
            %get3A_913 = arith.constant 32 : index
            %get3A_914 = tpu.vector_load %arg6[%get3A_912, %get3A_913] {strides = array<i32>} : memref<512x64xf32, #tpu.memory_space<vmem>>, vector<1x16xf32>,
            %get3A_915 = vector.shape_cast %get3A_914 : vector<1x16xf32> to vector<16xf32>
            %swap3A_916 = arith.index_cast %squeeze3A_887 : i32 to index
            %swap3A_917 = arith.constant 32 : index
            %swap3A_918 = tpu.vector_load %arg8[%swap3A_916, %swap3A_917] {strides = array<i32>} : memref<256x80xf32, #tpu.memory_space<vmem>>, vector<1x16xf32>,
            %swap3A_919 = vector.shape_cast %swap3A_918 : vector<1x16xf32> to vector<16xf32>
            %swap3A_920 = vector.shape_cast %get3A_915 : vector<16xf32> to vector<1x16xf32>
            tpu.vector_store %arg8[%swap3A_916, %swap3A_917], %swap3A_920 {add = true, strides = array<i32>} : memref<256x80xf32, #tpu.memory_space<vmem>>, vector<1x16xf32>,
            %add3A_921 = arith.constant 6 : i32
            %add3A_922 = arith.addi %mul3A_746, %add3A_921 : i32
            %get3A_923 = arith.index_cast %add3A_922 : i32 to index
            %get3A_924 = arith.constant 48 : index
            %get3A_925 = tpu.vector_load %arg6[%get3A_923, %get3A_924] {strides = array<i32>} : memref<512x64xf32, #tpu.memory_space<vmem>>, vector<1x16xf32>,
            %get3A_926 = vector.shape_cast %get3A_925 : vector<1x16xf32> to vector<16xf32>
            %swap3A_927 = arith.index_cast %squeeze3A_887 : i32 to index
            %swap3A_928 = arith.constant 48 : index
            %swap3A_929 = tpu.vector_load %arg8[%swap3A_927, %swap3A_928] {strides = array<i32>} : memref<256x80xf32, #tpu.memory_space<vmem>>, vector<1x16xf32>,
            %swap3A_930 = vector.shape_cast %swap3A_929 : vector<1x16xf32> to vector<16xf32>
            %swap3A_931 = vector.shape_cast %get3A_926 : vector<16xf32> to vector<1x16xf32>
            tpu.vector_store %arg8[%swap3A_927, %swap3A_928], %swap3A_931 {add = true, strides = array<i32>} : memref<256x80xf32, #tpu.memory_space<vmem>>, vector<1x16xf32>,
            %swap3A_932 = arith.index_cast %squeeze3A_887 : i32 to index
            %swap3A_933 = arith.constant 64 : index
            %swap3A_934 = tpu.vector_load %arg8[%swap3A_932, %swap3A_933] {strides = array<i32>} : memref<256x80xf32, #tpu.memory_space<vmem>>, vector<1x16xf32>,
            %swap3A_935 = vector.shape_cast %swap3A_934 : vector<1x16xf32> to vector<16xf32>
            %swap3A_936 = vector.shape_cast %broadcast_in_dim3A_1 : vector<16xf32> to vector<1x16xf32>
            tpu.vector_store %arg8[%swap3A_932, %swap3A_933], %swap3A_936 {add = true, strides = array<i32>} : memref<256x80xf32, #tpu.memory_space<vmem>>, vector<1x16xf32>,
            %cond3A_937 = arith.constant 0 : i32
            scf.yield %cond3A_937 : i32
          } else {
            %cond3A_886 = arith.constant 0 : i32
            scf.yield %cond3A_886 : i32
          }
          %add3A_813 = arith.constant 7 : i32
          %add3A_814 = arith.addi %mul3A_746, %add3A_813 : i32
          %ge3A_815 = arith.cmpi sge, %add3A_814, %sub3A_698 : i32
          %convert_element_type3A_816 = arith.extui %ge3A_815 : i1 to i32
          %cond3A_817 = arith.constant 0 : i32
          %cond3A_818 = arith.constant 0 : i32
          %cond3A_819 = arith.cmpi ne, %convert_element_type3A_816, %cond3A_818 : i32
          %cond3A_820 = scf.if %cond3A_819 -> (i32) {
            %slice3A_886 = vector.extract_strided_slice %get3A_748 {offsets = [7], sizes = [1], strides = [1]} : vector<16xi32> to vector<1xi32>
            %squeeze3A_887 = vector.extract %slice3A_886[0] : i32 from vector<1xi32>
            %add3A_888 = arith.constant 7 : i32
            %add3A_889 = arith.addi %mul3A_746, %add3A_888 : i32
            %get3A_890 = arith.index_cast %add3A_889 : i32 to index
            %get3A_891 = arith.constant 0 : index
            %get3A_892 = tpu.vector_load %arg6[%get3A_890, %get3A_891] {strides = array<i32>} : memref<512x64xf32, #tpu.memory_space<vmem>>, vector<1x16xf32>,
            %get3A_893 = vector.shape_cast %get3A_892 : vector<1x16xf32> to vector<16xf32>
            %swap3A_894 = arith.index_cast %squeeze3A_887 : i32 to index
            %swap3A_895 = arith.constant 0 : index
            %swap3A_896 = tpu.vector_load %arg8[%swap3A_894, %swap3A_895] {strides = array<i32>} : memref<256x80xf32, #tpu.memory_space<vmem>>, vector<1x16xf32>,
            %swap3A_897 = vector.shape_cast %swap3A_896 : vector<1x16xf32> to vector<16xf32>
            %swap3A_898 = vector.shape_cast %get3A_893 : vector<16xf32> to vector<1x16xf32>
            tpu.vector_store %arg8[%swap3A_894, %swap3A_895], %swap3A_898 {add = true, strides = array<i32>} : memref<256x80xf32, #tpu.memory_space<vmem>>, vector<1x16xf32>,
            %add3A_899 = arith.constant 7 : i32
            %add3A_900 = arith.addi %mul3A_746, %add3A_899 : i32
            %get3A_901 = arith.index_cast %add3A_900 : i32 to index
            %get3A_902 = arith.constant 16 : index
            %get3A_903 = tpu.vector_load %arg6[%get3A_901, %get3A_902] {strides = array<i32>} : memref<512x64xf32, #tpu.memory_space<vmem>>, vector<1x16xf32>,
            %get3A_904 = vector.shape_cast %get3A_903 : vector<1x16xf32> to vector<16xf32>
            %swap3A_905 = arith.index_cast %squeeze3A_887 : i32 to index
            %swap3A_906 = arith.constant 16 : index
            %swap3A_907 = tpu.vector_load %arg8[%swap3A_905, %swap3A_906] {strides = array<i32>} : memref<256x80xf32, #tpu.memory_space<vmem>>, vector<1x16xf32>,
            %swap3A_908 = vector.shape_cast %swap3A_907 : vector<1x16xf32> to vector<16xf32>
            %swap3A_909 = vector.shape_cast %get3A_904 : vector<16xf32> to vector<1x16xf32>
            tpu.vector_store %arg8[%swap3A_905, %swap3A_906], %swap3A_909 {add = true, strides = array<i32>} : memref<256x80xf32, #tpu.memory_space<vmem>>, vector<1x16xf32>,
            %add3A_910 = arith.constant 7 : i32
            %add3A_911 = arith.addi %mul3A_746, %add3A_910 : i32
            %get3A_912 = arith.index_cast %add3A_911 : i32 to index
            %get3A_913 = arith.constant 32 : index
            %get3A_914 = tpu.vector_load %arg6[%get3A_912, %get3A_913] {strides = array<i32>} : memref<512x64xf32, #tpu.memory_space<vmem>>, vector<1x16xf32>,
            %get3A_915 = vector.shape_cast %get3A_914 : vector<1x16xf32> to vector<16xf32>
            %swap3A_916 = arith.index_cast %squeeze3A_887 : i32 to index
            %swap3A_917 = arith.constant 32 : index
            %swap3A_918 = tpu.vector_load %arg8[%swap3A_916, %swap3A_917] {strides = array<i32>} : memref<256x80xf32, #tpu.memory_space<vmem>>, vector<1x16xf32>,
            %swap3A_919 = vector.shape_cast %swap3A_918 : vector<1x16xf32> to vector<16xf32>
            %swap3A_920 = vector.shape_cast %get3A_915 : vector<16xf32> to vector<1x16xf32>
            tpu.vector_store %arg8[%swap3A_916, %swap3A_917], %swap3A_920 {add = true, strides = array<i32>} : memref<256x80xf32, #tpu.memory_space<vmem>>, vector<1x16xf32>,
            %add3A_921 = arith.constant 7 : i32
            %add3A_922 = arith.addi %mul3A_746, %add3A_921 : i32
            %get3A_923 = arith.index_cast %add3A_922 : i32 to index
            %get3A_924 = arith.constant 48 : index
            %get3A_925 = tpu.vector_load %arg6[%get3A_923, %get3A_924] {strides = array<i32>} : memref<512x64xf32, #tpu.memory_space<vmem>>, vector<1x16xf32>,
            %get3A_926 = vector.shape_cast %get3A_925 : vector<1x16xf32> to vector<16xf32>
            %swap3A_927 = arith.index_cast %squeeze3A_887 : i32 to index
            %swap3A_928 = arith.constant 48 : index
            %swap3A_929 = tpu.vector_load %arg8[%swap3A_927, %swap3A_928] {strides = array<i32>} : memref<256x80xf32, #tpu.memory_space<vmem>>, vector<1x16xf32>,
            %swap3A_930 = vector.shape_cast %swap3A_929 : vector<1x16xf32> to vector<16xf32>
            %swap3A_931 = vector.shape_cast %get3A_926 : vector<16xf32> to vector<1x16xf32>
            tpu.vector_store %arg8[%swap3A_927, %swap3A_928], %swap3A_931 {add = true, strides = array<i32>} : memref<256x80xf32, #tpu.memory_space<vmem>>, vector<1x16xf32>,
            %swap3A_932 = arith.index_cast %squeeze3A_887 : i32 to index
            %swap3A_933 = arith.constant 64 : index
            %swap3A_934 = tpu.vector_load %arg8[%swap3A_932, %swap3A_933] {strides = array<i32>} : memref<256x80xf32, #tpu.memory_space<vmem>>, vector<1x16xf32>,
            %swap3A_935 = vector.shape_cast %swap3A_934 : vector<1x16xf32> to vector<16xf32>
            %swap3A_936 = vector.shape_cast %broadcast_in_dim3A_1 : vector<16xf32> to vector<1x16xf32>
            tpu.vector_store %arg8[%swap3A_932, %swap3A_933], %swap3A_936 {add = true, strides = array<i32>} : memref<256x80xf32, #tpu.memory_space<vmem>>, vector<1x16xf32>,
            %cond3A_937 = arith.constant 0 : i32
            scf.yield %cond3A_937 : i32
          } else {
            %cond3A_886 = arith.constant 0 : i32
            scf.yield %cond3A_886 : i32
          }
          %add3A_821 = arith.constant 8 : i32
          %add3A_822 = arith.addi %mul3A_746, %add3A_821 : i32
          %ge3A_823 = arith.cmpi sge, %add3A_822, %sub3A_698 : i32
          %convert_element_type3A_824 = arith.extui %ge3A_823 : i1 to i32
          %cond3A_825 = arith.constant 0 : i32
          %cond3A_826 = arith.constant 0 : i32
          %cond3A_827 = arith.cmpi ne, %convert_element_type3A_824, %cond3A_826 : i32
          %cond3A_828 = scf.if %cond3A_827 -> (i32) {
            %slice3A_886 = vector.extract_strided_slice %get3A_748 {offsets = [8], sizes = [1], strides = [1]} : vector<16xi32> to vector<1xi32>
            %squeeze3A_887 = vector.extract %slice3A_886[0] : i32 from vector<1xi32>
            %add3A_888 = arith.constant 8 : i32
            %add3A_889 = arith.addi %mul3A_746, %add3A_888 : i32
            %get3A_890 = arith.index_cast %add3A_889 : i32 to index
            %get3A_891 = arith.constant 0 : index
            %get3A_892 = tpu.vector_load %arg6[%get3A_890, %get3A_891] {strides = array<i32>} : memref<512x64xf32, #tpu.memory_space<vmem>>, vector<1x16xf32>,
            %get3A_893 = vector.shape_cast %get3A_892 : vector<1x16xf32> to vector<16xf32>
            %swap3A_894 = arith.index_cast %squeeze3A_887 : i32 to index
            %swap3A_895 = arith.constant 0 : index
            %swap3A_896 = tpu.vector_load %arg8[%swap3A_894, %swap3A_895] {strides = array<i32>} : memref<256x80xf32, #tpu.memory_space<vmem>>, vector<1x16xf32>,
            %swap3A_897 = vector.shape_cast %swap3A_896 : vector<1x16xf32> to vector<16xf32>
            %swap3A_898 = vector.shape_cast %get3A_893 : vector<16xf32> to vector<1x16xf32>
            tpu.vector_store %arg8[%swap3A_894, %swap3A_895], %swap3A_898 {add = true, strides = array<i32>} : memref<256x80xf32, #tpu.memory_space<vmem>>, vector<1x16xf32>,
            %add3A_899 = arith.constant 8 : i32
            %add3A_900 = arith.addi %mul3A_746, %add3A_899 : i32
            %get3A_901 = arith.index_cast %add3A_900 : i32 to index
            %get3A_902 = arith.constant 16 : index
            %get3A_903 = tpu.vector_load %arg6[%get3A_901, %get3A_902] {strides = array<i32>} : memref<512x64xf32, #tpu.memory_space<vmem>>, vector<1x16xf32>,
            %get3A_904 = vector.shape_cast %get3A_903 : vector<1x16xf32> to vector<16xf32>
            %swap3A_905 = arith.index_cast %squeeze3A_887 : i32 to index
            %swap3A_906 = arith.constant 16 : index
            %swap3A_907 = tpu.vector_load %arg8[%swap3A_905, %swap3A_906] {strides = array<i32>} : memref<256x80xf32, #tpu.memory_space<vmem>>, vector<1x16xf32>,
            %swap3A_908 = vector.shape_cast %swap3A_907 : vector<1x16xf32> to vector<16xf32>
            %swap3A_909 = vector.shape_cast %get3A_904 : vector<16xf32> to vector<1x16xf32>
            tpu.vector_store %arg8[%swap3A_905, %swap3A_906], %swap3A_909 {add = true, strides = array<i32>} : memref<256x80xf32, #tpu.memory_space<vmem>>, vector<1x16xf32>,
            %add3A_910 = arith.constant 8 : i32
            %add3A_911 = arith.addi %mul3A_746, %add3A_910 : i32
            %get3A_912 = arith.index_cast %add3A_911 : i32 to index
            %get3A_913 = arith.constant 32 : index
            %get3A_914 = tpu.vector_load %arg6[%get3A_912, %get3A_913] {strides = array<i32>} : memref<512x64xf32, #tpu.memory_space<vmem>>, vector<1x16xf32>,
            %get3A_915 = vector.shape_cast %get3A_914 : vector<1x16xf32> to vector<16xf32>
            %swap3A_916 = arith.index_cast %squeeze3A_887 : i32 to index
            %swap3A_917 = arith.constant 32 : index
            %swap3A_918 = tpu.vector_load %arg8[%swap3A_916, %swap3A_917] {strides = array<i32>} : memref<256x80xf32, #tpu.memory_space<vmem>>, vector<1x16xf32>,
            %swap3A_919 = vector.shape_cast %swap3A_918 : vector<1x16xf32> to vector<16xf32>
            %swap3A_920 = vector.shape_cast %get3A_915 : vector<16xf32> to vector<1x16xf32>
            tpu.vector_store %arg8[%swap3A_916, %swap3A_917], %swap3A_920 {add = true, strides = array<i32>} : memref<256x80xf32, #tpu.memory_space<vmem>>, vector<1x16xf32>,
            %add3A_921 = arith.constant 8 : i32
            %add3A_922 = arith.addi %mul3A_746, %add3A_921 : i32
            %get3A_923 = arith.index_cast %add3A_922 : i32 to index
            %get3A_924 = arith.constant 48 : index
            %get3A_925 = tpu.vector_load %arg6[%get3A_923, %get3A_924] {strides = array<i32>} : memref<512x64xf32, #tpu.memory_space<vmem>>, vector<1x16xf32>,
            %get3A_926 = vector.shape_cast %get3A_925 : vector<1x16xf32> to vector<16xf32>
            %swap3A_927 = arith.index_cast %squeeze3A_887 : i32 to index
            %swap3A_928 = arith.constant 48 : index
            %swap3A_929 = tpu.vector_load %arg8[%swap3A_927, %swap3A_928] {strides = array<i32>} : memref<256x80xf32, #tpu.memory_space<vmem>>, vector<1x16xf32>,
            %swap3A_930 = vector.shape_cast %swap3A_929 : vector<1x16xf32> to vector<16xf32>
            %swap3A_931 = vector.shape_cast %get3A_926 : vector<16xf32> to vector<1x16xf32>
            tpu.vector_store %arg8[%swap3A_927, %swap3A_928], %swap3A_931 {add = true, strides = array<i32>} : memref<256x80xf32, #tpu.memory_space<vmem>>, vector<1x16xf32>,
            %swap3A_932 = arith.index_cast %squeeze3A_887 : i32 to index
            %swap3A_933 = arith.constant 64 : index
            %swap3A_934 = tpu.vector_load %arg8[%swap3A_932, %swap3A_933] {strides = array<i32>} : memref<256x80xf32, #tpu.memory_space<vmem>>, vector<1x16xf32>,
            %swap3A_935 = vector.shape_cast %swap3A_934 : vector<1x16xf32> to vector<16xf32>
            %swap3A_936 = vector.shape_cast %broadcast_in_dim3A_1 : vector<16xf32> to vector<1x16xf32>
            tpu.vector_store %arg8[%swap3A_932, %swap3A_933], %swap3A_936 {add = true, strides = array<i32>} : memref<256x80xf32, #tpu.memory_space<vmem>>, vector<1x16xf32>,
            %cond3A_937 = arith.constant 0 : i32
            scf.yield %cond3A_937 : i32
          } else {
            %cond3A_886 = arith.constant 0 : i32
            scf.yield %cond3A_886 : i32
          }
          %add3A_829 = arith.constant 9 : i32
          %add3A_830 = arith.addi %mul3A_746, %add3A_829 : i32
          %ge3A_831 = arith.cmpi sge, %add3A_830, %sub3A_698 : i32
          %convert_element_type3A_832 = arith.extui %ge3A_831 : i1 to i32
          %cond3A_833 = arith.constant 0 : i32
          %cond3A_834 = arith.constant 0 : i32
          %cond3A_835 = arith.cmpi ne, %convert_element_type3A_832, %cond3A_834 : i32
          %cond3A_836 = scf.if %cond3A_835 -> (i32) {
            %slice3A_886 = vector.extract_strided_slice %get3A_748 {offsets = [9], sizes = [1], strides = [1]} : vector<16xi32> to vector<1xi32>
            %squeeze3A_887 = vector.extract %slice3A_886[0] : i32 from vector<1xi32>
            %add3A_888 = arith.constant 9 : i32
            %add3A_889 = arith.addi %mul3A_746, %add3A_888 : i32
            %get3A_890 = arith.index_cast %add3A_889 : i32 to index
            %get3A_891 = arith.constant 0 : index
            %get3A_892 = tpu.vector_load %arg6[%get3A_890, %get3A_891] {strides = array<i32>} : memref<512x64xf32, #tpu.memory_space<vmem>>, vector<1x16xf32>,
            %get3A_893 = vector.shape_cast %get3A_892 : vector<1x16xf32> to vector<16xf32>
            %swap3A_894 = arith.index_cast %squeeze3A_887 : i32 to index
            %swap3A_895 = arith.constant 0 : index
            %swap3A_896 = tpu.vector_load %arg8[%swap3A_894, %swap3A_895] {strides = array<i32>} : memref<256x80xf32, #tpu.memory_space<vmem>>, vector<1x16xf32>,
            %swap3A_897 = vector.shape_cast %swap3A_896 : vector<1x16xf32> to vector<16xf32>
            %swap3A_898 = vector.shape_cast %get3A_893 : vector<16xf32> to vector<1x16xf32>
            tpu.vector_store %arg8[%swap3A_894, %swap3A_895], %swap3A_898 {add = true, strides = array<i32>} : memref<256x80xf32, #tpu.memory_space<vmem>>, vector<1x16xf32>,
            %add3A_899 = arith.constant 9 : i32
            %add3A_900 = arith.addi %mul3A_746, %add3A_899 : i32
            %get3A_901 = arith.index_cast %add3A_900 : i32 to index
            %get3A_902 = arith.constant 16 : index
            %get3A_903 = tpu.vector_load %arg6[%get3A_901, %get3A_902] {strides = array<i32>} : memref<512x64xf32, #tpu.memory_space<vmem>>, vector<1x16xf32>,
            %get3A_904 = vector.shape_cast %get3A_903 : vector<1x16xf32> to vector<16xf32>
            %swap3A_905 = arith.index_cast %squeeze3A_887 : i32 to index
            %swap3A_906 = arith.constant 16 : index
            %swap3A_907 = tpu.vector_load %arg8[%swap3A_905, %swap3A_906] {strides = array<i32>} : memref<256x80xf32, #tpu.memory_space<vmem>>, vector<1x16xf32>,
            %swap3A_908 = vector.shape_cast %swap3A_907 : vector<1x16xf32> to vector<16xf32>
            %swap3A_909 = vector.shape_cast %get3A_904 : vector<16xf32> to vector<1x16xf32>
            tpu.vector_store %arg8[%swap3A_905, %swap3A_906], %swap3A_909 {add = true, strides = array<i32>} : memref<256x80xf32, #tpu.memory_space<vmem>>, vector<1x16xf32>,
            %add3A_910 = arith.constant 9 : i32
            %add3A_911 = arith.addi %mul3A_746, %add3A_910 : i32
            %get3A_912 = arith.index_cast %add3A_911 : i32 to index
            %get3A_913 = arith.constant 32 : index
            %get3A_914 = tpu.vector_load %arg6[%get3A_912, %get3A_913] {strides = array<i32>} : memref<512x64xf32, #tpu.memory_space<vmem>>, vector<1x16xf32>,
            %get3A_915 = vector.shape_cast %get3A_914 : vector<1x16xf32> to vector<16xf32>
            %swap3A_916 = arith.index_cast %squeeze3A_887 : i32 to index
            %swap3A_917 = arith.constant 32 : index
            %swap3A_918 = tpu.vector_load %arg8[%swap3A_916, %swap3A_917] {strides = array<i32>} : memref<256x80xf32, #tpu.memory_space<vmem>>, vector<1x16xf32>,
            %swap3A_919 = vector.shape_cast %swap3A_918 : vector<1x16xf32> to vector<16xf32>
            %swap3A_920 = vector.shape_cast %get3A_915 : vector<16xf32> to vector<1x16xf32>
            tpu.vector_store %arg8[%swap3A_916, %swap3A_917], %swap3A_920 {add = true, strides = array<i32>} : memref<256x80xf32, #tpu.memory_space<vmem>>, vector<1x16xf32>,
            %add3A_921 = arith.constant 9 : i32
            %add3A_922 = arith.addi %mul3A_746, %add3A_921 : i32
            %get3A_923 = arith.index_cast %add3A_922 : i32 to index
            %get3A_924 = arith.constant 48 : index
            %get3A_925 = tpu.vector_load %arg6[%get3A_923, %get3A_924] {strides = array<i32>} : memref<512x64xf32, #tpu.memory_space<vmem>>, vector<1x16xf32>,
            %get3A_926 = vector.shape_cast %get3A_925 : vector<1x16xf32> to vector<16xf32>
            %swap3A_927 = arith.index_cast %squeeze3A_887 : i32 to index
            %swap3A_928 = arith.constant 48 : index
            %swap3A_929 = tpu.vector_load %arg8[%swap3A_927, %swap3A_928] {strides = array<i32>} : memref<256x80xf32, #tpu.memory_space<vmem>>, vector<1x16xf32>,
            %swap3A_930 = vector.shape_cast %swap3A_929 : vector<1x16xf32> to vector<16xf32>
            %swap3A_931 = vector.shape_cast %get3A_926 : vector<16xf32> to vector<1x16xf32>
            tpu.vector_store %arg8[%swap3A_927, %swap3A_928], %swap3A_931 {add = true, strides = array<i32>} : memref<256x80xf32, #tpu.memory_space<vmem>>, vector<1x16xf32>,
            %swap3A_932 = arith.index_cast %squeeze3A_887 : i32 to index
            %swap3A_933 = arith.constant 64 : index
            %swap3A_934 = tpu.vector_load %arg8[%swap3A_932, %swap3A_933] {strides = array<i32>} : memref<256x80xf32, #tpu.memory_space<vmem>>, vector<1x16xf32>,
            %swap3A_935 = vector.shape_cast %swap3A_934 : vector<1x16xf32> to vector<16xf32>
            %swap3A_936 = vector.shape_cast %broadcast_in_dim3A_1 : vector<16xf32> to vector<1x16xf32>
            tpu.vector_store %arg8[%swap3A_932, %swap3A_933], %swap3A_936 {add = true, strides = array<i32>} : memref<256x80xf32, #tpu.memory_space<vmem>>, vector<1x16xf32>,
            %cond3A_937 = arith.constant 0 : i32
            scf.yield %cond3A_937 : i32
          } else {
            %cond3A_886 = arith.constant 0 : i32
            scf.yield %cond3A_886 : i32
          }
          %add3A_837 = arith.constant 10 : i32
          %add3A_838 = arith.addi %mul3A_746, %add3A_837 : i32
          %ge3A_839 = arith.cmpi sge, %add3A_838, %sub3A_698 : i32
          %convert_element_type3A_840 = arith.extui %ge3A_839 : i1 to i32
          %cond3A_841 = arith.constant 0 : i32
          %cond3A_842 = arith.constant 0 : i32
          %cond3A_843 = arith.cmpi ne, %convert_element_type3A_840, %cond3A_842 : i32
          %cond3A_844 = scf.if %cond3A_843 -> (i32) {
            %slice3A_886 = vector.extract_strided_slice %get3A_748 {offsets = [10], sizes = [1], strides = [1]} : vector<16xi32> to vector<1xi32>
            %squeeze3A_887 = vector.extract %slice3A_886[0] : i32 from vector<1xi32>
            %add3A_888 = arith.constant 10 : i32
            %add3A_889 = arith.addi %mul3A_746, %add3A_888 : i32
            %get3A_890 = arith.index_cast %add3A_889 : i32 to index
            %get3A_891 = arith.constant 0 : index
            %get3A_892 = tpu.vector_load %arg6[%get3A_890, %get3A_891] {strides = array<i32>} : memref<512x64xf32, #tpu.memory_space<vmem>>, vector<1x16xf32>,
            %get3A_893 = vector.shape_cast %get3A_892 : vector<1x16xf32> to vector<16xf32>
            %swap3A_894 = arith.index_cast %squeeze3A_887 : i32 to index
            %swap3A_895 = arith.constant 0 : index
            %swap3A_896 = tpu.vector_load %arg8[%swap3A_894, %swap3A_895] {strides = array<i32>} : memref<256x80xf32, #tpu.memory_space<vmem>>, vector<1x16xf32>,
            %swap3A_897 = vector.shape_cast %swap3A_896 : vector<1x16xf32> to vector<16xf32>
            %swap3A_898 = vector.shape_cast %get3A_893 : vector<16xf32> to vector<1x16xf32>
            tpu.vector_store %arg8[%swap3A_894, %swap3A_895], %swap3A_898 {add = true, strides = array<i32>} : memref<256x80xf32, #tpu.memory_space<vmem>>, vector<1x16xf32>,
            %add3A_899 = arith.constant 10 : i32
            %add3A_900 = arith.addi %mul3A_746, %add3A_899 : i32
            %get3A_901 = arith.index_cast %add3A_900 : i32 to index
            %get3A_902 = arith.constant 16 : index
            %get3A_903 = tpu.vector_load %arg6[%get3A_901, %get3A_902] {strides = array<i32>} : memref<512x64xf32, #tpu.memory_space<vmem>>, vector<1x16xf32>,
            %get3A_904 = vector.shape_cast %get3A_903 : vector<1x16xf32> to vector<16xf32>
            %swap3A_905 = arith.index_cast %squeeze3A_887 : i32 to index
            %swap3A_906 = arith.constant 16 : index
            %swap3A_907 = tpu.vector_load %arg8[%swap3A_905, %swap3A_906] {strides = array<i32>} : memref<256x80xf32, #tpu.memory_space<vmem>>, vector<1x16xf32>,
            %swap3A_908 = vector.shape_cast %swap3A_907 : vector<1x16xf32> to vector<16xf32>
            %swap3A_909 = vector.shape_cast %get3A_904 : vector<16xf32> to vector<1x16xf32>
            tpu.vector_store %arg8[%swap3A_905, %swap3A_906], %swap3A_909 {add = true, strides = array<i32>} : memref<256x80xf32, #tpu.memory_space<vmem>>, vector<1x16xf32>,
            %add3A_910 = arith.constant 10 : i32
            %add3A_911 = arith.addi %mul3A_746, %add3A_910 : i32
            %get3A_912 = arith.index_cast %add3A_911 : i32 to index
            %get3A_913 = arith.constant 32 : index
            %get3A_914 = tpu.vector_load %arg6[%get3A_912, %get3A_913] {strides = array<i32>} : memref<512x64xf32, #tpu.memory_space<vmem>>, vector<1x16xf32>,
            %get3A_915 = vector.shape_cast %get3A_914 : vector<1x16xf32> to vector<16xf32>
            %swap3A_916 = arith.index_cast %squeeze3A_887 : i32 to index
            %swap3A_917 = arith.constant 32 : index
            %swap3A_918 = tpu.vector_load %arg8[%swap3A_916, %swap3A_917] {strides = array<i32>} : memref<256x80xf32, #tpu.memory_space<vmem>>, vector<1x16xf32>,
            %swap3A_919 = vector.shape_cast %swap3A_918 : vector<1x16xf32> to vector<16xf32>
            %swap3A_920 = vector.shape_cast %get3A_915 : vector<16xf32> to vector<1x16xf32>
            tpu.vector_store %arg8[%swap3A_916, %swap3A_917], %swap3A_920 {add = true, strides = array<i32>} : memref<256x80xf32, #tpu.memory_space<vmem>>, vector<1x16xf32>,
            %add3A_921 = arith.constant 10 : i32
            %add3A_922 = arith.addi %mul3A_746, %add3A_921 : i32
            %get3A_923 = arith.index_cast %add3A_922 : i32 to index
            %get3A_924 = arith.constant 48 : index
            %get3A_925 = tpu.vector_load %arg6[%get3A_923, %get3A_924] {strides = array<i32>} : memref<512x64xf32, #tpu.memory_space<vmem>>, vector<1x16xf32>,
            %get3A_926 = vector.shape_cast %get3A_925 : vector<1x16xf32> to vector<16xf32>
            %swap3A_927 = arith.index_cast %squeeze3A_887 : i32 to index
            %swap3A_928 = arith.constant 48 : index
            %swap3A_929 = tpu.vector_load %arg8[%swap3A_927, %swap3A_928] {strides = array<i32>} : memref<256x80xf32, #tpu.memory_space<vmem>>, vector<1x16xf32>,
            %swap3A_930 = vector.shape_cast %swap3A_929 : vector<1x16xf32> to vector<16xf32>
            %swap3A_931 = vector.shape_cast %get3A_926 : vector<16xf32> to vector<1x16xf32>
            tpu.vector_store %arg8[%swap3A_927, %swap3A_928], %swap3A_931 {add = true, strides = array<i32>} : memref<256x80xf32, #tpu.memory_space<vmem>>, vector<1x16xf32>,
            %swap3A_932 = arith.index_cast %squeeze3A_887 : i32 to index
            %swap3A_933 = arith.constant 64 : index
            %swap3A_934 = tpu.vector_load %arg8[%swap3A_932, %swap3A_933] {strides = array<i32>} : memref<256x80xf32, #tpu.memory_space<vmem>>, vector<1x16xf32>,
            %swap3A_935 = vector.shape_cast %swap3A_934 : vector<1x16xf32> to vector<16xf32>
            %swap3A_936 = vector.shape_cast %broadcast_in_dim3A_1 : vector<16xf32> to vector<1x16xf32>
            tpu.vector_store %arg8[%swap3A_932, %swap3A_933], %swap3A_936 {add = true, strides = array<i32>} : memref<256x80xf32, #tpu.memory_space<vmem>>, vector<1x16xf32>,
            %cond3A_937 = arith.constant 0 : i32
            scf.yield %cond3A_937 : i32
          } else {
            %cond3A_886 = arith.constant 0 : i32
            scf.yield %cond3A_886 : i32
          }
          %add3A_845 = arith.constant 11 : i32
          %add3A_846 = arith.addi %mul3A_746, %add3A_845 : i32
          %ge3A_847 = arith.cmpi sge, %add3A_846, %sub3A_698 : i32
          %convert_element_type3A_848 = arith.extui %ge3A_847 : i1 to i32
          %cond3A_849 = arith.constant 0 : i32
          %cond3A_850 = arith.constant 0 : i32
          %cond3A_851 = arith.cmpi ne, %convert_element_type3A_848, %cond3A_850 : i32
          %cond3A_852 = scf.if %cond3A_851 -> (i32) {
            %slice3A_886 = vector.extract_strided_slice %get3A_748 {offsets = [11], sizes = [1], strides = [1]} : vector<16xi32> to vector<1xi32>
            %squeeze3A_887 = vector.extract %slice3A_886[0] : i32 from vector<1xi32>
            %add3A_888 = arith.constant 11 : i32
            %add3A_889 = arith.addi %mul3A_746, %add3A_888 : i32
            %get3A_890 = arith.index_cast %add3A_889 : i32 to index
            %get3A_891 = arith.constant 0 : index
            %get3A_892 = tpu.vector_load %arg6[%get3A_890, %get3A_891] {strides = array<i32>} : memref<512x64xf32, #tpu.memory_space<vmem>>, vector<1x16xf32>,
            %get3A_893 = vector.shape_cast %get3A_892 : vector<1x16xf32> to vector<16xf32>
            %swap3A_894 = arith.index_cast %squeeze3A_887 : i32 to index
            %swap3A_895 = arith.constant 0 : index
            %swap3A_896 = tpu.vector_load %arg8[%swap3A_894, %swap3A_895] {strides = array<i32>} : memref<256x80xf32, #tpu.memory_space<vmem>>, vector<1x16xf32>,
            %swap3A_897 = vector.shape_cast %swap3A_896 : vector<1x16xf32> to vector<16xf32>
            %swap3A_898 = vector.shape_cast %get3A_893 : vector<16xf32> to vector<1x16xf32>
            tpu.vector_store %arg8[%swap3A_894, %swap3A_895], %swap3A_898 {add = true, strides = array<i32>} : memref<256x80xf32, #tpu.memory_space<vmem>>, vector<1x16xf32>,
            %add3A_899 = arith.constant 11 : i32
            %add3A_900 = arith.addi %mul3A_746, %add3A_899 : i32
            %get3A_901 = arith.index_cast %add3A_900 : i32 to index
            %get3A_902 = arith.constant 16 : index
            %get3A_903 = tpu.vector_load %arg6[%get3A_901, %get3A_902] {strides = array<i32>} : memref<512x64xf32, #tpu.memory_space<vmem>>, vector<1x16xf32>,
            %get3A_904 = vector.shape_cast %get3A_903 : vector<1x16xf32> to vector<16xf32>
            %swap3A_905 = arith.index_cast %squeeze3A_887 : i32 to index
            %swap3A_906 = arith.constant 16 : index
            %swap3A_907 = tpu.vector_load %arg8[%swap3A_905, %swap3A_906] {strides = array<i32>} : memref<256x80xf32, #tpu.memory_space<vmem>>, vector<1x16xf32>,
            %swap3A_908 = vector.shape_cast %swap3A_907 : vector<1x16xf32> to vector<16xf32>
            %swap3A_909 = vector.shape_cast %get3A_904 : vector<16xf32> to vector<1x16xf32>
            tpu.vector_store %arg8[%swap3A_905, %swap3A_906], %swap3A_909 {add = true, strides = array<i32>} : memref<256x80xf32, #tpu.memory_space<vmem>>, vector<1x16xf32>,
            %add3A_910 = arith.constant 11 : i32
            %add3A_911 = arith.addi %mul3A_746, %add3A_910 : i32
            %get3A_912 = arith.index_cast %add3A_911 : i32 to index
            %get3A_913 = arith.constant 32 : index
            %get3A_914 = tpu.vector_load %arg6[%get3A_912, %get3A_913] {strides = array<i32>} : memref<512x64xf32, #tpu.memory_space<vmem>>, vector<1x16xf32>,
            %get3A_915 = vector.shape_cast %get3A_914 : vector<1x16xf32> to vector<16xf32>
            %swap3A_916 = arith.index_cast %squeeze3A_887 : i32 to index
            %swap3A_917 = arith.constant 32 : index
            %swap3A_918 = tpu.vector_load %arg8[%swap3A_916, %swap3A_917] {strides = array<i32>} : memref<256x80xf32, #tpu.memory_space<vmem>>, vector<1x16xf32>,
            %swap3A_919 = vector.shape_cast %swap3A_918 : vector<1x16xf32> to vector<16xf32>
            %swap3A_920 = vector.shape_cast %get3A_915 : vector<16xf32> to vector<1x16xf32>
            tpu.vector_store %arg8[%swap3A_916, %swap3A_917], %swap3A_920 {add = true, strides = array<i32>} : memref<256x80xf32, #tpu.memory_space<vmem>>, vector<1x16xf32>,
            %add3A_921 = arith.constant 11 : i32
            %add3A_922 = arith.addi %mul3A_746, %add3A_921 : i32
            %get3A_923 = arith.index_cast %add3A_922 : i32 to index
            %get3A_924 = arith.constant 48 : index
            %get3A_925 = tpu.vector_load %arg6[%get3A_923, %get3A_924] {strides = array<i32>} : memref<512x64xf32, #tpu.memory_space<vmem>>, vector<1x16xf32>,
            %get3A_926 = vector.shape_cast %get3A_925 : vector<1x16xf32> to vector<16xf32>
            %swap3A_927 = arith.index_cast %squeeze3A_887 : i32 to index
            %swap3A_928 = arith.constant 48 : index
            %swap3A_929 = tpu.vector_load %arg8[%swap3A_927, %swap3A_928] {strides = array<i32>} : memref<256x80xf32, #tpu.memory_space<vmem>>, vector<1x16xf32>,
            %swap3A_930 = vector.shape_cast %swap3A_929 : vector<1x16xf32> to vector<16xf32>
            %swap3A_931 = vector.shape_cast %get3A_926 : vector<16xf32> to vector<1x16xf32>
            tpu.vector_store %arg8[%swap3A_927, %swap3A_928], %swap3A_931 {add = true, strides = array<i32>} : memref<256x80xf32, #tpu.memory_space<vmem>>, vector<1x16xf32>,
            %swap3A_932 = arith.index_cast %squeeze3A_887 : i32 to index
            %swap3A_933 = arith.constant 64 : index
            %swap3A_934 = tpu.vector_load %arg8[%swap3A_932, %swap3A_933] {strides = array<i32>} : memref<256x80xf32, #tpu.memory_space<vmem>>, vector<1x16xf32>,
            %swap3A_935 = vector.shape_cast %swap3A_934 : vector<1x16xf32> to vector<16xf32>
            %swap3A_936 = vector.shape_cast %broadcast_in_dim3A_1 : vector<16xf32> to vector<1x16xf32>
            tpu.vector_store %arg8[%swap3A_932, %swap3A_933], %swap3A_936 {add = true, strides = array<i32>} : memref<256x80xf32, #tpu.memory_space<vmem>>, vector<1x16xf32>,
            %cond3A_937 = arith.constant 0 : i32
            scf.yield %cond3A_937 : i32
          } else {
            %cond3A_886 = arith.constant 0 : i32
            scf.yield %cond3A_886 : i32
          }
          %add3A_853 = arith.constant 12 : i32
          %add3A_854 = arith.addi %mul3A_746, %add3A_853 : i32
          %ge3A_855 = arith.cmpi sge, %add3A_854, %sub3A_698 : i32
          %convert_element_type3A_856 = arith.extui %ge3A_855 : i1 to i32
          %cond3A_857 = arith.constant 0 : i32
          %cond3A_858 = arith.constant 0 : i32
          %cond3A_859 = arith.cmpi ne, %convert_element_type3A_856, %cond3A_858 : i32
          %cond3A_860 = scf.if %cond3A_859 -> (i32) {
            %slice3A_886 = vector.extract_strided_slice %get3A_748 {offsets = [12], sizes = [1], strides = [1]} : vector<16xi32> to vector<1xi32>
            %squeeze3A_887 = vector.extract %slice3A_886[0] : i32 from vector<1xi32>
            %add3A_888 = arith.constant 12 : i32
            %add3A_889 = arith.addi %mul3A_746, %add3A_888 : i32
            %get3A_890 = arith.index_cast %add3A_889 : i32 to index
            %get3A_891 = arith.constant 0 : index
            %get3A_892 = tpu.vector_load %arg6[%get3A_890, %get3A_891] {strides = array<i32>} : memref<512x64xf32, #tpu.memory_space<vmem>>, vector<1x16xf32>,
            %get3A_893 = vector.shape_cast %get3A_892 : vector<1x16xf32> to vector<16xf32>
            %swap3A_894 = arith.index_cast %squeeze3A_887 : i32 to index
            %swap3A_895 = arith.constant 0 : index
            %swap3A_896 = tpu.vector_load %arg8[%swap3A_894, %swap3A_895] {strides = array<i32>} : memref<256x80xf32, #tpu.memory_space<vmem>>, vector<1x16xf32>,
            %swap3A_897 = vector.shape_cast %swap3A_896 : vector<1x16xf32> to vector<16xf32>
            %swap3A_898 = vector.shape_cast %get3A_893 : vector<16xf32> to vector<1x16xf32>
            tpu.vector_store %arg8[%swap3A_894, %swap3A_895], %swap3A_898 {add = true, strides = array<i32>} : memref<256x80xf32, #tpu.memory_space<vmem>>, vector<1x16xf32>,
            %add3A_899 = arith.constant 12 : i32
            %add3A_900 = arith.addi %mul3A_746, %add3A_899 : i32
            %get3A_901 = arith.index_cast %add3A_900 : i32 to index
            %get3A_902 = arith.constant 16 : index
            %get3A_903 = tpu.vector_load %arg6[%get3A_901, %get3A_902] {strides = array<i32>} : memref<512x64xf32, #tpu.memory_space<vmem>>, vector<1x16xf32>,
            %get3A_904 = vector.shape_cast %get3A_903 : vector<1x16xf32> to vector<16xf32>
            %swap3A_905 = arith.index_cast %squeeze3A_887 : i32 to index
            %swap3A_906 = arith.constant 16 : index
            %swap3A_907 = tpu.vector_load %arg8[%swap3A_905, %swap3A_906] {strides = array<i32>} : memref<256x80xf32, #tpu.memory_space<vmem>>, vector<1x16xf32>,
            %swap3A_908 = vector.shape_cast %swap3A_907 : vector<1x16xf32> to vector<16xf32>
            %swap3A_909 = vector.shape_cast %get3A_904 : vector<16xf32> to vector<1x16xf32>
            tpu.vector_store %arg8[%swap3A_905, %swap3A_906], %swap3A_909 {add = true, strides = array<i32>} : memref<256x80xf32, #tpu.memory_space<vmem>>, vector<1x16xf32>,
            %add3A_910 = arith.constant 12 : i32
            %add3A_911 = arith.addi %mul3A_746, %add3A_910 : i32
            %get3A_912 = arith.index_cast %add3A_911 : i32 to index
            %get3A_913 = arith.constant 32 : index
            %get3A_914 = tpu.vector_load %arg6[%get3A_912, %get3A_913] {strides = array<i32>} : memref<512x64xf32, #tpu.memory_space<vmem>>, vector<1x16xf32>,
            %get3A_915 = vector.shape_cast %get3A_914 : vector<1x16xf32> to vector<16xf32>
            %swap3A_916 = arith.index_cast %squeeze3A_887 : i32 to index
            %swap3A_917 = arith.constant 32 : index
            %swap3A_918 = tpu.vector_load %arg8[%swap3A_916, %swap3A_917] {strides = array<i32>} : memref<256x80xf32, #tpu.memory_space<vmem>>, vector<1x16xf32>,
            %swap3A_919 = vector.shape_cast %swap3A_918 : vector<1x16xf32> to vector<16xf32>
            %swap3A_920 = vector.shape_cast %get3A_915 : vector<16xf32> to vector<1x16xf32>
            tpu.vector_store %arg8[%swap3A_916, %swap3A_917], %swap3A_920 {add = true, strides = array<i32>} : memref<256x80xf32, #tpu.memory_space<vmem>>, vector<1x16xf32>,
            %add3A_921 = arith.constant 12 : i32
            %add3A_922 = arith.addi %mul3A_746, %add3A_921 : i32
            %get3A_923 = arith.index_cast %add3A_922 : i32 to index
            %get3A_924 = arith.constant 48 : index
            %get3A_925 = tpu.vector_load %arg6[%get3A_923, %get3A_924] {strides = array<i32>} : memref<512x64xf32, #tpu.memory_space<vmem>>, vector<1x16xf32>,
            %get3A_926 = vector.shape_cast %get3A_925 : vector<1x16xf32> to vector<16xf32>
            %swap3A_927 = arith.index_cast %squeeze3A_887 : i32 to index
            %swap3A_928 = arith.constant 48 : index
            %swap3A_929 = tpu.vector_load %arg8[%swap3A_927, %swap3A_928] {strides = array<i32>} : memref<256x80xf32, #tpu.memory_space<vmem>>, vector<1x16xf32>,
            %swap3A_930 = vector.shape_cast %swap3A_929 : vector<1x16xf32> to vector<16xf32>
            %swap3A_931 = vector.shape_cast %get3A_926 : vector<16xf32> to vector<1x16xf32>
            tpu.vector_store %arg8[%swap3A_927, %swap3A_928], %swap3A_931 {add = true, strides = array<i32>} : memref<256x80xf32, #tpu.memory_space<vmem>>, vector<1x16xf32>,
            %swap3A_932 = arith.index_cast %squeeze3A_887 : i32 to index
            %swap3A_933 = arith.constant 64 : index
            %swap3A_934 = tpu.vector_load %arg8[%swap3A_932, %swap3A_933] {strides = array<i32>} : memref<256x80xf32, #tpu.memory_space<vmem>>, vector<1x16xf32>,
            %swap3A_935 = vector.shape_cast %swap3A_934 : vector<1x16xf32> to vector<16xf32>
            %swap3A_936 = vector.shape_cast %broadcast_in_dim3A_1 : vector<16xf32> to vector<1x16xf32>
            tpu.vector_store %arg8[%swap3A_932, %swap3A_933], %swap3A_936 {add = true, strides = array<i32>} : memref<256x80xf32, #tpu.memory_space<vmem>>, vector<1x16xf32>,
            %cond3A_937 = arith.constant 0 : i32
            scf.yield %cond3A_937 : i32
          } else {
            %cond3A_886 = arith.constant 0 : i32
            scf.yield %cond3A_886 : i32
          }
          %add3A_861 = arith.constant 13 : i32
          %add3A_862 = arith.addi %mul3A_746, %add3A_861 : i32
          %ge3A_863 = arith.cmpi sge, %add3A_862, %sub3A_698 : i32
          %convert_element_type3A_864 = arith.extui %ge3A_863 : i1 to i32
          %cond3A_865 = arith.constant 0 : i32
          %cond3A_866 = arith.constant 0 : i32
          %cond3A_867 = arith.cmpi ne, %convert_element_type3A_864, %cond3A_866 : i32
          %cond3A_868 = scf.if %cond3A_867 -> (i32) {
            %slice3A_886 = vector.extract_strided_slice %get3A_748 {offsets = [13], sizes = [1], strides = [1]} : vector<16xi32> to vector<1xi32>
            %squeeze3A_887 = vector.extract %slice3A_886[0] : i32 from vector<1xi32>
            %add3A_888 = arith.constant 13 : i32
            %add3A_889 = arith.addi %mul3A_746, %add3A_888 : i32
            %get3A_890 = arith.index_cast %add3A_889 : i32 to index
            %get3A_891 = arith.constant 0 : index
            %get3A_892 = tpu.vector_load %arg6[%get3A_890, %get3A_891] {strides = array<i32>} : memref<512x64xf32, #tpu.memory_space<vmem>>, vector<1x16xf32>,
            %get3A_893 = vector.shape_cast %get3A_892 : vector<1x16xf32> to vector<16xf32>
            %swap3A_894 = arith.index_cast %squeeze3A_887 : i32 to index
            %swap3A_895 = arith.constant 0 : index
            %swap3A_896 = tpu.vector_load %arg8[%swap3A_894, %swap3A_895] {strides = array<i32>} : memref<256x80xf32, #tpu.memory_space<vmem>>, vector<1x16xf32>,
            %swap3A_897 = vector.shape_cast %swap3A_896 : vector<1x16xf32> to vector<16xf32>
            %swap3A_898 = vector.shape_cast %get3A_893 : vector<16xf32> to vector<1x16xf32>
            tpu.vector_store %arg8[%swap3A_894, %swap3A_895], %swap3A_898 {add = true, strides = array<i32>} : memref<256x80xf32, #tpu.memory_space<vmem>>, vector<1x16xf32>,
            %add3A_899 = arith.constant 13 : i32
            %add3A_900 = arith.addi %mul3A_746, %add3A_899 : i32
            %get3A_901 = arith.index_cast %add3A_900 : i32 to index
            %get3A_902 = arith.constant 16 : index
            %get3A_903 = tpu.vector_load %arg6[%get3A_901, %get3A_902] {strides = array<i32>} : memref<512x64xf32, #tpu.memory_space<vmem>>, vector<1x16xf32>,
            %get3A_904 = vector.shape_cast %get3A_903 : vector<1x16xf32> to vector<16xf32>
            %swap3A_905 = arith.index_cast %squeeze3A_887 : i32 to index
            %swap3A_906 = arith.constant 16 : index
            %swap3A_907 = tpu.vector_load %arg8[%swap3A_905, %swap3A_906] {strides = array<i32>} : memref<256x80xf32, #tpu.memory_space<vmem>>, vector<1x16xf32>,
            %swap3A_908 = vector.shape_cast %swap3A_907 : vector<1x16xf32> to vector<16xf32>
            %swap3A_909 = vector.shape_cast %get3A_904 : vector<16xf32> to vector<1x16xf32>
            tpu.vector_store %arg8[%swap3A_905, %swap3A_906], %swap3A_909 {add = true, strides = array<i32>} : memref<256x80xf32, #tpu.memory_space<vmem>>, vector<1x16xf32>,
            %add3A_910 = arith.constant 13 : i32
            %add3A_911 = arith.addi %mul3A_746, %add3A_910 : i32
            %get3A_912 = arith.index_cast %add3A_911 : i32 to index
            %get3A_913 = arith.constant 32 : index
            %get3A_914 = tpu.vector_load %arg6[%get3A_912, %get3A_913] {strides = array<i32>} : memref<512x64xf32, #tpu.memory_space<vmem>>, vector<1x16xf32>,
            %get3A_915 = vector.shape_cast %get3A_914 : vector<1x16xf32> to vector<16xf32>
            %swap3A_916 = arith.index_cast %squeeze3A_887 : i32 to index
            %swap3A_917 = arith.constant 32 : index
            %swap3A_918 = tpu.vector_load %arg8[%swap3A_916, %swap3A_917] {strides = array<i32>} : memref<256x80xf32, #tpu.memory_space<vmem>>, vector<1x16xf32>,
            %swap3A_919 = vector.shape_cast %swap3A_918 : vector<1x16xf32> to vector<16xf32>
            %swap3A_920 = vector.shape_cast %get3A_915 : vector<16xf32> to vector<1x16xf32>
            tpu.vector_store %arg8[%swap3A_916, %swap3A_917], %swap3A_920 {add = true, strides = array<i32>} : memref<256x80xf32, #tpu.memory_space<vmem>>, vector<1x16xf32>,
            %add3A_921 = arith.constant 13 : i32
            %add3A_922 = arith.addi %mul3A_746, %add3A_921 : i32
            %get3A_923 = arith.index_cast %add3A_922 : i32 to index
            %get3A_924 = arith.constant 48 : index
            %get3A_925 = tpu.vector_load %arg6[%get3A_923, %get3A_924] {strides = array<i32>} : memref<512x64xf32, #tpu.memory_space<vmem>>, vector<1x16xf32>,
            %get3A_926 = vector.shape_cast %get3A_925 : vector<1x16xf32> to vector<16xf32>
            %swap3A_927 = arith.index_cast %squeeze3A_887 : i32 to index
            %swap3A_928 = arith.constant 48 : index
            %swap3A_929 = tpu.vector_load %arg8[%swap3A_927, %swap3A_928] {strides = array<i32>} : memref<256x80xf32, #tpu.memory_space<vmem>>, vector<1x16xf32>,
            %swap3A_930 = vector.shape_cast %swap3A_929 : vector<1x16xf32> to vector<16xf32>
            %swap3A_931 = vector.shape_cast %get3A_926 : vector<16xf32> to vector<1x16xf32>
            tpu.vector_store %arg8[%swap3A_927, %swap3A_928], %swap3A_931 {add = true, strides = array<i32>} : memref<256x80xf32, #tpu.memory_space<vmem>>, vector<1x16xf32>,
            %swap3A_932 = arith.index_cast %squeeze3A_887 : i32 to index
            %swap3A_933 = arith.constant 64 : index
            %swap3A_934 = tpu.vector_load %arg8[%swap3A_932, %swap3A_933] {strides = array<i32>} : memref<256x80xf32, #tpu.memory_space<vmem>>, vector<1x16xf32>,
            %swap3A_935 = vector.shape_cast %swap3A_934 : vector<1x16xf32> to vector<16xf32>
            %swap3A_936 = vector.shape_cast %broadcast_in_dim3A_1 : vector<16xf32> to vector<1x16xf32>
            tpu.vector_store %arg8[%swap3A_932, %swap3A_933], %swap3A_936 {add = true, strides = array<i32>} : memref<256x80xf32, #tpu.memory_space<vmem>>, vector<1x16xf32>,
            %cond3A_937 = arith.constant 0 : i32
            scf.yield %cond3A_937 : i32
          } else {
            %cond3A_886 = arith.constant 0 : i32
            scf.yield %cond3A_886 : i32
          }
          %add3A_869 = arith.constant 14 : i32
          %add3A_870 = arith.addi %mul3A_746, %add3A_869 : i32
          %ge3A_871 = arith.cmpi sge, %add3A_870, %sub3A_698 : i32
          %convert_element_type3A_872 = arith.extui %ge3A_871 : i1 to i32
          %cond3A_873 = arith.constant 0 : i32
          %cond3A_874 = arith.constant 0 : i32
          %cond3A_875 = arith.cmpi ne, %convert_element_type3A_872, %cond3A_874 : i32
          %cond3A_876 = scf.if %cond3A_875 -> (i32) {
            %slice3A_886 = vector.extract_strided_slice %get3A_748 {offsets = [14], sizes = [1], strides = [1]} : vector<16xi32> to vector<1xi32>
            %squeeze3A_887 = vector.extract %slice3A_886[0] : i32 from vector<1xi32>
            %add3A_888 = arith.constant 14 : i32
            %add3A_889 = arith.addi %mul3A_746, %add3A_888 : i32
            %get3A_890 = arith.index_cast %add3A_889 : i32 to index
            %get3A_891 = arith.constant 0 : index
            %get3A_892 = tpu.vector_load %arg6[%get3A_890, %get3A_891] {strides = array<i32>} : memref<512x64xf32, #tpu.memory_space<vmem>>, vector<1x16xf32>,
            %get3A_893 = vector.shape_cast %get3A_892 : vector<1x16xf32> to vector<16xf32>
            %swap3A_894 = arith.index_cast %squeeze3A_887 : i32 to index
            %swap3A_895 = arith.constant 0 : index
            %swap3A_896 = tpu.vector_load %arg8[%swap3A_894, %swap3A_895] {strides = array<i32>} : memref<256x80xf32, #tpu.memory_space<vmem>>, vector<1x16xf32>,
            %swap3A_897 = vector.shape_cast %swap3A_896 : vector<1x16xf32> to vector<16xf32>
            %swap3A_898 = vector.shape_cast %get3A_893 : vector<16xf32> to vector<1x16xf32>
            tpu.vector_store %arg8[%swap3A_894, %swap3A_895], %swap3A_898 {add = true, strides = array<i32>} : memref<256x80xf32, #tpu.memory_space<vmem>>, vector<1x16xf32>,
            %add3A_899 = arith.constant 14 : i32
            %add3A_900 = arith.addi %mul3A_746, %add3A_899 : i32
            %get3A_901 = arith.index_cast %add3A_900 : i32 to index
            %get3A_902 = arith.constant 16 : index
            %get3A_903 = tpu.vector_load %arg6[%get3A_901, %get3A_902] {strides = array<i32>} : memref<512x64xf32, #tpu.memory_space<vmem>>, vector<1x16xf32>,
            %get3A_904 = vector.shape_cast %get3A_903 : vector<1x16xf32> to vector<16xf32>
            %swap3A_905 = arith.index_cast %squeeze3A_887 : i32 to index
            %swap3A_906 = arith.constant 16 : index
            %swap3A_907 = tpu.vector_load %arg8[%swap3A_905, %swap3A_906] {strides = array<i32>} : memref<256x80xf32, #tpu.memory_space<vmem>>, vector<1x16xf32>,
            %swap3A_908 = vector.shape_cast %swap3A_907 : vector<1x16xf32> to vector<16xf32>
            %swap3A_909 = vector.shape_cast %get3A_904 : vector<16xf32> to vector<1x16xf32>
            tpu.vector_store %arg8[%swap3A_905, %swap3A_906], %swap3A_909 {add = true, strides = array<i32>} : memref<256x80xf32, #tpu.memory_space<vmem>>, vector<1x16xf32>,
            %add3A_910 = arith.constant 14 : i32
            %add3A_911 = arith.addi %mul3A_746, %add3A_910 : i32
            %get3A_912 = arith.index_cast %add3A_911 : i32 to index
            %get3A_913 = arith.constant 32 : index
            %get3A_914 = tpu.vector_load %arg6[%get3A_912, %get3A_913] {strides = array<i32>} : memref<512x64xf32, #tpu.memory_space<vmem>>, vector<1x16xf32>,
            %get3A_915 = vector.shape_cast %get3A_914 : vector<1x16xf32> to vector<16xf32>
            %swap3A_916 = arith.index_cast %squeeze3A_887 : i32 to index
            %swap3A_917 = arith.constant 32 : index
            %swap3A_918 = tpu.vector_load %arg8[%swap3A_916, %swap3A_917] {strides = array<i32>} : memref<256x80xf32, #tpu.memory_space<vmem>>, vector<1x16xf32>,
            %swap3A_919 = vector.shape_cast %swap3A_918 : vector<1x16xf32> to vector<16xf32>
            %swap3A_920 = vector.shape_cast %get3A_915 : vector<16xf32> to vector<1x16xf32>
            tpu.vector_store %arg8[%swap3A_916, %swap3A_917], %swap3A_920 {add = true, strides = array<i32>} : memref<256x80xf32, #tpu.memory_space<vmem>>, vector<1x16xf32>,
            %add3A_921 = arith.constant 14 : i32
            %add3A_922 = arith.addi %mul3A_746, %add3A_921 : i32
            %get3A_923 = arith.index_cast %add3A_922 : i32 to index
            %get3A_924 = arith.constant 48 : index
            %get3A_925 = tpu.vector_load %arg6[%get3A_923, %get3A_924] {strides = array<i32>} : memref<512x64xf32, #tpu.memory_space<vmem>>, vector<1x16xf32>,
            %get3A_926 = vector.shape_cast %get3A_925 : vector<1x16xf32> to vector<16xf32>
            %swap3A_927 = arith.index_cast %squeeze3A_887 : i32 to index
            %swap3A_928 = arith.constant 48 : index
            %swap3A_929 = tpu.vector_load %arg8[%swap3A_927, %swap3A_928] {strides = array<i32>} : memref<256x80xf32, #tpu.memory_space<vmem>>, vector<1x16xf32>,
            %swap3A_930 = vector.shape_cast %swap3A_929 : vector<1x16xf32> to vector<16xf32>
            %swap3A_931 = vector.shape_cast %get3A_926 : vector<16xf32> to vector<1x16xf32>
            tpu.vector_store %arg8[%swap3A_927, %swap3A_928], %swap3A_931 {add = true, strides = array<i32>} : memref<256x80xf32, #tpu.memory_space<vmem>>, vector<1x16xf32>,
            %swap3A_932 = arith.index_cast %squeeze3A_887 : i32 to index
            %swap3A_933 = arith.constant 64 : index
            %swap3A_934 = tpu.vector_load %arg8[%swap3A_932, %swap3A_933] {strides = array<i32>} : memref<256x80xf32, #tpu.memory_space<vmem>>, vector<1x16xf32>,
            %swap3A_935 = vector.shape_cast %swap3A_934 : vector<1x16xf32> to vector<16xf32>
            %swap3A_936 = vector.shape_cast %broadcast_in_dim3A_1 : vector<16xf32> to vector<1x16xf32>
            tpu.vector_store %arg8[%swap3A_932, %swap3A_933], %swap3A_936 {add = true, strides = array<i32>} : memref<256x80xf32, #tpu.memory_space<vmem>>, vector<1x16xf32>,
            %cond3A_937 = arith.constant 0 : i32
            scf.yield %cond3A_937 : i32
          } else {
            %cond3A_886 = arith.constant 0 : i32
            scf.yield %cond3A_886 : i32
          }
          %add3A_877 = arith.constant 15 : i32
          %add3A_878 = arith.addi %mul3A_746, %add3A_877 : i32
          %ge3A_879 = arith.cmpi sge, %add3A_878, %sub3A_698 : i32
          %convert_element_type3A_880 = arith.extui %ge3A_879 : i1 to i32
          %cond3A_881 = arith.constant 0 : i32
          %cond3A_882 = arith.constant 0 : i32
          %cond3A_883 = arith.cmpi ne, %convert_element_type3A_880, %cond3A_882 : i32
          %cond3A_884 = scf.if %cond3A_883 -> (i32) {
            %slice3A_886 = vector.extract_strided_slice %get3A_748 {offsets = [15], sizes = [1], strides = [1]} : vector<16xi32> to vector<1xi32>
            %squeeze3A_887 = vector.extract %slice3A_886[0] : i32 from vector<1xi32>
            %add3A_888 = arith.constant 15 : i32
            %add3A_889 = arith.addi %mul3A_746, %add3A_888 : i32
            %get3A_890 = arith.index_cast %add3A_889 : i32 to index
            %get3A_891 = arith.constant 0 : index
            %get3A_892 = tpu.vector_load %arg6[%get3A_890, %get3A_891] {strides = array<i32>} : memref<512x64xf32, #tpu.memory_space<vmem>>, vector<1x16xf32>,
            %get3A_893 = vector.shape_cast %get3A_892 : vector<1x16xf32> to vector<16xf32>
            %swap3A_894 = arith.index_cast %squeeze3A_887 : i32 to index
            %swap3A_895 = arith.constant 0 : index
            %swap3A_896 = tpu.vector_load %arg8[%swap3A_894, %swap3A_895] {strides = array<i32>} : memref<256x80xf32, #tpu.memory_space<vmem>>, vector<1x16xf32>,
            %swap3A_897 = vector.shape_cast %swap3A_896 : vector<1x16xf32> to vector<16xf32>
            %swap3A_898 = vector.shape_cast %get3A_893 : vector<16xf32> to vector<1x16xf32>
            tpu.vector_store %arg8[%swap3A_894, %swap3A_895], %swap3A_898 {add = true, strides = array<i32>} : memref<256x80xf32, #tpu.memory_space<vmem>>, vector<1x16xf32>,
            %add3A_899 = arith.constant 15 : i32
            %add3A_900 = arith.addi %mul3A_746, %add3A_899 : i32
            %get3A_901 = arith.index_cast %add3A_900 : i32 to index
            %get3A_902 = arith.constant 16 : index
            %get3A_903 = tpu.vector_load %arg6[%get3A_901, %get3A_902] {strides = array<i32>} : memref<512x64xf32, #tpu.memory_space<vmem>>, vector<1x16xf32>,
            %get3A_904 = vector.shape_cast %get3A_903 : vector<1x16xf32> to vector<16xf32>
            %swap3A_905 = arith.index_cast %squeeze3A_887 : i32 to index
            %swap3A_906 = arith.constant 16 : index
            %swap3A_907 = tpu.vector_load %arg8[%swap3A_905, %swap3A_906] {strides = array<i32>} : memref<256x80xf32, #tpu.memory_space<vmem>>, vector<1x16xf32>,
            %swap3A_908 = vector.shape_cast %swap3A_907 : vector<1x16xf32> to vector<16xf32>
            %swap3A_909 = vector.shape_cast %get3A_904 : vector<16xf32> to vector<1x16xf32>
            tpu.vector_store %arg8[%swap3A_905, %swap3A_906], %swap3A_909 {add = true, strides = array<i32>} : memref<256x80xf32, #tpu.memory_space<vmem>>, vector<1x16xf32>,
            %add3A_910 = arith.constant 15 : i32
            %add3A_911 = arith.addi %mul3A_746, %add3A_910 : i32
            %get3A_912 = arith.index_cast %add3A_911 : i32 to index
            %get3A_913 = arith.constant 32 : index
            %get3A_914 = tpu.vector_load %arg6[%get3A_912, %get3A_913] {strides = array<i32>} : memref<512x64xf32, #tpu.memory_space<vmem>>, vector<1x16xf32>,
            %get3A_915 = vector.shape_cast %get3A_914 : vector<1x16xf32> to vector<16xf32>
            %swap3A_916 = arith.index_cast %squeeze3A_887 : i32 to index
            %swap3A_917 = arith.constant 32 : index
            %swap3A_918 = tpu.vector_load %arg8[%swap3A_916, %swap3A_917] {strides = array<i32>} : memref<256x80xf32, #tpu.memory_space<vmem>>, vector<1x16xf32>,
            %swap3A_919 = vector.shape_cast %swap3A_918 : vector<1x16xf32> to vector<16xf32>
            %swap3A_920 = vector.shape_cast %get3A_915 : vector<16xf32> to vector<1x16xf32>
            tpu.vector_store %arg8[%swap3A_916, %swap3A_917], %swap3A_920 {add = true, strides = array<i32>} : memref<256x80xf32, #tpu.memory_space<vmem>>, vector<1x16xf32>,
            %add3A_921 = arith.constant 15 : i32
            %add3A_922 = arith.addi %mul3A_746, %add3A_921 : i32
            %get3A_923 = arith.index_cast %add3A_922 : i32 to index
            %get3A_924 = arith.constant 48 : index
            %get3A_925 = tpu.vector_load %arg6[%get3A_923, %get3A_924] {strides = array<i32>} : memref<512x64xf32, #tpu.memory_space<vmem>>, vector<1x16xf32>,
            %get3A_926 = vector.shape_cast %get3A_925 : vector<1x16xf32> to vector<16xf32>
            %swap3A_927 = arith.index_cast %squeeze3A_887 : i32 to index
            %swap3A_928 = arith.constant 48 : index
            %swap3A_929 = tpu.vector_load %arg8[%swap3A_927, %swap3A_928] {strides = array<i32>} : memref<256x80xf32, #tpu.memory_space<vmem>>, vector<1x16xf32>,
            %swap3A_930 = vector.shape_cast %swap3A_929 : vector<1x16xf32> to vector<16xf32>
            %swap3A_931 = vector.shape_cast %get3A_926 : vector<16xf32> to vector<1x16xf32>
            tpu.vector_store %arg8[%swap3A_927, %swap3A_928], %swap3A_931 {add = true, strides = array<i32>} : memref<256x80xf32, #tpu.memory_space<vmem>>, vector<1x16xf32>,
            %swap3A_932 = arith.index_cast %squeeze3A_887 : i32 to index
            %swap3A_933 = arith.constant 64 : index
            %swap3A_934 = tpu.vector_load %arg8[%swap3A_932, %swap3A_933] {strides = array<i32>} : memref<256x80xf32, #tpu.memory_space<vmem>>, vector<1x16xf32>,
            %swap3A_935 = vector.shape_cast %swap3A_934 : vector<1x16xf32> to vector<16xf32>
            %swap3A_936 = vector.shape_cast %broadcast_in_dim3A_1 : vector<16xf32> to vector<1x16xf32>
            tpu.vector_store %arg8[%swap3A_932, %swap3A_933], %swap3A_936 {add = true, strides = array<i32>} : memref<256x80xf32, #tpu.memory_space<vmem>>, vector<1x16xf32>,
            %cond3A_937 = arith.constant 0 : i32
            scf.yield %cond3A_937 : i32
          } else {
            %cond3A_886 = arith.constant 0 : i32
            scf.yield %cond3A_886 : i32
          }
          %cond3A_885 = arith.constant 0 : i32
          scf.yield %cond3A_885 : i32
        }
      }
      %scan3A_704 = arith.constant 32 : i32
      %add3A_705 = arith.constant 1 : i32
      %add3A_706 = arith.addi %mul3A_669, %add3A_705 : i32
      %mul3A_707 = arith.constant 512 : i32
      %mul3A_708 = arith.muli %add3A_706, %mul3A_707 : i32
      %add3A_709 = arith.addi %mul3A_636, %mul3A_708 : i32
      %sub3A_710 = arith.constant 512 : i32
      %sub3A_711 = arith.subi %min3A_639, %sub3A_710 : i32
      %min3A_712 = arith.minsi %add3A_709, %sub3A_711 : i32
      %dma_wait3A_713 = tpu.memref_slice %arg2[%min3A_712, %mul3A_0] : memref<100000x128xf32, #tpu.memory_space<hbm>> -> memref<512x64xf32, #tpu.memory_space<hbm>>
      %dma_wait3A_714 = tpu.memref_slice %arg2[%min3A_712, %mul3A_0] : memref<100000x128xf32, #tpu.memory_space<hbm>> -> memref<512x64xf32, #tpu.memory_space<hbm>>
      tpu.wait_dma2 semaphore(%arg17 : memref<!tpu.dma_semaphore, #tpu.memory_space<semaphore_mem>>) src(%dma_wait3A_714 : memref<512x64xf32, #tpu.memory_space<hbm>>) dst(%arg7 : memref<512x64xf32, #tpu.memory_space<vmem>>)
      %dma_wait3A_715 = tpu.memref_slice %arg3[%min3A_712] : memref<100000xi32, #tpu.memory_space<hbm>> -> memref<512xi32, #tpu.memory_space<hbm>>
      %dma_wait3A_716 = tpu.memref_slice %arg3[%min3A_712] : memref<100000xi32, #tpu.memory_space<hbm>> -> memref<512xi32, #tpu.memory_space<hbm>>
      tpu.wait_dma2 semaphore(%arg17 : memref<!tpu.dma_semaphore, #tpu.memory_space<semaphore_mem>>) src(%dma_wait3A_716 : memref<512xi32, #tpu.memory_space<hbm>>) dst(%arg15 : memref<512xi32, #tpu.memory_space<vmem>>)
      %add3A_717 = arith.constant 2 : i32
      %add3A_718 = arith.addi %mul3A_669, %add3A_717 : i32
      %mul3A_719 = arith.constant 512 : i32
      %mul3A_720 = arith.muli %add3A_718, %mul3A_719 : i32
      %add3A_721 = arith.addi %mul3A_636, %mul3A_720 : i32
      %sub3A_722 = arith.constant 512 : i32
      %sub3A_723 = arith.subi %min3A_639, %sub3A_722 : i32
      %min3A_724 = arith.minsi %add3A_721, %sub3A_723 : i32
      %dma_start3A_725 = tpu.memref_slice %arg2[%min3A_724, %mul3A_0] : memref<100000x128xf32, #tpu.memory_space<hbm>> -> memref<512x64xf32, #tpu.memory_space<hbm>>
      %dma_start3A_726 = tpu.memref_slice %arg2[%min3A_724, %mul3A_0] : memref<100000x128xf32, #tpu.memory_space<hbm>> -> memref<512x64xf32, #tpu.memory_space<hbm>>
      tpu.enqueue_dma source(%dma_start3A_726 : memref<512x64xf32, #tpu.memory_space<hbm>>) target(%arg6 : memref<512x64xf32, #tpu.memory_space<vmem>>) target_semaphore(%arg16 : memref<!tpu.dma_semaphore, #tpu.memory_space<semaphore_mem>>)
      %dma_start3A_727 = tpu.memref_slice %arg3[%min3A_724] : memref<100000xi32, #tpu.memory_space<hbm>> -> memref<512xi32, #tpu.memory_space<hbm>>
      %dma_start3A_728 = tpu.memref_slice %arg3[%min3A_724] : memref<100000xi32, #tpu.memory_space<hbm>> -> memref<512xi32, #tpu.memory_space<hbm>>
      tpu.enqueue_dma source(%dma_start3A_728 : memref<512xi32, #tpu.memory_space<hbm>>) target(%arg14 : memref<512xi32, #tpu.memory_space<vmem>>) target_semaphore(%arg16 : memref<!tpu.dma_semaphore, #tpu.memory_space<semaphore_mem>>)
      %add3A_729 = arith.constant 1 : i32
      %add3A_730 = arith.addi %mul3A_669, %add3A_729 : i32
      %mul3A_731 = arith.constant 512 : i32
      %mul3A_732 = arith.muli %add3A_730, %mul3A_731 : i32
      %add3A_733 = arith.addi %mul3A_636, %mul3A_732 : i32
      %sub3A_734 = arith.constant 512 : i32
      %sub3A_735 = arith.subi %min3A_639, %sub3A_734 : i32
      %min3A_736 = arith.minsi %add3A_733, %sub3A_735 : i32
      %sub3A_737 = arith.subi %add3A_733, %min3A_736 : i32
      %scan3A_738 = arith.constant 0 : i32
      %scan3A_739 = arith.constant 0 : i32
      %scan3A_740 = arith.constant 32 : i32
      %scan3A_741 = arith.addi %scan3A_739, %scan3A_740 : i32
      %scan3A_742 = arith.constant 1 : i32
      scf.for %scan3A_744 = %scan3A_739 to %scan3A_741 step %scan3A_742  : i32 {
        %mul3A_745 = arith.constant 16 : i32
        %mul3A_746 = arith.muli %scan3A_744, %mul3A_745 : i32
        %get3A = arith.index_cast %mul3A_746 : i32 to index
        %get3A_747 = tpu.vector_load %arg15[%get3A] {strides = array<i32>} : memref<512xi32, #tpu.memory_space<vmem>>, vector<16xi32>,
        %get3A_748 = vector.shape_cast %get3A_747 : vector<16xi32> to vector<16xi32>
        %slice3A = vector.extract_strided_slice %get3A_748 {offsets = [0], sizes = [1], strides = [1]} : vector<16xi32> to vector<1xi32>
        %squeeze3A = vector.extract %slice3A[0] : i32 from vector<1xi32>
        %slice3A_749 = vector.extract_strided_slice %get3A_748 {offsets = [15], sizes = [1], strides = [1]} : vector<16xi32> to vector<1xi32>
        %squeeze3A_750 = vector.extract %slice3A_749[0] : i32 from vector<1xi32>
        %eq3A_751 = arith.cmpi eq, %squeeze3A, %squeeze3A_750 : i32
        %ge3A = arith.cmpi sge, %mul3A_746, %sub3A_737 : i32
        %and3A = arith.andi %eq3A_751, %ge3A : i1
        %convert_element_type3A_752 = arith.extui %and3A : i1 to i32
        %cond3A_753 = arith.constant 0 : i32
        %cond3A_754 = arith.constant 0 : i32
        %cond3A_755 = arith.cmpi ne, %convert_element_type3A_752, %cond3A_754 : i32
        %cond3A_756 = scf.if %cond3A_755 -> (i32) {
          %add3A_757 = arith.constant 0 : i32
          %add3A_758 = arith.addi %mul3A_746, %add3A_757 : i32
          %get3A_759 = arith.index_cast %add3A_758 : i32 to index
          %get3A_760 = arith.constant 0 : index
          %get3A_761 = tpu.vector_load %arg7[%get3A_759, %get3A_760] {strides = array<i32>} : memref<512x64xf32, #tpu.memory_space<vmem>>, vector<1x16xf32>,
          %get3A_762 = vector.shape_cast %get3A_761 : vector<1x16xf32> to vector<16xf32>
          %add3A_763 = arith.addf %broadcast_in_dim3A_3, %get3A_762 : vector<16xf32>
          %add3A_764 = arith.constant 0 : i32
          %add3A_765 = arith.addi %mul3A_746, %add3A_764 : i32
          %get3A_766 = arith.index_cast %add3A_765 : i32 to index
          %get3A_767 = arith.constant 16 : index
          %get3A_768 = tpu.vector_load %arg7[%get3A_766, %get3A_767] {strides = array<i32>} : memref<512x64xf32, #tpu.memory_space<vmem>>, vector<1x16xf32>,
          %get3A_769 = vector.shape_cast %get3A_768 : vector<1x16xf32> to vector<16xf32>
          %add3A_770 = arith.addf %broadcast_in_dim3A_3, %get3A_769 : vector<16xf32>
          %add3A_771 = arith.constant 0 : i32
          %add3A_772 = arith.addi %mul3A_746, %add3A_771 : i32
          %get3A_773 = arith.index_cast %add3A_772 : i32 to index
          %get3A_774 = arith.constant 32 : index
          %get3A_775 = tpu.vector_load %arg7[%get3A_773, %get3A_774] {strides = array<i32>} : memref<512x64xf32, #tpu.memory_space<vmem>>, vector<1x16xf32>,
          %get3A_776 = vector.shape_cast %get3A_775 : vector<1x16xf32> to vector<16xf32>
          %add3A_777 = arith.addf %broadcast_in_dim3A_3, %get3A_776 : vector<16xf32>
          %add3A_778 = arith.constant 0 : i32
          %add3A_779 = arith.addi %mul3A_746, %add3A_778 : i32
          %get3A_780 = arith.index_cast %add3A_779 : i32 to index
          %get3A_781 = arith.constant 48 : index
          %get3A_782 = tpu.vector_load %arg7[%get3A_780, %get3A_781] {strides = array<i32>} : memref<512x64xf32, #tpu.memory_space<vmem>>, vector<1x16xf32>,
          %get3A_783 = vector.shape_cast %get3A_782 : vector<1x16xf32> to vector<16xf32>
          %add3A_784 = arith.addf %broadcast_in_dim3A_3, %get3A_783 : vector<16xf32>
          %add3A_785 = arith.constant 1 : i32
          %add3A_786 = arith.addi %mul3A_746, %add3A_785 : i32
          %get3A_787 = arith.index_cast %add3A_786 : i32 to index
          %get3A_788 = arith.constant 0 : index
          %get3A_789 = tpu.vector_load %arg7[%get3A_787, %get3A_788] {strides = array<i32>} : memref<512x64xf32, #tpu.memory_space<vmem>>, vector<1x16xf32>,
          %get3A_790 = vector.shape_cast %get3A_789 : vector<1x16xf32> to vector<16xf32>
          %add3A_791 = arith.addf %add3A_763, %get3A_790 : vector<16xf32>
          %add3A_792 = arith.constant 1 : i32
          %add3A_793 = arith.addi %mul3A_746, %add3A_792 : i32
          %get3A_794 = arith.index_cast %add3A_793 : i32 to index
          %get3A_795 = arith.constant 16 : index
          %get3A_796 = tpu.vector_load %arg7[%get3A_794, %get3A_795] {strides = array<i32>} : memref<512x64xf32, #tpu.memory_space<vmem>>, vector<1x16xf32>,
          %get3A_797 = vector.shape_cast %get3A_796 : vector<1x16xf32> to vector<16xf32>
          %add3A_798 = arith.addf %add3A_770, %get3A_797 : vector<16xf32>
          %add3A_799 = arith.constant 1 : i32
          %add3A_800 = arith.addi %mul3A_746, %add3A_799 : i32
          %get3A_801 = arith.index_cast %add3A_800 : i32 to index
          %get3A_802 = arith.constant 32 : index
          %get3A_803 = tpu.vector_load %arg7[%get3A_801, %get3A_802] {strides = array<i32>} : memref<512x64xf32, #tpu.memory_space<vmem>>, vector<1x16xf32>,
          %get3A_804 = vector.shape_cast %get3A_803 : vector<1x16xf32> to vector<16xf32>
          %add3A_805 = arith.addf %add3A_777, %get3A_804 : vector<16xf32>
          %add3A_806 = arith.constant 1 : i32
          %add3A_807 = arith.addi %mul3A_746, %add3A_806 : i32
          %get3A_808 = arith.index_cast %add3A_807 : i32 to index
          %get3A_809 = arith.constant 48 : index
          %get3A_810 = tpu.vector_load %arg7[%get3A_808, %get3A_809] {strides = array<i32>} : memref<512x64xf32, #tpu.memory_space<vmem>>, vector<1x16xf32>,
          %get3A_811 = vector.shape_cast %get3A_810 : vector<1x16xf32> to vector<16xf32>
          %add3A_812 = arith.addf %add3A_784, %get3A_811 : vector<16xf32>
          %add3A_813 = arith.constant 2 : i32
          %add3A_814 = arith.addi %mul3A_746, %add3A_813 : i32
          %get3A_815 = arith.index_cast %add3A_814 : i32 to index
          %get3A_816 = arith.constant 0 : index
          %get3A_817 = tpu.vector_load %arg7[%get3A_815, %get3A_816] {strides = array<i32>} : memref<512x64xf32, #tpu.memory_space<vmem>>, vector<1x16xf32>,
          %get3A_818 = vector.shape_cast %get3A_817 : vector<1x16xf32> to vector<16xf32>
          %add3A_819 = arith.addf %add3A_791, %get3A_818 : vector<16xf32>
          %add3A_820 = arith.constant 2 : i32
          %add3A_821 = arith.addi %mul3A_746, %add3A_820 : i32
          %get3A_822 = arith.index_cast %add3A_821 : i32 to index
          %get3A_823 = arith.constant 16 : index
          %get3A_824 = tpu.vector_load %arg7[%get3A_822, %get3A_823] {strides = array<i32>} : memref<512x64xf32, #tpu.memory_space<vmem>>, vector<1x16xf32>,
          %get3A_825 = vector.shape_cast %get3A_824 : vector<1x16xf32> to vector<16xf32>
          %add3A_826 = arith.addf %add3A_798, %get3A_825 : vector<16xf32>
          %add3A_827 = arith.constant 2 : i32
          %add3A_828 = arith.addi %mul3A_746, %add3A_827 : i32
          %get3A_829 = arith.index_cast %add3A_828 : i32 to index
          %get3A_830 = arith.constant 32 : index
          %get3A_831 = tpu.vector_load %arg7[%get3A_829, %get3A_830] {strides = array<i32>} : memref<512x64xf32, #tpu.memory_space<vmem>>, vector<1x16xf32>,
          %get3A_832 = vector.shape_cast %get3A_831 : vector<1x16xf32> to vector<16xf32>
          %add3A_833 = arith.addf %add3A_805, %get3A_832 : vector<16xf32>
          %add3A_834 = arith.constant 2 : i32
          %add3A_835 = arith.addi %mul3A_746, %add3A_834 : i32
          %get3A_836 = arith.index_cast %add3A_835 : i32 to index
          %get3A_837 = arith.constant 48 : index
          %get3A_838 = tpu.vector_load %arg7[%get3A_836, %get3A_837] {strides = array<i32>} : memref<512x64xf32, #tpu.memory_space<vmem>>, vector<1x16xf32>,
          %get3A_839 = vector.shape_cast %get3A_838 : vector<1x16xf32> to vector<16xf32>
          %add3A_840 = arith.addf %add3A_812, %get3A_839 : vector<16xf32>
          %add3A_841 = arith.constant 3 : i32
          %add3A_842 = arith.addi %mul3A_746, %add3A_841 : i32
          %get3A_843 = arith.index_cast %add3A_842 : i32 to index
          %get3A_844 = arith.constant 0 : index
          %get3A_845 = tpu.vector_load %arg7[%get3A_843, %get3A_844] {strides = array<i32>} : memref<512x64xf32, #tpu.memory_space<vmem>>, vector<1x16xf32>,
          %get3A_846 = vector.shape_cast %get3A_845 : vector<1x16xf32> to vector<16xf32>
          %add3A_847 = arith.addf %add3A_819, %get3A_846 : vector<16xf32>
          %add3A_848 = arith.constant 3 : i32
          %add3A_849 = arith.addi %mul3A_746, %add3A_848 : i32
          %get3A_850 = arith.index_cast %add3A_849 : i32 to index
          %get3A_851 = arith.constant 16 : index
          %get3A_852 = tpu.vector_load %arg7[%get3A_850, %get3A_851] {strides = array<i32>} : memref<512x64xf32, #tpu.memory_space<vmem>>, vector<1x16xf32>,
          %get3A_853 = vector.shape_cast %get3A_852 : vector<1x16xf32> to vector<16xf32>
          %add3A_854 = arith.addf %add3A_826, %get3A_853 : vector<16xf32>
          %add3A_855 = arith.constant 3 : i32
          %add3A_856 = arith.addi %mul3A_746, %add3A_855 : i32
          %get3A_857 = arith.index_cast %add3A_856 : i32 to index
          %get3A_858 = arith.constant 32 : index
          %get3A_859 = tpu.vector_load %arg7[%get3A_857, %get3A_858] {strides = array<i32>} : memref<512x64xf32, #tpu.memory_space<vmem>>, vector<1x16xf32>,
          %get3A_860 = vector.shape_cast %get3A_859 : vector<1x16xf32> to vector<16xf32>
          %add3A_861 = arith.addf %add3A_833, %get3A_860 : vector<16xf32>
          %add3A_862 = arith.constant 3 : i32
          %add3A_863 = arith.addi %mul3A_746, %add3A_862 : i32
          %get3A_864 = arith.index_cast %add3A_863 : i32 to index
          %get3A_865 = arith.constant 48 : index
          %get3A_866 = tpu.vector_load %arg7[%get3A_864, %get3A_865] {strides = array<i32>} : memref<512x64xf32, #tpu.memory_space<vmem>>, vector<1x16xf32>,
          %get3A_867 = vector.shape_cast %get3A_866 : vector<1x16xf32> to vector<16xf32>
          %add3A_868 = arith.addf %add3A_840, %get3A_867 : vector<16xf32>
          %add3A_869 = arith.constant 4 : i32
          %add3A_870 = arith.addi %mul3A_746, %add3A_869 : i32
          %get3A_871 = arith.index_cast %add3A_870 : i32 to index
          %get3A_872 = arith.constant 0 : index
          %get3A_873 = tpu.vector_load %arg7[%get3A_871, %get3A_872] {strides = array<i32>} : memref<512x64xf32, #tpu.memory_space<vmem>>, vector<1x16xf32>,
          %get3A_874 = vector.shape_cast %get3A_873 : vector<1x16xf32> to vector<16xf32>
          %add3A_875 = arith.addf %add3A_847, %get3A_874 : vector<16xf32>
          %add3A_876 = arith.constant 4 : i32
          %add3A_877 = arith.addi %mul3A_746, %add3A_876 : i32
          %get3A_878 = arith.index_cast %add3A_877 : i32 to index
          %get3A_879 = arith.constant 16 : index
          %get3A_880 = tpu.vector_load %arg7[%get3A_878, %get3A_879] {strides = array<i32>} : memref<512x64xf32, #tpu.memory_space<vmem>>, vector<1x16xf32>,
          %get3A_881 = vector.shape_cast %get3A_880 : vector<1x16xf32> to vector<16xf32>
          %add3A_882 = arith.addf %add3A_854, %get3A_881 : vector<16xf32>
          %add3A_883 = arith.constant 4 : i32
          %add3A_884 = arith.addi %mul3A_746, %add3A_883 : i32
          %get3A_885 = arith.index_cast %add3A_884 : i32 to index
          %get3A_886 = arith.constant 32 : index
          %get3A_887 = tpu.vector_load %arg7[%get3A_885, %get3A_886] {strides = array<i32>} : memref<512x64xf32, #tpu.memory_space<vmem>>, vector<1x16xf32>,
          %get3A_888 = vector.shape_cast %get3A_887 : vector<1x16xf32> to vector<16xf32>
          %add3A_889 = arith.addf %add3A_861, %get3A_888 : vector<16xf32>
          %add3A_890 = arith.constant 4 : i32
          %add3A_891 = arith.addi %mul3A_746, %add3A_890 : i32
          %get3A_892 = arith.index_cast %add3A_891 : i32 to index
          %get3A_893 = arith.constant 48 : index
          %get3A_894 = tpu.vector_load %arg7[%get3A_892, %get3A_893] {strides = array<i32>} : memref<512x64xf32, #tpu.memory_space<vmem>>, vector<1x16xf32>,
          %get3A_895 = vector.shape_cast %get3A_894 : vector<1x16xf32> to vector<16xf32>
          %add3A_896 = arith.addf %add3A_868, %get3A_895 : vector<16xf32>
          %add3A_897 = arith.constant 5 : i32
          %add3A_898 = arith.addi %mul3A_746, %add3A_897 : i32
          %get3A_899 = arith.index_cast %add3A_898 : i32 to index
          %get3A_900 = arith.constant 0 : index
          %get3A_901 = tpu.vector_load %arg7[%get3A_899, %get3A_900] {strides = array<i32>} : memref<512x64xf32, #tpu.memory_space<vmem>>, vector<1x16xf32>,
          %get3A_902 = vector.shape_cast %get3A_901 : vector<1x16xf32> to vector<16xf32>
          %add3A_903 = arith.addf %add3A_875, %get3A_902 : vector<16xf32>
          %add3A_904 = arith.constant 5 : i32
          %add3A_905 = arith.addi %mul3A_746, %add3A_904 : i32
          %get3A_906 = arith.index_cast %add3A_905 : i32 to index
          %get3A_907 = arith.constant 16 : index
          %get3A_908 = tpu.vector_load %arg7[%get3A_906, %get3A_907] {strides = array<i32>} : memref<512x64xf32, #tpu.memory_space<vmem>>, vector<1x16xf32>,
          %get3A_909 = vector.shape_cast %get3A_908 : vector<1x16xf32> to vector<16xf32>
          %add3A_910 = arith.addf %add3A_882, %get3A_909 : vector<16xf32>
          %add3A_911 = arith.constant 5 : i32
          %add3A_912 = arith.addi %mul3A_746, %add3A_911 : i32
          %get3A_913 = arith.index_cast %add3A_912 : i32 to index
          %get3A_914 = arith.constant 32 : index
          %get3A_915 = tpu.vector_load %arg7[%get3A_913, %get3A_914] {strides = array<i32>} : memref<512x64xf32, #tpu.memory_space<vmem>>, vector<1x16xf32>,
          %get3A_916 = vector.shape_cast %get3A_915 : vector<1x16xf32> to vector<16xf32>
          %add3A_917 = arith.addf %add3A_889, %get3A_916 : vector<16xf32>
          %add3A_918 = arith.constant 5 : i32
          %add3A_919 = arith.addi %mul3A_746, %add3A_918 : i32
          %get3A_920 = arith.index_cast %add3A_919 : i32 to index
          %get3A_921 = arith.constant 48 : index
          %get3A_922 = tpu.vector_load %arg7[%get3A_920, %get3A_921] {strides = array<i32>} : memref<512x64xf32, #tpu.memory_space<vmem>>, vector<1x16xf32>,
          %get3A_923 = vector.shape_cast %get3A_922 : vector<1x16xf32> to vector<16xf32>
          %add3A_924 = arith.addf %add3A_896, %get3A_923 : vector<16xf32>
          %add3A_925 = arith.constant 6 : i32
          %add3A_926 = arith.addi %mul3A_746, %add3A_925 : i32
          %get3A_927 = arith.index_cast %add3A_926 : i32 to index
          %get3A_928 = arith.constant 0 : index
          %get3A_929 = tpu.vector_load %arg7[%get3A_927, %get3A_928] {strides = array<i32>} : memref<512x64xf32, #tpu.memory_space<vmem>>, vector<1x16xf32>,
          %get3A_930 = vector.shape_cast %get3A_929 : vector<1x16xf32> to vector<16xf32>
          %add3A_931 = arith.addf %add3A_903, %get3A_930 : vector<16xf32>
          %add3A_932 = arith.constant 6 : i32
          %add3A_933 = arith.addi %mul3A_746, %add3A_932 : i32
          %get3A_934 = arith.index_cast %add3A_933 : i32 to index
          %get3A_935 = arith.constant 16 : index
          %get3A_936 = tpu.vector_load %arg7[%get3A_934, %get3A_935] {strides = array<i32>} : memref<512x64xf32, #tpu.memory_space<vmem>>, vector<1x16xf32>,
          %get3A_937 = vector.shape_cast %get3A_936 : vector<1x16xf32> to vector<16xf32>
          %add3A_938 = arith.addf %add3A_910, %get3A_937 : vector<16xf32>
          %add3A_939 = arith.constant 6 : i32
          %add3A_940 = arith.addi %mul3A_746, %add3A_939 : i32
          %get3A_941 = arith.index_cast %add3A_940 : i32 to index
          %get3A_942 = arith.constant 32 : index
          %get3A_943 = tpu.vector_load %arg7[%get3A_941, %get3A_942] {strides = array<i32>} : memref<512x64xf32, #tpu.memory_space<vmem>>, vector<1x16xf32>,
          %get3A_944 = vector.shape_cast %get3A_943 : vector<1x16xf32> to vector<16xf32>
          %add3A_945 = arith.addf %add3A_917, %get3A_944 : vector<16xf32>
          %add3A_946 = arith.constant 6 : i32
          %add3A_947 = arith.addi %mul3A_746, %add3A_946 : i32
          %get3A_948 = arith.index_cast %add3A_947 : i32 to index
          %get3A_949 = arith.constant 48 : index
          %get3A_950 = tpu.vector_load %arg7[%get3A_948, %get3A_949] {strides = array<i32>} : memref<512x64xf32, #tpu.memory_space<vmem>>, vector<1x16xf32>,
          %get3A_951 = vector.shape_cast %get3A_950 : vector<1x16xf32> to vector<16xf32>
          %add3A_952 = arith.addf %add3A_924, %get3A_951 : vector<16xf32>
          %add3A_953 = arith.constant 7 : i32
          %add3A_954 = arith.addi %mul3A_746, %add3A_953 : i32
          %get3A_955 = arith.index_cast %add3A_954 : i32 to index
          %get3A_956 = arith.constant 0 : index
          %get3A_957 = tpu.vector_load %arg7[%get3A_955, %get3A_956] {strides = array<i32>} : memref<512x64xf32, #tpu.memory_space<vmem>>, vector<1x16xf32>,
          %get3A_958 = vector.shape_cast %get3A_957 : vector<1x16xf32> to vector<16xf32>
          %add3A_959 = arith.addf %add3A_931, %get3A_958 : vector<16xf32>
          %add3A_960 = arith.constant 7 : i32
          %add3A_961 = arith.addi %mul3A_746, %add3A_960 : i32
          %get3A_962 = arith.index_cast %add3A_961 : i32 to index
          %get3A_963 = arith.constant 16 : index
          %get3A_964 = tpu.vector_load %arg7[%get3A_962, %get3A_963] {strides = array<i32>} : memref<512x64xf32, #tpu.memory_space<vmem>>, vector<1x16xf32>,
          %get3A_965 = vector.shape_cast %get3A_964 : vector<1x16xf32> to vector<16xf32>
          %add3A_966 = arith.addf %add3A_938, %get3A_965 : vector<16xf32>
          %add3A_967 = arith.constant 7 : i32
          %add3A_968 = arith.addi %mul3A_746, %add3A_967 : i32
          %get3A_969 = arith.index_cast %add3A_968 : i32 to index
          %get3A_970 = arith.constant 32 : index
          %get3A_971 = tpu.vector_load %arg7[%get3A_969, %get3A_970] {strides = array<i32>} : memref<512x64xf32, #tpu.memory_space<vmem>>, vector<1x16xf32>,
          %get3A_972 = vector.shape_cast %get3A_971 : vector<1x16xf32> to vector<16xf32>
          %add3A_973 = arith.addf %add3A_945, %get3A_972 : vector<16xf32>
          %add3A_974 = arith.constant 7 : i32
          %add3A_975 = arith.addi %mul3A_746, %add3A_974 : i32
          %get3A_976 = arith.index_cast %add3A_975 : i32 to index
          %get3A_977 = arith.constant 48 : index
          %get3A_978 = tpu.vector_load %arg7[%get3A_976, %get3A_977] {strides = array<i32>} : memref<512x64xf32, #tpu.memory_space<vmem>>, vector<1x16xf32>,
          %get3A_979 = vector.shape_cast %get3A_978 : vector<1x16xf32> to vector<16xf32>
          %add3A_980 = arith.addf %add3A_952, %get3A_979 : vector<16xf32>
          %add3A_981 = arith.constant 8 : i32
          %add3A_982 = arith.addi %mul3A_746, %add3A_981 : i32
          %get3A_983 = arith.index_cast %add3A_982 : i32 to index
          %get3A_984 = arith.constant 0 : index
          %get3A_985 = tpu.vector_load %arg7[%get3A_983, %get3A_984] {strides = array<i32>} : memref<512x64xf32, #tpu.memory_space<vmem>>, vector<1x16xf32>,
          %get3A_986 = vector.shape_cast %get3A_985 : vector<1x16xf32> to vector<16xf32>
          %add3A_987 = arith.addf %add3A_959, %get3A_986 : vector<16xf32>
          %add3A_988 = arith.constant 8 : i32
          %add3A_989 = arith.addi %mul3A_746, %add3A_988 : i32
          %get3A_990 = arith.index_cast %add3A_989 : i32 to index
          %get3A_991 = arith.constant 16 : index
          %get3A_992 = tpu.vector_load %arg7[%get3A_990, %get3A_991] {strides = array<i32>} : memref<512x64xf32, #tpu.memory_space<vmem>>, vector<1x16xf32>,
          %get3A_993 = vector.shape_cast %get3A_992 : vector<1x16xf32> to vector<16xf32>
          %add3A_994 = arith.addf %add3A_966, %get3A_993 : vector<16xf32>
          %add3A_995 = arith.constant 8 : i32
          %add3A_996 = arith.addi %mul3A_746, %add3A_995 : i32
          %get3A_997 = arith.index_cast %add3A_996 : i32 to index
          %get3A_998 = arith.constant 32 : index
          %get3A_999 = tpu.vector_load %arg7[%get3A_997, %get3A_998] {strides = array<i32>} : memref<512x64xf32, #tpu.memory_space<vmem>>, vector<1x16xf32>,
          %get3A_1000 = vector.shape_cast %get3A_999 : vector<1x16xf32> to vector<16xf32>
          %add3A_1001 = arith.addf %add3A_973, %get3A_1000 : vector<16xf32>
          %add3A_1002 = arith.constant 8 : i32
          %add3A_1003 = arith.addi %mul3A_746, %add3A_1002 : i32
          %get3A_1004 = arith.index_cast %add3A_1003 : i32 to index
          %get3A_1005 = arith.constant 48 : index
          %get3A_1006 = tpu.vector_load %arg7[%get3A_1004, %get3A_1005] {strides = array<i32>} : memref<512x64xf32, #tpu.memory_space<vmem>>, vector<1x16xf32>,
          %get3A_1007 = vector.shape_cast %get3A_1006 : vector<1x16xf32> to vector<16xf32>
          %add3A_1008 = arith.addf %add3A_980, %get3A_1007 : vector<16xf32>
          %add3A_1009 = arith.constant 9 : i32
          %add3A_1010 = arith.addi %mul3A_746, %add3A_1009 : i32
          %get3A_1011 = arith.index_cast %add3A_1010 : i32 to index
          %get3A_1012 = arith.constant 0 : index
          %get3A_1013 = tpu.vector_load %arg7[%get3A_1011, %get3A_1012] {strides = array<i32>} : memref<512x64xf32, #tpu.memory_space<vmem>>, vector<1x16xf32>,
          %get3A_1014 = vector.shape_cast %get3A_1013 : vector<1x16xf32> to vector<16xf32>
          %add3A_1015 = arith.addf %add3A_987, %get3A_1014 : vector<16xf32>
          %add3A_1016 = arith.constant 9 : i32
          %add3A_1017 = arith.addi %mul3A_746, %add3A_1016 : i32
          %get3A_1018 = arith.index_cast %add3A_1017 : i32 to index
          %get3A_1019 = arith.constant 16 : index
          %get3A_1020 = tpu.vector_load %arg7[%get3A_1018, %get3A_1019] {strides = array<i32>} : memref<512x64xf32, #tpu.memory_space<vmem>>, vector<1x16xf32>,
          %get3A_1021 = vector.shape_cast %get3A_1020 : vector<1x16xf32> to vector<16xf32>
          %add3A_1022 = arith.addf %add3A_994, %get3A_1021 : vector<16xf32>
          %add3A_1023 = arith.constant 9 : i32
          %add3A_1024 = arith.addi %mul3A_746, %add3A_1023 : i32
          %get3A_1025 = arith.index_cast %add3A_1024 : i32 to index
          %get3A_1026 = arith.constant 32 : index
          %get3A_1027 = tpu.vector_load %arg7[%get3A_1025, %get3A_1026] {strides = array<i32>} : memref<512x64xf32, #tpu.memory_space<vmem>>, vector<1x16xf32>,
          %get3A_1028 = vector.shape_cast %get3A_1027 : vector<1x16xf32> to vector<16xf32>
          %add3A_1029 = arith.addf %add3A_1001, %get3A_1028 : vector<16xf32>
          %add3A_1030 = arith.constant 9 : i32
          %add3A_1031 = arith.addi %mul3A_746, %add3A_1030 : i32
          %get3A_1032 = arith.index_cast %add3A_1031 : i32 to index
          %get3A_1033 = arith.constant 48 : index
          %get3A_1034 = tpu.vector_load %arg7[%get3A_1032, %get3A_1033] {strides = array<i32>} : memref<512x64xf32, #tpu.memory_space<vmem>>, vector<1x16xf32>,
          %get3A_1035 = vector.shape_cast %get3A_1034 : vector<1x16xf32> to vector<16xf32>
          %add3A_1036 = arith.addf %add3A_1008, %get3A_1035 : vector<16xf32>
          %add3A_1037 = arith.constant 10 : i32
          %add3A_1038 = arith.addi %mul3A_746, %add3A_1037 : i32
          %get3A_1039 = arith.index_cast %add3A_1038 : i32 to index
          %get3A_1040 = arith.constant 0 : index
          %get3A_1041 = tpu.vector_load %arg7[%get3A_1039, %get3A_1040] {strides = array<i32>} : memref<512x64xf32, #tpu.memory_space<vmem>>, vector<1x16xf32>,
          %get3A_1042 = vector.shape_cast %get3A_1041 : vector<1x16xf32> to vector<16xf32>
          %add3A_1043 = arith.addf %add3A_1015, %get3A_1042 : vector<16xf32>
          %add3A_1044 = arith.constant 10 : i32
          %add3A_1045 = arith.addi %mul3A_746, %add3A_1044 : i32
          %get3A_1046 = arith.index_cast %add3A_1045 : i32 to index
          %get3A_1047 = arith.constant 16 : index
          %get3A_1048 = tpu.vector_load %arg7[%get3A_1046, %get3A_1047] {strides = array<i32>} : memref<512x64xf32, #tpu.memory_space<vmem>>, vector<1x16xf32>,
          %get3A_1049 = vector.shape_cast %get3A_1048 : vector<1x16xf32> to vector<16xf32>
          %add3A_1050 = arith.addf %add3A_1022, %get3A_1049 : vector<16xf32>
          %add3A_1051 = arith.constant 10 : i32
          %add3A_1052 = arith.addi %mul3A_746, %add3A_1051 : i32
          %get3A_1053 = arith.index_cast %add3A_1052 : i32 to index
          %get3A_1054 = arith.constant 32 : index
          %get3A_1055 = tpu.vector_load %arg7[%get3A_1053, %get3A_1054] {strides = array<i32>} : memref<512x64xf32, #tpu.memory_space<vmem>>, vector<1x16xf32>,
          %get3A_1056 = vector.shape_cast %get3A_1055 : vector<1x16xf32> to vector<16xf32>
          %add3A_1057 = arith.addf %add3A_1029, %get3A_1056 : vector<16xf32>
          %add3A_1058 = arith.constant 10 : i32
          %add3A_1059 = arith.addi %mul3A_746, %add3A_1058 : i32
          %get3A_1060 = arith.index_cast %add3A_1059 : i32 to index
          %get3A_1061 = arith.constant 48 : index
          %get3A_1062 = tpu.vector_load %arg7[%get3A_1060, %get3A_1061] {strides = array<i32>} : memref<512x64xf32, #tpu.memory_space<vmem>>, vector<1x16xf32>,
          %get3A_1063 = vector.shape_cast %get3A_1062 : vector<1x16xf32> to vector<16xf32>
          %add3A_1064 = arith.addf %add3A_1036, %get3A_1063 : vector<16xf32>
          %add3A_1065 = arith.constant 11 : i32
          %add3A_1066 = arith.addi %mul3A_746, %add3A_1065 : i32
          %get3A_1067 = arith.index_cast %add3A_1066 : i32 to index
          %get3A_1068 = arith.constant 0 : index
          %get3A_1069 = tpu.vector_load %arg7[%get3A_1067, %get3A_1068] {strides = array<i32>} : memref<512x64xf32, #tpu.memory_space<vmem>>, vector<1x16xf32>,
          %get3A_1070 = vector.shape_cast %get3A_1069 : vector<1x16xf32> to vector<16xf32>
          %add3A_1071 = arith.addf %add3A_1043, %get3A_1070 : vector<16xf32>
          %add3A_1072 = arith.constant 11 : i32
          %add3A_1073 = arith.addi %mul3A_746, %add3A_1072 : i32
          %get3A_1074 = arith.index_cast %add3A_1073 : i32 to index
          %get3A_1075 = arith.constant 16 : index
          %get3A_1076 = tpu.vector_load %arg7[%get3A_1074, %get3A_1075] {strides = array<i32>} : memref<512x64xf32, #tpu.memory_space<vmem>>, vector<1x16xf32>,
          %get3A_1077 = vector.shape_cast %get3A_1076 : vector<1x16xf32> to vector<16xf32>
          %add3A_1078 = arith.addf %add3A_1050, %get3A_1077 : vector<16xf32>
          %add3A_1079 = arith.constant 11 : i32
          %add3A_1080 = arith.addi %mul3A_746, %add3A_1079 : i32
          %get3A_1081 = arith.index_cast %add3A_1080 : i32 to index
          %get3A_1082 = arith.constant 32 : index
          %get3A_1083 = tpu.vector_load %arg7[%get3A_1081, %get3A_1082] {strides = array<i32>} : memref<512x64xf32, #tpu.memory_space<vmem>>, vector<1x16xf32>,
          %get3A_1084 = vector.shape_cast %get3A_1083 : vector<1x16xf32> to vector<16xf32>
          %add3A_1085 = arith.addf %add3A_1057, %get3A_1084 : vector<16xf32>
          %add3A_1086 = arith.constant 11 : i32
          %add3A_1087 = arith.addi %mul3A_746, %add3A_1086 : i32
          %get3A_1088 = arith.index_cast %add3A_1087 : i32 to index
          %get3A_1089 = arith.constant 48 : index
          %get3A_1090 = tpu.vector_load %arg7[%get3A_1088, %get3A_1089] {strides = array<i32>} : memref<512x64xf32, #tpu.memory_space<vmem>>, vector<1x16xf32>,
          %get3A_1091 = vector.shape_cast %get3A_1090 : vector<1x16xf32> to vector<16xf32>
          %add3A_1092 = arith.addf %add3A_1064, %get3A_1091 : vector<16xf32>
          %add3A_1093 = arith.constant 12 : i32
          %add3A_1094 = arith.addi %mul3A_746, %add3A_1093 : i32
          %get3A_1095 = arith.index_cast %add3A_1094 : i32 to index
          %get3A_1096 = arith.constant 0 : index
          %get3A_1097 = tpu.vector_load %arg7[%get3A_1095, %get3A_1096] {strides = array<i32>} : memref<512x64xf32, #tpu.memory_space<vmem>>, vector<1x16xf32>,
          %get3A_1098 = vector.shape_cast %get3A_1097 : vector<1x16xf32> to vector<16xf32>
          %add3A_1099 = arith.addf %add3A_1071, %get3A_1098 : vector<16xf32>
          %add3A_1100 = arith.constant 12 : i32
          %add3A_1101 = arith.addi %mul3A_746, %add3A_1100 : i32
          %get3A_1102 = arith.index_cast %add3A_1101 : i32 to index
          %get3A_1103 = arith.constant 16 : index
          %get3A_1104 = tpu.vector_load %arg7[%get3A_1102, %get3A_1103] {strides = array<i32>} : memref<512x64xf32, #tpu.memory_space<vmem>>, vector<1x16xf32>,
          %get3A_1105 = vector.shape_cast %get3A_1104 : vector<1x16xf32> to vector<16xf32>
          %add3A_1106 = arith.addf %add3A_1078, %get3A_1105 : vector<16xf32>
          %add3A_1107 = arith.constant 12 : i32
          %add3A_1108 = arith.addi %mul3A_746, %add3A_1107 : i32
          %get3A_1109 = arith.index_cast %add3A_1108 : i32 to index
          %get3A_1110 = arith.constant 32 : index
          %get3A_1111 = tpu.vector_load %arg7[%get3A_1109, %get3A_1110] {strides = array<i32>} : memref<512x64xf32, #tpu.memory_space<vmem>>, vector<1x16xf32>,
          %get3A_1112 = vector.shape_cast %get3A_1111 : vector<1x16xf32> to vector<16xf32>
          %add3A_1113 = arith.addf %add3A_1085, %get3A_1112 : vector<16xf32>
          %add3A_1114 = arith.constant 12 : i32
          %add3A_1115 = arith.addi %mul3A_746, %add3A_1114 : i32
          %get3A_1116 = arith.index_cast %add3A_1115 : i32 to index
          %get3A_1117 = arith.constant 48 : index
          %get3A_1118 = tpu.vector_load %arg7[%get3A_1116, %get3A_1117] {strides = array<i32>} : memref<512x64xf32, #tpu.memory_space<vmem>>, vector<1x16xf32>,
          %get3A_1119 = vector.shape_cast %get3A_1118 : vector<1x16xf32> to vector<16xf32>
          %add3A_1120 = arith.addf %add3A_1092, %get3A_1119 : vector<16xf32>
          %add3A_1121 = arith.constant 13 : i32
          %add3A_1122 = arith.addi %mul3A_746, %add3A_1121 : i32
          %get3A_1123 = arith.index_cast %add3A_1122 : i32 to index
          %get3A_1124 = arith.constant 0 : index
          %get3A_1125 = tpu.vector_load %arg7[%get3A_1123, %get3A_1124] {strides = array<i32>} : memref<512x64xf32, #tpu.memory_space<vmem>>, vector<1x16xf32>,
          %get3A_1126 = vector.shape_cast %get3A_1125 : vector<1x16xf32> to vector<16xf32>
          %add3A_1127 = arith.addf %add3A_1099, %get3A_1126 : vector<16xf32>
          %add3A_1128 = arith.constant 13 : i32
          %add3A_1129 = arith.addi %mul3A_746, %add3A_1128 : i32
          %get3A_1130 = arith.index_cast %add3A_1129 : i32 to index
          %get3A_1131 = arith.constant 16 : index
          %get3A_1132 = tpu.vector_load %arg7[%get3A_1130, %get3A_1131] {strides = array<i32>} : memref<512x64xf32, #tpu.memory_space<vmem>>, vector<1x16xf32>,
          %get3A_1133 = vector.shape_cast %get3A_1132 : vector<1x16xf32> to vector<16xf32>
          %add3A_1134 = arith.addf %add3A_1106, %get3A_1133 : vector<16xf32>
          %add3A_1135 = arith.constant 13 : i32
          %add3A_1136 = arith.addi %mul3A_746, %add3A_1135 : i32
          %get3A_1137 = arith.index_cast %add3A_1136 : i32 to index
          %get3A_1138 = arith.constant 32 : index
          %get3A_1139 = tpu.vector_load %arg7[%get3A_1137, %get3A_1138] {strides = array<i32>} : memref<512x64xf32, #tpu.memory_space<vmem>>, vector<1x16xf32>,
          %get3A_1140 = vector.shape_cast %get3A_1139 : vector<1x16xf32> to vector<16xf32>
          %add3A_1141 = arith.addf %add3A_1113, %get3A_1140 : vector<16xf32>
          %add3A_1142 = arith.constant 13 : i32
          %add3A_1143 = arith.addi %mul3A_746, %add3A_1142 : i32
          %get3A_1144 = arith.index_cast %add3A_1143 : i32 to index
          %get3A_1145 = arith.constant 48 : index
          %get3A_1146 = tpu.vector_load %arg7[%get3A_1144, %get3A_1145] {strides = array<i32>} : memref<512x64xf32, #tpu.memory_space<vmem>>, vector<1x16xf32>,
          %get3A_1147 = vector.shape_cast %get3A_1146 : vector<1x16xf32> to vector<16xf32>
          %add3A_1148 = arith.addf %add3A_1120, %get3A_1147 : vector<16xf32>
          %add3A_1149 = arith.constant 14 : i32
          %add3A_1150 = arith.addi %mul3A_746, %add3A_1149 : i32
          %get3A_1151 = arith.index_cast %add3A_1150 : i32 to index
          %get3A_1152 = arith.constant 0 : index
          %get3A_1153 = tpu.vector_load %arg7[%get3A_1151, %get3A_1152] {strides = array<i32>} : memref<512x64xf32, #tpu.memory_space<vmem>>, vector<1x16xf32>,
          %get3A_1154 = vector.shape_cast %get3A_1153 : vector<1x16xf32> to vector<16xf32>
          %add3A_1155 = arith.addf %add3A_1127, %get3A_1154 : vector<16xf32>
          %add3A_1156 = arith.constant 14 : i32
          %add3A_1157 = arith.addi %mul3A_746, %add3A_1156 : i32
          %get3A_1158 = arith.index_cast %add3A_1157 : i32 to index
          %get3A_1159 = arith.constant 16 : index
          %get3A_1160 = tpu.vector_load %arg7[%get3A_1158, %get3A_1159] {strides = array<i32>} : memref<512x64xf32, #tpu.memory_space<vmem>>, vector<1x16xf32>,
          %get3A_1161 = vector.shape_cast %get3A_1160 : vector<1x16xf32> to vector<16xf32>
          %add3A_1162 = arith.addf %add3A_1134, %get3A_1161 : vector<16xf32>
          %add3A_1163 = arith.constant 14 : i32
          %add3A_1164 = arith.addi %mul3A_746, %add3A_1163 : i32
          %get3A_1165 = arith.index_cast %add3A_1164 : i32 to index
          %get3A_1166 = arith.constant 32 : index
          %get3A_1167 = tpu.vector_load %arg7[%get3A_1165, %get3A_1166] {strides = array<i32>} : memref<512x64xf32, #tpu.memory_space<vmem>>, vector<1x16xf32>,
          %get3A_1168 = vector.shape_cast %get3A_1167 : vector<1x16xf32> to vector<16xf32>
          %add3A_1169 = arith.addf %add3A_1141, %get3A_1168 : vector<16xf32>
          %add3A_1170 = arith.constant 14 : i32
          %add3A_1171 = arith.addi %mul3A_746, %add3A_1170 : i32
          %get3A_1172 = arith.index_cast %add3A_1171 : i32 to index
          %get3A_1173 = arith.constant 48 : index
          %get3A_1174 = tpu.vector_load %arg7[%get3A_1172, %get3A_1173] {strides = array<i32>} : memref<512x64xf32, #tpu.memory_space<vmem>>, vector<1x16xf32>,
          %get3A_1175 = vector.shape_cast %get3A_1174 : vector<1x16xf32> to vector<16xf32>
          %add3A_1176 = arith.addf %add3A_1148, %get3A_1175 : vector<16xf32>
          %add3A_1177 = arith.constant 15 : i32
          %add3A_1178 = arith.addi %mul3A_746, %add3A_1177 : i32
          %get3A_1179 = arith.index_cast %add3A_1178 : i32 to index
          %get3A_1180 = arith.constant 0 : index
          %get3A_1181 = tpu.vector_load %arg7[%get3A_1179, %get3A_1180] {strides = array<i32>} : memref<512x64xf32, #tpu.memory_space<vmem>>, vector<1x16xf32>,
          %get3A_1182 = vector.shape_cast %get3A_1181 : vector<1x16xf32> to vector<16xf32>
          %add3A_1183 = arith.addf %add3A_1155, %get3A_1182 : vector<16xf32>
          %add3A_1184 = arith.constant 15 : i32
          %add3A_1185 = arith.addi %mul3A_746, %add3A_1184 : i32
          %get3A_1186 = arith.index_cast %add3A_1185 : i32 to index
          %get3A_1187 = arith.constant 16 : index
          %get3A_1188 = tpu.vector_load %arg7[%get3A_1186, %get3A_1187] {strides = array<i32>} : memref<512x64xf32, #tpu.memory_space<vmem>>, vector<1x16xf32>,
          %get3A_1189 = vector.shape_cast %get3A_1188 : vector<1x16xf32> to vector<16xf32>
          %add3A_1190 = arith.addf %add3A_1162, %get3A_1189 : vector<16xf32>
          %add3A_1191 = arith.constant 15 : i32
          %add3A_1192 = arith.addi %mul3A_746, %add3A_1191 : i32
          %get3A_1193 = arith.index_cast %add3A_1192 : i32 to index
          %get3A_1194 = arith.constant 32 : index
          %get3A_1195 = tpu.vector_load %arg7[%get3A_1193, %get3A_1194] {strides = array<i32>} : memref<512x64xf32, #tpu.memory_space<vmem>>, vector<1x16xf32>,
          %get3A_1196 = vector.shape_cast %get3A_1195 : vector<1x16xf32> to vector<16xf32>
          %add3A_1197 = arith.addf %add3A_1169, %get3A_1196 : vector<16xf32>
          %add3A_1198 = arith.constant 15 : i32
          %add3A_1199 = arith.addi %mul3A_746, %add3A_1198 : i32
          %get3A_1200 = arith.index_cast %add3A_1199 : i32 to index
          %get3A_1201 = arith.constant 48 : index
          %get3A_1202 = tpu.vector_load %arg7[%get3A_1200, %get3A_1201] {strides = array<i32>} : memref<512x64xf32, #tpu.memory_space<vmem>>, vector<1x16xf32>,
          %get3A_1203 = vector.shape_cast %get3A_1202 : vector<1x16xf32> to vector<16xf32>
          %add3A_1204 = arith.addf %add3A_1176, %get3A_1203 : vector<16xf32>
          %swap3A_1205 = arith.index_cast %squeeze3A : i32 to index
          %swap3A_1206 = arith.constant 0 : index
          %swap3A_1207 = tpu.vector_load %arg8[%swap3A_1205, %swap3A_1206] {strides = array<i32>} : memref<256x80xf32, #tpu.memory_space<vmem>>, vector<1x16xf32>,
          %swap3A_1208 = vector.shape_cast %swap3A_1207 : vector<1x16xf32> to vector<16xf32>
          %swap3A_1209 = vector.shape_cast %add3A_1183 : vector<16xf32> to vector<1x16xf32>
          tpu.vector_store %arg8[%swap3A_1205, %swap3A_1206], %swap3A_1209 {add = true, strides = array<i32>} : memref<256x80xf32, #tpu.memory_space<vmem>>, vector<1x16xf32>,
          %swap3A_1210 = arith.index_cast %squeeze3A : i32 to index
          %swap3A_1211 = arith.constant 16 : index
          %swap3A_1212 = tpu.vector_load %arg8[%swap3A_1210, %swap3A_1211] {strides = array<i32>} : memref<256x80xf32, #tpu.memory_space<vmem>>, vector<1x16xf32>,
          %swap3A_1213 = vector.shape_cast %swap3A_1212 : vector<1x16xf32> to vector<16xf32>
          %swap3A_1214 = vector.shape_cast %add3A_1190 : vector<16xf32> to vector<1x16xf32>
          tpu.vector_store %arg8[%swap3A_1210, %swap3A_1211], %swap3A_1214 {add = true, strides = array<i32>} : memref<256x80xf32, #tpu.memory_space<vmem>>, vector<1x16xf32>,
          %swap3A_1215 = arith.index_cast %squeeze3A : i32 to index
          %swap3A_1216 = arith.constant 32 : index
          %swap3A_1217 = tpu.vector_load %arg8[%swap3A_1215, %swap3A_1216] {strides = array<i32>} : memref<256x80xf32, #tpu.memory_space<vmem>>, vector<1x16xf32>,
          %swap3A_1218 = vector.shape_cast %swap3A_1217 : vector<1x16xf32> to vector<16xf32>
          %swap3A_1219 = vector.shape_cast %add3A_1197 : vector<16xf32> to vector<1x16xf32>
          tpu.vector_store %arg8[%swap3A_1215, %swap3A_1216], %swap3A_1219 {add = true, strides = array<i32>} : memref<256x80xf32, #tpu.memory_space<vmem>>, vector<1x16xf32>,
          %swap3A_1220 = arith.index_cast %squeeze3A : i32 to index
          %swap3A_1221 = arith.constant 48 : index
          %swap3A_1222 = tpu.vector_load %arg8[%swap3A_1220, %swap3A_1221] {strides = array<i32>} : memref<256x80xf32, #tpu.memory_space<vmem>>, vector<1x16xf32>,
          %swap3A_1223 = vector.shape_cast %swap3A_1222 : vector<1x16xf32> to vector<16xf32>
          %swap3A_1224 = vector.shape_cast %add3A_1204 : vector<16xf32> to vector<1x16xf32>
          tpu.vector_store %arg8[%swap3A_1220, %swap3A_1221], %swap3A_1224 {add = true, strides = array<i32>} : memref<256x80xf32, #tpu.memory_space<vmem>>, vector<1x16xf32>,
          %swap3A_1225 = arith.index_cast %squeeze3A : i32 to index
          %swap3A_1226 = arith.constant 64 : index
          %swap3A_1227 = tpu.vector_load %arg8[%swap3A_1225, %swap3A_1226] {strides = array<i32>} : memref<256x80xf32, #tpu.memory_space<vmem>>, vector<1x16xf32>,
          %swap3A_1228 = vector.shape_cast %swap3A_1227 : vector<1x16xf32> to vector<16xf32>
          %swap3A_1229 = vector.shape_cast %broadcast_in_dim3A_5 : vector<16xf32> to vector<1x16xf32>
          tpu.vector_store %arg8[%swap3A_1225, %swap3A_1226], %swap3A_1229 {add = true, strides = array<i32>} : memref<256x80xf32, #tpu.memory_space<vmem>>, vector<1x16xf32>,
          %cond3A_1230 = arith.constant 0 : i32
          scf.yield %cond3A_1230 : i32
        } else {
          %add3A_757 = arith.constant 0 : i32
          %add3A_758 = arith.addi %mul3A_746, %add3A_757 : i32
          %ge3A_759 = arith.cmpi sge, %add3A_758, %sub3A_737 : i32
          %convert_element_type3A_760 = arith.extui %ge3A_759 : i1 to i32
          %cond3A_761 = arith.constant 0 : i32
          %cond3A_762 = arith.constant 0 : i32
          %cond3A_763 = arith.cmpi ne, %convert_element_type3A_760, %cond3A_762 : i32
          %cond3A_764 = scf.if %cond3A_763 -> (i32) {
            %slice3A_886 = vector.extract_strided_slice %get3A_748 {offsets = [0], sizes = [1], strides = [1]} : vector<16xi32> to vector<1xi32>
            %squeeze3A_887 = vector.extract %slice3A_886[0] : i32 from vector<1xi32>
            %add3A_888 = arith.constant 0 : i32
            %add3A_889 = arith.addi %mul3A_746, %add3A_888 : i32
            %get3A_890 = arith.index_cast %add3A_889 : i32 to index
            %get3A_891 = arith.constant 0 : index
            %get3A_892 = tpu.vector_load %arg7[%get3A_890, %get3A_891] {strides = array<i32>} : memref<512x64xf32, #tpu.memory_space<vmem>>, vector<1x16xf32>,
            %get3A_893 = vector.shape_cast %get3A_892 : vector<1x16xf32> to vector<16xf32>
            %swap3A_894 = arith.index_cast %squeeze3A_887 : i32 to index
            %swap3A_895 = arith.constant 0 : index
            %swap3A_896 = tpu.vector_load %arg8[%swap3A_894, %swap3A_895] {strides = array<i32>} : memref<256x80xf32, #tpu.memory_space<vmem>>, vector<1x16xf32>,
            %swap3A_897 = vector.shape_cast %swap3A_896 : vector<1x16xf32> to vector<16xf32>
            %swap3A_898 = vector.shape_cast %get3A_893 : vector<16xf32> to vector<1x16xf32>
            tpu.vector_store %arg8[%swap3A_894, %swap3A_895], %swap3A_898 {add = true, strides = array<i32>} : memref<256x80xf32, #tpu.memory_space<vmem>>, vector<1x16xf32>,
            %add3A_899 = arith.constant 0 : i32
            %add3A_900 = arith.addi %mul3A_746, %add3A_899 : i32
            %get3A_901 = arith.index_cast %add3A_900 : i32 to index
            %get3A_902 = arith.constant 16 : index
            %get3A_903 = tpu.vector_load %arg7[%get3A_901, %get3A_902] {strides = array<i32>} : memref<512x64xf32, #tpu.memory_space<vmem>>, vector<1x16xf32>,
            %get3A_904 = vector.shape_cast %get3A_903 : vector<1x16xf32> to vector<16xf32>
            %swap3A_905 = arith.index_cast %squeeze3A_887 : i32 to index
            %swap3A_906 = arith.constant 16 : index
            %swap3A_907 = tpu.vector_load %arg8[%swap3A_905, %swap3A_906] {strides = array<i32>} : memref<256x80xf32, #tpu.memory_space<vmem>>, vector<1x16xf32>,
            %swap3A_908 = vector.shape_cast %swap3A_907 : vector<1x16xf32> to vector<16xf32>
            %swap3A_909 = vector.shape_cast %get3A_904 : vector<16xf32> to vector<1x16xf32>
            tpu.vector_store %arg8[%swap3A_905, %swap3A_906], %swap3A_909 {add = true, strides = array<i32>} : memref<256x80xf32, #tpu.memory_space<vmem>>, vector<1x16xf32>,
            %add3A_910 = arith.constant 0 : i32
            %add3A_911 = arith.addi %mul3A_746, %add3A_910 : i32
            %get3A_912 = arith.index_cast %add3A_911 : i32 to index
            %get3A_913 = arith.constant 32 : index
            %get3A_914 = tpu.vector_load %arg7[%get3A_912, %get3A_913] {strides = array<i32>} : memref<512x64xf32, #tpu.memory_space<vmem>>, vector<1x16xf32>,
            %get3A_915 = vector.shape_cast %get3A_914 : vector<1x16xf32> to vector<16xf32>
            %swap3A_916 = arith.index_cast %squeeze3A_887 : i32 to index
            %swap3A_917 = arith.constant 32 : index
            %swap3A_918 = tpu.vector_load %arg8[%swap3A_916, %swap3A_917] {strides = array<i32>} : memref<256x80xf32, #tpu.memory_space<vmem>>, vector<1x16xf32>,
            %swap3A_919 = vector.shape_cast %swap3A_918 : vector<1x16xf32> to vector<16xf32>
            %swap3A_920 = vector.shape_cast %get3A_915 : vector<16xf32> to vector<1x16xf32>
            tpu.vector_store %arg8[%swap3A_916, %swap3A_917], %swap3A_920 {add = true, strides = array<i32>} : memref<256x80xf32, #tpu.memory_space<vmem>>, vector<1x16xf32>,
            %add3A_921 = arith.constant 0 : i32
            %add3A_922 = arith.addi %mul3A_746, %add3A_921 : i32
            %get3A_923 = arith.index_cast %add3A_922 : i32 to index
            %get3A_924 = arith.constant 48 : index
            %get3A_925 = tpu.vector_load %arg7[%get3A_923, %get3A_924] {strides = array<i32>} : memref<512x64xf32, #tpu.memory_space<vmem>>, vector<1x16xf32>,
            %get3A_926 = vector.shape_cast %get3A_925 : vector<1x16xf32> to vector<16xf32>
            %swap3A_927 = arith.index_cast %squeeze3A_887 : i32 to index
            %swap3A_928 = arith.constant 48 : index
            %swap3A_929 = tpu.vector_load %arg8[%swap3A_927, %swap3A_928] {strides = array<i32>} : memref<256x80xf32, #tpu.memory_space<vmem>>, vector<1x16xf32>,
            %swap3A_930 = vector.shape_cast %swap3A_929 : vector<1x16xf32> to vector<16xf32>
            %swap3A_931 = vector.shape_cast %get3A_926 : vector<16xf32> to vector<1x16xf32>
            tpu.vector_store %arg8[%swap3A_927, %swap3A_928], %swap3A_931 {add = true, strides = array<i32>} : memref<256x80xf32, #tpu.memory_space<vmem>>, vector<1x16xf32>,
            %swap3A_932 = arith.index_cast %squeeze3A_887 : i32 to index
            %swap3A_933 = arith.constant 64 : index
            %swap3A_934 = tpu.vector_load %arg8[%swap3A_932, %swap3A_933] {strides = array<i32>} : memref<256x80xf32, #tpu.memory_space<vmem>>, vector<1x16xf32>,
            %swap3A_935 = vector.shape_cast %swap3A_934 : vector<1x16xf32> to vector<16xf32>
            %swap3A_936 = vector.shape_cast %broadcast_in_dim3A_1 : vector<16xf32> to vector<1x16xf32>
            tpu.vector_store %arg8[%swap3A_932, %swap3A_933], %swap3A_936 {add = true, strides = array<i32>} : memref<256x80xf32, #tpu.memory_space<vmem>>, vector<1x16xf32>,
            %cond3A_937 = arith.constant 0 : i32
            scf.yield %cond3A_937 : i32
          } else {
            %cond3A_886 = arith.constant 0 : i32
            scf.yield %cond3A_886 : i32
          }
          %add3A_765 = arith.constant 1 : i32
          %add3A_766 = arith.addi %mul3A_746, %add3A_765 : i32
          %ge3A_767 = arith.cmpi sge, %add3A_766, %sub3A_737 : i32
          %convert_element_type3A_768 = arith.extui %ge3A_767 : i1 to i32
          %cond3A_769 = arith.constant 0 : i32
          %cond3A_770 = arith.constant 0 : i32
          %cond3A_771 = arith.cmpi ne, %convert_element_type3A_768, %cond3A_770 : i32
          %cond3A_772 = scf.if %cond3A_771 -> (i32) {
            %slice3A_886 = vector.extract_strided_slice %get3A_748 {offsets = [1], sizes = [1], strides = [1]} : vector<16xi32> to vector<1xi32>
            %squeeze3A_887 = vector.extract %slice3A_886[0] : i32 from vector<1xi32>
            %add3A_888 = arith.constant 1 : i32
            %add3A_889 = arith.addi %mul3A_746, %add3A_888 : i32
            %get3A_890 = arith.index_cast %add3A_889 : i32 to index
            %get3A_891 = arith.constant 0 : index
            %get3A_892 = tpu.vector_load %arg7[%get3A_890, %get3A_891] {strides = array<i32>} : memref<512x64xf32, #tpu.memory_space<vmem>>, vector<1x16xf32>,
            %get3A_893 = vector.shape_cast %get3A_892 : vector<1x16xf32> to vector<16xf32>
            %swap3A_894 = arith.index_cast %squeeze3A_887 : i32 to index
            %swap3A_895 = arith.constant 0 : index
            %swap3A_896 = tpu.vector_load %arg8[%swap3A_894, %swap3A_895] {strides = array<i32>} : memref<256x80xf32, #tpu.memory_space<vmem>>, vector<1x16xf32>,
            %swap3A_897 = vector.shape_cast %swap3A_896 : vector<1x16xf32> to vector<16xf32>
            %swap3A_898 = vector.shape_cast %get3A_893 : vector<16xf32> to vector<1x16xf32>
            tpu.vector_store %arg8[%swap3A_894, %swap3A_895], %swap3A_898 {add = true, strides = array<i32>} : memref<256x80xf32, #tpu.memory_space<vmem>>, vector<1x16xf32>,
            %add3A_899 = arith.constant 1 : i32
            %add3A_900 = arith.addi %mul3A_746, %add3A_899 : i32
            %get3A_901 = arith.index_cast %add3A_900 : i32 to index
            %get3A_902 = arith.constant 16 : index
            %get3A_903 = tpu.vector_load %arg7[%get3A_901, %get3A_902] {strides = array<i32>} : memref<512x64xf32, #tpu.memory_space<vmem>>, vector<1x16xf32>,
            %get3A_904 = vector.shape_cast %get3A_903 : vector<1x16xf32> to vector<16xf32>
            %swap3A_905 = arith.index_cast %squeeze3A_887 : i32 to index
            %swap3A_906 = arith.constant 16 : index
            %swap3A_907 = tpu.vector_load %arg8[%swap3A_905, %swap3A_906] {strides = array<i32>} : memref<256x80xf32, #tpu.memory_space<vmem>>, vector<1x16xf32>,
            %swap3A_908 = vector.shape_cast %swap3A_907 : vector<1x16xf32> to vector<16xf32>
            %swap3A_909 = vector.shape_cast %get3A_904 : vector<16xf32> to vector<1x16xf32>
            tpu.vector_store %arg8[%swap3A_905, %swap3A_906], %swap3A_909 {add = true, strides = array<i32>} : memref<256x80xf32, #tpu.memory_space<vmem>>, vector<1x16xf32>,
            %add3A_910 = arith.constant 1 : i32
            %add3A_911 = arith.addi %mul3A_746, %add3A_910 : i32
            %get3A_912 = arith.index_cast %add3A_911 : i32 to index
            %get3A_913 = arith.constant 32 : index
            %get3A_914 = tpu.vector_load %arg7[%get3A_912, %get3A_913] {strides = array<i32>} : memref<512x64xf32, #tpu.memory_space<vmem>>, vector<1x16xf32>,
            %get3A_915 = vector.shape_cast %get3A_914 : vector<1x16xf32> to vector<16xf32>
            %swap3A_916 = arith.index_cast %squeeze3A_887 : i32 to index
            %swap3A_917 = arith.constant 32 : index
            %swap3A_918 = tpu.vector_load %arg8[%swap3A_916, %swap3A_917] {strides = array<i32>} : memref<256x80xf32, #tpu.memory_space<vmem>>, vector<1x16xf32>,
            %swap3A_919 = vector.shape_cast %swap3A_918 : vector<1x16xf32> to vector<16xf32>
            %swap3A_920 = vector.shape_cast %get3A_915 : vector<16xf32> to vector<1x16xf32>
            tpu.vector_store %arg8[%swap3A_916, %swap3A_917], %swap3A_920 {add = true, strides = array<i32>} : memref<256x80xf32, #tpu.memory_space<vmem>>, vector<1x16xf32>,
            %add3A_921 = arith.constant 1 : i32
            %add3A_922 = arith.addi %mul3A_746, %add3A_921 : i32
            %get3A_923 = arith.index_cast %add3A_922 : i32 to index
            %get3A_924 = arith.constant 48 : index
            %get3A_925 = tpu.vector_load %arg7[%get3A_923, %get3A_924] {strides = array<i32>} : memref<512x64xf32, #tpu.memory_space<vmem>>, vector<1x16xf32>,
            %get3A_926 = vector.shape_cast %get3A_925 : vector<1x16xf32> to vector<16xf32>
            %swap3A_927 = arith.index_cast %squeeze3A_887 : i32 to index
            %swap3A_928 = arith.constant 48 : index
            %swap3A_929 = tpu.vector_load %arg8[%swap3A_927, %swap3A_928] {strides = array<i32>} : memref<256x80xf32, #tpu.memory_space<vmem>>, vector<1x16xf32>,
            %swap3A_930 = vector.shape_cast %swap3A_929 : vector<1x16xf32> to vector<16xf32>
            %swap3A_931 = vector.shape_cast %get3A_926 : vector<16xf32> to vector<1x16xf32>
            tpu.vector_store %arg8[%swap3A_927, %swap3A_928], %swap3A_931 {add = true, strides = array<i32>} : memref<256x80xf32, #tpu.memory_space<vmem>>, vector<1x16xf32>,
            %swap3A_932 = arith.index_cast %squeeze3A_887 : i32 to index
            %swap3A_933 = arith.constant 64 : index
            %swap3A_934 = tpu.vector_load %arg8[%swap3A_932, %swap3A_933] {strides = array<i32>} : memref<256x80xf32, #tpu.memory_space<vmem>>, vector<1x16xf32>,
            %swap3A_935 = vector.shape_cast %swap3A_934 : vector<1x16xf32> to vector<16xf32>
            %swap3A_936 = vector.shape_cast %broadcast_in_dim3A_1 : vector<16xf32> to vector<1x16xf32>
            tpu.vector_store %arg8[%swap3A_932, %swap3A_933], %swap3A_936 {add = true, strides = array<i32>} : memref<256x80xf32, #tpu.memory_space<vmem>>, vector<1x16xf32>,
            %cond3A_937 = arith.constant 0 : i32
            scf.yield %cond3A_937 : i32
          } else {
            %cond3A_886 = arith.constant 0 : i32
            scf.yield %cond3A_886 : i32
          }
          %add3A_773 = arith.constant 2 : i32
          %add3A_774 = arith.addi %mul3A_746, %add3A_773 : i32
          %ge3A_775 = arith.cmpi sge, %add3A_774, %sub3A_737 : i32
          %convert_element_type3A_776 = arith.extui %ge3A_775 : i1 to i32
          %cond3A_777 = arith.constant 0 : i32
          %cond3A_778 = arith.constant 0 : i32
          %cond3A_779 = arith.cmpi ne, %convert_element_type3A_776, %cond3A_778 : i32
          %cond3A_780 = scf.if %cond3A_779 -> (i32) {
            %slice3A_886 = vector.extract_strided_slice %get3A_748 {offsets = [2], sizes = [1], strides = [1]} : vector<16xi32> to vector<1xi32>
            %squeeze3A_887 = vector.extract %slice3A_886[0] : i32 from vector<1xi32>
            %add3A_888 = arith.constant 2 : i32
            %add3A_889 = arith.addi %mul3A_746, %add3A_888 : i32
            %get3A_890 = arith.index_cast %add3A_889 : i32 to index
            %get3A_891 = arith.constant 0 : index
            %get3A_892 = tpu.vector_load %arg7[%get3A_890, %get3A_891] {strides = array<i32>} : memref<512x64xf32, #tpu.memory_space<vmem>>, vector<1x16xf32>,
            %get3A_893 = vector.shape_cast %get3A_892 : vector<1x16xf32> to vector<16xf32>
            %swap3A_894 = arith.index_cast %squeeze3A_887 : i32 to index
            %swap3A_895 = arith.constant 0 : index
            %swap3A_896 = tpu.vector_load %arg8[%swap3A_894, %swap3A_895] {strides = array<i32>} : memref<256x80xf32, #tpu.memory_space<vmem>>, vector<1x16xf32>,
            %swap3A_897 = vector.shape_cast %swap3A_896 : vector<1x16xf32> to vector<16xf32>
            %swap3A_898 = vector.shape_cast %get3A_893 : vector<16xf32> to vector<1x16xf32>
            tpu.vector_store %arg8[%swap3A_894, %swap3A_895], %swap3A_898 {add = true, strides = array<i32>} : memref<256x80xf32, #tpu.memory_space<vmem>>, vector<1x16xf32>,
            %add3A_899 = arith.constant 2 : i32
            %add3A_900 = arith.addi %mul3A_746, %add3A_899 : i32
            %get3A_901 = arith.index_cast %add3A_900 : i32 to index
            %get3A_902 = arith.constant 16 : index
            %get3A_903 = tpu.vector_load %arg7[%get3A_901, %get3A_902] {strides = array<i32>} : memref<512x64xf32, #tpu.memory_space<vmem>>, vector<1x16xf32>,
            %get3A_904 = vector.shape_cast %get3A_903 : vector<1x16xf32> to vector<16xf32>
            %swap3A_905 = arith.index_cast %squeeze3A_887 : i32 to index
            %swap3A_906 = arith.constant 16 : index
            %swap3A_907 = tpu.vector_load %arg8[%swap3A_905, %swap3A_906] {strides = array<i32>} : memref<256x80xf32, #tpu.memory_space<vmem>>, vector<1x16xf32>,
            %swap3A_908 = vector.shape_cast %swap3A_907 : vector<1x16xf32> to vector<16xf32>
            %swap3A_909 = vector.shape_cast %get3A_904 : vector<16xf32> to vector<1x16xf32>
            tpu.vector_store %arg8[%swap3A_905, %swap3A_906], %swap3A_909 {add = true, strides = array<i32>} : memref<256x80xf32, #tpu.memory_space<vmem>>, vector<1x16xf32>,
            %add3A_910 = arith.constant 2 : i32
            %add3A_911 = arith.addi %mul3A_746, %add3A_910 : i32
            %get3A_912 = arith.index_cast %add3A_911 : i32 to index
            %get3A_913 = arith.constant 32 : index
            %get3A_914 = tpu.vector_load %arg7[%get3A_912, %get3A_913] {strides = array<i32>} : memref<512x64xf32, #tpu.memory_space<vmem>>, vector<1x16xf32>,
            %get3A_915 = vector.shape_cast %get3A_914 : vector<1x16xf32> to vector<16xf32>
            %swap3A_916 = arith.index_cast %squeeze3A_887 : i32 to index
            %swap3A_917 = arith.constant 32 : index
            %swap3A_918 = tpu.vector_load %arg8[%swap3A_916, %swap3A_917] {strides = array<i32>} : memref<256x80xf32, #tpu.memory_space<vmem>>, vector<1x16xf32>,
            %swap3A_919 = vector.shape_cast %swap3A_918 : vector<1x16xf32> to vector<16xf32>
            %swap3A_920 = vector.shape_cast %get3A_915 : vector<16xf32> to vector<1x16xf32>
            tpu.vector_store %arg8[%swap3A_916, %swap3A_917], %swap3A_920 {add = true, strides = array<i32>} : memref<256x80xf32, #tpu.memory_space<vmem>>, vector<1x16xf32>,
            %add3A_921 = arith.constant 2 : i32
            %add3A_922 = arith.addi %mul3A_746, %add3A_921 : i32
            %get3A_923 = arith.index_cast %add3A_922 : i32 to index
            %get3A_924 = arith.constant 48 : index
            %get3A_925 = tpu.vector_load %arg7[%get3A_923, %get3A_924] {strides = array<i32>} : memref<512x64xf32, #tpu.memory_space<vmem>>, vector<1x16xf32>,
            %get3A_926 = vector.shape_cast %get3A_925 : vector<1x16xf32> to vector<16xf32>
            %swap3A_927 = arith.index_cast %squeeze3A_887 : i32 to index
            %swap3A_928 = arith.constant 48 : index
            %swap3A_929 = tpu.vector_load %arg8[%swap3A_927, %swap3A_928] {strides = array<i32>} : memref<256x80xf32, #tpu.memory_space<vmem>>, vector<1x16xf32>,
            %swap3A_930 = vector.shape_cast %swap3A_929 : vector<1x16xf32> to vector<16xf32>
            %swap3A_931 = vector.shape_cast %get3A_926 : vector<16xf32> to vector<1x16xf32>
            tpu.vector_store %arg8[%swap3A_927, %swap3A_928], %swap3A_931 {add = true, strides = array<i32>} : memref<256x80xf32, #tpu.memory_space<vmem>>, vector<1x16xf32>,
            %swap3A_932 = arith.index_cast %squeeze3A_887 : i32 to index
            %swap3A_933 = arith.constant 64 : index
            %swap3A_934 = tpu.vector_load %arg8[%swap3A_932, %swap3A_933] {strides = array<i32>} : memref<256x80xf32, #tpu.memory_space<vmem>>, vector<1x16xf32>,
            %swap3A_935 = vector.shape_cast %swap3A_934 : vector<1x16xf32> to vector<16xf32>
            %swap3A_936 = vector.shape_cast %broadcast_in_dim3A_1 : vector<16xf32> to vector<1x16xf32>
            tpu.vector_store %arg8[%swap3A_932, %swap3A_933], %swap3A_936 {add = true, strides = array<i32>} : memref<256x80xf32, #tpu.memory_space<vmem>>, vector<1x16xf32>,
            %cond3A_937 = arith.constant 0 : i32
            scf.yield %cond3A_937 : i32
          } else {
            %cond3A_886 = arith.constant 0 : i32
            scf.yield %cond3A_886 : i32
          }
          %add3A_781 = arith.constant 3 : i32
          %add3A_782 = arith.addi %mul3A_746, %add3A_781 : i32
          %ge3A_783 = arith.cmpi sge, %add3A_782, %sub3A_737 : i32
          %convert_element_type3A_784 = arith.extui %ge3A_783 : i1 to i32
          %cond3A_785 = arith.constant 0 : i32
          %cond3A_786 = arith.constant 0 : i32
          %cond3A_787 = arith.cmpi ne, %convert_element_type3A_784, %cond3A_786 : i32
          %cond3A_788 = scf.if %cond3A_787 -> (i32) {
            %slice3A_886 = vector.extract_strided_slice %get3A_748 {offsets = [3], sizes = [1], strides = [1]} : vector<16xi32> to vector<1xi32>
            %squeeze3A_887 = vector.extract %slice3A_886[0] : i32 from vector<1xi32>
            %add3A_888 = arith.constant 3 : i32
            %add3A_889 = arith.addi %mul3A_746, %add3A_888 : i32
            %get3A_890 = arith.index_cast %add3A_889 : i32 to index
            %get3A_891 = arith.constant 0 : index
            %get3A_892 = tpu.vector_load %arg7[%get3A_890, %get3A_891] {strides = array<i32>} : memref<512x64xf32, #tpu.memory_space<vmem>>, vector<1x16xf32>,
            %get3A_893 = vector.shape_cast %get3A_892 : vector<1x16xf32> to vector<16xf32>
            %swap3A_894 = arith.index_cast %squeeze3A_887 : i32 to index
            %swap3A_895 = arith.constant 0 : index
            %swap3A_896 = tpu.vector_load %arg8[%swap3A_894, %swap3A_895] {strides = array<i32>} : memref<256x80xf32, #tpu.memory_space<vmem>>, vector<1x16xf32>,
            %swap3A_897 = vector.shape_cast %swap3A_896 : vector<1x16xf32> to vector<16xf32>
            %swap3A_898 = vector.shape_cast %get3A_893 : vector<16xf32> to vector<1x16xf32>
            tpu.vector_store %arg8[%swap3A_894, %swap3A_895], %swap3A_898 {add = true, strides = array<i32>} : memref<256x80xf32, #tpu.memory_space<vmem>>, vector<1x16xf32>,
            %add3A_899 = arith.constant 3 : i32
            %add3A_900 = arith.addi %mul3A_746, %add3A_899 : i32
            %get3A_901 = arith.index_cast %add3A_900 : i32 to index
            %get3A_902 = arith.constant 16 : index
            %get3A_903 = tpu.vector_load %arg7[%get3A_901, %get3A_902] {strides = array<i32>} : memref<512x64xf32, #tpu.memory_space<vmem>>, vector<1x16xf32>,
            %get3A_904 = vector.shape_cast %get3A_903 : vector<1x16xf32> to vector<16xf32>
            %swap3A_905 = arith.index_cast %squeeze3A_887 : i32 to index
            %swap3A_906 = arith.constant 16 : index
            %swap3A_907 = tpu.vector_load %arg8[%swap3A_905, %swap3A_906] {strides = array<i32>} : memref<256x80xf32, #tpu.memory_space<vmem>>, vector<1x16xf32>,
            %swap3A_908 = vector.shape_cast %swap3A_907 : vector<1x16xf32> to vector<16xf32>
            %swap3A_909 = vector.shape_cast %get3A_904 : vector<16xf32> to vector<1x16xf32>
            tpu.vector_store %arg8[%swap3A_905, %swap3A_906], %swap3A_909 {add = true, strides = array<i32>} : memref<256x80xf32, #tpu.memory_space<vmem>>, vector<1x16xf32>,
            %add3A_910 = arith.constant 3 : i32
            %add3A_911 = arith.addi %mul3A_746, %add3A_910 : i32
            %get3A_912 = arith.index_cast %add3A_911 : i32 to index
            %get3A_913 = arith.constant 32 : index
            %get3A_914 = tpu.vector_load %arg7[%get3A_912, %get3A_913] {strides = array<i32>} : memref<512x64xf32, #tpu.memory_space<vmem>>, vector<1x16xf32>,
            %get3A_915 = vector.shape_cast %get3A_914 : vector<1x16xf32> to vector<16xf32>
            %swap3A_916 = arith.index_cast %squeeze3A_887 : i32 to index
            %swap3A_917 = arith.constant 32 : index
            %swap3A_918 = tpu.vector_load %arg8[%swap3A_916, %swap3A_917] {strides = array<i32>} : memref<256x80xf32, #tpu.memory_space<vmem>>, vector<1x16xf32>,
            %swap3A_919 = vector.shape_cast %swap3A_918 : vector<1x16xf32> to vector<16xf32>
            %swap3A_920 = vector.shape_cast %get3A_915 : vector<16xf32> to vector<1x16xf32>
            tpu.vector_store %arg8[%swap3A_916, %swap3A_917], %swap3A_920 {add = true, strides = array<i32>} : memref<256x80xf32, #tpu.memory_space<vmem>>, vector<1x16xf32>,
            %add3A_921 = arith.constant 3 : i32
            %add3A_922 = arith.addi %mul3A_746, %add3A_921 : i32
            %get3A_923 = arith.index_cast %add3A_922 : i32 to index
            %get3A_924 = arith.constant 48 : index
            %get3A_925 = tpu.vector_load %arg7[%get3A_923, %get3A_924] {strides = array<i32>} : memref<512x64xf32, #tpu.memory_space<vmem>>, vector<1x16xf32>,
            %get3A_926 = vector.shape_cast %get3A_925 : vector<1x16xf32> to vector<16xf32>
            %swap3A_927 = arith.index_cast %squeeze3A_887 : i32 to index
            %swap3A_928 = arith.constant 48 : index
            %swap3A_929 = tpu.vector_load %arg8[%swap3A_927, %swap3A_928] {strides = array<i32>} : memref<256x80xf32, #tpu.memory_space<vmem>>, vector<1x16xf32>,
            %swap3A_930 = vector.shape_cast %swap3A_929 : vector<1x16xf32> to vector<16xf32>
            %swap3A_931 = vector.shape_cast %get3A_926 : vector<16xf32> to vector<1x16xf32>
            tpu.vector_store %arg8[%swap3A_927, %swap3A_928], %swap3A_931 {add = true, strides = array<i32>} : memref<256x80xf32, #tpu.memory_space<vmem>>, vector<1x16xf32>,
            %swap3A_932 = arith.index_cast %squeeze3A_887 : i32 to index
            %swap3A_933 = arith.constant 64 : index
            %swap3A_934 = tpu.vector_load %arg8[%swap3A_932, %swap3A_933] {strides = array<i32>} : memref<256x80xf32, #tpu.memory_space<vmem>>, vector<1x16xf32>,
            %swap3A_935 = vector.shape_cast %swap3A_934 : vector<1x16xf32> to vector<16xf32>
            %swap3A_936 = vector.shape_cast %broadcast_in_dim3A_1 : vector<16xf32> to vector<1x16xf32>
            tpu.vector_store %arg8[%swap3A_932, %swap3A_933], %swap3A_936 {add = true, strides = array<i32>} : memref<256x80xf32, #tpu.memory_space<vmem>>, vector<1x16xf32>,
            %cond3A_937 = arith.constant 0 : i32
            scf.yield %cond3A_937 : i32
          } else {
            %cond3A_886 = arith.constant 0 : i32
            scf.yield %cond3A_886 : i32
          }
          %add3A_789 = arith.constant 4 : i32
          %add3A_790 = arith.addi %mul3A_746, %add3A_789 : i32
          %ge3A_791 = arith.cmpi sge, %add3A_790, %sub3A_737 : i32
          %convert_element_type3A_792 = arith.extui %ge3A_791 : i1 to i32
          %cond3A_793 = arith.constant 0 : i32
          %cond3A_794 = arith.constant 0 : i32
          %cond3A_795 = arith.cmpi ne, %convert_element_type3A_792, %cond3A_794 : i32
          %cond3A_796 = scf.if %cond3A_795 -> (i32) {
            %slice3A_886 = vector.extract_strided_slice %get3A_748 {offsets = [4], sizes = [1], strides = [1]} : vector<16xi32> to vector<1xi32>
            %squeeze3A_887 = vector.extract %slice3A_886[0] : i32 from vector<1xi32>
            %add3A_888 = arith.constant 4 : i32
            %add3A_889 = arith.addi %mul3A_746, %add3A_888 : i32
            %get3A_890 = arith.index_cast %add3A_889 : i32 to index
            %get3A_891 = arith.constant 0 : index
            %get3A_892 = tpu.vector_load %arg7[%get3A_890, %get3A_891] {strides = array<i32>} : memref<512x64xf32, #tpu.memory_space<vmem>>, vector<1x16xf32>,
            %get3A_893 = vector.shape_cast %get3A_892 : vector<1x16xf32> to vector<16xf32>
            %swap3A_894 = arith.index_cast %squeeze3A_887 : i32 to index
            %swap3A_895 = arith.constant 0 : index
            %swap3A_896 = tpu.vector_load %arg8[%swap3A_894, %swap3A_895] {strides = array<i32>} : memref<256x80xf32, #tpu.memory_space<vmem>>, vector<1x16xf32>,
            %swap3A_897 = vector.shape_cast %swap3A_896 : vector<1x16xf32> to vector<16xf32>
            %swap3A_898 = vector.shape_cast %get3A_893 : vector<16xf32> to vector<1x16xf32>
            tpu.vector_store %arg8[%swap3A_894, %swap3A_895], %swap3A_898 {add = true, strides = array<i32>} : memref<256x80xf32, #tpu.memory_space<vmem>>, vector<1x16xf32>,
            %add3A_899 = arith.constant 4 : i32
            %add3A_900 = arith.addi %mul3A_746, %add3A_899 : i32
            %get3A_901 = arith.index_cast %add3A_900 : i32 to index
            %get3A_902 = arith.constant 16 : index
            %get3A_903 = tpu.vector_load %arg7[%get3A_901, %get3A_902] {strides = array<i32>} : memref<512x64xf32, #tpu.memory_space<vmem>>, vector<1x16xf32>,
            %get3A_904 = vector.shape_cast %get3A_903 : vector<1x16xf32> to vector<16xf32>
            %swap3A_905 = arith.index_cast %squeeze3A_887 : i32 to index
            %swap3A_906 = arith.constant 16 : index
            %swap3A_907 = tpu.vector_load %arg8[%swap3A_905, %swap3A_906] {strides = array<i32>} : memref<256x80xf32, #tpu.memory_space<vmem>>, vector<1x16xf32>,
            %swap3A_908 = vector.shape_cast %swap3A_907 : vector<1x16xf32> to vector<16xf32>
            %swap3A_909 = vector.shape_cast %get3A_904 : vector<16xf32> to vector<1x16xf32>
            tpu.vector_store %arg8[%swap3A_905, %swap3A_906], %swap3A_909 {add = true, strides = array<i32>} : memref<256x80xf32, #tpu.memory_space<vmem>>, vector<1x16xf32>,
            %add3A_910 = arith.constant 4 : i32
            %add3A_911 = arith.addi %mul3A_746, %add3A_910 : i32
            %get3A_912 = arith.index_cast %add3A_911 : i32 to index
            %get3A_913 = arith.constant 32 : index
            %get3A_914 = tpu.vector_load %arg7[%get3A_912, %get3A_913] {strides = array<i32>} : memref<512x64xf32, #tpu.memory_space<vmem>>, vector<1x16xf32>,
            %get3A_915 = vector.shape_cast %get3A_914 : vector<1x16xf32> to vector<16xf32>
            %swap3A_916 = arith.index_cast %squeeze3A_887 : i32 to index
            %swap3A_917 = arith.constant 32 : index
            %swap3A_918 = tpu.vector_load %arg8[%swap3A_916, %swap3A_917] {strides = array<i32>} : memref<256x80xf32, #tpu.memory_space<vmem>>, vector<1x16xf32>,
            %swap3A_919 = vector.shape_cast %swap3A_918 : vector<1x16xf32> to vector<16xf32>
            %swap3A_920 = vector.shape_cast %get3A_915 : vector<16xf32> to vector<1x16xf32>
            tpu.vector_store %arg8[%swap3A_916, %swap3A_917], %swap3A_920 {add = true, strides = array<i32>} : memref<256x80xf32, #tpu.memory_space<vmem>>, vector<1x16xf32>,
            %add3A_921 = arith.constant 4 : i32
            %add3A_922 = arith.addi %mul3A_746, %add3A_921 : i32
            %get3A_923 = arith.index_cast %add3A_922 : i32 to index
            %get3A_924 = arith.constant 48 : index
            %get3A_925 = tpu.vector_load %arg7[%get3A_923, %get3A_924] {strides = array<i32>} : memref<512x64xf32, #tpu.memory_space<vmem>>, vector<1x16xf32>,
            %get3A_926 = vector.shape_cast %get3A_925 : vector<1x16xf32> to vector<16xf32>
            %swap3A_927 = arith.index_cast %squeeze3A_887 : i32 to index
            %swap3A_928 = arith.constant 48 : index
            %swap3A_929 = tpu.vector_load %arg8[%swap3A_927, %swap3A_928] {strides = array<i32>} : memref<256x80xf32, #tpu.memory_space<vmem>>, vector<1x16xf32>,
            %swap3A_930 = vector.shape_cast %swap3A_929 : vector<1x16xf32> to vector<16xf32>
            %swap3A_931 = vector.shape_cast %get3A_926 : vector<16xf32> to vector<1x16xf32>
            tpu.vector_store %arg8[%swap3A_927, %swap3A_928], %swap3A_931 {add = true, strides = array<i32>} : memref<256x80xf32, #tpu.memory_space<vmem>>, vector<1x16xf32>,
            %swap3A_932 = arith.index_cast %squeeze3A_887 : i32 to index
            %swap3A_933 = arith.constant 64 : index
            %swap3A_934 = tpu.vector_load %arg8[%swap3A_932, %swap3A_933] {strides = array<i32>} : memref<256x80xf32, #tpu.memory_space<vmem>>, vector<1x16xf32>,
            %swap3A_935 = vector.shape_cast %swap3A_934 : vector<1x16xf32> to vector<16xf32>
            %swap3A_936 = vector.shape_cast %broadcast_in_dim3A_1 : vector<16xf32> to vector<1x16xf32>
            tpu.vector_store %arg8[%swap3A_932, %swap3A_933], %swap3A_936 {add = true, strides = array<i32>} : memref<256x80xf32, #tpu.memory_space<vmem>>, vector<1x16xf32>,
            %cond3A_937 = arith.constant 0 : i32
            scf.yield %cond3A_937 : i32
          } else {
            %cond3A_886 = arith.constant 0 : i32
            scf.yield %cond3A_886 : i32
          }
          %add3A_797 = arith.constant 5 : i32
          %add3A_798 = arith.addi %mul3A_746, %add3A_797 : i32
          %ge3A_799 = arith.cmpi sge, %add3A_798, %sub3A_737 : i32
          %convert_element_type3A_800 = arith.extui %ge3A_799 : i1 to i32
          %cond3A_801 = arith.constant 0 : i32
          %cond3A_802 = arith.constant 0 : i32
          %cond3A_803 = arith.cmpi ne, %convert_element_type3A_800, %cond3A_802 : i32
          %cond3A_804 = scf.if %cond3A_803 -> (i32) {
            %slice3A_886 = vector.extract_strided_slice %get3A_748 {offsets = [5], sizes = [1], strides = [1]} : vector<16xi32> to vector<1xi32>
            %squeeze3A_887 = vector.extract %slice3A_886[0] : i32 from vector<1xi32>
            %add3A_888 = arith.constant 5 : i32
            %add3A_889 = arith.addi %mul3A_746, %add3A_888 : i32
            %get3A_890 = arith.index_cast %add3A_889 : i32 to index
            %get3A_891 = arith.constant 0 : index
            %get3A_892 = tpu.vector_load %arg7[%get3A_890, %get3A_891] {strides = array<i32>} : memref<512x64xf32, #tpu.memory_space<vmem>>, vector<1x16xf32>,
            %get3A_893 = vector.shape_cast %get3A_892 : vector<1x16xf32> to vector<16xf32>
            %swap3A_894 = arith.index_cast %squeeze3A_887 : i32 to index
            %swap3A_895 = arith.constant 0 : index
            %swap3A_896 = tpu.vector_load %arg8[%swap3A_894, %swap3A_895] {strides = array<i32>} : memref<256x80xf32, #tpu.memory_space<vmem>>, vector<1x16xf32>,
            %swap3A_897 = vector.shape_cast %swap3A_896 : vector<1x16xf32> to vector<16xf32>
            %swap3A_898 = vector.shape_cast %get3A_893 : vector<16xf32> to vector<1x16xf32>
            tpu.vector_store %arg8[%swap3A_894, %swap3A_895], %swap3A_898 {add = true, strides = array<i32>} : memref<256x80xf32, #tpu.memory_space<vmem>>, vector<1x16xf32>,
            %add3A_899 = arith.constant 5 : i32
            %add3A_900 = arith.addi %mul3A_746, %add3A_899 : i32
            %get3A_901 = arith.index_cast %add3A_900 : i32 to index
            %get3A_902 = arith.constant 16 : index
            %get3A_903 = tpu.vector_load %arg7[%get3A_901, %get3A_902] {strides = array<i32>} : memref<512x64xf32, #tpu.memory_space<vmem>>, vector<1x16xf32>,
            %get3A_904 = vector.shape_cast %get3A_903 : vector<1x16xf32> to vector<16xf32>
            %swap3A_905 = arith.index_cast %squeeze3A_887 : i32 to index
            %swap3A_906 = arith.constant 16 : index
            %swap3A_907 = tpu.vector_load %arg8[%swap3A_905, %swap3A_906] {strides = array<i32>} : memref<256x80xf32, #tpu.memory_space<vmem>>, vector<1x16xf32>,
            %swap3A_908 = vector.shape_cast %swap3A_907 : vector<1x16xf32> to vector<16xf32>
            %swap3A_909 = vector.shape_cast %get3A_904 : vector<16xf32> to vector<1x16xf32>
            tpu.vector_store %arg8[%swap3A_905, %swap3A_906], %swap3A_909 {add = true, strides = array<i32>} : memref<256x80xf32, #tpu.memory_space<vmem>>, vector<1x16xf32>,
            %add3A_910 = arith.constant 5 : i32
            %add3A_911 = arith.addi %mul3A_746, %add3A_910 : i32
            %get3A_912 = arith.index_cast %add3A_911 : i32 to index
            %get3A_913 = arith.constant 32 : index
            %get3A_914 = tpu.vector_load %arg7[%get3A_912, %get3A_913] {strides = array<i32>} : memref<512x64xf32, #tpu.memory_space<vmem>>, vector<1x16xf32>,
            %get3A_915 = vector.shape_cast %get3A_914 : vector<1x16xf32> to vector<16xf32>
            %swap3A_916 = arith.index_cast %squeeze3A_887 : i32 to index
            %swap3A_917 = arith.constant 32 : index
            %swap3A_918 = tpu.vector_load %arg8[%swap3A_916, %swap3A_917] {strides = array<i32>} : memref<256x80xf32, #tpu.memory_space<vmem>>, vector<1x16xf32>,
            %swap3A_919 = vector.shape_cast %swap3A_918 : vector<1x16xf32> to vector<16xf32>
            %swap3A_920 = vector.shape_cast %get3A_915 : vector<16xf32> to vector<1x16xf32>
            tpu.vector_store %arg8[%swap3A_916, %swap3A_917], %swap3A_920 {add = true, strides = array<i32>} : memref<256x80xf32, #tpu.memory_space<vmem>>, vector<1x16xf32>,
            %add3A_921 = arith.constant 5 : i32
            %add3A_922 = arith.addi %mul3A_746, %add3A_921 : i32
            %get3A_923 = arith.index_cast %add3A_922 : i32 to index
            %get3A_924 = arith.constant 48 : index
            %get3A_925 = tpu.vector_load %arg7[%get3A_923, %get3A_924] {strides = array<i32>} : memref<512x64xf32, #tpu.memory_space<vmem>>, vector<1x16xf32>,
            %get3A_926 = vector.shape_cast %get3A_925 : vector<1x16xf32> to vector<16xf32>
            %swap3A_927 = arith.index_cast %squeeze3A_887 : i32 to index
            %swap3A_928 = arith.constant 48 : index
            %swap3A_929 = tpu.vector_load %arg8[%swap3A_927, %swap3A_928] {strides = array<i32>} : memref<256x80xf32, #tpu.memory_space<vmem>>, vector<1x16xf32>,
            %swap3A_930 = vector.shape_cast %swap3A_929 : vector<1x16xf32> to vector<16xf32>
            %swap3A_931 = vector.shape_cast %get3A_926 : vector<16xf32> to vector<1x16xf32>
            tpu.vector_store %arg8[%swap3A_927, %swap3A_928], %swap3A_931 {add = true, strides = array<i32>} : memref<256x80xf32, #tpu.memory_space<vmem>>, vector<1x16xf32>,
            %swap3A_932 = arith.index_cast %squeeze3A_887 : i32 to index
            %swap3A_933 = arith.constant 64 : index
            %swap3A_934 = tpu.vector_load %arg8[%swap3A_932, %swap3A_933] {strides = array<i32>} : memref<256x80xf32, #tpu.memory_space<vmem>>, vector<1x16xf32>,
            %swap3A_935 = vector.shape_cast %swap3A_934 : vector<1x16xf32> to vector<16xf32>
            %swap3A_936 = vector.shape_cast %broadcast_in_dim3A_1 : vector<16xf32> to vector<1x16xf32>
            tpu.vector_store %arg8[%swap3A_932, %swap3A_933], %swap3A_936 {add = true, strides = array<i32>} : memref<256x80xf32, #tpu.memory_space<vmem>>, vector<1x16xf32>,
            %cond3A_937 = arith.constant 0 : i32
            scf.yield %cond3A_937 : i32
          } else {
            %cond3A_886 = arith.constant 0 : i32
            scf.yield %cond3A_886 : i32
          }
          %add3A_805 = arith.constant 6 : i32
          %add3A_806 = arith.addi %mul3A_746, %add3A_805 : i32
          %ge3A_807 = arith.cmpi sge, %add3A_806, %sub3A_737 : i32
          %convert_element_type3A_808 = arith.extui %ge3A_807 : i1 to i32
          %cond3A_809 = arith.constant 0 : i32
          %cond3A_810 = arith.constant 0 : i32
          %cond3A_811 = arith.cmpi ne, %convert_element_type3A_808, %cond3A_810 : i32
          %cond3A_812 = scf.if %cond3A_811 -> (i32) {
            %slice3A_886 = vector.extract_strided_slice %get3A_748 {offsets = [6], sizes = [1], strides = [1]} : vector<16xi32> to vector<1xi32>
            %squeeze3A_887 = vector.extract %slice3A_886[0] : i32 from vector<1xi32>
            %add3A_888 = arith.constant 6 : i32
            %add3A_889 = arith.addi %mul3A_746, %add3A_888 : i32
            %get3A_890 = arith.index_cast %add3A_889 : i32 to index
            %get3A_891 = arith.constant 0 : index
            %get3A_892 = tpu.vector_load %arg7[%get3A_890, %get3A_891] {strides = array<i32>} : memref<512x64xf32, #tpu.memory_space<vmem>>, vector<1x16xf32>,
            %get3A_893 = vector.shape_cast %get3A_892 : vector<1x16xf32> to vector<16xf32>
            %swap3A_894 = arith.index_cast %squeeze3A_887 : i32 to index
            %swap3A_895 = arith.constant 0 : index
            %swap3A_896 = tpu.vector_load %arg8[%swap3A_894, %swap3A_895] {strides = array<i32>} : memref<256x80xf32, #tpu.memory_space<vmem>>, vector<1x16xf32>,
            %swap3A_897 = vector.shape_cast %swap3A_896 : vector<1x16xf32> to vector<16xf32>
            %swap3A_898 = vector.shape_cast %get3A_893 : vector<16xf32> to vector<1x16xf32>
            tpu.vector_store %arg8[%swap3A_894, %swap3A_895], %swap3A_898 {add = true, strides = array<i32>} : memref<256x80xf32, #tpu.memory_space<vmem>>, vector<1x16xf32>,
            %add3A_899 = arith.constant 6 : i32
            %add3A_900 = arith.addi %mul3A_746, %add3A_899 : i32
            %get3A_901 = arith.index_cast %add3A_900 : i32 to index
            %get3A_902 = arith.constant 16 : index
            %get3A_903 = tpu.vector_load %arg7[%get3A_901, %get3A_902] {strides = array<i32>} : memref<512x64xf32, #tpu.memory_space<vmem>>, vector<1x16xf32>,
            %get3A_904 = vector.shape_cast %get3A_903 : vector<1x16xf32> to vector<16xf32>
            %swap3A_905 = arith.index_cast %squeeze3A_887 : i32 to index
            %swap3A_906 = arith.constant 16 : index
            %swap3A_907 = tpu.vector_load %arg8[%swap3A_905, %swap3A_906] {strides = array<i32>} : memref<256x80xf32, #tpu.memory_space<vmem>>, vector<1x16xf32>,
            %swap3A_908 = vector.shape_cast %swap3A_907 : vector<1x16xf32> to vector<16xf32>
            %swap3A_909 = vector.shape_cast %get3A_904 : vector<16xf32> to vector<1x16xf32>
            tpu.vector_store %arg8[%swap3A_905, %swap3A_906], %swap3A_909 {add = true, strides = array<i32>} : memref<256x80xf32, #tpu.memory_space<vmem>>, vector<1x16xf32>,
            %add3A_910 = arith.constant 6 : i32
            %add3A_911 = arith.addi %mul3A_746, %add3A_910 : i32
            %get3A_912 = arith.index_cast %add3A_911 : i32 to index
            %get3A_913 = arith.constant 32 : index
            %get3A_914 = tpu.vector_load %arg7[%get3A_912, %get3A_913] {strides = array<i32>} : memref<512x64xf32, #tpu.memory_space<vmem>>, vector<1x16xf32>,
            %get3A_915 = vector.shape_cast %get3A_914 : vector<1x16xf32> to vector<16xf32>
            %swap3A_916 = arith.index_cast %squeeze3A_887 : i32 to index
            %swap3A_917 = arith.constant 32 : index
            %swap3A_918 = tpu.vector_load %arg8[%swap3A_916, %swap3A_917] {strides = array<i32>} : memref<256x80xf32, #tpu.memory_space<vmem>>, vector<1x16xf32>,
            %swap3A_919 = vector.shape_cast %swap3A_918 : vector<1x16xf32> to vector<16xf32>
            %swap3A_920 = vector.shape_cast %get3A_915 : vector<16xf32> to vector<1x16xf32>
            tpu.vector_store %arg8[%swap3A_916, %swap3A_917], %swap3A_920 {add = true, strides = array<i32>} : memref<256x80xf32, #tpu.memory_space<vmem>>, vector<1x16xf32>,
            %add3A_921 = arith.constant 6 : i32
            %add3A_922 = arith.addi %mul3A_746, %add3A_921 : i32
            %get3A_923 = arith.index_cast %add3A_922 : i32 to index
            %get3A_924 = arith.constant 48 : index
            %get3A_925 = tpu.vector_load %arg7[%get3A_923, %get3A_924] {strides = array<i32>} : memref<512x64xf32, #tpu.memory_space<vmem>>, vector<1x16xf32>,
            %get3A_926 = vector.shape_cast %get3A_925 : vector<1x16xf32> to vector<16xf32>
            %swap3A_927 = arith.index_cast %squeeze3A_887 : i32 to index
            %swap3A_928 = arith.constant 48 : index
            %swap3A_929 = tpu.vector_load %arg8[%swap3A_927, %swap3A_928] {strides = array<i32>} : memref<256x80xf32, #tpu.memory_space<vmem>>, vector<1x16xf32>,
            %swap3A_930 = vector.shape_cast %swap3A_929 : vector<1x16xf32> to vector<16xf32>
            %swap3A_931 = vector.shape_cast %get3A_926 : vector<16xf32> to vector<1x16xf32>
            tpu.vector_store %arg8[%swap3A_927, %swap3A_928], %swap3A_931 {add = true, strides = array<i32>} : memref<256x80xf32, #tpu.memory_space<vmem>>, vector<1x16xf32>,
            %swap3A_932 = arith.index_cast %squeeze3A_887 : i32 to index
            %swap3A_933 = arith.constant 64 : index
            %swap3A_934 = tpu.vector_load %arg8[%swap3A_932, %swap3A_933] {strides = array<i32>} : memref<256x80xf32, #tpu.memory_space<vmem>>, vector<1x16xf32>,
            %swap3A_935 = vector.shape_cast %swap3A_934 : vector<1x16xf32> to vector<16xf32>
            %swap3A_936 = vector.shape_cast %broadcast_in_dim3A_1 : vector<16xf32> to vector<1x16xf32>
            tpu.vector_store %arg8[%swap3A_932, %swap3A_933], %swap3A_936 {add = true, strides = array<i32>} : memref<256x80xf32, #tpu.memory_space<vmem>>, vector<1x16xf32>,
            %cond3A_937 = arith.constant 0 : i32
            scf.yield %cond3A_937 : i32
          } else {
            %cond3A_886 = arith.constant 0 : i32
            scf.yield %cond3A_886 : i32
          }
          %add3A_813 = arith.constant 7 : i32
          %add3A_814 = arith.addi %mul3A_746, %add3A_813 : i32
          %ge3A_815 = arith.cmpi sge, %add3A_814, %sub3A_737 : i32
          %convert_element_type3A_816 = arith.extui %ge3A_815 : i1 to i32
          %cond3A_817 = arith.constant 0 : i32
          %cond3A_818 = arith.constant 0 : i32
          %cond3A_819 = arith.cmpi ne, %convert_element_type3A_816, %cond3A_818 : i32
          %cond3A_820 = scf.if %cond3A_819 -> (i32) {
            %slice3A_886 = vector.extract_strided_slice %get3A_748 {offsets = [7], sizes = [1], strides = [1]} : vector<16xi32> to vector<1xi32>
            %squeeze3A_887 = vector.extract %slice3A_886[0] : i32 from vector<1xi32>
            %add3A_888 = arith.constant 7 : i32
            %add3A_889 = arith.addi %mul3A_746, %add3A_888 : i32
            %get3A_890 = arith.index_cast %add3A_889 : i32 to index
            %get3A_891 = arith.constant 0 : index
            %get3A_892 = tpu.vector_load %arg7[%get3A_890, %get3A_891] {strides = array<i32>} : memref<512x64xf32, #tpu.memory_space<vmem>>, vector<1x16xf32>,
            %get3A_893 = vector.shape_cast %get3A_892 : vector<1x16xf32> to vector<16xf32>
            %swap3A_894 = arith.index_cast %squeeze3A_887 : i32 to index
            %swap3A_895 = arith.constant 0 : index
            %swap3A_896 = tpu.vector_load %arg8[%swap3A_894, %swap3A_895] {strides = array<i32>} : memref<256x80xf32, #tpu.memory_space<vmem>>, vector<1x16xf32>,
            %swap3A_897 = vector.shape_cast %swap3A_896 : vector<1x16xf32> to vector<16xf32>
            %swap3A_898 = vector.shape_cast %get3A_893 : vector<16xf32> to vector<1x16xf32>
            tpu.vector_store %arg8[%swap3A_894, %swap3A_895], %swap3A_898 {add = true, strides = array<i32>} : memref<256x80xf32, #tpu.memory_space<vmem>>, vector<1x16xf32>,
            %add3A_899 = arith.constant 7 : i32
            %add3A_900 = arith.addi %mul3A_746, %add3A_899 : i32
            %get3A_901 = arith.index_cast %add3A_900 : i32 to index
            %get3A_902 = arith.constant 16 : index
            %get3A_903 = tpu.vector_load %arg7[%get3A_901, %get3A_902] {strides = array<i32>} : memref<512x64xf32, #tpu.memory_space<vmem>>, vector<1x16xf32>,
            %get3A_904 = vector.shape_cast %get3A_903 : vector<1x16xf32> to vector<16xf32>
            %swap3A_905 = arith.index_cast %squeeze3A_887 : i32 to index
            %swap3A_906 = arith.constant 16 : index
            %swap3A_907 = tpu.vector_load %arg8[%swap3A_905, %swap3A_906] {strides = array<i32>} : memref<256x80xf32, #tpu.memory_space<vmem>>, vector<1x16xf32>,
            %swap3A_908 = vector.shape_cast %swap3A_907 : vector<1x16xf32> to vector<16xf32>
            %swap3A_909 = vector.shape_cast %get3A_904 : vector<16xf32> to vector<1x16xf32>
            tpu.vector_store %arg8[%swap3A_905, %swap3A_906], %swap3A_909 {add = true, strides = array<i32>} : memref<256x80xf32, #tpu.memory_space<vmem>>, vector<1x16xf32>,
            %add3A_910 = arith.constant 7 : i32
            %add3A_911 = arith.addi %mul3A_746, %add3A_910 : i32
            %get3A_912 = arith.index_cast %add3A_911 : i32 to index
            %get3A_913 = arith.constant 32 : index
            %get3A_914 = tpu.vector_load %arg7[%get3A_912, %get3A_913] {strides = array<i32>} : memref<512x64xf32, #tpu.memory_space<vmem>>, vector<1x16xf32>,
            %get3A_915 = vector.shape_cast %get3A_914 : vector<1x16xf32> to vector<16xf32>
            %swap3A_916 = arith.index_cast %squeeze3A_887 : i32 to index
            %swap3A_917 = arith.constant 32 : index
            %swap3A_918 = tpu.vector_load %arg8[%swap3A_916, %swap3A_917] {strides = array<i32>} : memref<256x80xf32, #tpu.memory_space<vmem>>, vector<1x16xf32>,
            %swap3A_919 = vector.shape_cast %swap3A_918 : vector<1x16xf32> to vector<16xf32>
            %swap3A_920 = vector.shape_cast %get3A_915 : vector<16xf32> to vector<1x16xf32>
            tpu.vector_store %arg8[%swap3A_916, %swap3A_917], %swap3A_920 {add = true, strides = array<i32>} : memref<256x80xf32, #tpu.memory_space<vmem>>, vector<1x16xf32>,
            %add3A_921 = arith.constant 7 : i32
            %add3A_922 = arith.addi %mul3A_746, %add3A_921 : i32
            %get3A_923 = arith.index_cast %add3A_922 : i32 to index
            %get3A_924 = arith.constant 48 : index
            %get3A_925 = tpu.vector_load %arg7[%get3A_923, %get3A_924] {strides = array<i32>} : memref<512x64xf32, #tpu.memory_space<vmem>>, vector<1x16xf32>,
            %get3A_926 = vector.shape_cast %get3A_925 : vector<1x16xf32> to vector<16xf32>
            %swap3A_927 = arith.index_cast %squeeze3A_887 : i32 to index
            %swap3A_928 = arith.constant 48 : index
            %swap3A_929 = tpu.vector_load %arg8[%swap3A_927, %swap3A_928] {strides = array<i32>} : memref<256x80xf32, #tpu.memory_space<vmem>>, vector<1x16xf32>,
            %swap3A_930 = vector.shape_cast %swap3A_929 : vector<1x16xf32> to vector<16xf32>
            %swap3A_931 = vector.shape_cast %get3A_926 : vector<16xf32> to vector<1x16xf32>
            tpu.vector_store %arg8[%swap3A_927, %swap3A_928], %swap3A_931 {add = true, strides = array<i32>} : memref<256x80xf32, #tpu.memory_space<vmem>>, vector<1x16xf32>,
            %swap3A_932 = arith.index_cast %squeeze3A_887 : i32 to index
            %swap3A_933 = arith.constant 64 : index
            %swap3A_934 = tpu.vector_load %arg8[%swap3A_932, %swap3A_933] {strides = array<i32>} : memref<256x80xf32, #tpu.memory_space<vmem>>, vector<1x16xf32>,
            %swap3A_935 = vector.shape_cast %swap3A_934 : vector<1x16xf32> to vector<16xf32>
            %swap3A_936 = vector.shape_cast %broadcast_in_dim3A_1 : vector<16xf32> to vector<1x16xf32>
            tpu.vector_store %arg8[%swap3A_932, %swap3A_933], %swap3A_936 {add = true, strides = array<i32>} : memref<256x80xf32, #tpu.memory_space<vmem>>, vector<1x16xf32>,
            %cond3A_937 = arith.constant 0 : i32
            scf.yield %cond3A_937 : i32
          } else {
            %cond3A_886 = arith.constant 0 : i32
            scf.yield %cond3A_886 : i32
          }
          %add3A_821 = arith.constant 8 : i32
          %add3A_822 = arith.addi %mul3A_746, %add3A_821 : i32
          %ge3A_823 = arith.cmpi sge, %add3A_822, %sub3A_737 : i32
          %convert_element_type3A_824 = arith.extui %ge3A_823 : i1 to i32
          %cond3A_825 = arith.constant 0 : i32
          %cond3A_826 = arith.constant 0 : i32
          %cond3A_827 = arith.cmpi ne, %convert_element_type3A_824, %cond3A_826 : i32
          %cond3A_828 = scf.if %cond3A_827 -> (i32) {
            %slice3A_886 = vector.extract_strided_slice %get3A_748 {offsets = [8], sizes = [1], strides = [1]} : vector<16xi32> to vector<1xi32>
            %squeeze3A_887 = vector.extract %slice3A_886[0] : i32 from vector<1xi32>
            %add3A_888 = arith.constant 8 : i32
            %add3A_889 = arith.addi %mul3A_746, %add3A_888 : i32
            %get3A_890 = arith.index_cast %add3A_889 : i32 to index
            %get3A_891 = arith.constant 0 : index
            %get3A_892 = tpu.vector_load %arg7[%get3A_890, %get3A_891] {strides = array<i32>} : memref<512x64xf32, #tpu.memory_space<vmem>>, vector<1x16xf32>,
            %get3A_893 = vector.shape_cast %get3A_892 : vector<1x16xf32> to vector<16xf32>
            %swap3A_894 = arith.index_cast %squeeze3A_887 : i32 to index
            %swap3A_895 = arith.constant 0 : index
            %swap3A_896 = tpu.vector_load %arg8[%swap3A_894, %swap3A_895] {strides = array<i32>} : memref<256x80xf32, #tpu.memory_space<vmem>>, vector<1x16xf32>,
            %swap3A_897 = vector.shape_cast %swap3A_896 : vector<1x16xf32> to vector<16xf32>
            %swap3A_898 = vector.shape_cast %get3A_893 : vector<16xf32> to vector<1x16xf32>
            tpu.vector_store %arg8[%swap3A_894, %swap3A_895], %swap3A_898 {add = true, strides = array<i32>} : memref<256x80xf32, #tpu.memory_space<vmem>>, vector<1x16xf32>,
            %add3A_899 = arith.constant 8 : i32
            %add3A_900 = arith.addi %mul3A_746, %add3A_899 : i32
            %get3A_901 = arith.index_cast %add3A_900 : i32 to index
            %get3A_902 = arith.constant 16 : index
            %get3A_903 = tpu.vector_load %arg7[%get3A_901, %get3A_902] {strides = array<i32>} : memref<512x64xf32, #tpu.memory_space<vmem>>, vector<1x16xf32>,
            %get3A_904 = vector.shape_cast %get3A_903 : vector<1x16xf32> to vector<16xf32>
            %swap3A_905 = arith.index_cast %squeeze3A_887 : i32 to index
            %swap3A_906 = arith.constant 16 : index
            %swap3A_907 = tpu.vector_load %arg8[%swap3A_905, %swap3A_906] {strides = array<i32>} : memref<256x80xf32, #tpu.memory_space<vmem>>, vector<1x16xf32>,
            %swap3A_908 = vector.shape_cast %swap3A_907 : vector<1x16xf32> to vector<16xf32>
            %swap3A_909 = vector.shape_cast %get3A_904 : vector<16xf32> to vector<1x16xf32>
            tpu.vector_store %arg8[%swap3A_905, %swap3A_906], %swap3A_909 {add = true, strides = array<i32>} : memref<256x80xf32, #tpu.memory_space<vmem>>, vector<1x16xf32>,
            %add3A_910 = arith.constant 8 : i32
            %add3A_911 = arith.addi %mul3A_746, %add3A_910 : i32
            %get3A_912 = arith.index_cast %add3A_911 : i32 to index
            %get3A_913 = arith.constant 32 : index
            %get3A_914 = tpu.vector_load %arg7[%get3A_912, %get3A_913] {strides = array<i32>} : memref<512x64xf32, #tpu.memory_space<vmem>>, vector<1x16xf32>,
            %get3A_915 = vector.shape_cast %get3A_914 : vector<1x16xf32> to vector<16xf32>
            %swap3A_916 = arith.index_cast %squeeze3A_887 : i32 to index
            %swap3A_917 = arith.constant 32 : index
            %swap3A_918 = tpu.vector_load %arg8[%swap3A_916, %swap3A_917] {strides = array<i32>} : memref<256x80xf32, #tpu.memory_space<vmem>>, vector<1x16xf32>,
            %swap3A_919 = vector.shape_cast %swap3A_918 : vector<1x16xf32> to vector<16xf32>
            %swap3A_920 = vector.shape_cast %get3A_915 : vector<16xf32> to vector<1x16xf32>
            tpu.vector_store %arg8[%swap3A_916, %swap3A_917], %swap3A_920 {add = true, strides = array<i32>} : memref<256x80xf32, #tpu.memory_space<vmem>>, vector<1x16xf32>,
            %add3A_921 = arith.constant 8 : i32
            %add3A_922 = arith.addi %mul3A_746, %add3A_921 : i32
            %get3A_923 = arith.index_cast %add3A_922 : i32 to index
            %get3A_924 = arith.constant 48 : index
            %get3A_925 = tpu.vector_load %arg7[%get3A_923, %get3A_924] {strides = array<i32>} : memref<512x64xf32, #tpu.memory_space<vmem>>, vector<1x16xf32>,
            %get3A_926 = vector.shape_cast %get3A_925 : vector<1x16xf32> to vector<16xf32>
            %swap3A_927 = arith.index_cast %squeeze3A_887 : i32 to index
            %swap3A_928 = arith.constant 48 : index
            %swap3A_929 = tpu.vector_load %arg8[%swap3A_927, %swap3A_928] {strides = array<i32>} : memref<256x80xf32, #tpu.memory_space<vmem>>, vector<1x16xf32>,
            %swap3A_930 = vector.shape_cast %swap3A_929 : vector<1x16xf32> to vector<16xf32>
            %swap3A_931 = vector.shape_cast %get3A_926 : vector<16xf32> to vector<1x16xf32>
            tpu.vector_store %arg8[%swap3A_927, %swap3A_928], %swap3A_931 {add = true, strides = array<i32>} : memref<256x80xf32, #tpu.memory_space<vmem>>, vector<1x16xf32>,
            %swap3A_932 = arith.index_cast %squeeze3A_887 : i32 to index
            %swap3A_933 = arith.constant 64 : index
            %swap3A_934 = tpu.vector_load %arg8[%swap3A_932, %swap3A_933] {strides = array<i32>} : memref<256x80xf32, #tpu.memory_space<vmem>>, vector<1x16xf32>,
            %swap3A_935 = vector.shape_cast %swap3A_934 : vector<1x16xf32> to vector<16xf32>
            %swap3A_936 = vector.shape_cast %broadcast_in_dim3A_1 : vector<16xf32> to vector<1x16xf32>
            tpu.vector_store %arg8[%swap3A_932, %swap3A_933], %swap3A_936 {add = true, strides = array<i32>} : memref<256x80xf32, #tpu.memory_space<vmem>>, vector<1x16xf32>,
            %cond3A_937 = arith.constant 0 : i32
            scf.yield %cond3A_937 : i32
          } else {
            %cond3A_886 = arith.constant 0 : i32
            scf.yield %cond3A_886 : i32
          }
          %add3A_829 = arith.constant 9 : i32
          %add3A_830 = arith.addi %mul3A_746, %add3A_829 : i32
          %ge3A_831 = arith.cmpi sge, %add3A_830, %sub3A_737 : i32
          %convert_element_type3A_832 = arith.extui %ge3A_831 : i1 to i32
          %cond3A_833 = arith.constant 0 : i32
          %cond3A_834 = arith.constant 0 : i32
          %cond3A_835 = arith.cmpi ne, %convert_element_type3A_832, %cond3A_834 : i32
          %cond3A_836 = scf.if %cond3A_835 -> (i32) {
            %slice3A_886 = vector.extract_strided_slice %get3A_748 {offsets = [9], sizes = [1], strides = [1]} : vector<16xi32> to vector<1xi32>
            %squeeze3A_887 = vector.extract %slice3A_886[0] : i32 from vector<1xi32>
            %add3A_888 = arith.constant 9 : i32
            %add3A_889 = arith.addi %mul3A_746, %add3A_888 : i32
            %get3A_890 = arith.index_cast %add3A_889 : i32 to index
            %get3A_891 = arith.constant 0 : index
            %get3A_892 = tpu.vector_load %arg7[%get3A_890, %get3A_891] {strides = array<i32>} : memref<512x64xf32, #tpu.memory_space<vmem>>, vector<1x16xf32>,
            %get3A_893 = vector.shape_cast %get3A_892 : vector<1x16xf32> to vector<16xf32>
            %swap3A_894 = arith.index_cast %squeeze3A_887 : i32 to index
            %swap3A_895 = arith.constant 0 : index
            %swap3A_896 = tpu.vector_load %arg8[%swap3A_894, %swap3A_895] {strides = array<i32>} : memref<256x80xf32, #tpu.memory_space<vmem>>, vector<1x16xf32>,
            %swap3A_897 = vector.shape_cast %swap3A_896 : vector<1x16xf32> to vector<16xf32>
            %swap3A_898 = vector.shape_cast %get3A_893 : vector<16xf32> to vector<1x16xf32>
            tpu.vector_store %arg8[%swap3A_894, %swap3A_895], %swap3A_898 {add = true, strides = array<i32>} : memref<256x80xf32, #tpu.memory_space<vmem>>, vector<1x16xf32>,
            %add3A_899 = arith.constant 9 : i32
            %add3A_900 = arith.addi %mul3A_746, %add3A_899 : i32
            %get3A_901 = arith.index_cast %add3A_900 : i32 to index
            %get3A_902 = arith.constant 16 : index
            %get3A_903 = tpu.vector_load %arg7[%get3A_901, %get3A_902] {strides = array<i32>} : memref<512x64xf32, #tpu.memory_space<vmem>>, vector<1x16xf32>,
            %get3A_904 = vector.shape_cast %get3A_903 : vector<1x16xf32> to vector<16xf32>
            %swap3A_905 = arith.index_cast %squeeze3A_887 : i32 to index
            %swap3A_906 = arith.constant 16 : index
            %swap3A_907 = tpu.vector_load %arg8[%swap3A_905, %swap3A_906] {strides = array<i32>} : memref<256x80xf32, #tpu.memory_space<vmem>>, vector<1x16xf32>,
            %swap3A_908 = vector.shape_cast %swap3A_907 : vector<1x16xf32> to vector<16xf32>
            %swap3A_909 = vector.shape_cast %get3A_904 : vector<16xf32> to vector<1x16xf32>
            tpu.vector_store %arg8[%swap3A_905, %swap3A_906], %swap3A_909 {add = true, strides = array<i32>} : memref<256x80xf32, #tpu.memory_space<vmem>>, vector<1x16xf32>,
            %add3A_910 = arith.constant 9 : i32
            %add3A_911 = arith.addi %mul3A_746, %add3A_910 : i32
            %get3A_912 = arith.index_cast %add3A_911 : i32 to index
            %get3A_913 = arith.constant 32 : index
            %get3A_914 = tpu.vector_load %arg7[%get3A_912, %get3A_913] {strides = array<i32>} : memref<512x64xf32, #tpu.memory_space<vmem>>, vector<1x16xf32>,
            %get3A_915 = vector.shape_cast %get3A_914 : vector<1x16xf32> to vector<16xf32>
            %swap3A_916 = arith.index_cast %squeeze3A_887 : i32 to index
            %swap3A_917 = arith.constant 32 : index
            %swap3A_918 = tpu.vector_load %arg8[%swap3A_916, %swap3A_917] {strides = array<i32>} : memref<256x80xf32, #tpu.memory_space<vmem>>, vector<1x16xf32>,
            %swap3A_919 = vector.shape_cast %swap3A_918 : vector<1x16xf32> to vector<16xf32>
            %swap3A_920 = vector.shape_cast %get3A_915 : vector<16xf32> to vector<1x16xf32>
            tpu.vector_store %arg8[%swap3A_916, %swap3A_917], %swap3A_920 {add = true, strides = array<i32>} : memref<256x80xf32, #tpu.memory_space<vmem>>, vector<1x16xf32>,
            %add3A_921 = arith.constant 9 : i32
            %add3A_922 = arith.addi %mul3A_746, %add3A_921 : i32
            %get3A_923 = arith.index_cast %add3A_922 : i32 to index
            %get3A_924 = arith.constant 48 : index
            %get3A_925 = tpu.vector_load %arg7[%get3A_923, %get3A_924] {strides = array<i32>} : memref<512x64xf32, #tpu.memory_space<vmem>>, vector<1x16xf32>,
            %get3A_926 = vector.shape_cast %get3A_925 : vector<1x16xf32> to vector<16xf32>
            %swap3A_927 = arith.index_cast %squeeze3A_887 : i32 to index
            %swap3A_928 = arith.constant 48 : index
            %swap3A_929 = tpu.vector_load %arg8[%swap3A_927, %swap3A_928] {strides = array<i32>} : memref<256x80xf32, #tpu.memory_space<vmem>>, vector<1x16xf32>,
            %swap3A_930 = vector.shape_cast %swap3A_929 : vector<1x16xf32> to vector<16xf32>
            %swap3A_931 = vector.shape_cast %get3A_926 : vector<16xf32> to vector<1x16xf32>
            tpu.vector_store %arg8[%swap3A_927, %swap3A_928], %swap3A_931 {add = true, strides = array<i32>} : memref<256x80xf32, #tpu.memory_space<vmem>>, vector<1x16xf32>,
            %swap3A_932 = arith.index_cast %squeeze3A_887 : i32 to index
            %swap3A_933 = arith.constant 64 : index
            %swap3A_934 = tpu.vector_load %arg8[%swap3A_932, %swap3A_933] {strides = array<i32>} : memref<256x80xf32, #tpu.memory_space<vmem>>, vector<1x16xf32>,
            %swap3A_935 = vector.shape_cast %swap3A_934 : vector<1x16xf32> to vector<16xf32>
            %swap3A_936 = vector.shape_cast %broadcast_in_dim3A_1 : vector<16xf32> to vector<1x16xf32>
            tpu.vector_store %arg8[%swap3A_932, %swap3A_933], %swap3A_936 {add = true, strides = array<i32>} : memref<256x80xf32, #tpu.memory_space<vmem>>, vector<1x16xf32>,
            %cond3A_937 = arith.constant 0 : i32
            scf.yield %cond3A_937 : i32
          } else {
            %cond3A_886 = arith.constant 0 : i32
            scf.yield %cond3A_886 : i32
          }
          %add3A_837 = arith.constant 10 : i32
          %add3A_838 = arith.addi %mul3A_746, %add3A_837 : i32
          %ge3A_839 = arith.cmpi sge, %add3A_838, %sub3A_737 : i32
          %convert_element_type3A_840 = arith.extui %ge3A_839 : i1 to i32
          %cond3A_841 = arith.constant 0 : i32
          %cond3A_842 = arith.constant 0 : i32
          %cond3A_843 = arith.cmpi ne, %convert_element_type3A_840, %cond3A_842 : i32
          %cond3A_844 = scf.if %cond3A_843 -> (i32) {
            %slice3A_886 = vector.extract_strided_slice %get3A_748 {offsets = [10], sizes = [1], strides = [1]} : vector<16xi32> to vector<1xi32>
            %squeeze3A_887 = vector.extract %slice3A_886[0] : i32 from vector<1xi32>
            %add3A_888 = arith.constant 10 : i32
            %add3A_889 = arith.addi %mul3A_746, %add3A_888 : i32
            %get3A_890 = arith.index_cast %add3A_889 : i32 to index
            %get3A_891 = arith.constant 0 : index
            %get3A_892 = tpu.vector_load %arg7[%get3A_890, %get3A_891] {strides = array<i32>} : memref<512x64xf32, #tpu.memory_space<vmem>>, vector<1x16xf32>,
            %get3A_893 = vector.shape_cast %get3A_892 : vector<1x16xf32> to vector<16xf32>
            %swap3A_894 = arith.index_cast %squeeze3A_887 : i32 to index
            %swap3A_895 = arith.constant 0 : index
            %swap3A_896 = tpu.vector_load %arg8[%swap3A_894, %swap3A_895] {strides = array<i32>} : memref<256x80xf32, #tpu.memory_space<vmem>>, vector<1x16xf32>,
            %swap3A_897 = vector.shape_cast %swap3A_896 : vector<1x16xf32> to vector<16xf32>
            %swap3A_898 = vector.shape_cast %get3A_893 : vector<16xf32> to vector<1x16xf32>
            tpu.vector_store %arg8[%swap3A_894, %swap3A_895], %swap3A_898 {add = true, strides = array<i32>} : memref<256x80xf32, #tpu.memory_space<vmem>>, vector<1x16xf32>,
            %add3A_899 = arith.constant 10 : i32
            %add3A_900 = arith.addi %mul3A_746, %add3A_899 : i32
            %get3A_901 = arith.index_cast %add3A_900 : i32 to index
            %get3A_902 = arith.constant 16 : index
            %get3A_903 = tpu.vector_load %arg7[%get3A_901, %get3A_902] {strides = array<i32>} : memref<512x64xf32, #tpu.memory_space<vmem>>, vector<1x16xf32>,
            %get3A_904 = vector.shape_cast %get3A_903 : vector<1x16xf32> to vector<16xf32>
            %swap3A_905 = arith.index_cast %squeeze3A_887 : i32 to index
            %swap3A_906 = arith.constant 16 : index
            %swap3A_907 = tpu.vector_load %arg8[%swap3A_905, %swap3A_906] {strides = array<i32>} : memref<256x80xf32, #tpu.memory_space<vmem>>, vector<1x16xf32>,
            %swap3A_908 = vector.shape_cast %swap3A_907 : vector<1x16xf32> to vector<16xf32>
            %swap3A_909 = vector.shape_cast %get3A_904 : vector<16xf32> to vector<1x16xf32>
            tpu.vector_store %arg8[%swap3A_905, %swap3A_906], %swap3A_909 {add = true, strides = array<i32>} : memref<256x80xf32, #tpu.memory_space<vmem>>, vector<1x16xf32>,
            %add3A_910 = arith.constant 10 : i32
            %add3A_911 = arith.addi %mul3A_746, %add3A_910 : i32
            %get3A_912 = arith.index_cast %add3A_911 : i32 to index
            %get3A_913 = arith.constant 32 : index
            %get3A_914 = tpu.vector_load %arg7[%get3A_912, %get3A_913] {strides = array<i32>} : memref<512x64xf32, #tpu.memory_space<vmem>>, vector<1x16xf32>,
            %get3A_915 = vector.shape_cast %get3A_914 : vector<1x16xf32> to vector<16xf32>
            %swap3A_916 = arith.index_cast %squeeze3A_887 : i32 to index
            %swap3A_917 = arith.constant 32 : index
            %swap3A_918 = tpu.vector_load %arg8[%swap3A_916, %swap3A_917] {strides = array<i32>} : memref<256x80xf32, #tpu.memory_space<vmem>>, vector<1x16xf32>,
            %swap3A_919 = vector.shape_cast %swap3A_918 : vector<1x16xf32> to vector<16xf32>
            %swap3A_920 = vector.shape_cast %get3A_915 : vector<16xf32> to vector<1x16xf32>
            tpu.vector_store %arg8[%swap3A_916, %swap3A_917], %swap3A_920 {add = true, strides = array<i32>} : memref<256x80xf32, #tpu.memory_space<vmem>>, vector<1x16xf32>,
            %add3A_921 = arith.constant 10 : i32
            %add3A_922 = arith.addi %mul3A_746, %add3A_921 : i32
            %get3A_923 = arith.index_cast %add3A_922 : i32 to index
            %get3A_924 = arith.constant 48 : index
            %get3A_925 = tpu.vector_load %arg7[%get3A_923, %get3A_924] {strides = array<i32>} : memref<512x64xf32, #tpu.memory_space<vmem>>, vector<1x16xf32>,
            %get3A_926 = vector.shape_cast %get3A_925 : vector<1x16xf32> to vector<16xf32>
            %swap3A_927 = arith.index_cast %squeeze3A_887 : i32 to index
            %swap3A_928 = arith.constant 48 : index
            %swap3A_929 = tpu.vector_load %arg8[%swap3A_927, %swap3A_928] {strides = array<i32>} : memref<256x80xf32, #tpu.memory_space<vmem>>, vector<1x16xf32>,
            %swap3A_930 = vector.shape_cast %swap3A_929 : vector<1x16xf32> to vector<16xf32>
            %swap3A_931 = vector.shape_cast %get3A_926 : vector<16xf32> to vector<1x16xf32>
            tpu.vector_store %arg8[%swap3A_927, %swap3A_928], %swap3A_931 {add = true, strides = array<i32>} : memref<256x80xf32, #tpu.memory_space<vmem>>, vector<1x16xf32>,
            %swap3A_932 = arith.index_cast %squeeze3A_887 : i32 to index
            %swap3A_933 = arith.constant 64 : index
            %swap3A_934 = tpu.vector_load %arg8[%swap3A_932, %swap3A_933] {strides = array<i32>} : memref<256x80xf32, #tpu.memory_space<vmem>>, vector<1x16xf32>,
            %swap3A_935 = vector.shape_cast %swap3A_934 : vector<1x16xf32> to vector<16xf32>
            %swap3A_936 = vector.shape_cast %broadcast_in_dim3A_1 : vector<16xf32> to vector<1x16xf32>
            tpu.vector_store %arg8[%swap3A_932, %swap3A_933], %swap3A_936 {add = true, strides = array<i32>} : memref<256x80xf32, #tpu.memory_space<vmem>>, vector<1x16xf32>,
            %cond3A_937 = arith.constant 0 : i32
            scf.yield %cond3A_937 : i32
          } else {
            %cond3A_886 = arith.constant 0 : i32
            scf.yield %cond3A_886 : i32
          }
          %add3A_845 = arith.constant 11 : i32
          %add3A_846 = arith.addi %mul3A_746, %add3A_845 : i32
          %ge3A_847 = arith.cmpi sge, %add3A_846, %sub3A_737 : i32
          %convert_element_type3A_848 = arith.extui %ge3A_847 : i1 to i32
          %cond3A_849 = arith.constant 0 : i32
          %cond3A_850 = arith.constant 0 : i32
          %cond3A_851 = arith.cmpi ne, %convert_element_type3A_848, %cond3A_850 : i32
          %cond3A_852 = scf.if %cond3A_851 -> (i32) {
            %slice3A_886 = vector.extract_strided_slice %get3A_748 {offsets = [11], sizes = [1], strides = [1]} : vector<16xi32> to vector<1xi32>
            %squeeze3A_887 = vector.extract %slice3A_886[0] : i32 from vector<1xi32>
            %add3A_888 = arith.constant 11 : i32
            %add3A_889 = arith.addi %mul3A_746, %add3A_888 : i32
            %get3A_890 = arith.index_cast %add3A_889 : i32 to index
            %get3A_891 = arith.constant 0 : index
            %get3A_892 = tpu.vector_load %arg7[%get3A_890, %get3A_891] {strides = array<i32>} : memref<512x64xf32, #tpu.memory_space<vmem>>, vector<1x16xf32>,
            %get3A_893 = vector.shape_cast %get3A_892 : vector<1x16xf32> to vector<16xf32>
            %swap3A_894 = arith.index_cast %squeeze3A_887 : i32 to index
            %swap3A_895 = arith.constant 0 : index
            %swap3A_896 = tpu.vector_load %arg8[%swap3A_894, %swap3A_895] {strides = array<i32>} : memref<256x80xf32, #tpu.memory_space<vmem>>, vector<1x16xf32>,
            %swap3A_897 = vector.shape_cast %swap3A_896 : vector<1x16xf32> to vector<16xf32>
            %swap3A_898 = vector.shape_cast %get3A_893 : vector<16xf32> to vector<1x16xf32>
            tpu.vector_store %arg8[%swap3A_894, %swap3A_895], %swap3A_898 {add = true, strides = array<i32>} : memref<256x80xf32, #tpu.memory_space<vmem>>, vector<1x16xf32>,
            %add3A_899 = arith.constant 11 : i32
            %add3A_900 = arith.addi %mul3A_746, %add3A_899 : i32
            %get3A_901 = arith.index_cast %add3A_900 : i32 to index
            %get3A_902 = arith.constant 16 : index
            %get3A_903 = tpu.vector_load %arg7[%get3A_901, %get3A_902] {strides = array<i32>} : memref<512x64xf32, #tpu.memory_space<vmem>>, vector<1x16xf32>,
            %get3A_904 = vector.shape_cast %get3A_903 : vector<1x16xf32> to vector<16xf32>
            %swap3A_905 = arith.index_cast %squeeze3A_887 : i32 to index
            %swap3A_906 = arith.constant 16 : index
            %swap3A_907 = tpu.vector_load %arg8[%swap3A_905, %swap3A_906] {strides = array<i32>} : memref<256x80xf32, #tpu.memory_space<vmem>>, vector<1x16xf32>,
            %swap3A_908 = vector.shape_cast %swap3A_907 : vector<1x16xf32> to vector<16xf32>
            %swap3A_909 = vector.shape_cast %get3A_904 : vector<16xf32> to vector<1x16xf32>
            tpu.vector_store %arg8[%swap3A_905, %swap3A_906], %swap3A_909 {add = true, strides = array<i32>} : memref<256x80xf32, #tpu.memory_space<vmem>>, vector<1x16xf32>,
            %add3A_910 = arith.constant 11 : i32
            %add3A_911 = arith.addi %mul3A_746, %add3A_910 : i32
            %get3A_912 = arith.index_cast %add3A_911 : i32 to index
            %get3A_913 = arith.constant 32 : index
            %get3A_914 = tpu.vector_load %arg7[%get3A_912, %get3A_913] {strides = array<i32>} : memref<512x64xf32, #tpu.memory_space<vmem>>, vector<1x16xf32>,
            %get3A_915 = vector.shape_cast %get3A_914 : vector<1x16xf32> to vector<16xf32>
            %swap3A_916 = arith.index_cast %squeeze3A_887 : i32 to index
            %swap3A_917 = arith.constant 32 : index
            %swap3A_918 = tpu.vector_load %arg8[%swap3A_916, %swap3A_917] {strides = array<i32>} : memref<256x80xf32, #tpu.memory_space<vmem>>, vector<1x16xf32>,
            %swap3A_919 = vector.shape_cast %swap3A_918 : vector<1x16xf32> to vector<16xf32>
            %swap3A_920 = vector.shape_cast %get3A_915 : vector<16xf32> to vector<1x16xf32>
            tpu.vector_store %arg8[%swap3A_916, %swap3A_917], %swap3A_920 {add = true, strides = array<i32>} : memref<256x80xf32, #tpu.memory_space<vmem>>, vector<1x16xf32>,
            %add3A_921 = arith.constant 11 : i32
            %add3A_922 = arith.addi %mul3A_746, %add3A_921 : i32
            %get3A_923 = arith.index_cast %add3A_922 : i32 to index
            %get3A_924 = arith.constant 48 : index
            %get3A_925 = tpu.vector_load %arg7[%get3A_923, %get3A_924] {strides = array<i32>} : memref<512x64xf32, #tpu.memory_space<vmem>>, vector<1x16xf32>,
            %get3A_926 = vector.shape_cast %get3A_925 : vector<1x16xf32> to vector<16xf32>
            %swap3A_927 = arith.index_cast %squeeze3A_887 : i32 to index
            %swap3A_928 = arith.constant 48 : index
            %swap3A_929 = tpu.vector_load %arg8[%swap3A_927, %swap3A_928] {strides = array<i32>} : memref<256x80xf32, #tpu.memory_space<vmem>>, vector<1x16xf32>,
            %swap3A_930 = vector.shape_cast %swap3A_929 : vector<1x16xf32> to vector<16xf32>
            %swap3A_931 = vector.shape_cast %get3A_926 : vector<16xf32> to vector<1x16xf32>
            tpu.vector_store %arg8[%swap3A_927, %swap3A_928], %swap3A_931 {add = true, strides = array<i32>} : memref<256x80xf32, #tpu.memory_space<vmem>>, vector<1x16xf32>,
            %swap3A_932 = arith.index_cast %squeeze3A_887 : i32 to index
            %swap3A_933 = arith.constant 64 : index
            %swap3A_934 = tpu.vector_load %arg8[%swap3A_932, %swap3A_933] {strides = array<i32>} : memref<256x80xf32, #tpu.memory_space<vmem>>, vector<1x16xf32>,
            %swap3A_935 = vector.shape_cast %swap3A_934 : vector<1x16xf32> to vector<16xf32>
            %swap3A_936 = vector.shape_cast %broadcast_in_dim3A_1 : vector<16xf32> to vector<1x16xf32>
            tpu.vector_store %arg8[%swap3A_932, %swap3A_933], %swap3A_936 {add = true, strides = array<i32>} : memref<256x80xf32, #tpu.memory_space<vmem>>, vector<1x16xf32>,
            %cond3A_937 = arith.constant 0 : i32
            scf.yield %cond3A_937 : i32
          } else {
            %cond3A_886 = arith.constant 0 : i32
            scf.yield %cond3A_886 : i32
          }
          %add3A_853 = arith.constant 12 : i32
          %add3A_854 = arith.addi %mul3A_746, %add3A_853 : i32
          %ge3A_855 = arith.cmpi sge, %add3A_854, %sub3A_737 : i32
          %convert_element_type3A_856 = arith.extui %ge3A_855 : i1 to i32
          %cond3A_857 = arith.constant 0 : i32
          %cond3A_858 = arith.constant 0 : i32
          %cond3A_859 = arith.cmpi ne, %convert_element_type3A_856, %cond3A_858 : i32
          %cond3A_860 = scf.if %cond3A_859 -> (i32) {
            %slice3A_886 = vector.extract_strided_slice %get3A_748 {offsets = [12], sizes = [1], strides = [1]} : vector<16xi32> to vector<1xi32>
            %squeeze3A_887 = vector.extract %slice3A_886[0] : i32 from vector<1xi32>
            %add3A_888 = arith.constant 12 : i32
            %add3A_889 = arith.addi %mul3A_746, %add3A_888 : i32
            %get3A_890 = arith.index_cast %add3A_889 : i32 to index
            %get3A_891 = arith.constant 0 : index
            %get3A_892 = tpu.vector_load %arg7[%get3A_890, %get3A_891] {strides = array<i32>} : memref<512x64xf32, #tpu.memory_space<vmem>>, vector<1x16xf32>,
            %get3A_893 = vector.shape_cast %get3A_892 : vector<1x16xf32> to vector<16xf32>
            %swap3A_894 = arith.index_cast %squeeze3A_887 : i32 to index
            %swap3A_895 = arith.constant 0 : index
            %swap3A_896 = tpu.vector_load %arg8[%swap3A_894, %swap3A_895] {strides = array<i32>} : memref<256x80xf32, #tpu.memory_space<vmem>>, vector<1x16xf32>,
            %swap3A_897 = vector.shape_cast %swap3A_896 : vector<1x16xf32> to vector<16xf32>
            %swap3A_898 = vector.shape_cast %get3A_893 : vector<16xf32> to vector<1x16xf32>
            tpu.vector_store %arg8[%swap3A_894, %swap3A_895], %swap3A_898 {add = true, strides = array<i32>} : memref<256x80xf32, #tpu.memory_space<vmem>>, vector<1x16xf32>,
            %add3A_899 = arith.constant 12 : i32
            %add3A_900 = arith.addi %mul3A_746, %add3A_899 : i32
            %get3A_901 = arith.index_cast %add3A_900 : i32 to index
            %get3A_902 = arith.constant 16 : index
            %get3A_903 = tpu.vector_load %arg7[%get3A_901, %get3A_902] {strides = array<i32>} : memref<512x64xf32, #tpu.memory_space<vmem>>, vector<1x16xf32>,
            %get3A_904 = vector.shape_cast %get3A_903 : vector<1x16xf32> to vector<16xf32>
            %swap3A_905 = arith.index_cast %squeeze3A_887 : i32 to index
            %swap3A_906 = arith.constant 16 : index
            %swap3A_907 = tpu.vector_load %arg8[%swap3A_905, %swap3A_906] {strides = array<i32>} : memref<256x80xf32, #tpu.memory_space<vmem>>, vector<1x16xf32>,
            %swap3A_908 = vector.shape_cast %swap3A_907 : vector<1x16xf32> to vector<16xf32>
            %swap3A_909 = vector.shape_cast %get3A_904 : vector<16xf32> to vector<1x16xf32>
            tpu.vector_store %arg8[%swap3A_905, %swap3A_906], %swap3A_909 {add = true, strides = array<i32>} : memref<256x80xf32, #tpu.memory_space<vmem>>, vector<1x16xf32>,
            %add3A_910 = arith.constant 12 : i32
            %add3A_911 = arith.addi %mul3A_746, %add3A_910 : i32
            %get3A_912 = arith.index_cast %add3A_911 : i32 to index
            %get3A_913 = arith.constant 32 : index
            %get3A_914 = tpu.vector_load %arg7[%get3A_912, %get3A_913] {strides = array<i32>} : memref<512x64xf32, #tpu.memory_space<vmem>>, vector<1x16xf32>,
            %get3A_915 = vector.shape_cast %get3A_914 : vector<1x16xf32> to vector<16xf32>
            %swap3A_916 = arith.index_cast %squeeze3A_887 : i32 to index
            %swap3A_917 = arith.constant 32 : index
            %swap3A_918 = tpu.vector_load %arg8[%swap3A_916, %swap3A_917] {strides = array<i32>} : memref<256x80xf32, #tpu.memory_space<vmem>>, vector<1x16xf32>,
            %swap3A_919 = vector.shape_cast %swap3A_918 : vector<1x16xf32> to vector<16xf32>
            %swap3A_920 = vector.shape_cast %get3A_915 : vector<16xf32> to vector<1x16xf32>
            tpu.vector_store %arg8[%swap3A_916, %swap3A_917], %swap3A_920 {add = true, strides = array<i32>} : memref<256x80xf32, #tpu.memory_space<vmem>>, vector<1x16xf32>,
            %add3A_921 = arith.constant 12 : i32
            %add3A_922 = arith.addi %mul3A_746, %add3A_921 : i32
            %get3A_923 = arith.index_cast %add3A_922 : i32 to index
            %get3A_924 = arith.constant 48 : index
            %get3A_925 = tpu.vector_load %arg7[%get3A_923, %get3A_924] {strides = array<i32>} : memref<512x64xf32, #tpu.memory_space<vmem>>, vector<1x16xf32>,
            %get3A_926 = vector.shape_cast %get3A_925 : vector<1x16xf32> to vector<16xf32>
            %swap3A_927 = arith.index_cast %squeeze3A_887 : i32 to index
            %swap3A_928 = arith.constant 48 : index
            %swap3A_929 = tpu.vector_load %arg8[%swap3A_927, %swap3A_928] {strides = array<i32>} : memref<256x80xf32, #tpu.memory_space<vmem>>, vector<1x16xf32>,
            %swap3A_930 = vector.shape_cast %swap3A_929 : vector<1x16xf32> to vector<16xf32>
            %swap3A_931 = vector.shape_cast %get3A_926 : vector<16xf32> to vector<1x16xf32>
            tpu.vector_store %arg8[%swap3A_927, %swap3A_928], %swap3A_931 {add = true, strides = array<i32>} : memref<256x80xf32, #tpu.memory_space<vmem>>, vector<1x16xf32>,
            %swap3A_932 = arith.index_cast %squeeze3A_887 : i32 to index
            %swap3A_933 = arith.constant 64 : index
            %swap3A_934 = tpu.vector_load %arg8[%swap3A_932, %swap3A_933] {strides = array<i32>} : memref<256x80xf32, #tpu.memory_space<vmem>>, vector<1x16xf32>,
            %swap3A_935 = vector.shape_cast %swap3A_934 : vector<1x16xf32> to vector<16xf32>
            %swap3A_936 = vector.shape_cast %broadcast_in_dim3A_1 : vector<16xf32> to vector<1x16xf32>
            tpu.vector_store %arg8[%swap3A_932, %swap3A_933], %swap3A_936 {add = true, strides = array<i32>} : memref<256x80xf32, #tpu.memory_space<vmem>>, vector<1x16xf32>,
            %cond3A_937 = arith.constant 0 : i32
            scf.yield %cond3A_937 : i32
          } else {
            %cond3A_886 = arith.constant 0 : i32
            scf.yield %cond3A_886 : i32
          }
          %add3A_861 = arith.constant 13 : i32
          %add3A_862 = arith.addi %mul3A_746, %add3A_861 : i32
          %ge3A_863 = arith.cmpi sge, %add3A_862, %sub3A_737 : i32
          %convert_element_type3A_864 = arith.extui %ge3A_863 : i1 to i32
          %cond3A_865 = arith.constant 0 : i32
          %cond3A_866 = arith.constant 0 : i32
          %cond3A_867 = arith.cmpi ne, %convert_element_type3A_864, %cond3A_866 : i32
          %cond3A_868 = scf.if %cond3A_867 -> (i32) {
            %slice3A_886 = vector.extract_strided_slice %get3A_748 {offsets = [13], sizes = [1], strides = [1]} : vector<16xi32> to vector<1xi32>
            %squeeze3A_887 = vector.extract %slice3A_886[0] : i32 from vector<1xi32>
            %add3A_888 = arith.constant 13 : i32
            %add3A_889 = arith.addi %mul3A_746, %add3A_888 : i32
            %get3A_890 = arith.index_cast %add3A_889 : i32 to index
            %get3A_891 = arith.constant 0 : index
            %get3A_892 = tpu.vector_load %arg7[%get3A_890, %get3A_891] {strides = array<i32>} : memref<512x64xf32, #tpu.memory_space<vmem>>, vector<1x16xf32>,
            %get3A_893 = vector.shape_cast %get3A_892 : vector<1x16xf32> to vector<16xf32>
            %swap3A_894 = arith.index_cast %squeeze3A_887 : i32 to index
            %swap3A_895 = arith.constant 0 : index
            %swap3A_896 = tpu.vector_load %arg8[%swap3A_894, %swap3A_895] {strides = array<i32>} : memref<256x80xf32, #tpu.memory_space<vmem>>, vector<1x16xf32>,
            %swap3A_897 = vector.shape_cast %swap3A_896 : vector<1x16xf32> to vector<16xf32>
            %swap3A_898 = vector.shape_cast %get3A_893 : vector<16xf32> to vector<1x16xf32>
            tpu.vector_store %arg8[%swap3A_894, %swap3A_895], %swap3A_898 {add = true, strides = array<i32>} : memref<256x80xf32, #tpu.memory_space<vmem>>, vector<1x16xf32>,
            %add3A_899 = arith.constant 13 : i32
            %add3A_900 = arith.addi %mul3A_746, %add3A_899 : i32
            %get3A_901 = arith.index_cast %add3A_900 : i32 to index
            %get3A_902 = arith.constant 16 : index
            %get3A_903 = tpu.vector_load %arg7[%get3A_901, %get3A_902] {strides = array<i32>} : memref<512x64xf32, #tpu.memory_space<vmem>>, vector<1x16xf32>,
            %get3A_904 = vector.shape_cast %get3A_903 : vector<1x16xf32> to vector<16xf32>
            %swap3A_905 = arith.index_cast %squeeze3A_887 : i32 to index
            %swap3A_906 = arith.constant 16 : index
            %swap3A_907 = tpu.vector_load %arg8[%swap3A_905, %swap3A_906] {strides = array<i32>} : memref<256x80xf32, #tpu.memory_space<vmem>>, vector<1x16xf32>,
            %swap3A_908 = vector.shape_cast %swap3A_907 : vector<1x16xf32> to vector<16xf32>
            %swap3A_909 = vector.shape_cast %get3A_904 : vector<16xf32> to vector<1x16xf32>
            tpu.vector_store %arg8[%swap3A_905, %swap3A_906], %swap3A_909 {add = true, strides = array<i32>} : memref<256x80xf32, #tpu.memory_space<vmem>>, vector<1x16xf32>,
            %add3A_910 = arith.constant 13 : i32
            %add3A_911 = arith.addi %mul3A_746, %add3A_910 : i32
            %get3A_912 = arith.index_cast %add3A_911 : i32 to index
            %get3A_913 = arith.constant 32 : index
            %get3A_914 = tpu.vector_load %arg7[%get3A_912, %get3A_913] {strides = array<i32>} : memref<512x64xf32, #tpu.memory_space<vmem>>, vector<1x16xf32>,
            %get3A_915 = vector.shape_cast %get3A_914 : vector<1x16xf32> to vector<16xf32>
            %swap3A_916 = arith.index_cast %squeeze3A_887 : i32 to index
            %swap3A_917 = arith.constant 32 : index
            %swap3A_918 = tpu.vector_load %arg8[%swap3A_916, %swap3A_917] {strides = array<i32>} : memref<256x80xf32, #tpu.memory_space<vmem>>, vector<1x16xf32>,
            %swap3A_919 = vector.shape_cast %swap3A_918 : vector<1x16xf32> to vector<16xf32>
            %swap3A_920 = vector.shape_cast %get3A_915 : vector<16xf32> to vector<1x16xf32>
            tpu.vector_store %arg8[%swap3A_916, %swap3A_917], %swap3A_920 {add = true, strides = array<i32>} : memref<256x80xf32, #tpu.memory_space<vmem>>, vector<1x16xf32>,
            %add3A_921 = arith.constant 13 : i32
            %add3A_922 = arith.addi %mul3A_746, %add3A_921 : i32
            %get3A_923 = arith.index_cast %add3A_922 : i32 to index
            %get3A_924 = arith.constant 48 : index
            %get3A_925 = tpu.vector_load %arg7[%get3A_923, %get3A_924] {strides = array<i32>} : memref<512x64xf32, #tpu.memory_space<vmem>>, vector<1x16xf32>,
            %get3A_926 = vector.shape_cast %get3A_925 : vector<1x16xf32> to vector<16xf32>
            %swap3A_927 = arith.index_cast %squeeze3A_887 : i32 to index
            %swap3A_928 = arith.constant 48 : index
            %swap3A_929 = tpu.vector_load %arg8[%swap3A_927, %swap3A_928] {strides = array<i32>} : memref<256x80xf32, #tpu.memory_space<vmem>>, vector<1x16xf32>,
            %swap3A_930 = vector.shape_cast %swap3A_929 : vector<1x16xf32> to vector<16xf32>
            %swap3A_931 = vector.shape_cast %get3A_926 : vector<16xf32> to vector<1x16xf32>
            tpu.vector_store %arg8[%swap3A_927, %swap3A_928], %swap3A_931 {add = true, strides = array<i32>} : memref<256x80xf32, #tpu.memory_space<vmem>>, vector<1x16xf32>,
            %swap3A_932 = arith.index_cast %squeeze3A_887 : i32 to index
            %swap3A_933 = arith.constant 64 : index
            %swap3A_934 = tpu.vector_load %arg8[%swap3A_932, %swap3A_933] {strides = array<i32>} : memref<256x80xf32, #tpu.memory_space<vmem>>, vector<1x16xf32>,
            %swap3A_935 = vector.shape_cast %swap3A_934 : vector<1x16xf32> to vector<16xf32>
            %swap3A_936 = vector.shape_cast %broadcast_in_dim3A_1 : vector<16xf32> to vector<1x16xf32>
            tpu.vector_store %arg8[%swap3A_932, %swap3A_933], %swap3A_936 {add = true, strides = array<i32>} : memref<256x80xf32, #tpu.memory_space<vmem>>, vector<1x16xf32>,
            %cond3A_937 = arith.constant 0 : i32
            scf.yield %cond3A_937 : i32
          } else {
            %cond3A_886 = arith.constant 0 : i32
            scf.yield %cond3A_886 : i32
          }
          %add3A_869 = arith.constant 14 : i32
          %add3A_870 = arith.addi %mul3A_746, %add3A_869 : i32
          %ge3A_871 = arith.cmpi sge, %add3A_870, %sub3A_737 : i32
          %convert_element_type3A_872 = arith.extui %ge3A_871 : i1 to i32
          %cond3A_873 = arith.constant 0 : i32
          %cond3A_874 = arith.constant 0 : i32
          %cond3A_875 = arith.cmpi ne, %convert_element_type3A_872, %cond3A_874 : i32
          %cond3A_876 = scf.if %cond3A_875 -> (i32) {
            %slice3A_886 = vector.extract_strided_slice %get3A_748 {offsets = [14], sizes = [1], strides = [1]} : vector<16xi32> to vector<1xi32>
            %squeeze3A_887 = vector.extract %slice3A_886[0] : i32 from vector<1xi32>
            %add3A_888 = arith.constant 14 : i32
            %add3A_889 = arith.addi %mul3A_746, %add3A_888 : i32
            %get3A_890 = arith.index_cast %add3A_889 : i32 to index
            %get3A_891 = arith.constant 0 : index
            %get3A_892 = tpu.vector_load %arg7[%get3A_890, %get3A_891] {strides = array<i32>} : memref<512x64xf32, #tpu.memory_space<vmem>>, vector<1x16xf32>,
            %get3A_893 = vector.shape_cast %get3A_892 : vector<1x16xf32> to vector<16xf32>
            %swap3A_894 = arith.index_cast %squeeze3A_887 : i32 to index
            %swap3A_895 = arith.constant 0 : index
            %swap3A_896 = tpu.vector_load %arg8[%swap3A_894, %swap3A_895] {strides = array<i32>} : memref<256x80xf32, #tpu.memory_space<vmem>>, vector<1x16xf32>,
            %swap3A_897 = vector.shape_cast %swap3A_896 : vector<1x16xf32> to vector<16xf32>
            %swap3A_898 = vector.shape_cast %get3A_893 : vector<16xf32> to vector<1x16xf32>
            tpu.vector_store %arg8[%swap3A_894, %swap3A_895], %swap3A_898 {add = true, strides = array<i32>} : memref<256x80xf32, #tpu.memory_space<vmem>>, vector<1x16xf32>,
            %add3A_899 = arith.constant 14 : i32
            %add3A_900 = arith.addi %mul3A_746, %add3A_899 : i32
            %get3A_901 = arith.index_cast %add3A_900 : i32 to index
            %get3A_902 = arith.constant 16 : index
            %get3A_903 = tpu.vector_load %arg7[%get3A_901, %get3A_902] {strides = array<i32>} : memref<512x64xf32, #tpu.memory_space<vmem>>, vector<1x16xf32>,
            %get3A_904 = vector.shape_cast %get3A_903 : vector<1x16xf32> to vector<16xf32>
            %swap3A_905 = arith.index_cast %squeeze3A_887 : i32 to index
            %swap3A_906 = arith.constant 16 : index
            %swap3A_907 = tpu.vector_load %arg8[%swap3A_905, %swap3A_906] {strides = array<i32>} : memref<256x80xf32, #tpu.memory_space<vmem>>, vector<1x16xf32>,
            %swap3A_908 = vector.shape_cast %swap3A_907 : vector<1x16xf32> to vector<16xf32>
            %swap3A_909 = vector.shape_cast %get3A_904 : vector<16xf32> to vector<1x16xf32>
            tpu.vector_store %arg8[%swap3A_905, %swap3A_906], %swap3A_909 {add = true, strides = array<i32>} : memref<256x80xf32, #tpu.memory_space<vmem>>, vector<1x16xf32>,
            %add3A_910 = arith.constant 14 : i32
            %add3A_911 = arith.addi %mul3A_746, %add3A_910 : i32
            %get3A_912 = arith.index_cast %add3A_911 : i32 to index
            %get3A_913 = arith.constant 32 : index
            %get3A_914 = tpu.vector_load %arg7[%get3A_912, %get3A_913] {strides = array<i32>} : memref<512x64xf32, #tpu.memory_space<vmem>>, vector<1x16xf32>,
            %get3A_915 = vector.shape_cast %get3A_914 : vector<1x16xf32> to vector<16xf32>
            %swap3A_916 = arith.index_cast %squeeze3A_887 : i32 to index
            %swap3A_917 = arith.constant 32 : index
            %swap3A_918 = tpu.vector_load %arg8[%swap3A_916, %swap3A_917] {strides = array<i32>} : memref<256x80xf32, #tpu.memory_space<vmem>>, vector<1x16xf32>,
            %swap3A_919 = vector.shape_cast %swap3A_918 : vector<1x16xf32> to vector<16xf32>
            %swap3A_920 = vector.shape_cast %get3A_915 : vector<16xf32> to vector<1x16xf32>
            tpu.vector_store %arg8[%swap3A_916, %swap3A_917], %swap3A_920 {add = true, strides = array<i32>} : memref<256x80xf32, #tpu.memory_space<vmem>>, vector<1x16xf32>,
            %add3A_921 = arith.constant 14 : i32
            %add3A_922 = arith.addi %mul3A_746, %add3A_921 : i32
            %get3A_923 = arith.index_cast %add3A_922 : i32 to index
            %get3A_924 = arith.constant 48 : index
            %get3A_925 = tpu.vector_load %arg7[%get3A_923, %get3A_924] {strides = array<i32>} : memref<512x64xf32, #tpu.memory_space<vmem>>, vector<1x16xf32>,
            %get3A_926 = vector.shape_cast %get3A_925 : vector<1x16xf32> to vector<16xf32>
            %swap3A_927 = arith.index_cast %squeeze3A_887 : i32 to index
            %swap3A_928 = arith.constant 48 : index
            %swap3A_929 = tpu.vector_load %arg8[%swap3A_927, %swap3A_928] {strides = array<i32>} : memref<256x80xf32, #tpu.memory_space<vmem>>, vector<1x16xf32>,
            %swap3A_930 = vector.shape_cast %swap3A_929 : vector<1x16xf32> to vector<16xf32>
            %swap3A_931 = vector.shape_cast %get3A_926 : vector<16xf32> to vector<1x16xf32>
            tpu.vector_store %arg8[%swap3A_927, %swap3A_928], %swap3A_931 {add = true, strides = array<i32>} : memref<256x80xf32, #tpu.memory_space<vmem>>, vector<1x16xf32>,
            %swap3A_932 = arith.index_cast %squeeze3A_887 : i32 to index
            %swap3A_933 = arith.constant 64 : index
            %swap3A_934 = tpu.vector_load %arg8[%swap3A_932, %swap3A_933] {strides = array<i32>} : memref<256x80xf32, #tpu.memory_space<vmem>>, vector<1x16xf32>,
            %swap3A_935 = vector.shape_cast %swap3A_934 : vector<1x16xf32> to vector<16xf32>
            %swap3A_936 = vector.shape_cast %broadcast_in_dim3A_1 : vector<16xf32> to vector<1x16xf32>
            tpu.vector_store %arg8[%swap3A_932, %swap3A_933], %swap3A_936 {add = true, strides = array<i32>} : memref<256x80xf32, #tpu.memory_space<vmem>>, vector<1x16xf32>,
            %cond3A_937 = arith.constant 0 : i32
            scf.yield %cond3A_937 : i32
          } else {
            %cond3A_886 = arith.constant 0 : i32
            scf.yield %cond3A_886 : i32
          }
          %add3A_877 = arith.constant 15 : i32
          %add3A_878 = arith.addi %mul3A_746, %add3A_877 : i32
          %ge3A_879 = arith.cmpi sge, %add3A_878, %sub3A_737 : i32
          %convert_element_type3A_880 = arith.extui %ge3A_879 : i1 to i32
          %cond3A_881 = arith.constant 0 : i32
          %cond3A_882 = arith.constant 0 : i32
          %cond3A_883 = arith.cmpi ne, %convert_element_type3A_880, %cond3A_882 : i32
          %cond3A_884 = scf.if %cond3A_883 -> (i32) {
            %slice3A_886 = vector.extract_strided_slice %get3A_748 {offsets = [15], sizes = [1], strides = [1]} : vector<16xi32> to vector<1xi32>
            %squeeze3A_887 = vector.extract %slice3A_886[0] : i32 from vector<1xi32>
            %add3A_888 = arith.constant 15 : i32
            %add3A_889 = arith.addi %mul3A_746, %add3A_888 : i32
            %get3A_890 = arith.index_cast %add3A_889 : i32 to index
            %get3A_891 = arith.constant 0 : index
            %get3A_892 = tpu.vector_load %arg7[%get3A_890, %get3A_891] {strides = array<i32>} : memref<512x64xf32, #tpu.memory_space<vmem>>, vector<1x16xf32>,
            %get3A_893 = vector.shape_cast %get3A_892 : vector<1x16xf32> to vector<16xf32>
            %swap3A_894 = arith.index_cast %squeeze3A_887 : i32 to index
            %swap3A_895 = arith.constant 0 : index
            %swap3A_896 = tpu.vector_load %arg8[%swap3A_894, %swap3A_895] {strides = array<i32>} : memref<256x80xf32, #tpu.memory_space<vmem>>, vector<1x16xf32>,
            %swap3A_897 = vector.shape_cast %swap3A_896 : vector<1x16xf32> to vector<16xf32>
            %swap3A_898 = vector.shape_cast %get3A_893 : vector<16xf32> to vector<1x16xf32>
            tpu.vector_store %arg8[%swap3A_894, %swap3A_895], %swap3A_898 {add = true, strides = array<i32>} : memref<256x80xf32, #tpu.memory_space<vmem>>, vector<1x16xf32>,
            %add3A_899 = arith.constant 15 : i32
            %add3A_900 = arith.addi %mul3A_746, %add3A_899 : i32
            %get3A_901 = arith.index_cast %add3A_900 : i32 to index
            %get3A_902 = arith.constant 16 : index
            %get3A_903 = tpu.vector_load %arg7[%get3A_901, %get3A_902] {strides = array<i32>} : memref<512x64xf32, #tpu.memory_space<vmem>>, vector<1x16xf32>,
            %get3A_904 = vector.shape_cast %get3A_903 : vector<1x16xf32> to vector<16xf32>
            %swap3A_905 = arith.index_cast %squeeze3A_887 : i32 to index
            %swap3A_906 = arith.constant 16 : index
            %swap3A_907 = tpu.vector_load %arg8[%swap3A_905, %swap3A_906] {strides = array<i32>} : memref<256x80xf32, #tpu.memory_space<vmem>>, vector<1x16xf32>,
            %swap3A_908 = vector.shape_cast %swap3A_907 : vector<1x16xf32> to vector<16xf32>
            %swap3A_909 = vector.shape_cast %get3A_904 : vector<16xf32> to vector<1x16xf32>
            tpu.vector_store %arg8[%swap3A_905, %swap3A_906], %swap3A_909 {add = true, strides = array<i32>} : memref<256x80xf32, #tpu.memory_space<vmem>>, vector<1x16xf32>,
            %add3A_910 = arith.constant 15 : i32
            %add3A_911 = arith.addi %mul3A_746, %add3A_910 : i32
            %get3A_912 = arith.index_cast %add3A_911 : i32 to index
            %get3A_913 = arith.constant 32 : index
            %get3A_914 = tpu.vector_load %arg7[%get3A_912, %get3A_913] {strides = array<i32>} : memref<512x64xf32, #tpu.memory_space<vmem>>, vector<1x16xf32>,
            %get3A_915 = vector.shape_cast %get3A_914 : vector<1x16xf32> to vector<16xf32>
            %swap3A_916 = arith.index_cast %squeeze3A_887 : i32 to index
            %swap3A_917 = arith.constant 32 : index
            %swap3A_918 = tpu.vector_load %arg8[%swap3A_916, %swap3A_917] {strides = array<i32>} : memref<256x80xf32, #tpu.memory_space<vmem>>, vector<1x16xf32>,
            %swap3A_919 = vector.shape_cast %swap3A_918 : vector<1x16xf32> to vector<16xf32>
            %swap3A_920 = vector.shape_cast %get3A_915 : vector<16xf32> to vector<1x16xf32>
            tpu.vector_store %arg8[%swap3A_916, %swap3A_917], %swap3A_920 {add = true, strides = array<i32>} : memref<256x80xf32, #tpu.memory_space<vmem>>, vector<1x16xf32>,
            %add3A_921 = arith.constant 15 : i32
            %add3A_922 = arith.addi %mul3A_746, %add3A_921 : i32
            %get3A_923 = arith.index_cast %add3A_922 : i32 to index
            %get3A_924 = arith.constant 48 : index
            %get3A_925 = tpu.vector_load %arg7[%get3A_923, %get3A_924] {strides = array<i32>} : memref<512x64xf32, #tpu.memory_space<vmem>>, vector<1x16xf32>,
            %get3A_926 = vector.shape_cast %get3A_925 : vector<1x16xf32> to vector<16xf32>
            %swap3A_927 = arith.index_cast %squeeze3A_887 : i32 to index
            %swap3A_928 = arith.constant 48 : index
            %swap3A_929 = tpu.vector_load %arg8[%swap3A_927, %swap3A_928] {strides = array<i32>} : memref<256x80xf32, #tpu.memory_space<vmem>>, vector<1x16xf32>,
            %swap3A_930 = vector.shape_cast %swap3A_929 : vector<1x16xf32> to vector<16xf32>
            %swap3A_931 = vector.shape_cast %get3A_926 : vector<16xf32> to vector<1x16xf32>
            tpu.vector_store %arg8[%swap3A_927, %swap3A_928], %swap3A_931 {add = true, strides = array<i32>} : memref<256x80xf32, #tpu.memory_space<vmem>>, vector<1x16xf32>,
            %swap3A_932 = arith.index_cast %squeeze3A_887 : i32 to index
            %swap3A_933 = arith.constant 64 : index
            %swap3A_934 = tpu.vector_load %arg8[%swap3A_932, %swap3A_933] {strides = array<i32>} : memref<256x80xf32, #tpu.memory_space<vmem>>, vector<1x16xf32>,
            %swap3A_935 = vector.shape_cast %swap3A_934 : vector<1x16xf32> to vector<16xf32>
            %swap3A_936 = vector.shape_cast %broadcast_in_dim3A_1 : vector<16xf32> to vector<1x16xf32>
            tpu.vector_store %arg8[%swap3A_932, %swap3A_933], %swap3A_936 {add = true, strides = array<i32>} : memref<256x80xf32, #tpu.memory_space<vmem>>, vector<1x16xf32>,
            %cond3A_937 = arith.constant 0 : i32
            scf.yield %cond3A_937 : i32
          } else {
            %cond3A_886 = arith.constant 0 : i32
            scf.yield %cond3A_886 : i32
          }
          %cond3A_885 = arith.constant 0 : i32
          scf.yield %cond3A_885 : i32
        }
      }
      %scan3A_743 = arith.constant 32 : i32
    }
    %scan3A_652 = arith.constant 4 : i32
    %add3A_653 = arith.constant 4096 : i32
    %add3A_654 = arith.addi %mul3A_636, %add3A_653 : i32
    %sub3A_655 = arith.constant 512 : i32
    %sub3A_656 = arith.subi %min3A_639, %sub3A_655 : i32
    %min3A_657 = arith.minsi %add3A_654, %sub3A_656 : i32
    %dma_wait3A = tpu.memref_slice %arg2[%min3A_657, %mul3A_0] : memref<100000x128xf32, #tpu.memory_space<hbm>> -> memref<512x64xf32, #tpu.memory_space<hbm>>
    %dma_wait3A_658 = tpu.memref_slice %arg2[%min3A_657, %mul3A_0] : memref<100000x128xf32, #tpu.memory_space<hbm>> -> memref<512x64xf32, #tpu.memory_space<hbm>>
    tpu.wait_dma2 semaphore(%arg16 : memref<!tpu.dma_semaphore, #tpu.memory_space<semaphore_mem>>) src(%dma_wait3A_658 : memref<512x64xf32, #tpu.memory_space<hbm>>) dst(%arg6 : memref<512x64xf32, #tpu.memory_space<vmem>>)
    %dma_wait3A_659 = tpu.memref_slice %arg3[%min3A_657] : memref<100000xi32, #tpu.memory_space<hbm>> -> memref<512xi32, #tpu.memory_space<hbm>>
    %dma_wait3A_660 = tpu.memref_slice %arg3[%min3A_657] : memref<100000xi32, #tpu.memory_space<hbm>> -> memref<512xi32, #tpu.memory_space<hbm>>
    tpu.wait_dma2 semaphore(%arg16 : memref<!tpu.dma_semaphore, #tpu.memory_space<semaphore_mem>>) src(%dma_wait3A_660 : memref<512xi32, #tpu.memory_space<hbm>>) dst(%arg14 : memref<512xi32, #tpu.memory_space<vmem>>)
    %run_scoped3A = arith.constant 0 : i32
    "tpu.region"() ({
      %run_scoped3A_667 = tpu.sem_alloc : memref<!tpu.dma_semaphore, #tpu.memory_space<semaphore_mem>>
      %dma_start3A_668 = arith.constant 0 : i32
      %dma_start3A_669 = arith.constant 0 : i32
      %dma_start3A_670 = tpu.memref_slice %arg8[%dma_start3A_668, %dma_start3A_669] : memref<256x80xf32, #tpu.memory_space<vmem>> -> memref<128x80xf32, #tpu.memory_space<vmem>>
      %dma_start3A_671 = arith.constant 0 : i32
      %dma_start3A_672 = tpu.memref_slice %arg12[%run_scoped3A, %dma_start3A_671] : memref<2x128xi32, #tpu.memory_space<vmem>> -> memref<1x128xi32, #tpu.memory_space<vmem>>
      %dma_start3A_673 = tpu.memref_squeeze %dma_start3A_672 : memref<1x128xi32, #tpu.memory_space<vmem>> -> memref<128xi32, #tpu.memory_space<vmem>>
      %dma_start3A_674 = arith.constant 0 : i32
      %dma_start3A_675 = arith.constant 0 : i32
      %dma_start3A_676 = tpu.memref_slice %arg13[%dma_start3A_674, %dma_start3A_675] : memref<256x80xf32, #tpu.memory_space<vmem_shared>> -> memref<256x80xf32, #tpu.memory_space<vmem_shared>>
      tpu.enqueue_indirect_dma source(%dma_start3A_670 : memref<128x80xf32, #tpu.memory_space<vmem>>) target(%dma_start3A_676 : memref<256x80xf32, #tpu.memory_space<vmem_shared>>) offsets(%dma_start3A_673 : memref<128xi32, #tpu.memory_space<vmem>>) semaphore(%run_scoped3A_667 : memref<!tpu.dma_semaphore, #tpu.memory_space<semaphore_mem>>) {add = true}
      %dma_wait3A_677 = arith.constant 0 : i32
      %dma_wait3A_678 = arith.constant 0 : i32
      %dma_wait3A_679 = tpu.memref_slice %arg8[%dma_wait3A_677, %dma_wait3A_678] : memref<256x80xf32, #tpu.memory_space<vmem>> -> memref<128x80xf32, #tpu.memory_space<vmem>>
      %dma_wait3A_680 = arith.constant 0 : i32
      %dma_wait3A_681 = tpu.memref_slice %arg12[%run_scoped3A, %dma_wait3A_680] : memref<2x128xi32, #tpu.memory_space<vmem>> -> memref<1x128xi32, #tpu.memory_space<vmem>>
      %dma_wait3A_682 = tpu.memref_squeeze %dma_wait3A_681 : memref<1x128xi32, #tpu.memory_space<vmem>> -> memref<128xi32, #tpu.memory_space<vmem>>
      %dma_wait3A_683 = arith.constant 0 : i32
      %dma_wait3A_684 = arith.constant 0 : i32
      %dma_wait3A_685 = tpu.memref_slice %arg13[%dma_wait3A_683, %dma_wait3A_684] : memref<256x80xf32, #tpu.memory_space<vmem_shared>> -> memref<256x80xf32, #tpu.memory_space<vmem_shared>>
      tpu.wait_indirect_dma semaphore(%run_scoped3A_667 : memref<!tpu.dma_semaphore, #tpu.memory_space<semaphore_mem>>) src(%dma_wait3A_679 : memref<128x80xf32, #tpu.memory_space<vmem>>) dst(%dma_wait3A_685 : memref<256x80xf32, #tpu.memory_space<vmem_shared>>)
      tpu.yield
    }) : () -> ()
    %run_scoped3A_661 = arith.constant 1 : i32
    "tpu.region"() ({
      %run_scoped3A_667 = tpu.sem_alloc : memref<!tpu.dma_semaphore, #tpu.memory_space<semaphore_mem>>
      %dma_start3A_668 = arith.constant 128 : i32
      %dma_start3A_669 = arith.constant 0 : i32
      %dma_start3A_670 = tpu.memref_slice %arg8[%dma_start3A_668, %dma_start3A_669] : memref<256x80xf32, #tpu.memory_space<vmem>> -> memref<128x80xf32, #tpu.memory_space<vmem>>
      %dma_start3A_671 = arith.constant 0 : i32
      %dma_start3A_672 = tpu.memref_slice %arg12[%run_scoped3A_661, %dma_start3A_671] : memref<2x128xi32, #tpu.memory_space<vmem>> -> memref<1x128xi32, #tpu.memory_space<vmem>>
      %dma_start3A_673 = tpu.memref_squeeze %dma_start3A_672 : memref<1x128xi32, #tpu.memory_space<vmem>> -> memref<128xi32, #tpu.memory_space<vmem>>
      %dma_start3A_674 = arith.constant 0 : i32
      %dma_start3A_675 = arith.constant 0 : i32
      %dma_start3A_676 = tpu.memref_slice %arg13[%dma_start3A_674, %dma_start3A_675] : memref<256x80xf32, #tpu.memory_space<vmem_shared>> -> memref<256x80xf32, #tpu.memory_space<vmem_shared>>
      tpu.enqueue_indirect_dma source(%dma_start3A_670 : memref<128x80xf32, #tpu.memory_space<vmem>>) target(%dma_start3A_676 : memref<256x80xf32, #tpu.memory_space<vmem_shared>>) offsets(%dma_start3A_673 : memref<128xi32, #tpu.memory_space<vmem>>) semaphore(%run_scoped3A_667 : memref<!tpu.dma_semaphore, #tpu.memory_space<semaphore_mem>>) {add = true}
      %dma_wait3A_677 = arith.constant 128 : i32
      %dma_wait3A_678 = arith.constant 0 : i32
      %dma_wait3A_679 = tpu.memref_slice %arg8[%dma_wait3A_677, %dma_wait3A_678] : memref<256x80xf32, #tpu.memory_space<vmem>> -> memref<128x80xf32, #tpu.memory_space<vmem>>
      %dma_wait3A_680 = arith.constant 0 : i32
      %dma_wait3A_681 = tpu.memref_slice %arg12[%run_scoped3A_661, %dma_wait3A_680] : memref<2x128xi32, #tpu.memory_space<vmem>> -> memref<1x128xi32, #tpu.memory_space<vmem>>
      %dma_wait3A_682 = tpu.memref_squeeze %dma_wait3A_681 : memref<1x128xi32, #tpu.memory_space<vmem>> -> memref<128xi32, #tpu.memory_space<vmem>>
      %dma_wait3A_683 = arith.constant 0 : i32
      %dma_wait3A_684 = arith.constant 0 : i32
      %dma_wait3A_685 = tpu.memref_slice %arg13[%dma_wait3A_683, %dma_wait3A_684] : memref<256x80xf32, #tpu.memory_space<vmem_shared>> -> memref<256x80xf32, #tpu.memory_space<vmem_shared>>
      tpu.wait_indirect_dma semaphore(%run_scoped3A_667 : memref<!tpu.dma_semaphore, #tpu.memory_space<semaphore_mem>>) src(%dma_wait3A_679 : memref<128x80xf32, #tpu.memory_space<vmem>>) dst(%dma_wait3A_685 : memref<256x80xf32, #tpu.memory_space<vmem_shared>>)
      tpu.yield
    }) : () -> ()
    %barrier3A_662 = arith.constant 0 : index
    tpu.barrier barrier_id(%barrier3A_662)
    %mul3A_663 = arith.constant 16 : i32
    %mul3A_664 = arith.muli %arg1, %mul3A_663 : i32
    "tpu.region"() ({
      %run_scoped3A_667 = tpu.sem_alloc : memref<!tpu.dma_semaphore, #tpu.memory_space<semaphore_mem>>
      %dma_start3A_668 = arith.constant 0 : i32
      %dma_start3A_669 = tpu.memref_slice %arg13[%mul3A_664, %dma_start3A_668] : memref<256x80xf32, #tpu.memory_space<vmem_shared>> -> memref<16x80xf32, #tpu.memory_space<vmem_shared>>
      %dma_start3A_670 = arith.constant 0 : i32
      %dma_start3A_671 = tpu.memref_slice %arg13[%mul3A_664, %dma_start3A_670] : memref<256x80xf32, #tpu.memory_space<vmem_shared>> -> memref<16x80xf32, #tpu.memory_space<vmem_shared>>
      tpu.enqueue_dma source(%dma_start3A_671 : memref<16x80xf32, #tpu.memory_space<vmem_shared>>) target(%arg10 : memref<16x80xf32, #tpu.memory_space<vmem>>) target_semaphore(%run_scoped3A_667 : memref<!tpu.dma_semaphore, #tpu.memory_space<semaphore_mem>>)
      %dma_wait3A_672 = arith.constant 0 : i32
      %dma_wait3A_673 = tpu.memref_slice %arg13[%mul3A_664, %dma_wait3A_672] : memref<256x80xf32, #tpu.memory_space<vmem_shared>> -> memref<16x80xf32, #tpu.memory_space<vmem_shared>>
      %dma_wait3A_674 = arith.constant 0 : i32
      %dma_wait3A_675 = tpu.memref_slice %arg13[%mul3A_664, %dma_wait3A_674] : memref<256x80xf32, #tpu.memory_space<vmem_shared>> -> memref<16x80xf32, #tpu.memory_space<vmem_shared>>
      tpu.wait_dma2 semaphore(%run_scoped3A_667 : memref<!tpu.dma_semaphore, #tpu.memory_space<semaphore_mem>>) src(%dma_wait3A_675 : memref<16x80xf32, #tpu.memory_space<vmem_shared>>) dst(%arg10 : memref<16x80xf32, #tpu.memory_space<vmem>>)
      tpu.yield
    }) : () -> ()
    "tpu.region"() ({
      %run_scoped3A_667 = tpu.sem_alloc : memref<!tpu.dma_semaphore, #tpu.memory_space<semaphore_mem>>
      %dma_start3A_668 = arith.constant 0 : i32
      %dma_start3A_669 = arith.constant 0 : i32
      %dma_start3A_670 = tpu.memref_slice %arg10[%dma_start3A_668, %dma_start3A_669] : memref<16x80xf32, #tpu.memory_space<vmem>> -> memref<16x64xf32, #tpu.memory_space<vmem>>
      %dma_start3A_671 = tpu.memref_slice %arg4[%mul3A_664, %mul3A_0] : memref<256x128xf32, #tpu.memory_space<hbm>> -> memref<16x64xf32, #tpu.memory_space<hbm>>
      %dma_start3A_672 = tpu.memref_slice %arg4[%mul3A_664, %mul3A_0] : memref<256x128xf32, #tpu.memory_space<hbm>> -> memref<16x64xf32, #tpu.memory_space<hbm>>
      %dma_start3A_673 = arith.constant 0 : i32
      %dma_start3A_674 = arith.constant 0 : i32
      %dma_start3A_675 = tpu.memref_slice %arg10[%dma_start3A_673, %dma_start3A_674] : memref<16x80xf32, #tpu.memory_space<vmem>> -> memref<16x64xf32, #tpu.memory_space<vmem>>
      tpu.enqueue_dma source(%dma_start3A_675 : memref<16x64xf32, #tpu.memory_space<vmem>>) target(%dma_start3A_672 : memref<16x64xf32, #tpu.memory_space<hbm>>) target_semaphore(%run_scoped3A_667 : memref<!tpu.dma_semaphore, #tpu.memory_space<semaphore_mem>>)
      %dma_wait3A_676 = arith.constant 0 : i32
      %dma_wait3A_677 = arith.constant 0 : i32
      %dma_wait3A_678 = tpu.memref_slice %arg10[%dma_wait3A_676, %dma_wait3A_677] : memref<16x80xf32, #tpu.memory_space<vmem>> -> memref<16x64xf32, #tpu.memory_space<vmem>>
      %dma_wait3A_679 = tpu.memref_slice %arg4[%mul3A_664, %mul3A_0] : memref<256x128xf32, #tpu.memory_space<hbm>> -> memref<16x64xf32, #tpu.memory_space<hbm>>
      %dma_wait3A_680 = tpu.memref_slice %arg4[%mul3A_664, %mul3A_0] : memref<256x128xf32, #tpu.memory_space<hbm>> -> memref<16x64xf32, #tpu.memory_space<hbm>>
      %dma_wait3A_681 = arith.constant 0 : i32
      %dma_wait3A_682 = arith.constant 0 : i32
      %dma_wait3A_683 = tpu.memref_slice %arg10[%dma_wait3A_681, %dma_wait3A_682] : memref<16x80xf32, #tpu.memory_space<vmem>> -> memref<16x64xf32, #tpu.memory_space<vmem>>
      tpu.wait_dma2 semaphore(%run_scoped3A_667 : memref<!tpu.dma_semaphore, #tpu.memory_space<semaphore_mem>>) src(%dma_wait3A_683 : memref<16x64xf32, #tpu.memory_space<vmem>>) dst(%dma_wait3A_680 : memref<16x64xf32, #tpu.memory_space<hbm>>)
      tpu.yield
    }) : () -> ()
    %eq3A = arith.constant 0 : i32
    %eq3A_665 = arith.cmpi eq, %arg0, %eq3A : i32
    %convert_element_type3A = arith.extui %eq3A_665 : i1 to i32
    %cond3A = arith.constant 0 : i32
    %cond3A_666 = arith.cmpi ne, %convert_element_type3A, %cond3A : i32
    scf.if %cond3A_666 {
      %get3A = arith.constant 0 : i32
      %get3A_667 = arith.index_cast %get3A : i32 to index
      %get3A_668 = arith.constant 64 : index
      %get3A_669 = tpu.vector_load %arg10[%get3A_667, %get3A_668] {strides = array<i32>} : memref<16x80xf32, #tpu.memory_space<vmem>>, vector<1x16xf32>,
      %get3A_670 = vector.shape_cast %get3A_669 : vector<1x16xf32> to vector<16xf32>
      %swap3A_671 = arith.constant 0 : i32
      %swap3A_672 = arith.index_cast %swap3A_671 : i32 to index
      %swap3A_673 = arith.constant 0 : index
      %swap3A_674 = tpu.vector_load %arg11[%swap3A_672, %swap3A_673] {strides = array<i32>} : memref<16x16xf32, #tpu.memory_space<vmem>>, vector<1x16xf32>,
      %swap3A_675 = vector.shape_cast %swap3A_674 : vector<1x16xf32> to vector<16xf32>
      %swap3A_676 = vector.shape_cast %get3A_670 : vector<16xf32> to vector<1x16xf32>
      tpu.vector_store %arg11[%swap3A_672, %swap3A_673], %swap3A_676 {strides = array<i32>} : memref<16x16xf32, #tpu.memory_space<vmem>>, vector<1x16xf32>,
      %get3A_677 = arith.constant 1 : i32
      %get3A_678 = arith.index_cast %get3A_677 : i32 to index
      %get3A_679 = arith.constant 64 : index
      %get3A_680 = tpu.vector_load %arg10[%get3A_678, %get3A_679] {strides = array<i32>} : memref<16x80xf32, #tpu.memory_space<vmem>>, vector<1x16xf32>,
      %get3A_681 = vector.shape_cast %get3A_680 : vector<1x16xf32> to vector<16xf32>
      %swap3A_682 = arith.constant 1 : i32
      %swap3A_683 = arith.index_cast %swap3A_682 : i32 to index
      %swap3A_684 = arith.constant 0 : index
      %swap3A_685 = tpu.vector_load %arg11[%swap3A_683, %swap3A_684] {strides = array<i32>} : memref<16x16xf32, #tpu.memory_space<vmem>>, vector<1x16xf32>,
      %swap3A_686 = vector.shape_cast %swap3A_685 : vector<1x16xf32> to vector<16xf32>
      %swap3A_687 = vector.shape_cast %get3A_681 : vector<16xf32> to vector<1x16xf32>
      tpu.vector_store %arg11[%swap3A_683, %swap3A_684], %swap3A_687 {strides = array<i32>} : memref<16x16xf32, #tpu.memory_space<vmem>>, vector<1x16xf32>,
      %get3A_688 = arith.constant 2 : i32
      %get3A_689 = arith.index_cast %get3A_688 : i32 to index
      %get3A_690 = arith.constant 64 : index
      %get3A_691 = tpu.vector_load %arg10[%get3A_689, %get3A_690] {strides = array<i32>} : memref<16x80xf32, #tpu.memory_space<vmem>>, vector<1x16xf32>,
      %get3A_692 = vector.shape_cast %get3A_691 : vector<1x16xf32> to vector<16xf32>
      %swap3A_693 = arith.constant 2 : i32
      %swap3A_694 = arith.index_cast %swap3A_693 : i32 to index
      %swap3A_695 = arith.constant 0 : index
      %swap3A_696 = tpu.vector_load %arg11[%swap3A_694, %swap3A_695] {strides = array<i32>} : memref<16x16xf32, #tpu.memory_space<vmem>>, vector<1x16xf32>,
      %swap3A_697 = vector.shape_cast %swap3A_696 : vector<1x16xf32> to vector<16xf32>
      %swap3A_698 = vector.shape_cast %get3A_692 : vector<16xf32> to vector<1x16xf32>
      tpu.vector_store %arg11[%swap3A_694, %swap3A_695], %swap3A_698 {strides = array<i32>} : memref<16x16xf32, #tpu.memory_space<vmem>>, vector<1x16xf32>,
      %get3A_699 = arith.constant 3 : i32
      %get3A_700 = arith.index_cast %get3A_699 : i32 to index
      %get3A_701 = arith.constant 64 : index
      %get3A_702 = tpu.vector_load %arg10[%get3A_700, %get3A_701] {strides = array<i32>} : memref<16x80xf32, #tpu.memory_space<vmem>>, vector<1x16xf32>,
      %get3A_703 = vector.shape_cast %get3A_702 : vector<1x16xf32> to vector<16xf32>
      %swap3A_704 = arith.constant 3 : i32
      %swap3A_705 = arith.index_cast %swap3A_704 : i32 to index
      %swap3A_706 = arith.constant 0 : index
      %swap3A_707 = tpu.vector_load %arg11[%swap3A_705, %swap3A_706] {strides = array<i32>} : memref<16x16xf32, #tpu.memory_space<vmem>>, vector<1x16xf32>,
      %swap3A_708 = vector.shape_cast %swap3A_707 : vector<1x16xf32> to vector<16xf32>
      %swap3A_709 = vector.shape_cast %get3A_703 : vector<16xf32> to vector<1x16xf32>
      tpu.vector_store %arg11[%swap3A_705, %swap3A_706], %swap3A_709 {strides = array<i32>} : memref<16x16xf32, #tpu.memory_space<vmem>>, vector<1x16xf32>,
      %get3A_710 = arith.constant 4 : i32
      %get3A_711 = arith.index_cast %get3A_710 : i32 to index
      %get3A_712 = arith.constant 64 : index
      %get3A_713 = tpu.vector_load %arg10[%get3A_711, %get3A_712] {strides = array<i32>} : memref<16x80xf32, #tpu.memory_space<vmem>>, vector<1x16xf32>,
      %get3A_714 = vector.shape_cast %get3A_713 : vector<1x16xf32> to vector<16xf32>
      %swap3A_715 = arith.constant 4 : i32
      %swap3A_716 = arith.index_cast %swap3A_715 : i32 to index
      %swap3A_717 = arith.constant 0 : index
      %swap3A_718 = tpu.vector_load %arg11[%swap3A_716, %swap3A_717] {strides = array<i32>} : memref<16x16xf32, #tpu.memory_space<vmem>>, vector<1x16xf32>,
      %swap3A_719 = vector.shape_cast %swap3A_718 : vector<1x16xf32> to vector<16xf32>
      %swap3A_720 = vector.shape_cast %get3A_714 : vector<16xf32> to vector<1x16xf32>
      tpu.vector_store %arg11[%swap3A_716, %swap3A_717], %swap3A_720 {strides = array<i32>} : memref<16x16xf32, #tpu.memory_space<vmem>>, vector<1x16xf32>,
      %get3A_721 = arith.constant 5 : i32
      %get3A_722 = arith.index_cast %get3A_721 : i32 to index
      %get3A_723 = arith.constant 64 : index
      %get3A_724 = tpu.vector_load %arg10[%get3A_722, %get3A_723] {strides = array<i32>} : memref<16x80xf32, #tpu.memory_space<vmem>>, vector<1x16xf32>,
      %get3A_725 = vector.shape_cast %get3A_724 : vector<1x16xf32> to vector<16xf32>
      %swap3A_726 = arith.constant 5 : i32
      %swap3A_727 = arith.index_cast %swap3A_726 : i32 to index
      %swap3A_728 = arith.constant 0 : index
      %swap3A_729 = tpu.vector_load %arg11[%swap3A_727, %swap3A_728] {strides = array<i32>} : memref<16x16xf32, #tpu.memory_space<vmem>>, vector<1x16xf32>,
      %swap3A_730 = vector.shape_cast %swap3A_729 : vector<1x16xf32> to vector<16xf32>
      %swap3A_731 = vector.shape_cast %get3A_725 : vector<16xf32> to vector<1x16xf32>
      tpu.vector_store %arg11[%swap3A_727, %swap3A_728], %swap3A_731 {strides = array<i32>} : memref<16x16xf32, #tpu.memory_space<vmem>>, vector<1x16xf32>,
      %get3A_732 = arith.constant 6 : i32
      %get3A_733 = arith.index_cast %get3A_732 : i32 to index
      %get3A_734 = arith.constant 64 : index
      %get3A_735 = tpu.vector_load %arg10[%get3A_733, %get3A_734] {strides = array<i32>} : memref<16x80xf32, #tpu.memory_space<vmem>>, vector<1x16xf32>,
      %get3A_736 = vector.shape_cast %get3A_735 : vector<1x16xf32> to vector<16xf32>
      %swap3A_737 = arith.constant 6 : i32
      %swap3A_738 = arith.index_cast %swap3A_737 : i32 to index
      %swap3A_739 = arith.constant 0 : index
      %swap3A_740 = tpu.vector_load %arg11[%swap3A_738, %swap3A_739] {strides = array<i32>} : memref<16x16xf32, #tpu.memory_space<vmem>>, vector<1x16xf32>,
      %swap3A_741 = vector.shape_cast %swap3A_740 : vector<1x16xf32> to vector<16xf32>
      %swap3A_742 = vector.shape_cast %get3A_736 : vector<16xf32> to vector<1x16xf32>
      tpu.vector_store %arg11[%swap3A_738, %swap3A_739], %swap3A_742 {strides = array<i32>} : memref<16x16xf32, #tpu.memory_space<vmem>>, vector<1x16xf32>,
      %get3A_743 = arith.constant 7 : i32
      %get3A_744 = arith.index_cast %get3A_743 : i32 to index
      %get3A_745 = arith.constant 64 : index
      %get3A_746 = tpu.vector_load %arg10[%get3A_744, %get3A_745] {strides = array<i32>} : memref<16x80xf32, #tpu.memory_space<vmem>>, vector<1x16xf32>,
      %get3A_747 = vector.shape_cast %get3A_746 : vector<1x16xf32> to vector<16xf32>
      %swap3A_748 = arith.constant 7 : i32
      %swap3A_749 = arith.index_cast %swap3A_748 : i32 to index
      %swap3A_750 = arith.constant 0 : index
      %swap3A_751 = tpu.vector_load %arg11[%swap3A_749, %swap3A_750] {strides = array<i32>} : memref<16x16xf32, #tpu.memory_space<vmem>>, vector<1x16xf32>,
      %swap3A_752 = vector.shape_cast %swap3A_751 : vector<1x16xf32> to vector<16xf32>
      %swap3A_753 = vector.shape_cast %get3A_747 : vector<16xf32> to vector<1x16xf32>
      tpu.vector_store %arg11[%swap3A_749, %swap3A_750], %swap3A_753 {strides = array<i32>} : memref<16x16xf32, #tpu.memory_space<vmem>>, vector<1x16xf32>,
      %get3A_754 = arith.constant 8 : i32
      %get3A_755 = arith.index_cast %get3A_754 : i32 to index
      %get3A_756 = arith.constant 64 : index
      %get3A_757 = tpu.vector_load %arg10[%get3A_755, %get3A_756] {strides = array<i32>} : memref<16x80xf32, #tpu.memory_space<vmem>>, vector<1x16xf32>,
      %get3A_758 = vector.shape_cast %get3A_757 : vector<1x16xf32> to vector<16xf32>
      %swap3A_759 = arith.constant 8 : i32
      %swap3A_760 = arith.index_cast %swap3A_759 : i32 to index
      %swap3A_761 = arith.constant 0 : index
      %swap3A_762 = tpu.vector_load %arg11[%swap3A_760, %swap3A_761] {strides = array<i32>} : memref<16x16xf32, #tpu.memory_space<vmem>>, vector<1x16xf32>,
      %swap3A_763 = vector.shape_cast %swap3A_762 : vector<1x16xf32> to vector<16xf32>
      %swap3A_764 = vector.shape_cast %get3A_758 : vector<16xf32> to vector<1x16xf32>
      tpu.vector_store %arg11[%swap3A_760, %swap3A_761], %swap3A_764 {strides = array<i32>} : memref<16x16xf32, #tpu.memory_space<vmem>>, vector<1x16xf32>,
      %get3A_765 = arith.constant 9 : i32
      %get3A_766 = arith.index_cast %get3A_765 : i32 to index
      %get3A_767 = arith.constant 64 : index
      %get3A_768 = tpu.vector_load %arg10[%get3A_766, %get3A_767] {strides = array<i32>} : memref<16x80xf32, #tpu.memory_space<vmem>>, vector<1x16xf32>,
      %get3A_769 = vector.shape_cast %get3A_768 : vector<1x16xf32> to vector<16xf32>
      %swap3A_770 = arith.constant 9 : i32
      %swap3A_771 = arith.index_cast %swap3A_770 : i32 to index
      %swap3A_772 = arith.constant 0 : index
      %swap3A_773 = tpu.vector_load %arg11[%swap3A_771, %swap3A_772] {strides = array<i32>} : memref<16x16xf32, #tpu.memory_space<vmem>>, vector<1x16xf32>,
      %swap3A_774 = vector.shape_cast %swap3A_773 : vector<1x16xf32> to vector<16xf32>
      %swap3A_775 = vector.shape_cast %get3A_769 : vector<16xf32> to vector<1x16xf32>
      tpu.vector_store %arg11[%swap3A_771, %swap3A_772], %swap3A_775 {strides = array<i32>} : memref<16x16xf32, #tpu.memory_space<vmem>>, vector<1x16xf32>,
      %get3A_776 = arith.constant 10 : i32
      %get3A_777 = arith.index_cast %get3A_776 : i32 to index
      %get3A_778 = arith.constant 64 : index
      %get3A_779 = tpu.vector_load %arg10[%get3A_777, %get3A_778] {strides = array<i32>} : memref<16x80xf32, #tpu.memory_space<vmem>>, vector<1x16xf32>,
      %get3A_780 = vector.shape_cast %get3A_779 : vector<1x16xf32> to vector<16xf32>
      %swap3A_781 = arith.constant 10 : i32
      %swap3A_782 = arith.index_cast %swap3A_781 : i32 to index
      %swap3A_783 = arith.constant 0 : index
      %swap3A_784 = tpu.vector_load %arg11[%swap3A_782, %swap3A_783] {strides = array<i32>} : memref<16x16xf32, #tpu.memory_space<vmem>>, vector<1x16xf32>,
      %swap3A_785 = vector.shape_cast %swap3A_784 : vector<1x16xf32> to vector<16xf32>
      %swap3A_786 = vector.shape_cast %get3A_780 : vector<16xf32> to vector<1x16xf32>
      tpu.vector_store %arg11[%swap3A_782, %swap3A_783], %swap3A_786 {strides = array<i32>} : memref<16x16xf32, #tpu.memory_space<vmem>>, vector<1x16xf32>,
      %get3A_787 = arith.constant 11 : i32
      %get3A_788 = arith.index_cast %get3A_787 : i32 to index
      %get3A_789 = arith.constant 64 : index
      %get3A_790 = tpu.vector_load %arg10[%get3A_788, %get3A_789] {strides = array<i32>} : memref<16x80xf32, #tpu.memory_space<vmem>>, vector<1x16xf32>,
      %get3A_791 = vector.shape_cast %get3A_790 : vector<1x16xf32> to vector<16xf32>
      %swap3A_792 = arith.constant 11 : i32
      %swap3A_793 = arith.index_cast %swap3A_792 : i32 to index
      %swap3A_794 = arith.constant 0 : index
      %swap3A_795 = tpu.vector_load %arg11[%swap3A_793, %swap3A_794] {strides = array<i32>} : memref<16x16xf32, #tpu.memory_space<vmem>>, vector<1x16xf32>,
      %swap3A_796 = vector.shape_cast %swap3A_795 : vector<1x16xf32> to vector<16xf32>
      %swap3A_797 = vector.shape_cast %get3A_791 : vector<16xf32> to vector<1x16xf32>
      tpu.vector_store %arg11[%swap3A_793, %swap3A_794], %swap3A_797 {strides = array<i32>} : memref<16x16xf32, #tpu.memory_space<vmem>>, vector<1x16xf32>,
      %get3A_798 = arith.constant 12 : i32
      %get3A_799 = arith.index_cast %get3A_798 : i32 to index
      %get3A_800 = arith.constant 64 : index
      %get3A_801 = tpu.vector_load %arg10[%get3A_799, %get3A_800] {strides = array<i32>} : memref<16x80xf32, #tpu.memory_space<vmem>>, vector<1x16xf32>,
      %get3A_802 = vector.shape_cast %get3A_801 : vector<1x16xf32> to vector<16xf32>
      %swap3A_803 = arith.constant 12 : i32
      %swap3A_804 = arith.index_cast %swap3A_803 : i32 to index
      %swap3A_805 = arith.constant 0 : index
      %swap3A_806 = tpu.vector_load %arg11[%swap3A_804, %swap3A_805] {strides = array<i32>} : memref<16x16xf32, #tpu.memory_space<vmem>>, vector<1x16xf32>,
      %swap3A_807 = vector.shape_cast %swap3A_806 : vector<1x16xf32> to vector<16xf32>
      %swap3A_808 = vector.shape_cast %get3A_802 : vector<16xf32> to vector<1x16xf32>
      tpu.vector_store %arg11[%swap3A_804, %swap3A_805], %swap3A_808 {strides = array<i32>} : memref<16x16xf32, #tpu.memory_space<vmem>>, vector<1x16xf32>,
      %get3A_809 = arith.constant 13 : i32
      %get3A_810 = arith.index_cast %get3A_809 : i32 to index
      %get3A_811 = arith.constant 64 : index
      %get3A_812 = tpu.vector_load %arg10[%get3A_810, %get3A_811] {strides = array<i32>} : memref<16x80xf32, #tpu.memory_space<vmem>>, vector<1x16xf32>,
      %get3A_813 = vector.shape_cast %get3A_812 : vector<1x16xf32> to vector<16xf32>
      %swap3A_814 = arith.constant 13 : i32
      %swap3A_815 = arith.index_cast %swap3A_814 : i32 to index
      %swap3A_816 = arith.constant 0 : index
      %swap3A_817 = tpu.vector_load %arg11[%swap3A_815, %swap3A_816] {strides = array<i32>} : memref<16x16xf32, #tpu.memory_space<vmem>>, vector<1x16xf32>,
      %swap3A_818 = vector.shape_cast %swap3A_817 : vector<1x16xf32> to vector<16xf32>
      %swap3A_819 = vector.shape_cast %get3A_813 : vector<16xf32> to vector<1x16xf32>
      tpu.vector_store %arg11[%swap3A_815, %swap3A_816], %swap3A_819 {strides = array<i32>} : memref<16x16xf32, #tpu.memory_space<vmem>>, vector<1x16xf32>,
      %get3A_820 = arith.constant 14 : i32
      %get3A_821 = arith.index_cast %get3A_820 : i32 to index
      %get3A_822 = arith.constant 64 : index
      %get3A_823 = tpu.vector_load %arg10[%get3A_821, %get3A_822] {strides = array<i32>} : memref<16x80xf32, #tpu.memory_space<vmem>>, vector<1x16xf32>,
      %get3A_824 = vector.shape_cast %get3A_823 : vector<1x16xf32> to vector<16xf32>
      %swap3A_825 = arith.constant 14 : i32
      %swap3A_826 = arith.index_cast %swap3A_825 : i32 to index
      %swap3A_827 = arith.constant 0 : index
      %swap3A_828 = tpu.vector_load %arg11[%swap3A_826, %swap3A_827] {strides = array<i32>} : memref<16x16xf32, #tpu.memory_space<vmem>>, vector<1x16xf32>,
      %swap3A_829 = vector.shape_cast %swap3A_828 : vector<1x16xf32> to vector<16xf32>
      %swap3A_830 = vector.shape_cast %get3A_824 : vector<16xf32> to vector<1x16xf32>
      tpu.vector_store %arg11[%swap3A_826, %swap3A_827], %swap3A_830 {strides = array<i32>} : memref<16x16xf32, #tpu.memory_space<vmem>>, vector<1x16xf32>,
      %get3A_831 = arith.constant 15 : i32
      %get3A_832 = arith.index_cast %get3A_831 : i32 to index
      %get3A_833 = arith.constant 64 : index
      %get3A_834 = tpu.vector_load %arg10[%get3A_832, %get3A_833] {strides = array<i32>} : memref<16x80xf32, #tpu.memory_space<vmem>>, vector<1x16xf32>,
      %get3A_835 = vector.shape_cast %get3A_834 : vector<1x16xf32> to vector<16xf32>
      %swap3A_836 = arith.constant 15 : i32
      %swap3A_837 = arith.index_cast %swap3A_836 : i32 to index
      %swap3A_838 = arith.constant 0 : index
      %swap3A_839 = tpu.vector_load %arg11[%swap3A_837, %swap3A_838] {strides = array<i32>} : memref<16x16xf32, #tpu.memory_space<vmem>>, vector<1x16xf32>,
      %swap3A_840 = vector.shape_cast %swap3A_839 : vector<1x16xf32> to vector<16xf32>
      %swap3A_841 = vector.shape_cast %get3A_835 : vector<16xf32> to vector<1x16xf32>
      tpu.vector_store %arg11[%swap3A_837, %swap3A_838], %swap3A_841 {strides = array<i32>} : memref<16x16xf32, #tpu.memory_space<vmem>>, vector<1x16xf32>,
      "tpu.region"() ({
        %run_scoped3A_842 = tpu.sem_alloc : memref<!tpu.dma_semaphore, #tpu.memory_space<semaphore_mem>>
        %dma_start3A_843 = arith.constant 0 : i32
        %dma_start3A_844 = tpu.memref_slice %arg5[%mul3A_664, %dma_start3A_843] : memref<256x16xf32, #tpu.memory_space<hbm>> -> memref<16x16xf32, #tpu.memory_space<hbm>>
        %dma_start3A_845 = arith.constant 0 : i32
        %dma_start3A_846 = tpu.memref_slice %arg5[%mul3A_664, %dma_start3A_845] : memref<256x16xf32, #tpu.memory_space<hbm>> -> memref<16x16xf32, #tpu.memory_space<hbm>>
        tpu.enqueue_dma source(%arg11 : memref<16x16xf32, #tpu.memory_space<vmem>>) target(%dma_start3A_846 : memref<16x16xf32, #tpu.memory_space<hbm>>) target_semaphore(%run_scoped3A_842 : memref<!tpu.dma_semaphore, #tpu.memory_space<semaphore_mem>>)
        %dma_wait3A_847 = arith.constant 0 : i32
        %dma_wait3A_848 = tpu.memref_slice %arg5[%mul3A_664, %dma_wait3A_847] : memref<256x16xf32, #tpu.memory_space<hbm>> -> memref<16x16xf32, #tpu.memory_space<hbm>>
        %dma_wait3A_849 = arith.constant 0 : i32
        %dma_wait3A_850 = tpu.memref_slice %arg5[%mul3A_664, %dma_wait3A_849] : memref<256x16xf32, #tpu.memory_space<hbm>> -> memref<16x16xf32, #tpu.memory_space<hbm>>
        tpu.wait_dma2 semaphore(%run_scoped3A_842 : memref<!tpu.dma_semaphore, #tpu.memory_space<semaphore_mem>>) src(%arg11 : memref<16x16xf32, #tpu.memory_space<vmem>>) dst(%dma_wait3A_850 : memref<16x16xf32, #tpu.memory_space<hbm>>)
        tpu.yield
      }) : () -> ()
    } else {
    }
    return
  }
}

module attributes {stable_mosaic.version = 14 : i64} {
  func.func @_tc_block(%arg0: i32, %arg1: memref<1x1x2000xi32, #tpu.memory_space<vmem>>, %arg2: memref<2000x128xf32, #tpu.memory_space<vmem>>, %arg3: memref<256x128xf32, #tpu.memory_space<vmem>>, %arg4: memref<8x256xf32, #tpu.memory_space<vmem>>) attributes {dimension_semantics = [#tpu.dimension_semantics<arbitrary>], iteration_bounds = array<i64: 18>, scalar_prefetch = 0 : i64, scratch_operands = 0 : i64, tpu.core_type = #tpu.core_type<tc>, window_params = [{transform_indices = @transform_0, window_bounds = array<i64: 1, 1, 2000>}, {transform_indices = @transform_1, window_bounds = array<i64: 2000, 128>}, {pipeline_mode = #tpu.pipeline_mode<synchronous>, transform_indices = @transform_2, window_bounds = array<i64: 256, 128>}, {pipeline_mode = #tpu.pipeline_mode<synchronous>, transform_indices = @transform_3, window_bounds = array<i64: 8, 256>}]} {
    %get3A = arith.constant 0 : index
    %get3A_0 = arith.constant 0 : index
    %get3A_1 = arith.constant 0 : index
    %get3A_2 = vector.load %arg1[%get3A, %get3A_0, %get3A_1] : memref<1x1x2000xi32, #tpu.memory_space<vmem>>, vector<1x1x2000xi32>
    %get3A_3 = vector.shape_cast %get3A_2 : vector<1x1x2000xi32> to vector<2000xi32>
    %iota3A = tpu.iota {dimensions = array<i32: 1>} : vector<2000x256xi32>
    %broadcast_in_dim3A = vector.shape_cast %get3A_3 : vector<2000xi32> to vector<2000x1xi32>
    %eq3A = vector.broadcast %broadcast_in_dim3A : vector<2000x1xi32> to vector<2000x256xi32>
    %eq3A_4 = arith.cmpi eq, %eq3A, %iota3A : vector<2000x256xi32>
    %convert_element_type3A = arith.extui %eq3A_4 : vector<2000x256xi1> to vector<2000x256xi32>
    %convert_element_type3A_5 = arith.sitofp %convert_element_type3A : vector<2000x256xi32> to vector<2000x256xf32>
    %get3A_6 = arith.constant 0 : index
    %get3A_7 = arith.constant 0 : index
    %get3A_8 = vector.load %arg2[%get3A_6, %get3A_7] : memref<2000x128xf32, #tpu.memory_space<vmem>>, vector<2000x128xf32>
    %dot_general3A = arith.constant dense<0.000000e+00> : vector<256x128xf32>
    %dot_general3A_9 = tpu.matmul %convert_element_type3A_5, %get3A_8, %dot_general3A {dimension_numbers = #tpu.dot_dimension_numbers<[0], [0], [1], [1], [0, 1, 1, 1], [], []>, transpose_lhs_hint = false} : vector<2000x256xf32>, vector<2000x128xf32>, vector<256x128xf32> -> vector<256x128xf32>
    %broadcast_in_dim3A_10 = arith.constant 1.000000e+00 : f32
    %broadcast_in_dim3A_11 = vector.broadcast %broadcast_in_dim3A_10 : f32 to vector<8x2000xf32>
    %dot_general3A_12 = arith.constant dense<0.000000e+00> : vector<8x256xf32>
    %dot_general3A_13 = tpu.matmul %broadcast_in_dim3A_11, %convert_element_type3A_5, %dot_general3A_12 {dimension_numbers = #tpu.dot_dimension_numbers<[1], [0], [0], [1], [0, 0, 1, 1], [], []>, transpose_lhs_hint = false} : vector<8x2000xf32>, vector<2000x256xf32>, vector<8x256xf32> -> vector<8x256xf32>
    %eq3A_14 = arith.constant 0 : i32
    %eq3A_15 = arith.cmpi eq, %arg0, %eq3A_14 : i32
    %convert_element_type3A_16 = arith.extui %eq3A_15 : i1 to i32
    %cond3A = arith.constant 0 : i32
    %cond3A_17 = arith.cmpi ne, %convert_element_type3A_16, %cond3A : i32
    scf.if %cond3A_17 {
      %broadcast_in_dim3A_30 = arith.constant 0.000000e+00 : f32
      %broadcast_in_dim3A_31 = vector.broadcast %broadcast_in_dim3A_30 : f32 to vector<256x128xf32>
      %swap3A_32 = arith.constant 0 : index
      %swap3A_33 = arith.constant 0 : index
      %swap3A_34 = vector.load %arg3[%swap3A_32, %swap3A_33] : memref<256x128xf32, #tpu.memory_space<vmem>>, vector<256x128xf32>
      tpu.vector_store %arg3[%swap3A_32, %swap3A_33], %broadcast_in_dim3A_31 {strides = array<i32>} : memref<256x128xf32, #tpu.memory_space<vmem>>, vector<256x128xf32>,
      %broadcast_in_dim3A_35 = arith.constant 0.000000e+00 : f32
      %broadcast_in_dim3A_36 = vector.broadcast %broadcast_in_dim3A_35 : f32 to vector<8x256xf32>
      %swap3A_37 = arith.constant 0 : index
      %swap3A_38 = arith.constant 0 : index
      %swap3A_39 = vector.load %arg4[%swap3A_37, %swap3A_38] : memref<8x256xf32, #tpu.memory_space<vmem>>, vector<8x256xf32>
      tpu.vector_store %arg4[%swap3A_37, %swap3A_38], %broadcast_in_dim3A_36 {strides = array<i32>} : memref<8x256xf32, #tpu.memory_space<vmem>>, vector<8x256xf32>,
    } else {
    }
    %get3A_18 = arith.constant 0 : index
    %get3A_19 = arith.constant 0 : index
    %get3A_20 = vector.load %arg3[%get3A_18, %get3A_19] : memref<256x128xf32, #tpu.memory_space<vmem>>, vector<256x128xf32>
    %add3A = arith.addf %get3A_20, %dot_general3A_9 : vector<256x128xf32>
    %swap3A = arith.constant 0 : index
    %swap3A_21 = arith.constant 0 : index
    %swap3A_22 = vector.load %arg3[%swap3A, %swap3A_21] : memref<256x128xf32, #tpu.memory_space<vmem>>, vector<256x128xf32>
    tpu.vector_store %arg3[%swap3A, %swap3A_21], %add3A {strides = array<i32>} : memref<256x128xf32, #tpu.memory_space<vmem>>, vector<256x128xf32>,
    %get3A_23 = arith.constant 0 : index
    %get3A_24 = arith.constant 0 : index
    %get3A_25 = vector.load %arg4[%get3A_23, %get3A_24] : memref<8x256xf32, #tpu.memory_space<vmem>>, vector<8x256xf32>
    %add3A_26 = arith.addf %get3A_25, %dot_general3A_13 : vector<8x256xf32>
    %swap3A_27 = arith.constant 0 : index
    %swap3A_28 = arith.constant 0 : index
    %swap3A_29 = vector.load %arg4[%swap3A_27, %swap3A_28] : memref<8x256xf32, #tpu.memory_space<vmem>>, vector<8x256xf32>
    tpu.vector_store %arg4[%swap3A_27, %swap3A_28], %add3A_26 {strides = array<i32>} : memref<8x256xf32, #tpu.memory_space<vmem>>, vector<8x256xf32>,
    return
  }
  func.func @transform_0(%arg0: i32) -> (i32, i32, i32) {
    %add3A = arith.constant 32 : i32
    %add3A_0 = arith.addi %add3A, %arg0 : i32
    %c0_i32 = arith.constant 0 : i32
    %c0_i32_1 = arith.constant 0 : i32
    %c0_i32_2 = arith.constant 0 : i32
    return %add3A_0, %c0_i32, %c0_i32_1 : i32, i32, i32
  }
  func.func @transform_1(%arg0: i32) -> (i32, i32) {
    %add3A = arith.constant 32 : i32
    %add3A_0 = arith.addi %add3A, %arg0 : i32
    %c0_i32 = arith.constant 0 : i32
    %c0_i32_1 = arith.constant 0 : i32
    return %add3A_0, %c0_i32 : i32, i32
  }
  func.func @transform_2(%arg0: i32) -> (i32, i32) {
    %c0_i32 = arith.constant 0 : i32
    %c0_i32_0 = arith.constant 0 : i32
    %c0_i32_1 = arith.constant 0 : i32
    return %c0_i32, %c0_i32_0 : i32, i32
  }
  func.func @transform_3(%arg0: i32) -> (i32, i32) {
    %c0_i32 = arith.constant 0 : i32
    %c0_i32_0 = arith.constant 0 : i32
    %c0_i32_1 = arith.constant 0 : i32
    return %c0_i32, %c0_i32_0 : i32, i32
  }
}

</mosaic_0001>

<sc_bundles>
// kernel: _pooled.4.cloned.1.call-start
scs
__scs_entry_jumppad:
0x0: {  	(pc) =	sbr.rel $0x88, $3  }
0x1: {  	(tag) =	ssettag $0x0;
	lr =	simm.s32 $0x1  }
0x2: {  	[smem:$0x3F9F] =	sst lr;
	_ =	strace $0xD0000000  }
0x3: {  	_ = 	snop  }
0x4: {  	_ = 	snop  }
0x5: {  	_ = 	snop  }
0x6: {  	_ = 	snop  }
0x7: {  	_ = 	snop  }
__scs_overlays_trampoline_lowered:
0x8: {  	[smem:$0x3FAE] =	sst s0  }
0x9: {  	[smem:$0x3FAF] =	sst s1  }
0xa: {  	[smem:$0x3FB0] =	sst s2  }
0xb: {  	[smem:$0x3FB1] =	sst s3  }
0xc: {  	[smem:$0x3FB2] =	sst s4  }
0xd: {  	[smem:$0x3FB3] =	sst s5  }
0xe: {  	[smem:$0x3FB4] =	sst s6  }
0xf: {  	[smem:$0x3FB5] =	sst s7  }
0x10: {  	[smem:$0x3FB6] =	sst s8  }
0x11: {  	[smem:$0x3FB7] =	sst s9;
	s0 =	simm.s32 @!p0 $0x0  }
0x12: {  	s1 =	sld [smem:$0x3F9D];
	s0 =	simm.s32 @p0 $0x1  }
0x13: {  	[smem:$0x3FB8] =	sst s0;
	s0 =	simm.s32 @!p1 $0x0  }
0x14: {  	s2 =	sld [smem:$0x3F9C];
	s0 =	simm.s32 @p1 $0x1  }
0x15: {  	[smem:$0x3FB9] =	sst s0;
	s0 =	simm.s32 @!p2 $0x0  }
0x16: {  	s3 =	sld [smem:$0x3FDB];
	s0 =	simm.s32 @p2 $0x1  }
0x17: {  	s4 =	simm.s32 $0x1BF5;
	[smem:$0x3FBB] =	sst s0  }
0x18: {  	s0 =	sld [smem:$0x3F9E];
	_ =	swait.ge [sflag:s4], $0x0  }
0x19: {  	s7 =	sld [smem:$0x3F9F]  }
0x1a: {  	s8 =	sadd.s32 $0xFFFFE003, lr  }
0x1b: {  	s9 =	sadd.s32 $0xFFFFFEF7, lr;
	s5 =	simm.s32 $0xFFFFFFFF;
	p2 =	slt.u32 s8, $0xFFFFF086  }
0x1c: {  	p1 =	slt.u32 s9, $0xF7A;
	s5 =	simm.s32 @!p2 $0x0  }
0x1d: {  	s5 =	simm.s32 @p1 $0x1;
	p0 =	seq.s32 s7, s2  }
0x1e: {  	s7 =	smul.u32 @!p0 $0xF7A, s2;
	p2 =	seq.s32 @!p0 s5, $0x0  }
0x1f: {  	s9 =	smul.u32 $0xF7A, s1;
	s8 =	simm.s32 @!p0 $0x1BF5;
	p2 =	por !p2, p0  }
0x20: {  	[sflag:s8] =	ssyncset.s32 @!p0 $0xFFFFF086;
	s6 =	sadd.s32 @!p0 s3, s7;
	s7 =	simm.s32 @!p0 $0x108  }
0x21: {  	s3 =	sadd.s32 s3, s9;
	s6 =	sadd.s32 @!p0 $0x88, s6;
	s7 =	simm.s32 @p2 $0x1082  }
0x22: {  	[simem:s7], [sflag:s8] =	dma.local @!p0 [hbm:s6], $0xF7A  }
0x23: {  	s9 =	sor.u32 $0xD0000000, s2;
	s6 =	simm.s32 $0x108;
	_ =	swait.ge @!p0 [sflag:s8], $0x0  }
0x24: {  	s3 =	sadd.s32 $0x88, s3;
	s6 =	simm.s32 @!p1 $0x1082;
	[sflag:s4] =	ssyncset.s32 $0xFFFFF086  }
0x25: {  	[simem:s6], [sflag:s4] =	dma.local [hbm:s3], $0xF7A  }
0x26: {  	[smem:$0x3F9F] =	sst s1;
	(tag) =	ssettag s2;
	_ =	strace s9  }
0x27: {  	s1 =	sld [smem:$0x3FAF]  }
0x28: {  	s2 =	sld [smem:$0x3FB0]  }
0x29: {  	s4 =	sld [smem:$0x3FB2]  }
0x2a: {  	p0 =	seq.s32 s5, $0x0;
	s5 =	sld [smem:$0x3FB3]  }
0x2b: {  	s6 =	sld [smem:$0x3FB4]  }
0x2c: {  	s7 =	sld [smem:$0x3FB5]  }
0x2d: {  	s3 =	simm.s32 $0x108;
	s8 =	sld [smem:$0x3FB6]  }
0x2e: {  	s3 =	simm.s32 @!p0 $0x1082;
	s9 =	sld [smem:$0x3FB7]  }
0x2f: {  	lr =	sadd.s32 s0, s3;
	s0 =	sld [smem:$0x3FAE]  }
0x30: {  	s3 =	sld [smem:$0x3FB1]  }
0x31: {  	[smem:$0x3FBA] =	sst s10  }
0x32: {  	s10 =	sld [smem:$0x3FB8];
	_ =	sdelay $0x3  }
0x33: {  	p0 =	seq.s32 s10, $0x1;
	s10 =	sld [smem:$0x3FBA];
	_ =	sdelay $0x3  }
0x34: {  	[smem:$0x3FBA] =	sst s10  }
0x35: {  	s10 =	sld [smem:$0x3FB9];
	_ =	sdelay $0x3  }
0x36: {  	p1 =	seq.s32 s10, $0x1;
	s10 =	sld [smem:$0x3FBA];
	_ =	sdelay $0x3  }
0x37: {  	[smem:$0x3FBA] =	sst s10  }
0x38: {  	s10 =	sld [smem:$0x3FBB]  }
0x39: {  	_ = 	snop;
	(pc) =	sbr.ind lr, $3  }
0x3a: {  	_ = 	snop  }
0x3b: {  	_ = 	snop  }
0x3c: {  	p2 =	seq.s32 s10, $0x1;
	s10 =	sld [smem:$0x3FBA]  }
0x3d: {  	_ =	shalt  }
0x3e: {  	_ =	shalt  }
0x3f: {  	_ =	shalt  }
0x40: {  	_ =	shalt  }
0x41: {  	_ =	shalt  }
0x42: {  	_ =	shalt  }
0x43: {  	_ =	shalt  }
0x44: {  	_ =	shalt  }
0x45: {  	_ =	shalt  }
0x46: {  	_ =	shalt  }
0x47: {  	_ =	shalt  }
0x48: {  	_ =	shalt  }
0x49: {  	_ =	shalt  }
0x4a: {  	_ =	shalt  }
0x4b: {  	_ =	shalt  }
0x4c: {  	_ =	shalt  }
0x4d: {  	_ =	shalt  }
0x4e: {  	_ =	shalt  }
0x4f: {  	_ =	shalt  }
0x50: {  	_ =	shalt  }
0x51: {  	_ =	shalt  }
0x52: {  	_ =	shalt  }
0x53: {  	_ =	shalt  }
0x54: {  	_ =	shalt  }
0x55: {  	_ =	shalt  }
0x56: {  	_ =	shalt  }
0x57: {  	_ =	shalt  }
0x58: {  	_ =	shalt  }
0x59: {  	_ =	shalt  }
0x5a: {  	_ =	shalt  }
0x5b: {  	_ =	shalt  }
0x5c: {  	_ =	shalt  }
0x5d: {  	_ =	shalt  }
0x5e: {  	_ =	shalt  }
0x5f: {  	_ =	shalt  }
0x60: {  	_ =	shalt  }
0x61: {  	_ =	shalt  }
0x62: {  	_ =	shalt  }
0x63: {  	_ =	shalt  }
0x64: {  	_ =	shalt  }
0x65: {  	_ =	shalt  }
0x66: {  	_ =	shalt  }
0x67: {  	_ =	shalt  }
0x68: {  	_ =	shalt  }
0x69: {  	_ =	shalt  }
0x6a: {  	_ =	shalt  }
0x6b: {  	_ =	shalt  }
0x6c: {  	_ =	shalt  }
0x6d: {  	_ =	shalt  }
0x6e: {  	_ =	shalt  }
0x6f: {  	_ =	shalt  }
0x70: {  	_ =	shalt  }
0x71: {  	_ =	shalt  }
0x72: {  	_ =	shalt  }
0x73: {  	_ =	shalt  }
0x74: {  	_ =	shalt  }
0x75: {  	_ =	shalt  }
0x76: {  	_ =	shalt  }
0x77: {  	_ =	shalt  }
0x78: {  	_ =	shalt  }
0x79: {  	_ =	shalt  }
0x7a: {  	_ =	shalt  }
0x7b: {  	_ =	shalt  }
0x7c: {  	_ =	shalt  }
0x7d: {  	_ =	shalt  }
0x7e: {  	_ =	shalt  }
0x7f: {  	_ =	shalt  }
0x80: {  	_ =	shalt  }
0x81: {  	_ =	shalt  }
0x82: {  	_ =	shalt  }
0x83: {  	_ =	shalt  }
0x84: {  	_ =	shalt  }
0x85: {  	_ =	shalt  }
0x86: {  	_ =	shalt  }
0x87: {  	_ =	shalt  }
.Lfunc_end0:
.L_simem_size_0:
called_computation_lowered:
.L_overlay_start_0:
0x88: {  	s2 =	sld [smem:$0x3FD9]  }
0x89: {  	s3 =	sld [smem:$0x3FFE];
	_ =	sdelay $0x1  }
0x8a: {  	s1 =	srdreg.scid  }
0x8b: {  	s0 =	sand.u32 $0x1, s1  }
0x8c: {  	s17 =	sshll.u32 s0, $0xA;
	s2 =	sadd.s32 s3, s2  }
0x8d: {  	s2 =	sadd.s32 s2, s17  }
0x8e: {  	[smem:$0x3FC6] =	sst s2  }
0x8f: {  	_ = 	snop  }
0x90: {  	s2 =	sld [smem:$0x3FC9]  }
0x91: {  	s18 =	sld [smem:$0x3FC8]  }
0x92: {  	s4 =	sld [smem:$0x3FD0];
	(tm) =	ssettm $0x1  }
0x93: {  	s5 =	sld [smem:$0x3FFB];
	_ =	sdelay $0x3  }
0x94: {  	_ =	strace s5  }
0x95: {  	s5 =	sld [smem:$0x3FFC];
	_ =	sdelay $0x3  }
0x96: {  	_ =	strace s5  }
0x97: {  	s5 =	sld [smem:$0x3FFD];
	_ =	sdelay $0x3  }
0x98: {  	_ =	strace s5  }
0x99: {  	_ =	strace $0x8FFFFFFF  }
0x9a: {  	s19 =	sld [smem:$0x3FDB];
	_ =	sdelay $0x1  }
0x9b: {  	s6 =	simm.s32 $_scs_section_size  }
0x9c: {  	s7 =	simm.s32 $_size__tile_overlayer_lowered;
	s8 =	simm.s32 $_tile_overlayer_lowered  }
0x9d: {  	s22 =	simm.s32 $0x1BFF;
	s21 =	sshll.u32 s8, $0x1;
	s5 =	sadd.s32 s6, s19  }
0x9e: {  	s9 =	simm.s32 $0x0;
	s20 =	sshll.u32 s7, $0x1;
	s7 =	sadd.s32 s21, s5  }
0x9f: {  	[timem:s9], [sflag:s22] =	dma.local [hbm:s7], s20  }
0xa0: {  	_ =	swait.ge [sflag:s22], s20  }
0xa1: {  	s6 =	ssub.s32 $0x0, s20;
	[sflag:s22] =	ssyncset.done $0x0  }
0xa2: {  	[sflag:s22] =	ssyncadd.s32 s6;
	_ =	sdelay $0x1  }
0xa3: {  	s23 =	simm.s32 $0x1B8B  }
0xa4: {  	_ =	swait.ge [sflag:s23], $0x1  }
0xa5: {  	[sflag:s23] =	ssyncset.done $0x0  }
0xa6: {  	s25 =	simm.s32 $0x1B8E;
	s24 =	sld [smem:$0x3FFE];
	[sflag:s23] =	ssyncadd.s32 $0xFFFFFFFF  }
0xa7: {  	s26 =	simm.s32 $execute0_lowered;
	[smem:$0x3FD2] =	sst s25  }
0xa8: {  	s7 =	sshll.u32 s26, $0x1;
	_ =	strace $0x80000046;
	[dreg:$0x1] =	wrdreg $0xFFFFFFFF  }
0xa9: {  	s28 =	simm.s32 $_size_execute0_lowered;
	s5 =	sadd.s32 s5, s7;
	[dreg:$0x0] =	wrdreg $0x0  }
0xaa: {  	s7 =	sshll.u32 s28, $0x1;
	[dreg:$0x2] =	wrdreg s5  }
0xab: {  	[dreg:$0x3] =	wrdreg s7  }
0xac: {  	[dreg:$0x4] =	wrdreg $0xC0  }
0xad: {  	_ =	task [dreg:s9], $0x5FFFF  }
0xae: {  	[dreg:$0x1] =	wrdreg $0xFFFFFFFF  }
0xaf: {  	[dreg:$0x0] =	wrdreg $0x60  }
0xb0: {  	[dreg:$0x2] =	wrdreg s2  }
0xb1: {  	[dreg:$0x3] =	wrdreg s18  }
0xb2: {  	[dreg:$0x4] =	wrdreg s4  }
0xb3: {  	[dreg:$0x5] =	wrdreg s24  }
0xb4: {  	[dreg:$0x6] =	wrdreg $0x15C000  }
0xb5: {  	[dreg:$0x7] =	wrdreg $0x9  }
0xb6: {  	_ =	task.clear_ibuf [dreg:s9], $0x8FFFF;
	_ =	strace $0x90000046  }
0xb7: {  	s29 =	simm.s32 $0x9;
	_ =	strace $0x80000048  }
0xb8: {  	_ =	swait.ge [sflag:s29], $0x1  }
0xb9: {  	[sflag:s29] =	ssyncadd.s32 $0xFFFFFFFF  }
0xba: {  	_ =	strace $0x90000048  }
0xbb: {  	_ =	sfence  }
0xbc: {  	s30 =	sld [smem:$0x0];
	_ =	sdelay $0x2  }
0xbd: {  	s31 =	sshll.u32 s1, $0xD;
	s1 =	sshrl.u32 s1, $0x2  }
0xbe: {  	s3 =	sand.u32 $0x4000, s31;
	s1 =	sadd.s32 s1, s30  }
0xbf: {  	s0 =	sor.u32 s3, s0;
	s1 =	sshll.u32 s1, $0x11  }
0xc0: {  	s0 =	sor.u32 s1, s0  }
0xc1: {  	s0 =	sadd.s32 $0x8F2B, s0  }
0xc2: {  	[sflag:s0] =	ssyncadd.remote.s32 $0x1  }
0xc3: {  	_ =	sfence.sel $0xFFFF  }
0xc4: {  	[dreg:$0x0] =	wrdreg $0xFFFFFFFF;
	(pc) =	sbr.abs _section_cstart, $3  }
0xc5: {  	[dreg:$0x1] =	wrdreg $0xFFFFFFFF  }
0xc6: {  	_ =	task.clear_ibuf [dreg:s9], $0x2FFFF;
	_ =	strace $0x9FFFFFFF  }
0xc7: {  	(tm) =	ssettm $0x7FFFFFFF  }
tec
execute0_lowered:
.L_overlay_start_1:
0x0: {  	(tag) =	ssettag $0x1  }
0x1: {  	s1 =	rddreg [dreg:$0x0]  }
0x2: {  	s2 =	rddreg [dreg:$0x1]  }
0x3: {  	s0 =	rddreg [dreg:$0x2]  }
0x4: {  	s3 =	rddreg [dreg:$0x3]  }
0x5: {  	s12 =	rddreg [dreg:$0x4]  }
0x6: {  	s4 =	simm.s32 $0x0;
	s5 =	srdreg.scid;
	s13 =	stileid.u32  }
0x7: {  	s17 =	simm.s32 $0x3;
	s18 =	simm.s32 $0x40;
	s19 =	simm.s32 $0x80  }
0x8: {  	s20 =	simm.s32 $0x16100;
	s21 =	simm.s32 $0x1;
	s22 =	simm.s32 $0x8000  }
0x9: {  	s23 =	simm.s32 $0x16300;
	s30 =	simm.s32 $0x15500;
	s29 =	simm.s32 $0x0  }
0xa: {  	[smem:$0x7FF] =	sst s4;
	s5 =	sand.u32 $0x1, s5;
	s9 =	smul.u32 $0x1400, s13  }
0xb: {  	s7 =	sshll.u32 s13, $0x5;
	s11 =	smul.u32 $0x7D000, s13;
	s25 =	sshll.u32 s13, $0xB  }
0xc: {  	_ =	strace $0x80000047;
	s6 =	ssub.s32 $0x2, s5;
	s3 =	sadd.s32 s7, s3  }
0xd: {  	s7 =	sshll.u32 s5, $0x6;
	p0 =	sne.s32 s5, $0x0;
	s8 =	sshrl.u32 s6, $0x1  }
0xe: {  	s24 =	sshrl.u32 s9, $0x2;
	s11 =	sor.u32 s7, s11;
	s31 =	sadd.s32 $0x800, s3  }
0xf: {  	v0 =	vlaneseq.u32;
	v16 =	vimm.f32 $0.0e+00;
	v17 =	vimm.f32 $1.600000000e+01;
	s10 =	ssub.s32 s6, s8;
	s6 =	smul.u32 $0xFA0, s13;
	s8 =	sadd.s32 s24, s12  }
.Ltmp0:
0x10: {  	v1 =	vor.u32 $0x10, v0;
	v2 =	vor.u32 $0x20, v0;
	v3 =	vor.u32 $0x30, v0;
	s11 =	sshrl.u32 s11, $0x3;
	s12 =	sor.u32 s7, s25;
	(pc) =	sbr.rel .LBB2_1-.Ltmp0, $4  }
0x11: {  	v4 =	vor.u32 $0x40, v0;
	v5 =	vor.u32 $0x50, v0;
	v6 =	vor.u32 $0x60, v0;
	[dreg:$0x8] =	wrdreg s31;
	s24 =	simm.s32 $0x2;
	s11 =	sadd.s32 s1, s11  }
0x12: {  	v7 =	vor.u32 $0x70, v0;
	v8 =	vor.u32 $0x80, v0;
	v9 =	vor.u32 $0x90, v0;
	s28 =	sshrl.u32 s12, $0x3;
	s15 =	smax.u32 s10, $0x1;
	s26 =	sshrl.u32 s6, $0x3  }
0x13: {  	v10 =	vor.u32 $0xA0, v0;
	v11 =	vor.u32 $0xB0, v0;
	v12 =	vor.u32 $0xC0, v0;
	s9 =	sadd.s32 $0xDA0, s6;
	[dreg:$0x6] =	wrdreg s11;
	s11 =	sadd.s32 s2, s26  }
0x14: {  	v13 =	vor.u32 $0xD0, v0;
	v14 =	vor.u32 $0xE0, v0;
	v15 =	vor.u32 $0xF0, v0;
	s12 =	sadd.s32 $0x400, s6;
	s13 =	sadd.s32 s0, s28;
	[dreg:$0x7] =	wrdreg s11  }
.LBB2_15:
0x15: {  	_ =	swait.ge [sflag:s21], $0x8000  }
0x16: {  	[sflag:s21] =	ssyncset.done $0x0  }
0x17: {  	[sflag:s21] =	ssyncadd.s32 $0xFFFF8000  }
0x18: {  	_ =	swait.ge [sflag:s21], $0x200  }
0x19: {  	[sflag:s21] =	ssyncset.done $0x0  }
0x1a: {  	[sflag:s21] =	ssyncadd.s32 $0xFFFFFE00  }
0x1b: {  	s3 =	simm.s32 $0x15B00;
	s5 =	simm.s32 $0x10000;
	s0 =	rddreg [dreg:$0x4]  }
0x1c: {  	[spmem:s0] =	stream.indirect.scatter.add.f32 [tilespmem:s5], [sflag:$0x3], $0x50, s3, s19, $0xb8;
	[tilespmem:$0x16500] =	vst v63  }
0x1d: {  	_ =	swait.ge [sflag:s17], $0x2800  }
0x1e: {  	[sflag:s17] =	ssyncset.done $0x0  }
0x1f: {  	s28 =	simm.s32 $0x15B80;
	s31 =	simm.s32 $0x12800;
	[sflag:s17] =	ssyncadd.s32 $0xFFFFD800  }
0x20: {  	[spmem:s0] =	stream.indirect.scatter.add.f32 [tilespmem:s31], [sflag:$0x3], $0x50, s28, s19, $0xb8;
	[tilespmem:$0x16500] =	vst v63  }
0x21: {  	_ =	swait.ge [sflag:s17], $0x2800  }
0x22: {  	[sflag:s17] =	ssyncset.done $0x0  }
0x23: {  	[sflag:s17] =	ssyncadd.s32 $0xFFFFD800  }
0x24: {  	[bflag:$0x0] =	sbarrier.arrive $0xFFFF  }
0x25: {  	[tilespmem:s30], [sflag:$0x3] =	stream.linear.gather [spmem:s8], $0x500, $0x38;
	[tilespmem:$0x16500] =	vst v63  }
0x26: {  	_ =	swait.ge [sflag:s17], $0x500  }
0x27: {  	[sflag:s17] =	ssyncset.done $0x0  }
0x28: {  	[sflag:s17] =	ssyncadd.s32 $0xFFFFFB00  }
0x29: {  	[hbm4b:s13+s4] =	stream.linear.scatter [tilespmem:s30], [sflag:$0x3], $0x40, $0x38;
	[tilespmem:$0x16500] =	vst v63  }
0x2a: {  	s3 =	sadd.s32 $0x10, s13;
	s5 =	simm.s32 $0x15550  }
0x2b: {  	[hbm4b:s3+s4] =	stream.linear.scatter [tilespmem:s5], [sflag:$0x3], $0x40, $0x38;
	[tilespmem:$0x16500] =	vst v63  }
0x2c: {  	s10 =	sadd.s32 $0x20, s13;
	s11 =	simm.s32 $0x155A0  }
0x2d: {  	[hbm4b:s10+s4] =	stream.linear.scatter [tilespmem:s11], [sflag:$0x3], $0x40, $0x38;
	[tilespmem:$0x16500] =	vst v63  }
0x2e: {  	s14 =	sadd.s32 $0x30, s13;
	s16 =	simm.s32 $0x155F0  }
0x2f: {  	[hbm4b:s14+s4] =	stream.linear.scatter [tilespmem:s16], [sflag:$0x3], $0x40, $0x38;
	[tilespmem:$0x16500] =	vst v63  }
0x30: {  	s25 =	sadd.s32 $0x40, s13;
	s26 =	simm.s32 $0x15640  }
0x31: {  	[hbm4b:s25+s4] =	stream.linear.scatter [tilespmem:s26], [sflag:$0x3], $0x40, $0x38;
	[tilespmem:$0x16500] =	vst v63  }
0x32: {  	s28 =	sadd.s32 $0x50, s13;
	s31 =	simm.s32 $0x15690  }
0x33: {  	[hbm4b:s28+s4] =	stream.linear.scatter [tilespmem:s31], [sflag:$0x3], $0x40, $0x38;
	[tilespmem:$0x16500] =	vst v63  }
0x34: {  	s3 =	sadd.s32 $0x60, s13;
	s5 =	simm.s32 $0x156E0  }
0x35: {  	[hbm4b:s3+s4] =	stream.linear.scatter [tilespmem:s5], [sflag:$0x3], $0x40, $0x38;
	[tilespmem:$0x16500] =	vst v63  }
0x36: {  	s10 =	sadd.s32 $0x70, s13;
	s11 =	simm.s32 $0x15730  }
0x37: {  	[hbm4b:s10+s4] =	stream.linear.scatter [tilespmem:s11], [sflag:$0x3], $0x40, $0x38;
	[tilespmem:$0x16500] =	vst v63  }
0x38: {  	s14 =	sadd.s32 $0x80, s13;
	s16 =	simm.s32 $0x15780  }
0x39: {  	[hbm4b:s14+s4] =	stream.linear.scatter [tilespmem:s16], [sflag:$0x3], $0x40, $0x38;
	[tilespmem:$0x16500] =	vst v63  }
0x3a: {  	s25 =	sadd.s32 $0x90, s13;
	s26 =	simm.s32 $0x157D0  }
0x3b: {  	[hbm4b:s25+s4] =	stream.linear.scatter [tilespmem:s26], [sflag:$0x3], $0x40, $0x38;
	[tilespmem:$0x16500] =	vst v63  }
0x3c: {  	s28 =	sadd.s32 $0xA0, s13;
	s31 =	simm.s32 $0x15820  }
0x3d: {  	[hbm4b:s28+s4] =	stream.linear.scatter [tilespmem:s31], [sflag:$0x3], $0x40, $0x38;
	[tilespmem:$0x16500] =	vst v63  }
0x3e: {  	s3 =	sadd.s32 $0xB0, s13;
	s5 =	simm.s32 $0x15870  }
0x3f: {  	[hbm4b:s3+s4] =	stream.linear.scatter [tilespmem:s5], [sflag:$0x3], $0x40, $0x38;
	[tilespmem:$0x16500] =	vst v63  }
0x40: {  	s10 =	sadd.s32 $0xC0, s13;
	s11 =	simm.s32 $0x158C0  }
0x41: {  	[hbm4b:s10+s4] =	stream.linear.scatter [tilespmem:s11], [sflag:$0x3], $0x40, $0x38;
	[tilespmem:$0x16500] =	vst v63  }
0x42: {  	s14 =	sadd.s32 $0xD0, s13;
	s16 =	simm.s32 $0x15910  }
0x43: {  	[hbm4b:s14+s4] =	stream.linear.scatter [tilespmem:s16], [sflag:$0x3], $0x40, $0x38;
	[tilespmem:$0x16500] =	vst v63  }
0x44: {  	s25 =	sadd.s32 $0xE0, s13;
	s26 =	simm.s32 $0x15960  }
0x45: {  	[hbm4b:s25+s4] =	stream.linear.scatter [tilespmem:s26], [sflag:$0x3], $0x40, $0x38;
	[tilespmem:$0x16500] =	vst v63  }
0x46: {  	s28 =	sadd.s32 $0xF0, s13;
	s31 =	simm.s32 $0x159B0  }
0x47: {  	[hbm4b:s28+s4] =	stream.linear.scatter [tilespmem:s31], [sflag:$0x3], $0x40, $0x38;
	[tilespmem:$0x16500] =	vst v63  }
0x48: {  	_ =	swait.ge [sflag:s17], $0x400  }
0x49: {  	[sflag:s17] =	ssyncset.done $0x0  }
0x4a: {  	[sflag:s17] =	ssyncadd.s32 $0xFFFFFC00  }
0x4b: {  	v18 =	vld @!p0 [tilespmem:$0x15540]  }
0x4c: {  	v19 =	vld @!p0 [tilespmem:$0x15590]  }
0x4d: {  	v20 =	vld @!p0 [tilespmem:$0x155E0]  }
0x4e: {  	v21 =	vld @!p0 [tilespmem:$0x15630]  }
0x4f: {  	v22 =	vld @!p0 [tilespmem:$0x15680]  }
0x50: {  	[tilespmem:$0x15A00] =	vst @!p0 v18;
	v18 =	vld @!p0 [tilespmem:$0x156D0]  }
0x51: {  	[tilespmem:$0x15A10] =	vst @!p0 v19;
	v19 =	vld @!p0 [tilespmem:$0x15720]  }
0x52: {  	[tilespmem:$0x15A20] =	vst @!p0 v20;
	v20 =	vld @!p0 [tilespmem:$0x15770]  }
0x53: {  	[tilespmem:$0x15A30] =	vst @!p0 v21;
	v21 =	vld @!p0 [tilespmem:$0x157C0]  }
0x54: {  	[tilespmem:$0x15A40] =	vst @!p0 v22;
	v22 =	vld @!p0 [tilespmem:$0x15810]  }
0x55: {  	[tilespmem:$0x15A50] =	vst @!p0 v18;
	v18 =	vld @!p0 [tilespmem:$0x15860]  }
0x56: {  	[tilespmem:$0x15A60] =	vst @!p0 v19;
	v19 =	vld @!p0 [tilespmem:$0x158B0]  }
0x57: {  	[tilespmem:$0x15A70] =	vst @!p0 v20;
	v20 =	vld @!p0 [tilespmem:$0x15900]  }
0x58: {  	[tilespmem:$0x15A80] =	vst @!p0 v21;
	v21 =	vld @!p0 [tilespmem:$0x15950]  }
0x59: {  	[tilespmem:$0x15A90] =	vst @!p0 v22;
	v22 =	vld @!p0 [tilespmem:$0x159A0]  }
0x5a: {  	[tilespmem:$0x15AA0] =	vst @!p0 v18;
	v18 =	vld @!p0 [tilespmem:$0x159F0]  }
0x5b: {  	[tilespmem:$0x15AB0] =	vst @!p0 v19  }
0x5c: {  	[tilespmem:$0x15AC0] =	vst @!p0 v20  }
0x5d: {  	s29 =	sadd.s32 $0x1, s29;
	[tilespmem:$0x15AD0] =	vst @!p0 v21  }
0x5e: {  	p1 =	sne.s32 s29, s15;
	[tilespmem:$0x15AE0] =	vst @!p0 v22  }
0x5f: {  	s0 =	simm.s32 @!p0 $0x0;
	s3 =	simm.s32 @!p0 $0x15A00;
	s5 =	rddreg [dreg:$0x8];
	[tilespmem:$0x15AF0] =	vst @!p0 v18  }
0x60: {  	[hbm4b:s5+s0] =	stream.linear.scatter @!p0 [tilespmem:s3], [sflag:$0x3], $0x100, $0x38;
	[tilespmem:$0x16500] =	vst v63  }
.Ltmp1:
0x61: {  	_ = 	snop;
	(pc) =	sbr.rel @!p1 .LBB2_16-.Ltmp1, $4  }
0x62: {  	s0 =	simm.s32 @!p0 $0x3  }
0x63: {  	_ =	swait.ge @!p0 [sflag:s0], $0x100  }
0x64: {  	[sflag:s0] =	ssyncset.done @!p0 $0x0  }
0x65: {  	[sflag:s0] =	ssyncadd.s32 @!p0 $0xFFFFFF00  }
.LBB2_1:
0x66: {  	[tilespmem:$0x15B00] =	vst v0  }
0x67: {  	[tilespmem:$0x15B10] =	vst v1  }
0x68: {  	[tilespmem:$0x15B20] =	vst v2  }
0x69: {  	[tilespmem:$0x15B30] =	vst v3  }
0x6a: {  	[tilespmem:$0x15B40] =	vst v4  }
0x6b: {  	[tilespmem:$0x15B50] =	vst v5  }
0x6c: {  	[tilespmem:$0x15B60] =	vst v6  }
0x6d: {  	[tilespmem:$0x15B70] =	vst v7  }
0x6e: {  	[tilespmem:$0x15B80] =	vst v8  }
0x6f: {  	[tilespmem:$0x15B90] =	vst v9  }
0x70: {  	[tilespmem:$0x15BA0] =	vst v10  }
0x71: {  	[tilespmem:$0x15BB0] =	vst v11  }
0x72: {  	[tilespmem:$0x15BC0] =	vst v12  }
0x73: {  	[tilespmem:$0x15BD0] =	vst v13  }
0x74: {  	[tilespmem:$0x15BE0] =	vst v14  }
0x75: {  	[tilespmem:$0x15BF0] =	vst v15  }
0x76: {  	[tilespmem:$0x15000] =	vst v16  }
0x77: {  	[tilespmem:$0x15010] =	vst v16  }
0x78: {  	[tilespmem:$0x15020] =	vst v16  }
0x79: {  	[tilespmem:$0x15030] =	vst v16  }
0x7a: {  	[tilespmem:$0x15040] =	vst v16  }
0x7b: {  	[tilespmem:$0x15050] =	vst v16  }
0x7c: {  	[tilespmem:$0x15060] =	vst v16  }
0x7d: {  	[tilespmem:$0x15070] =	vst v16  }
0x7e: {  	[tilespmem:$0x15080] =	vst v16  }
0x7f: {  	[tilespmem:$0x15090] =	vst v16  }
0x80: {  	[tilespmem:$0x150A0] =	vst v16  }
0x81: {  	[tilespmem:$0x150B0] =	vst v16  }
0x82: {  	[tilespmem:$0x150C0] =	vst v16  }
0x83: {  	[tilespmem:$0x150D0] =	vst v16  }
0x84: {  	[tilespmem:$0x150E0] =	vst v16  }
0x85: {  	[tilespmem:$0x150F0] =	vst v16  }
0x86: {  	[tilespmem:$0x15100] =	vst v16  }
0x87: {  	[tilespmem:$0x15110] =	vst v16  }
0x88: {  	[tilespmem:$0x15120] =	vst v16  }
0x89: {  	[tilespmem:$0x15130] =	vst v16  }
0x8a: {  	[tilespmem:$0x15140] =	vst v16  }
0x8b: {  	[tilespmem:$0x15150] =	vst v16  }
0x8c: {  	[tilespmem:$0x15160] =	vst v16  }
0x8d: {  	[tilespmem:$0x15170] =	vst v16  }
0x8e: {  	[tilespmem:$0x15180] =	vst v16  }
0x8f: {  	[tilespmem:$0x15190] =	vst v16  }
0x90: {  	[tilespmem:$0x151A0] =	vst v16  }
0x91: {  	[tilespmem:$0x151B0] =	vst v16  }
0x92: {  	[tilespmem:$0x151C0] =	vst v16  }
0x93: {  	[tilespmem:$0x151D0] =	vst v16  }
0x94: {  	[tilespmem:$0x151E0] =	vst v16  }
0x95: {  	[tilespmem:$0x151F0] =	vst v16  }
0x96: {  	[tilespmem:$0x15200] =	vst v16  }
0x97: {  	[tilespmem:$0x15210] =	vst v16  }
0x98: {  	[tilespmem:$0x15220] =	vst v16  }
0x99: {  	[tilespmem:$0x15230] =	vst v16  }
0x9a: {  	[tilespmem:$0x15240] =	vst v16  }
0x9b: {  	[tilespmem:$0x15250] =	vst v16  }
0x9c: {  	[tilespmem:$0x15260] =	vst v16  }
0x9d: {  	[tilespmem:$0x15270] =	vst v16  }
0x9e: {  	[tilespmem:$0x15280] =	vst v16  }
0x9f: {  	[tilespmem:$0x15290] =	vst v16  }
0xa0: {  	[tilespmem:$0x152A0] =	vst v16  }
0xa1: {  	[tilespmem:$0x152B0] =	vst v16  }
0xa2: {  	[tilespmem:$0x152C0] =	vst v16  }
0xa3: {  	[tilespmem:$0x152D0] =	vst v16  }
0xa4: {  	[tilespmem:$0x152E0] =	vst v16  }
0xa5: {  	[tilespmem:$0x152F0] =	vst v16  }
0xa6: {  	[tilespmem:$0x15300] =	vst v16  }
0xa7: {  	[tilespmem:$0x15310] =	vst v16  }
0xa8: {  	[tilespmem:$0x15320] =	vst v16  }
0xa9: {  	[tilespmem:$0x15330] =	vst v16  }
0xaa: {  	[tilespmem:$0x15340] =	vst v16  }
0xab: {  	[tilespmem:$0x15350] =	vst v16  }
0xac: {  	[tilespmem:$0x15360] =	vst v16  }
0xad: {  	[tilespmem:$0x15370] =	vst v16  }
0xae: {  	[tilespmem:$0x15380] =	vst v16  }
0xaf: {  	[tilespmem:$0x15390] =	vst v16  }
0xb0: {  	[tilespmem:$0x153A0] =	vst v16  }
0xb1: {  	[tilespmem:$0x153B0] =	vst v16  }
0xb2: {  	[tilespmem:$0x153C0] =	vst v16  }
0xb3: {  	[tilespmem:$0x153D0] =	vst v16  }
0xb4: {  	[tilespmem:$0x153E0] =	vst v16  }
0xb5: {  	[tilespmem:$0x153F0] =	vst v16  }
0xb6: {  	[tilespmem:$0x15400] =	vst v16  }
0xb7: {  	[tilespmem:$0x15410] =	vst v16  }
0xb8: {  	[tilespmem:$0x15420] =	vst v16  }
0xb9: {  	[tilespmem:$0x15430] =	vst v16  }
0xba: {  	[tilespmem:$0x15440] =	vst v16  }
0xbb: {  	[tilespmem:$0x15450] =	vst v16  }
0xbc: {  	[tilespmem:$0x15460] =	vst v16  }
0xbd: {  	[tilespmem:$0x15470] =	vst v16  }
0xbe: {  	[tilespmem:$0x15480] =	vst v16  }
0xbf: {  	[tilespmem:$0x15490] =	vst v16  }
0xc0: {  	[tilespmem:$0x154A0] =	vst v16  }
0xc1: {  	[tilespmem:$0x154B0] =	vst v16  }
0xc2: {  	[tilespmem:$0x154C0] =	vst v16  }
0xc3: {  	[tilespmem:$0x154D0] =	vst v16  }
0xc4: {  	[tilespmem:$0x154E0] =	vst v16  }
0xc5: {  	[tilespmem:$0x154F0] =	vst v16;
	s3 =	simm.s32 $0x140;
	s0 =	simm.s32 $0x0  }
.LBB2_2:
0xc6: {  	p1 =	sne.s32 s3, $0x13EC0;
	[tilespmem:s0+$0x10040] =	vst v16;
	s5 =	smov.u32 s3;
	s3 =	sadd.s32 $0x140, s3  }
.Ltmp2:
0xc7: {  	[tilespmem:s0+$0x10030] =	vst v16;
	(pc) =	sbr.rel @p1 .LBB2_2-.Ltmp2, $4  }
0xc8: {  	[tilespmem:s0+$0x10020] =	vst v16  }
0xc9: {  	[tilespmem:s0+$0x10000] =	vst v16  }
0xca: {  	[tilespmem:s0+$0x10010] =	vst v16  }
0xcb: {  	s0 =	sshra.s32 s5, $0x2  }
0xcc: {  	[tilespmem:s0+$0x10040] =	vst v16  }
0xcd: {  	[tilespmem:s0+$0x10030] =	vst v16  }
0xce: {  	[tilespmem:s0+$0x10020] =	vst v16  }
0xcf: {  	[tilespmem:s0+$0x10000] =	vst v16  }
0xd0: {  	[tilespmem:s0+$0x10010] =	vst v16;
	s25 =	simm.s32 $0x15000  }
0xd1: {  	[spmem:s8] =	stream.linear.scatter [tilespmem:s25], [sflag:$0x3], $0x500, $0x38;
	[tilespmem:$0x16500] =	vst v63  }
0xd2: {  	_ =	swait.ge [sflag:s17], $0x500  }
0xd3: {  	[sflag:s17] =	ssyncset.done $0x0  }
0xd4: {  	[sflag:s17] =	ssyncadd.s32 $0xFFFFFB00  }
.Ltmp3:
0xd5: {  	[bflag:$0x0] =	sbarrier.arrive $0xFFFF;
	(pc) =	sbr.rel .LBB2_4-.Ltmp3, $4  }
0xd6: {  	s31 =	simm.s32 $0x0;
	s26 =	rddreg [dreg:$0x6]  }
0xd7: {  	[tilespmem:s31], [sflag:$0x1] =	stream.strided.gather [hbm4b:s26+s18], $0x8000, s19, s18, $0x38;
	[tilespmem:$0x16500] =	vst v63  }
0xd8: {  	s28 =	rddreg [dreg:$0x7]  }
0xd9: {  	[tilespmem:s20], [sflag:$0x1] =	stream.linear.gather [hbm4b:s28+s31], $0x200, $0x38;
	[tilespmem:$0x16500] =	vst v63  }
.LBB2_14:
0xda: {  	s31 =	sadd.s32 $0x1, s31  }
0xdb: {  	p1 =	sne.s32 s31, $0x4  }
.Ltmp4:
0xdc: {  	_ = 	snop;
	(pc) =	sbr.rel @!p1 .LBB2_15-.Ltmp4, $1  }
0xdd: {  	_ =	sdelay $0x3  }
.LBB2_4:
0xde: {  	s16 =	sshll.u32 s31, $0xA  }
0xdf: {  	s3 =	sadd.s32 s6, s16  }
0xe0: {  	_ =	swait.ge [sflag:s21], $0x8000;
	s0 =	sadd.s32 $0x200, s3  }
0xe1: {  	[sflag:s21] =	ssyncset.done $0x0;
	s5 =	smin.u32 s0, s9  }
0xe2: {  	[sflag:s21] =	ssyncadd.s32 $0xFFFF8000;
	s10 =	sshll.u32 s5, $0x7  }
0xe3: {  	_ =	swait.ge [sflag:s21], $0x200;
	s10 =	sor.u32 s7, s10  }
0xe4: {  	[sflag:s21] =	ssyncset.done $0x0;
	s10 =	sshrl.u32 s10, $0x3  }
0xe5: {  	[sflag:s21] =	ssyncadd.s32 $0xFFFFFE00;
	s10 =	sadd.s32 s1, s10  }
0xe6: {  	[tilespmem:s22], [sflag:$0x2] =	stream.strided.gather [hbm4b:s10+s18], $0x8000, s19, s18, $0x38;
	[tilespmem:$0x16500] =	vst v63  }
.Ltmp5:
0xe7: {  	_ = 	snop;
	(pc) =	sbr.rel .LBB2_5-.Ltmp5, $4  }
0xe8: {  	p1 =	slt.s32 s3, s9;
	s11 =	sshrl.u32 s5, $0x3;
	s10 =	smov.u32 s9  }
0xe9: {  	s26 =	simm.s32 $0xF;
	s11 =	sadd.s32 s2, s11;
	s10 =	smov.u32 @p1 s3  }
0xea: {  	[tilespmem:s23], [sflag:$0x2] =	stream.linear.gather [hbm4b:s11+s4], $0x200, $0x38;
	[tilespmem:$0x16500] =	vst v63  }
0xeb: {  	s28 =	simm.s32 $0x16100;
	s25 =	ssub.s32 s3, s10;
	s3 =	simm.s32 $0x200  }
.LBB2_7:
0xec: {  	v19 =	vld @!p2 [tilespmem:s3+$0xFFFFFE00];
	_ =	sdelay $0x1  }
0xed: {  	s11 =	smul.u32 @!p2 $0x140, s11;
	_ =	sdelay $0x1  }
0xee: {  	s11 =	sshra.s32 @!p2 s11, $0x2  }
0xef: {  	[tilespmem:s11+$0x10000] =	vst.add.f32.msk @!p2 $0xffff, v19  }
0xf0: {  	v19 =	vld @!p2 [tilespmem:s3+$0xFFFFFE10];
	_ =	sdelay $0x2  }
0xf1: {  	s14 =	sadd.s32 $0xFFFFFFF2, s26  }
0xf2: {  	p1 =	slt.s32 s14, s25  }
0xf3: {  	(v2sf) =	vpush @!p1 v18, $0x1;
	[tilespmem:s11+$0x10010] =	vst.add.f32.msk @!p2 $0xffff, v19  }
0xf4: {  	v19 =	vld @!p2 [tilespmem:s3+$0xFFFFFE20];
	_ =	sdelay $0x4  }
0xf5: {  	[tilespmem:s11+$0x10020] =	vst.add.f32.msk @!p2 $0xffff, v19  }
0xf6: {  	v19 =	vld @!p2 [tilespmem:s3+$0xFFFFFE30];
	_ =	sdelay $0x4  }
0xf7: {  	[tilespmem:s11+$0x10030] =	vst.add.f32.msk @!p2 $0xffff, v19;
	v19 =	vimm.f32 @!p2 $1.000000000e+00  }
0xf8: {  	[tilespmem:s11+$0x10040] =	vst.add.f32.msk @!p2 $0xffff, v19  }
0xf9: {  	v19 =	vld @!p1 [tilespmem:s3+$0xFFFFFE40]  }
0xfa: {  	s11 =	spop @!p1 (v2sf)  }
0xfb: {  	s11 =	smul.u32 @!p1 $0x140, s11;
	_ =	sdelay $0x1  }
0xfc: {  	s11 =	sshra.s32 @!p1 s11, $0x2  }
0xfd: {  	[tilespmem:s11+$0x10000] =	vst.add.f32.msk @!p1 $0xffff, v19  }
0xfe: {  	v19 =	vld @!p1 [tilespmem:s3+$0xFFFFFE50];
	_ =	sdelay $0x2  }
0xff: {  	s14 =	sadd.s32 $0xFFFFFFF3, s26  }
0x100: {  	p2 =	slt.s32 s14, s25  }
0x101: {  	(v2sf) =	vpush @!p2 v18, $0x2;
	[tilespmem:s11+$0x10010] =	vst.add.f32.msk @!p1 $0xffff, v19  }
0x102: {  	v19 =	vld @!p1 [tilespmem:s3+$0xFFFFFE60];
	_ =	sdelay $0x4  }
0x103: {  	[tilespmem:s11+$0x10020] =	vst.add.f32.msk @!p1 $0xffff, v19  }
0x104: {  	v19 =	vld @!p1 [tilespmem:s3+$0xFFFFFE70];
	_ =	sdelay $0x4  }
0x105: {  	[tilespmem:s11+$0x10030] =	vst.add.f32.msk @!p1 $0xffff, v19;
	v19 =	vimm.f32 @!p1 $1.000000000e+00  }
0x106: {  	[tilespmem:s11+$0x10040] =	vst.add.f32.msk @!p1 $0xffff, v19  }
0x107: {  	v19 =	vld @!p2 [tilespmem:s3+$0xFFFFFE80]  }
0x108: {  	s11 =	spop @!p2 (v2sf)  }
0x109: {  	s11 =	smul.u32 @!p2 $0x140, s11;
	_ =	sdelay $0x1  }
0x10a: {  	s11 =	sshra.s32 @!p2 s11, $0x2  }
0x10b: {  	[tilespmem:s11+$0x10000] =	vst.add.f32.msk @!p2 $0xffff, v19  }
0x10c: {  	v19 =	vld @!p2 [tilespmem:s3+$0xFFFFFE90];
	_ =	sdelay $0x2  }
0x10d: {  	s14 =	sadd.s32 $0xFFFFFFF4, s26  }
0x10e: {  	p1 =	slt.s32 s14, s25  }
0x10f: {  	(v2sf) =	vpush @!p1 v18, $0x3;
	[tilespmem:s11+$0x10010] =	vst.add.f32.msk @!p2 $0xffff, v19  }
0x110: {  	v19 =	vld @!p2 [tilespmem:s3+$0xFFFFFEA0];
	_ =	sdelay $0x4  }
0x111: {  	[tilespmem:s11+$0x10020] =	vst.add.f32.msk @!p2 $0xffff, v19  }
0x112: {  	v19 =	vld @!p2 [tilespmem:s3+$0xFFFFFEB0];
	_ =	sdelay $0x4  }
0x113: {  	[tilespmem:s11+$0x10030] =	vst.add.f32.msk @!p2 $0xffff, v19;
	v19 =	vimm.f32 @!p2 $1.000000000e+00  }
0x114: {  	[tilespmem:s11+$0x10040] =	vst.add.f32.msk @!p2 $0xffff, v19  }
0x115: {  	v19 =	vld @!p1 [tilespmem:s3+$0xFFFFFEC0]  }
0x116: {  	s11 =	spop @!p1 (v2sf)  }
0x117: {  	s11 =	smul.u32 @!p1 $0x140, s11;
	_ =	sdelay $0x1  }
0x118: {  	s11 =	sshra.s32 @!p1 s11, $0x2  }
0x119: {  	[tilespmem:s11+$0x10000] =	vst.add.f32.msk @!p1 $0xffff, v19  }
0x11a: {  	v19 =	vld @!p1 [tilespmem:s3+$0xFFFFFED0];
	_ =	sdelay $0x2  }
0x11b: {  	s14 =	sadd.s32 $0xFFFFFFF5, s26  }
0x11c: {  	p2 =	slt.s32 s14, s25  }
0x11d: {  	(v2sf) =	vpush @!p2 v18, $0x4;
	[tilespmem:s11+$0x10010] =	vst.add.f32.msk @!p1 $0xffff, v19  }
0x11e: {  	v19 =	vld @!p1 [tilespmem:s3+$0xFFFFFEE0];
	_ =	sdelay $0x4  }
0x11f: {  	[tilespmem:s11+$0x10020] =	vst.add.f32.msk @!p1 $0xffff, v19  }
0x120: {  	v19 =	vld @!p1 [tilespmem:s3+$0xFFFFFEF0];
	_ =	sdelay $0x4  }
0x121: {  	[tilespmem:s11+$0x10030] =	vst.add.f32.msk @!p1 $0xffff, v19;
	v19 =	vimm.f32 @!p1 $1.000000000e+00  }
0x122: {  	[tilespmem:s11+$0x10040] =	vst.add.f32.msk @!p1 $0xffff, v19  }
0x123: {  	v19 =	vld @!p2 [tilespmem:s3+$0xFFFFFF00]  }
0x124: {  	s11 =	spop @!p2 (v2sf)  }
0x125: {  	s11 =	smul.u32 @!p2 $0x140, s11;
	_ =	sdelay $0x1  }
0x126: {  	s11 =	sshra.s32 @!p2 s11, $0x2  }
0x127: {  	[tilespmem:s11+$0x10000] =	vst.add.f32.msk @!p2 $0xffff, v19  }
0x128: {  	v19 =	vld @!p2 [tilespmem:s3+$0xFFFFFF10];
	_ =	sdelay $0x2  }
0x129: {  	s14 =	sadd.s32 $0xFFFFFFF6, s26  }
0x12a: {  	p1 =	slt.s32 s14, s25  }
0x12b: {  	(v2sf) =	vpush @!p1 v18, $0x5;
	[tilespmem:s11+$0x10010] =	vst.add.f32.msk @!p2 $0xffff, v19  }
0x12c: {  	v19 =	vld @!p2 [tilespmem:s3+$0xFFFFFF20];
	_ =	sdelay $0x4  }
0x12d: {  	[tilespmem:s11+$0x10020] =	vst.add.f32.msk @!p2 $0xffff, v19  }
0x12e: {  	v19 =	vld @!p2 [tilespmem:s3+$0xFFFFFF30];
	_ =	sdelay $0x4  }
0x12f: {  	[tilespmem:s11+$0x10030] =	vst.add.f32.msk @!p2 $0xffff, v19;
	v19 =	vimm.f32 @!p2 $1.000000000e+00  }
0x130: {  	[tilespmem:s11+$0x10040] =	vst.add.f32.msk @!p2 $0xffff, v19  }
0x131: {  	v19 =	vld @!p1 [tilespmem:s3+$0xFFFFFF40]  }
0x132: {  	s11 =	spop @!p1 (v2sf)  }
0x133: {  	s11 =	smul.u32 @!p1 $0x140, s11;
	_ =	sdelay $0x1  }
0x134: {  	s11 =	sshra.s32 @!p1 s11, $0x2  }
0x135: {  	[tilespmem:s11+$0x10000] =	vst.add.f32.msk @!p1 $0xffff, v19  }
0x136: {  	v19 =	vld @!p1 [tilespmem:s3+$0xFFFFFF50];
	_ =	sdelay $0x2  }
0x137: {  	s14 =	sadd.s32 $0xFFFFFFF7, s26  }
0x138: {  	p2 =	slt.s32 s14, s25  }
0x139: {  	(v2sf) =	vpush @!p2 v18, $0x6;
	[tilespmem:s11+$0x10010] =	vst.add.f32.msk @!p1 $0xffff, v19  }
0x13a: {  	v19 =	vld @!p1 [tilespmem:s3+$0xFFFFFF60];
	_ =	sdelay $0x4  }
0x13b: {  	[tilespmem:s11+$0x10020] =	vst.add.f32.msk @!p1 $0xffff, v19  }
0x13c: {  	v19 =	vld @!p1 [tilespmem:s3+$0xFFFFFF70];
	_ =	sdelay $0x4  }
0x13d: {  	[tilespmem:s11+$0x10030] =	vst.add.f32.msk @!p1 $0xffff, v19;
	v19 =	vimm.f32 @!p1 $1.000000000e+00  }
0x13e: {  	[tilespmem:s11+$0x10040] =	vst.add.f32.msk @!p1 $0xffff, v19  }
0x13f: {  	v19 =	vld @!p2 [tilespmem:s3+$0xFFFFFF80]  }
0x140: {  	s11 =	spop @!p2 (v2sf)  }
0x141: {  	s11 =	smul.u32 @!p2 $0x140, s11;
	_ =	sdelay $0x1  }
0x142: {  	s11 =	sshra.s32 @!p2 s11, $0x2  }
0x143: {  	[tilespmem:s11+$0x10000] =	vst.add.f32.msk @!p2 $0xffff, v19  }
0x144: {  	v19 =	vld @!p2 [tilespmem:s3+$0xFFFFFF90];
	_ =	sdelay $0x2  }
0x145: {  	s14 =	sadd.s32 $0xFFFFFFF8, s26  }
0x146: {  	p1 =	slt.s32 s14, s25  }
0x147: {  	(v2sf) =	vpush @!p1 v18, $0x7;
	[tilespmem:s11+$0x10010] =	vst.add.f32.msk @!p2 $0xffff, v19  }
0x148: {  	v19 =	vld @!p2 [tilespmem:s3+$0xFFFFFFA0];
	_ =	sdelay $0x4  }
0x149: {  	[tilespmem:s11+$0x10020] =	vst.add.f32.msk @!p2 $0xffff, v19  }
0x14a: {  	v19 =	vld @!p2 [tilespmem:s3+$0xFFFFFFB0];
	_ =	sdelay $0x4  }
0x14b: {  	[tilespmem:s11+$0x10030] =	vst.add.f32.msk @!p2 $0xffff, v19;
	v19 =	vimm.f32 @!p2 $1.000000000e+00  }
0x14c: {  	[tilespmem:s11+$0x10040] =	vst.add.f32.msk @!p2 $0xffff, v19  }
0x14d: {  	v19 =	vld @!p1 [tilespmem:s3+$0xFFFFFFC0]  }
0x14e: {  	s11 =	spop @!p1 (v2sf)  }
0x14f: {  	s11 =	smul.u32 @!p1 $0x140, s11;
	_ =	sdelay $0x1  }
0x150: {  	s11 =	sshra.s32 @!p1 s11, $0x2  }
0x151: {  	[tilespmem:s11+$0x10000] =	vst.add.f32.msk @!p1 $0xffff, v19  }
0x152: {  	v19 =	vld @!p1 [tilespmem:s3+$0xFFFFFFD0];
	_ =	sdelay $0x2  }
0x153: {  	s14 =	sadd.s32 $0xFFFFFFF9, s26  }
0x154: {  	p2 =	slt.s32 s14, s25  }
0x155: {  	(v2sf) =	vpush @!p2 v18, $0x8;
	[tilespmem:s11+$0x10010] =	vst.add.f32.msk @!p1 $0xffff, v19  }
0x156: {  	v19 =	vld @!p1 [tilespmem:s3+$0xFFFFFFE0];
	_ =	sdelay $0x4  }
0x157: {  	[tilespmem:s11+$0x10020] =	vst.add.f32.msk @!p1 $0xffff, v19  }
0x158: {  	v19 =	vld @!p1 [tilespmem:s3+$0xFFFFFFF0];
	_ =	sdelay $0x4  }
0x159: {  	[tilespmem:s11+$0x10030] =	vst.add.f32.msk @!p1 $0xffff, v19;
	v19 =	vimm.f32 @!p1 $1.000000000e+00  }
0x15a: {  	[tilespmem:s11+$0x10040] =	vst.add.f32.msk @!p1 $0xffff, v19  }
0x15b: {  	v19 =	vld @!p2 [tilespmem:s3+$0x0]  }
0x15c: {  	s11 =	spop @!p2 (v2sf)  }
0x15d: {  	s11 =	smul.u32 @!p2 $0x140, s11;
	_ =	sdelay $0x1  }
0x15e: {  	s11 =	sshra.s32 @!p2 s11, $0x2  }
0x15f: {  	[tilespmem:s11+$0x10000] =	vst.add.f32.msk @!p2 $0xffff, v19  }
0x160: {  	v19 =	vld @!p2 [tilespmem:s3+$0x10];
	_ =	sdelay $0x2  }
0x161: {  	s14 =	sadd.s32 $0xFFFFFFFA, s26  }
0x162: {  	p1 =	slt.s32 s14, s25  }
0x163: {  	(v2sf) =	vpush @!p1 v18, $0x9;
	[tilespmem:s11+$0x10010] =	vst.add.f32.msk @!p2 $0xffff, v19  }
0x164: {  	v19 =	vld @!p2 [tilespmem:s3+$0x20];
	_ =	sdelay $0x4  }
0x165: {  	[tilespmem:s11+$0x10020] =	vst.add.f32.msk @!p2 $0xffff, v19  }
0x166: {  	v19 =	vld @!p2 [tilespmem:s3+$0x30];
	_ =	sdelay $0x4  }
0x167: {  	[tilespmem:s11+$0x10030] =	vst.add.f32.msk @!p2 $0xffff, v19;
	v19 =	vimm.f32 @!p2 $1.000000000e+00  }
0x168: {  	[tilespmem:s11+$0x10040] =	vst.add.f32.msk @!p2 $0xffff, v19  }
0x169: {  	v19 =	vld @!p1 [tilespmem:s3+$0x40]  }
0x16a: {  	s11 =	spop @!p1 (v2sf)  }
0x16b: {  	s11 =	smul.u32 @!p1 $0x140, s11;
	_ =	sdelay $0x1  }
0x16c: {  	s11 =	sshra.s32 @!p1 s11, $0x2  }
0x16d: {  	[tilespmem:s11+$0x10000] =	vst.add.f32.msk @!p1 $0xffff, v19  }
0x16e: {  	v19 =	vld @!p1 [tilespmem:s3+$0x50];
	_ =	sdelay $0x2  }
0x16f: {  	s14 =	sadd.s32 $0xFFFFFFFB, s26  }
0x170: {  	p2 =	slt.s32 s14, s25  }
0x171: {  	(v2sf) =	vpush @!p2 v18, $0xA;
	[tilespmem:s11+$0x10010] =	vst.add.f32.msk @!p1 $0xffff, v19  }
0x172: {  	v19 =	vld @!p1 [tilespmem:s3+$0x60];
	_ =	sdelay $0x4  }
0x173: {  	[tilespmem:s11+$0x10020] =	vst.add.f32.msk @!p1 $0xffff, v19  }
0x174: {  	v19 =	vld @!p1 [tilespmem:s3+$0x70];
	_ =	sdelay $0x4  }
0x175: {  	[tilespmem:s11+$0x10030] =	vst.add.f32.msk @!p1 $0xffff, v19;
	v19 =	vimm.f32 @!p1 $1.000000000e+00  }
0x176: {  	[tilespmem:s11+$0x10040] =	vst.add.f32.msk @!p1 $0xffff, v19  }
0x177: {  	v19 =	vld @!p2 [tilespmem:s3+$0x80]  }
0x178: {  	s11 =	spop @!p2 (v2sf)  }
0x179: {  	s11 =	smul.u32 @!p2 $0x140, s11;
	_ =	sdelay $0x1  }
0x17a: {  	s11 =	sshra.s32 @!p2 s11, $0x2  }
0x17b: {  	[tilespmem:s11+$0x10000] =	vst.add.f32.msk @!p2 $0xffff, v19  }
0x17c: {  	v19 =	vld @!p2 [tilespmem:s3+$0x90];
	_ =	sdelay $0x2  }
0x17d: {  	s14 =	sadd.s32 $0xFFFFFFFC, s26  }
0x17e: {  	p1 =	slt.s32 s14, s25  }
0x17f: {  	(v2sf) =	vpush @!p1 v18, $0xB;
	[tilespmem:s11+$0x10010] =	vst.add.f32.msk @!p2 $0xffff, v19  }
0x180: {  	v19 =	vld @!p2 [tilespmem:s3+$0xA0];
	_ =	sdelay $0x4  }
0x181: {  	[tilespmem:s11+$0x10020] =	vst.add.f32.msk @!p2 $0xffff, v19  }
0x182: {  	v19 =	vld @!p2 [tilespmem:s3+$0xB0];
	_ =	sdelay $0x4  }
0x183: {  	[tilespmem:s11+$0x10030] =	vst.add.f32.msk @!p2 $0xffff, v19;
	v19 =	vimm.f32 @!p2 $1.000000000e+00  }
0x184: {  	[tilespmem:s11+$0x10040] =	vst.add.f32.msk @!p2 $0xffff, v19  }
0x185: {  	v19 =	vld @!p1 [tilespmem:s3+$0xC0]  }
0x186: {  	s11 =	spop @!p1 (v2sf)  }
0x187: {  	s11 =	smul.u32 @!p1 $0x140, s11;
	_ =	sdelay $0x1  }
0x188: {  	s11 =	sshra.s32 @!p1 s11, $0x2  }
0x189: {  	[tilespmem:s11+$0x10000] =	vst.add.f32.msk @!p1 $0xffff, v19  }
0x18a: {  	v19 =	vld @!p1 [tilespmem:s3+$0xD0];
	_ =	sdelay $0x2  }
0x18b: {  	s14 =	sadd.s32 $0xFFFFFFFD, s26  }
0x18c: {  	p2 =	slt.s32 s14, s25  }
0x18d: {  	(v2sf) =	vpush @!p2 v18, $0xC;
	[tilespmem:s11+$0x10010] =	vst.add.f32.msk @!p1 $0xffff, v19  }
0x18e: {  	v19 =	vld @!p1 [tilespmem:s3+$0xE0];
	_ =	sdelay $0x4  }
0x18f: {  	[tilespmem:s11+$0x10020] =	vst.add.f32.msk @!p1 $0xffff, v19  }
0x190: {  	v19 =	vld @!p1 [tilespmem:s3+$0xF0];
	_ =	sdelay $0x4  }
0x191: {  	[tilespmem:s11+$0x10030] =	vst.add.f32.msk @!p1 $0xffff, v19;
	v19 =	vimm.f32 @!p1 $1.000000000e+00  }
0x192: {  	[tilespmem:s11+$0x10040] =	vst.add.f32.msk @!p1 $0xffff, v19  }
0x193: {  	v19 =	vld @!p2 [tilespmem:s3+$0x100]  }
0x194: {  	s11 =	spop @!p2 (v2sf)  }
0x195: {  	s11 =	smul.u32 @!p2 $0x140, s11;
	_ =	sdelay $0x1  }
0x196: {  	s11 =	sshra.s32 @!p2 s11, $0x2  }
0x197: {  	[tilespmem:s11+$0x10000] =	vst.add.f32.msk @!p2 $0xffff, v19  }
0x198: {  	v19 =	vld @!p2 [tilespmem:s3+$0x110];
	_ =	sdelay $0x2  }
0x199: {  	s14 =	sadd.s32 $0xFFFFFFFE, s26  }
0x19a: {  	p1 =	slt.s32 s14, s25  }
0x19b: {  	(v2sf) =	vpush @!p1 v18, $0xD;
	[tilespmem:s11+$0x10010] =	vst.add.f32.msk @!p2 $0xffff, v19  }
0x19c: {  	v19 =	vld @!p2 [tilespmem:s3+$0x120];
	_ =	sdelay $0x4  }
0x19d: {  	[tilespmem:s11+$0x10020] =	vst.add.f32.msk @!p2 $0xffff, v19  }
0x19e: {  	v19 =	vld @!p2 [tilespmem:s3+$0x130];
	_ =	sdelay $0x4  }
0x19f: {  	[tilespmem:s11+$0x10030] =	vst.add.f32.msk @!p2 $0xffff, v19;
	v19 =	vimm.f32 @!p2 $1.000000000e+00  }
0x1a0: {  	[tilespmem:s11+$0x10040] =	vst.add.f32.msk @!p2 $0xffff, v19  }
0x1a1: {  	v19 =	vld @!p1 [tilespmem:s3+$0x140]  }
0x1a2: {  	s11 =	spop @!p1 (v2sf)  }
0x1a3: {  	s11 =	smul.u32 @!p1 $0x140, s11;
	_ =	sdelay $0x1  }
0x1a4: {  	s11 =	sshra.s32 @!p1 s11, $0x2  }
0x1a5: {  	[tilespmem:s11+$0x10000] =	vst.add.f32.msk @!p1 $0xffff, v19  }
0x1a6: {  	v19 =	vld @!p1 [tilespmem:s3+$0x150];
	_ =	sdelay $0x2  }
0x1a7: {  	s14 =	sadd.s32 $0xFFFFFFFF, s26  }
0x1a8: {  	p2 =	slt.s32 s14, s25  }
0x1a9: {  	(v2sf) =	vpush @!p2 v18, $0xE;
	[tilespmem:s11+$0x10010] =	vst.add.f32.msk @!p1 $0xffff, v19  }
0x1aa: {  	v18 =	vld @!p1 [tilespmem:s3+$0x160];
	_ =	sdelay $0x4  }
0x1ab: {  	[tilespmem:s11+$0x10020] =	vst.add.f32.msk @!p1 $0xffff, v18  }
0x1ac: {  	v18 =	vld @!p1 [tilespmem:s3+$0x170];
	_ =	sdelay $0x4  }
0x1ad: {  	[tilespmem:s11+$0x10030] =	vst.add.f32.msk @!p1 $0xffff, v18;
	v18 =	vimm.f32 @!p1 $1.000000000e+00  }
0x1ae: {  	[tilespmem:s11+$0x10040] =	vst.add.f32.msk @!p1 $0xffff, v18  }
0x1af: {  	v18 =	vld @!p2 [tilespmem:s3+$0x180]  }
0x1b0: {  	s11 =	spop @!p2 (v2sf)  }
0x1b1: {  	s11 =	smul.u32 @!p2 $0x140, s11;
	_ =	sdelay $0x1  }
0x1b2: {  	s11 =	sshra.s32 @!p2 s11, $0x2  }
0x1b3: {  	[tilespmem:s11+$0x10000] =	vst.add.f32.msk @!p2 $0xffff, v18  }
0x1b4: {  	v18 =	vld @!p2 [tilespmem:s3+$0x190];
	_ =	sdelay $0x4  }
0x1b5: {  	[tilespmem:s11+$0x10010] =	vst.add.f32.msk @!p2 $0xffff, v18  }
0x1b6: {  	v18 =	vld @!p2 [tilespmem:s3+$0x1A0];
	_ =	sdelay $0x4  }
0x1b7: {  	[tilespmem:s11+$0x10020] =	vst.add.f32.msk @!p2 $0xffff, v18  }
0x1b8: {  	v18 =	vld @!p2 [tilespmem:s3+$0x1B0];
	_ =	sdelay $0x4  }
0x1b9: {  	[tilespmem:s11+$0x10030] =	vst.add.f32.msk @!p2 $0xffff, v18;
	v18 =	vimm.f32 @!p2 $1.000000000e+00  }
0x1ba: {  	p1 =	slt.s32 s26, s25;
	[tilespmem:s11+$0x10040] =	vst.add.f32.msk @!p2 $0xffff, v18  }
0x1bb: {  	v18 =	vld @!p1 [tilespmem:s3+$0x1C0];
	_ =	sdelay $0x1  }
0x1bc: {  	s10 =	smul.u32 @!p1 $0x140, s10;
	_ =	sdelay $0x1  }
0x1bd: {  	s10 =	sshra.s32 @!p1 s10, $0x2  }
0x1be: {  	[tilespmem:s10+$0x10000] =	vst.add.f32.msk @!p1 $0xffff, v18  }
0x1bf: {  	v18 =	vld @!p1 [tilespmem:s3+$0x1D0];
	_ =	sdelay $0x4  }
0x1c0: {  	[tilespmem:s10+$0x10010] =	vst.add.f32.msk @!p1 $0xffff, v18  }
0x1c1: {  	v18 =	vld @!p1 [tilespmem:s3+$0x1E0];
	_ =	sdelay $0x4  }
0x1c2: {  	[tilespmem:s10+$0x10020] =	vst.add.f32.msk @!p1 $0xffff, v18  }
0x1c3: {  	v18 =	vld @!p1 [tilespmem:s3+$0x1F0];
	_ =	sdelay $0x4  }
0x1c4: {  	[tilespmem:s10+$0x10030] =	vst.add.f32.msk @!p1 $0xffff, v18;
	v18 =	vimm.f32 @!p1 $1.000000000e+00  }
0x1c5: {  	[tilespmem:s10+$0x10040] =	vst.add.f32.msk @!p1 $0xffff, v18  }
.LBB2_8:
0x1c6: {  	s26 =	sadd.s32 $0x10, s26  }
0x1c7: {  	p1 =	sne.s32 s26, $0x20F  }
.Ltmp6:
0x1c8: {  	_ = 	snop;
	(pc) =	sbr.rel @!p1 .LBB2_9-.Ltmp6, $2  }
0x1c9: {  	_ =	sdelay $0x2  }
0x1ca: {  	s28 =	sadd.s32 $0x10, s28;
	s3 =	sadd.s32 $0x400, s3  }
.LBB2_5:
0x1cb: {  	v18 =	vld [tilespmem:s28+$0x0];
	_ =	sdelay $0x4  }
0x1cc: {  	(v2sf) =	vpush v18, $0x0  }
0x1cd: {  	(v2sf) =	vpush v18, $0xF;
	_ =	sdelay $0xd  }
0x1ce: {  	s14 =	sadd.s32 $0xFFFFFFF1, s26;
	s11 =	spop (v2sf)  }
0x1cf: {  	p2 =	slt.s32 s14, s25;
	s10 =	spop (v2sf)  }
0x1d0: {  	p1 =	sne.s32 @!p2 s11, s10  }
0x1d1: {  	p1 =	por p2, p1  }
.Ltmp7:
0x1d2: {  	_ = 	snop;
	(pc) =	sbr.rel @p1 .LBB2_7-.Ltmp7, $1  }
0x1d3: {  	_ =	sdelay $0x3  }
0x1d4: {  	v18 =	vld [tilespmem:s3+$0xFFFFFE00]  }
0x1d5: {  	v19 =	vld [tilespmem:s3+$0xFFFFFE10]  }
0x1d6: {  	v20 =	vld [tilespmem:s3+$0xFFFFFE20]  }
0x1d7: {  	v21 =	vld [tilespmem:s3+$0xFFFFFE30]  }
0x1d8: {  	v22 =	vld [tilespmem:s3+$0xFFFFFE40]  }
0x1d9: {  	v23 =	vld [tilespmem:s3+$0xFFFFFE50]  }
0x1da: {  	v24 =	vld [tilespmem:s3+$0xFFFFFE60]  }
0x1db: {  	v25 =	vld [tilespmem:s3+$0xFFFFFE70]  }
0x1dc: {  	v26 =	vld [tilespmem:s3+$0xFFFFFE80]  }
0x1dd: {  	v27 =	vld [tilespmem:s3+$0xFFFFFE90]  }
0x1de: {  	v28 =	vld [tilespmem:s3+$0xFFFFFEA0]  }
0x1df: {  	v29 =	vld [tilespmem:s3+$0xFFFFFEB0]  }
0x1e0: {  	v30 =	vld [tilespmem:s3+$0xFFFFFEC0]  }
0x1e1: {  	v31 =	vld [tilespmem:s3+$0xFFFFFED0]  }
0x1e2: {  	v32 =	vld [tilespmem:s3+$0xFFFFFEE0]  }
0x1e3: {  	v33 =	vld [tilespmem:s3+$0xFFFFFEF0]  }
0x1e4: {  	v34 =	vld [tilespmem:s3+$0xFFFFFF00]  }
0x1e5: {  	v35 =	vld [tilespmem:s3+$0xFFFFFF10]  }
0x1e6: {  	v36 =	vld [tilespmem:s3+$0xFFFFFF20]  }
0x1e7: {  	v37 =	vld [tilespmem:s3+$0xFFFFFF30]  }
0x1e8: {  	v38 =	vld [tilespmem:s3+$0xFFFFFF40]  }
0x1e9: {  	v39 =	vld [tilespmem:s3+$0xFFFFFF50]  }
0x1ea: {  	v40 =	vld [tilespmem:s3+$0xFFFFFF60]  }
0x1eb: {  	v41 =	vld [tilespmem:s3+$0xFFFFFF70]  }
0x1ec: {  	v42 =	vld [tilespmem:s3+$0xFFFFFF80]  }
0x1ed: {  	v43 =	vld [tilespmem:s3+$0xFFFFFF90]  }
0x1ee: {  	v44 =	vld [tilespmem:s3+$0xFFFFFFA0]  }
0x1ef: {  	v45 =	vld [tilespmem:s3+$0xFFFFFFB0]  }
0x1f0: {  	v46 =	vld [tilespmem:s3+$0xFFFFFFC0]  }
0x1f1: {  	v47 =	vld [tilespmem:s3+$0xFFFFFFD0]  }
0x1f2: {  	v48 =	vld [tilespmem:s3+$0xFFFFFFE0]  }
0x1f3: {  	v49 =	vld [tilespmem:s3+$0xFFFFFFF0]  }
0x1f4: {  	v50 =	vld [tilespmem:s3+$0x0]  }
0x1f5: {  	v51 =	vld [tilespmem:s3+$0x10]  }
0x1f6: {  	v52 =	vld [tilespmem:s3+$0x20]  }
0x1f7: {  	v53 =	vld [tilespmem:s3+$0x30];
	v18 =	vadd.f32 $0.0e+00, v18  }
0x1f8: {  	v54 =	vld [tilespmem:s3+$0x40];
	v19 =	vadd.f32 $0.0e+00, v19  }
0x1f9: {  	v55 =	vld [tilespmem:s3+$0x60];
	v20 =	vadd.f32 $0.0e+00, v20;
	v18 =	vadd.f32 v22, v18  }
0x1fa: {  	v56 =	vld [tilespmem:s3+$0x70];
	v21 =	vadd.f32 $0.0e+00, v21;
	v19 =	vadd.f32 v23, v19  }
0x1fb: {  	v57 =	vld [tilespmem:s3+$0x80];
	v20 =	vadd.f32 v24, v20;
	v18 =	vadd.f32 v26, v18  }
0x1fc: {  	v58 =	vld [tilespmem:s3+$0x90];
	v21 =	vadd.f32 v25, v21;
	v19 =	vadd.f32 v27, v19  }
0x1fd: {  	v59 =	vld [tilespmem:s3+$0xA0];
	v20 =	vadd.f32 v28, v20;
	v18 =	vadd.f32 v30, v18  }
0x1fe: {  	v60 =	vld [tilespmem:s3+$0xB0];
	v21 =	vadd.f32 v29, v21;
	v19 =	vadd.f32 v31, v19  }
0x1ff: {  	v61 =	vld [tilespmem:s3+$0xC0];
	v20 =	vadd.f32 v32, v20;
	v18 =	vadd.f32 v34, v18  }
0x200: {  	v62 =	vld [tilespmem:s3+$0xD0];
	v21 =	vadd.f32 v33, v21;
	v19 =	vadd.f32 v35, v19  }
0x201: {  	v63 =	vld [tilespmem:s3+$0xE0];
	v20 =	vadd.f32 v36, v20;
	v18 =	vadd.f32 v38, v18  }
0x202: {  	v22 =	vld [tilespmem:s3+$0x50];
	v21 =	vadd.f32 v37, v21;
	v19 =	vadd.f32 v39, v19  }
0x203: {  	v20 =	vadd.f32 v40, v20;
	v18 =	vadd.f32 v42, v18;
	v42 =	vld [tilespmem:s3+$0xF0]  }
0x204: {  	v21 =	vadd.f32 v41, v21;
	v19 =	vadd.f32 v43, v19;
	v43 =	vld [tilespmem:s3+$0x100]  }
0x205: {  	v20 =	vadd.f32 v44, v20;
	v18 =	vadd.f32 v46, v18;
	v46 =	vld [tilespmem:s3+$0x110]  }
0x206: {  	v21 =	vadd.f32 v45, v21;
	v19 =	vadd.f32 v47, v19;
	v47 =	vld [tilespmem:s3+$0x120]  }
0x207: {  	v20 =	vadd.f32 v48, v20;
	v18 =	vadd.f32 v50, v18;
	v50 =	vld [tilespmem:s3+$0x130]  }
0x208: {  	v21 =	vadd.f32 v49, v21;
	v19 =	vadd.f32 v51, v19;
	v51 =	vld [tilespmem:s3+$0x140]  }
0x209: {  	v20 =	vadd.f32 v52, v20;
	v52 =	vld [tilespmem:s3+$0x150];
	v18 =	vadd.f32 v54, v18  }
0x20a: {  	v21 =	vadd.f32 v53, v21;
	v19 =	vadd.f32 v22, v19;
	v54 =	vld [tilespmem:s3+$0x160]  }
0x20b: {  	v20 =	vadd.f32 v55, v20;
	v55 =	vld [tilespmem:s3+$0x170];
	v18 =	vadd.f32 v57, v18  }
0x20c: {  	v21 =	vadd.f32 v56, v21;
	v56 =	vld [tilespmem:s3+$0x180];
	v19 =	vadd.f32 v58, v19  }
0x20d: {  	v20 =	vadd.f32 v59, v20;
	v57 =	vld [tilespmem:s3+$0x190];
	v18 =	vadd.f32 v61, v18  }
0x20e: {  	v21 =	vadd.f32 v60, v21;
	v58 =	vld [tilespmem:s3+$0x1A0];
	v19 =	vadd.f32 v62, v19  }
0x20f: {  	v59 =	vld [tilespmem:s3+$0x1B0];
	v20 =	vadd.f32 v63, v20;
	v18 =	vadd.f32 v43, v18  }
0x210: {  	v60 =	vld [tilespmem:s3+$0x1C0];
	v21 =	vadd.f32 v42, v21;
	v19 =	vadd.f32 v46, v19  }
0x211: {  	v61 =	vld [tilespmem:s3+$0x1D0];
	v20 =	vadd.f32 v47, v20;
	v18 =	vadd.f32 v51, v18  }
0x212: {  	v62 =	vld [tilespmem:s3+$0x1E0];
	v21 =	vadd.f32 v50, v21;
	v19 =	vadd.f32 v52, v19  }
0x213: {  	s10 =	smul.u32 $0x140, s11;
	v63 =	vld [tilespmem:s3+$0x1F0];
	v20 =	vadd.f32 v54, v20;
	v18 =	vadd.f32 v56, v18  }
0x214: {  	v21 =	vadd.f32 v55, v21;
	v19 =	vadd.f32 v57, v19  }
0x215: {  	s10 =	sshra.s32 s10, $0x2;
	v20 =	vadd.f32 v58, v20;
	v18 =	vadd.f32 v60, v18  }
.Ltmp8:
0x216: {  	[tilespmem:s10+$0x10040] =	vst.add.f32.msk $0xffff, v17;
	v21 =	vadd.f32 v59, v21;
	v19 =	vadd.f32 v61, v19;
	(pc) =	sbr.rel .LBB2_8-.Ltmp8, $4  }
0x217: {  	v20 =	vadd.f32 v62, v20;
	[tilespmem:s10+$0x10000] =	vst.add.f32.msk $0xffff, v18  }
0x218: {  	v18 =	vadd.f32 v63, v21;
	[tilespmem:s10+$0x10010] =	vst.add.f32.msk $0xffff, v19  }
0x219: {  	[tilespmem:s10+$0x10020] =	vst.add.f32.msk $0xffff, v20  }
0x21a: {  	[tilespmem:s10+$0x10030] =	vst.add.f32.msk $0xffff, v18  }
.LBB2_9:
0x21b: {  	_ =	swait.ge [sflag:s24], $0x8000;
	s3 =	sadd.s32 s16, s12  }
0x21c: {  	[sflag:s24] =	ssyncset.done $0x0;
	s3 =	smin.u32 s3, s9  }
0x21d: {  	[sflag:s24] =	ssyncadd.s32 $0xFFFF8000;
	s10 =	sshll.u32 s3, $0x7  }
0x21e: {  	_ =	swait.ge [sflag:s24], $0x200;
	s10 =	sor.u32 s7, s10  }
0x21f: {  	s3 =	sshrl.u32 s3, $0x3;
	[sflag:s24] =	ssyncset.done $0x0;
	s10 =	sshrl.u32 s10, $0x3  }
.Ltmp9:
0x220: {  	[sflag:s24] =	ssyncadd.s32 $0xFFFFFE00;
	s10 =	sadd.s32 s1, s10;
	(pc) =	sbr.rel .LBB2_10-.Ltmp9, $4  }
0x221: {  	[tilespmem:s4], [sflag:$0x1] =	stream.strided.gather [hbm4b:s10+s18], $0x8000, s19, s18, $0x38;
	[tilespmem:$0x16500] =	vst v63  }
0x222: {  	s0 =	ssub.s32 s0, s5;
	s3 =	sadd.s32 s2, s3  }
0x223: {  	[tilespmem:s20], [sflag:$0x1] =	stream.linear.gather [hbm4b:s3+s4], $0x200, $0x38;
	[tilespmem:$0x16500] =	vst v63  }
0x224: {  	s5 =	simm.s32 $0xF;
	s16 =	simm.s32 $0x16300;
	s3 =	simm.s32 $0x8200  }
.LBB2_12:
0x225: {  	v19 =	vld @!p2 [tilespmem:s3+$0xFFFFFE00];
	_ =	sdelay $0x1  }
0x226: {  	s11 =	smul.u32 @!p2 $0x140, s11;
	_ =	sdelay $0x1  }
0x227: {  	s11 =	sshra.s32 @!p2 s11, $0x2  }
0x228: {  	[tilespmem:s11+$0x10000] =	vst.add.f32.msk @!p2 $0xffff, v19  }
0x229: {  	v19 =	vld @!p2 [tilespmem:s3+$0xFFFFFE10];
	_ =	sdelay $0x2  }
0x22a: {  	s14 =	sadd.s32 $0xFFFFFFF2, s5  }
0x22b: {  	p1 =	slt.s32 s14, s0  }
0x22c: {  	(v2sf) =	vpush @!p1 v18, $0x1;
	[tilespmem:s11+$0x10010] =	vst.add.f32.msk @!p2 $0xffff, v19  }
0x22d: {  	v19 =	vld @!p2 [tilespmem:s3+$0xFFFFFE20];
	_ =	sdelay $0x4  }
0x22e: {  	[tilespmem:s11+$0x10020] =	vst.add.f32.msk @!p2 $0xffff, v19  }
0x22f: {  	v19 =	vld @!p2 [tilespmem:s3+$0xFFFFFE30];
	_ =	sdelay $0x4  }
0x230: {  	[tilespmem:s11+$0x10030] =	vst.add.f32.msk @!p2 $0xffff, v19;
	v19 =	vimm.f32 @!p2 $1.000000000e+00  }
0x231: {  	[tilespmem:s11+$0x10040] =	vst.add.f32.msk @!p2 $0xffff, v19  }
0x232: {  	v19 =	vld @!p1 [tilespmem:s3+$0xFFFFFE40]  }
0x233: {  	s11 =	spop @!p1 (v2sf)  }
0x234: {  	s11 =	smul.u32 @!p1 $0x140, s11;
	_ =	sdelay $0x1  }
0x235: {  	s11 =	sshra.s32 @!p1 s11, $0x2  }
0x236: {  	[tilespmem:s11+$0x10000] =	vst.add.f32.msk @!p1 $0xffff, v19  }
0x237: {  	v19 =	vld @!p1 [tilespmem:s3+$0xFFFFFE50];
	_ =	sdelay $0x2  }
0x238: {  	s28 =	sadd.s32 $0xFFFFFFF3, s5  }
0x239: {  	p2 =	slt.s32 s28, s0  }
0x23a: {  	(v2sf) =	vpush @!p2 v18, $0x2;
	[tilespmem:s11+$0x10010] =	vst.add.f32.msk @!p1 $0xffff, v19  }
0x23b: {  	v19 =	vld @!p1 [tilespmem:s3+$0xFFFFFE60];
	_ =	sdelay $0x4  }
0x23c: {  	[tilespmem:s11+$0x10020] =	vst.add.f32.msk @!p1 $0xffff, v19  }
0x23d: {  	v19 =	vld @!p1 [tilespmem:s3+$0xFFFFFE70];
	_ =	sdelay $0x4  }
0x23e: {  	[tilespmem:s11+$0x10030] =	vst.add.f32.msk @!p1 $0xffff, v19;
	v19 =	vimm.f32 @!p1 $1.000000000e+00  }
0x23f: {  	[tilespmem:s11+$0x10040] =	vst.add.f32.msk @!p1 $0xffff, v19  }
0x240: {  	v19 =	vld @!p2 [tilespmem:s3+$0xFFFFFE80]  }
0x241: {  	s11 =	spop @!p2 (v2sf)  }
0x242: {  	s11 =	smul.u32 @!p2 $0x140, s11;
	_ =	sdelay $0x1  }
0x243: {  	s11 =	sshra.s32 @!p2 s11, $0x2  }
0x244: {  	[tilespmem:s11+$0x10000] =	vst.add.f32.msk @!p2 $0xffff, v19  }
0x245: {  	v19 =	vld @!p2 [tilespmem:s3+$0xFFFFFE90];
	_ =	sdelay $0x2  }
0x246: {  	s25 =	sadd.s32 $0xFFFFFFF4, s5  }
0x247: {  	p1 =	slt.s32 s25, s0  }
0x248: {  	(v2sf) =	vpush @!p1 v18, $0x3;
	[tilespmem:s11+$0x10010] =	vst.add.f32.msk @!p2 $0xffff, v19  }
0x249: {  	v19 =	vld @!p2 [tilespmem:s3+$0xFFFFFEA0];
	_ =	sdelay $0x4  }
0x24a: {  	[tilespmem:s11+$0x10020] =	vst.add.f32.msk @!p2 $0xffff, v19  }
0x24b: {  	v19 =	vld @!p2 [tilespmem:s3+$0xFFFFFEB0];
	_ =	sdelay $0x4  }
0x24c: {  	[tilespmem:s11+$0x10030] =	vst.add.f32.msk @!p2 $0xffff, v19;
	v19 =	vimm.f32 @!p2 $1.000000000e+00  }
0x24d: {  	[tilespmem:s11+$0x10040] =	vst.add.f32.msk @!p2 $0xffff, v19  }
0x24e: {  	v19 =	vld @!p1 [tilespmem:s3+$0xFFFFFEC0]  }
0x24f: {  	s11 =	spop @!p1 (v2sf)  }
0x250: {  	s11 =	smul.u32 @!p1 $0x140, s11;
	_ =	sdelay $0x1  }
0x251: {  	s11 =	sshra.s32 @!p1 s11, $0x2  }
0x252: {  	[tilespmem:s11+$0x10000] =	vst.add.f32.msk @!p1 $0xffff, v19  }
0x253: {  	v19 =	vld @!p1 [tilespmem:s3+$0xFFFFFED0];
	_ =	sdelay $0x2  }
0x254: {  	s26 =	sadd.s32 $0xFFFFFFF5, s5  }
0x255: {  	p2 =	slt.s32 s26, s0  }
0x256: {  	(v2sf) =	vpush @!p2 v18, $0x4;
	[tilespmem:s11+$0x10010] =	vst.add.f32.msk @!p1 $0xffff, v19  }
0x257: {  	v19 =	vld @!p1 [tilespmem:s3+$0xFFFFFEE0];
	_ =	sdelay $0x4  }
0x258: {  	[tilespmem:s11+$0x10020] =	vst.add.f32.msk @!p1 $0xffff, v19  }
0x259: {  	v19 =	vld @!p1 [tilespmem:s3+$0xFFFFFEF0];
	_ =	sdelay $0x4  }
0x25a: {  	[tilespmem:s11+$0x10030] =	vst.add.f32.msk @!p1 $0xffff, v19;
	v19 =	vimm.f32 @!p1 $1.000000000e+00  }
0x25b: {  	[tilespmem:s11+$0x10040] =	vst.add.f32.msk @!p1 $0xffff, v19  }
0x25c: {  	v19 =	vld @!p2 [tilespmem:s3+$0xFFFFFF00]  }
0x25d: {  	s11 =	spop @!p2 (v2sf)  }
0x25e: {  	s11 =	smul.u32 @!p2 $0x140, s11;
	_ =	sdelay $0x1  }
0x25f: {  	s11 =	sshra.s32 @!p2 s11, $0x2  }
0x260: {  	[tilespmem:s11+$0x10000] =	vst.add.f32.msk @!p2 $0xffff, v19  }
0x261: {  	v19 =	vld @!p2 [tilespmem:s3+$0xFFFFFF10];
	_ =	sdelay $0x2  }
0x262: {  	s28 =	sadd.s32 $0xFFFFFFF6, s5  }
0x263: {  	p1 =	slt.s32 s28, s0  }
0x264: {  	(v2sf) =	vpush @!p1 v18, $0x5;
	[tilespmem:s11+$0x10010] =	vst.add.f32.msk @!p2 $0xffff, v19  }
0x265: {  	v19 =	vld @!p2 [tilespmem:s3+$0xFFFFFF20];
	_ =	sdelay $0x4  }
0x266: {  	[tilespmem:s11+$0x10020] =	vst.add.f32.msk @!p2 $0xffff, v19  }
0x267: {  	v19 =	vld @!p2 [tilespmem:s3+$0xFFFFFF30];
	_ =	sdelay $0x4  }
0x268: {  	[tilespmem:s11+$0x10030] =	vst.add.f32.msk @!p2 $0xffff, v19;
	v19 =	vimm.f32 @!p2 $1.000000000e+00  }
0x269: {  	[tilespmem:s11+$0x10040] =	vst.add.f32.msk @!p2 $0xffff, v19  }
0x26a: {  	v19 =	vld @!p1 [tilespmem:s3+$0xFFFFFF40]  }
0x26b: {  	s11 =	spop @!p1 (v2sf)  }
0x26c: {  	s11 =	smul.u32 @!p1 $0x140, s11;
	_ =	sdelay $0x1  }
0x26d: {  	s11 =	sshra.s32 @!p1 s11, $0x2  }
0x26e: {  	[tilespmem:s11+$0x10000] =	vst.add.f32.msk @!p1 $0xffff, v19  }
0x26f: {  	v19 =	vld @!p1 [tilespmem:s3+$0xFFFFFF50];
	_ =	sdelay $0x2  }
0x270: {  	s25 =	sadd.s32 $0xFFFFFFF7, s5  }
0x271: {  	p2 =	slt.s32 s25, s0  }
0x272: {  	(v2sf) =	vpush @!p2 v18, $0x6;
	[tilespmem:s11+$0x10010] =	vst.add.f32.msk @!p1 $0xffff, v19  }
0x273: {  	v19 =	vld @!p1 [tilespmem:s3+$0xFFFFFF60];
	_ =	sdelay $0x4  }
0x274: {  	[tilespmem:s11+$0x10020] =	vst.add.f32.msk @!p1 $0xffff, v19  }
0x275: {  	v19 =	vld @!p1 [tilespmem:s3+$0xFFFFFF70];
	_ =	sdelay $0x4  }
0x276: {  	[tilespmem:s11+$0x10030] =	vst.add.f32.msk @!p1 $0xffff, v19;
	v19 =	vimm.f32 @!p1 $1.000000000e+00  }
0x277: {  	[tilespmem:s11+$0x10040] =	vst.add.f32.msk @!p1 $0xffff, v19  }
0x278: {  	v19 =	vld @!p2 [tilespmem:s3+$0xFFFFFF80]  }
0x279: {  	s11 =	spop @!p2 (v2sf)  }
0x27a: {  	s11 =	smul.u32 @!p2 $0x140, s11;
	_ =	sdelay $0x1  }
0x27b: {  	s11 =	sshra.s32 @!p2 s11, $0x2  }
0x27c: {  	[tilespmem:s11+$0x10000] =	vst.add.f32.msk @!p2 $0xffff, v19  }
0x27d: {  	v19 =	vld @!p2 [tilespmem:s3+$0xFFFFFF90];
	_ =	sdelay $0x2  }
0x27e: {  	s26 =	sadd.s32 $0xFFFFFFF8, s5  }
0x27f: {  	p1 =	slt.s32 s26, s0  }
0x280: {  	(v2sf) =	vpush @!p1 v18, $0x7;
	[tilespmem:s11+$0x10010] =	vst.add.f32.msk @!p2 $0xffff, v19  }
0x281: {  	v19 =	vld @!p2 [tilespmem:s3+$0xFFFFFFA0];
	_ =	sdelay $0x4  }
0x282: {  	[tilespmem:s11+$0x10020] =	vst.add.f32.msk @!p2 $0xffff, v19  }
0x283: {  	v19 =	vld @!p2 [tilespmem:s3+$0xFFFFFFB0];
	_ =	sdelay $0x4  }
0x284: {  	[tilespmem:s11+$0x10030] =	vst.add.f32.msk @!p2 $0xffff, v19;
	v19 =	vimm.f32 @!p2 $1.000000000e+00  }
0x285: {  	[tilespmem:s11+$0x10040] =	vst.add.f32.msk @!p2 $0xffff, v19  }
0x286: {  	v19 =	vld @!p1 [tilespmem:s3+$0xFFFFFFC0]  }
0x287: {  	s11 =	spop @!p1 (v2sf)  }
0x288: {  	s11 =	smul.u32 @!p1 $0x140, s11;
	_ =	sdelay $0x1  }
0x289: {  	s11 =	sshra.s32 @!p1 s11, $0x2  }
0x28a: {  	[tilespmem:s11+$0x10000] =	vst.add.f32.msk @!p1 $0xffff, v19  }
0x28b: {  	v19 =	vld @!p1 [tilespmem:s3+$0xFFFFFFD0];
	_ =	sdelay $0x2  }
0x28c: {  	s28 =	sadd.s32 $0xFFFFFFF9, s5  }
0x28d: {  	p2 =	slt.s32 s28, s0  }
0x28e: {  	(v2sf) =	vpush @!p2 v18, $0x8;
	[tilespmem:s11+$0x10010] =	vst.add.f32.msk @!p1 $0xffff, v19  }
0x28f: {  	v19 =	vld @!p1 [tilespmem:s3+$0xFFFFFFE0];
	_ =	sdelay $0x4  }
0x290: {  	[tilespmem:s11+$0x10020] =	vst.add.f32.msk @!p1 $0xffff, v19  }
0x291: {  	v19 =	vld @!p1 [tilespmem:s3+$0xFFFFFFF0];
	_ =	sdelay $0x4  }
0x292: {  	[tilespmem:s11+$0x10030] =	vst.add.f32.msk @!p1 $0xffff, v19;
	v19 =	vimm.f32 @!p1 $1.000000000e+00  }
0x293: {  	[tilespmem:s11+$0x10040] =	vst.add.f32.msk @!p1 $0xffff, v19  }
0x294: {  	v19 =	vld @!p2 [tilespmem:s3+$0x0]  }
0x295: {  	s11 =	spop @!p2 (v2sf)  }
0x296: {  	s11 =	smul.u32 @!p2 $0x140, s11;
	_ =	sdelay $0x1  }
0x297: {  	s11 =	sshra.s32 @!p2 s11, $0x2  }
0x298: {  	[tilespmem:s11+$0x10000] =	vst.add.f32.msk @!p2 $0xffff, v19  }
0x299: {  	v19 =	vld @!p2 [tilespmem:s3+$0x10];
	_ =	sdelay $0x2  }
0x29a: {  	s25 =	sadd.s32 $0xFFFFFFFA, s5  }
0x29b: {  	p1 =	slt.s32 s25, s0  }
0x29c: {  	(v2sf) =	vpush @!p1 v18, $0x9;
	[tilespmem:s11+$0x10010] =	vst.add.f32.msk @!p2 $0xffff, v19  }
0x29d: {  	v19 =	vld @!p2 [tilespmem:s3+$0x20];
	_ =	sdelay $0x4  }
0x29e: {  	[tilespmem:s11+$0x10020] =	vst.add.f32.msk @!p2 $0xffff, v19  }
0x29f: {  	v19 =	vld @!p2 [tilespmem:s3+$0x30];
	_ =	sdelay $0x4  }
0x2a0: {  	[tilespmem:s11+$0x10030] =	vst.add.f32.msk @!p2 $0xffff, v19;
	v19 =	vimm.f32 @!p2 $1.000000000e+00  }
0x2a1: {  	[tilespmem:s11+$0x10040] =	vst.add.f32.msk @!p2 $0xffff, v19  }
0x2a2: {  	v19 =	vld @!p1 [tilespmem:s3+$0x40]  }
0x2a3: {  	s11 =	spop @!p1 (v2sf)  }
0x2a4: {  	s11 =	smul.u32 @!p1 $0x140, s11;
	_ =	sdelay $0x1  }
0x2a5: {  	s11 =	sshra.s32 @!p1 s11, $0x2  }
0x2a6: {  	[tilespmem:s11+$0x10000] =	vst.add.f32.msk @!p1 $0xffff, v19  }
0x2a7: {  	v19 =	vld @!p1 [tilespmem:s3+$0x50];
	_ =	sdelay $0x2  }
0x2a8: {  	s26 =	sadd.s32 $0xFFFFFFFB, s5  }
0x2a9: {  	p2 =	slt.s32 s26, s0  }
0x2aa: {  	(v2sf) =	vpush @!p2 v18, $0xA;
	[tilespmem:s11+$0x10010] =	vst.add.f32.msk @!p1 $0xffff, v19  }
0x2ab: {  	v19 =	vld @!p1 [tilespmem:s3+$0x60];
	_ =	sdelay $0x4  }
0x2ac: {  	[tilespmem:s11+$0x10020] =	vst.add.f32.msk @!p1 $0xffff, v19  }
0x2ad: {  	v19 =	vld @!p1 [tilespmem:s3+$0x70];
	_ =	sdelay $0x4  }
0x2ae: {  	[tilespmem:s11+$0x10030] =	vst.add.f32.msk @!p1 $0xffff, v19;
	v19 =	vimm.f32 @!p1 $1.000000000e+00  }
0x2af: {  	[tilespmem:s11+$0x10040] =	vst.add.f32.msk @!p1 $0xffff, v19  }
0x2b0: {  	v19 =	vld @!p2 [tilespmem:s3+$0x80]  }
0x2b1: {  	s11 =	spop @!p2 (v2sf)  }
0x2b2: {  	s11 =	smul.u32 @!p2 $0x140, s11;
	_ =	sdelay $0x1  }
0x2b3: {  	s11 =	sshra.s32 @!p2 s11, $0x2  }
0x2b4: {  	[tilespmem:s11+$0x10000] =	vst.add.f32.msk @!p2 $0xffff, v19  }
0x2b5: {  	v19 =	vld @!p2 [tilespmem:s3+$0x90];
	_ =	sdelay $0x2  }
0x2b6: {  	s28 =	sadd.s32 $0xFFFFFFFC, s5  }
0x2b7: {  	p1 =	slt.s32 s28, s0  }
0x2b8: {  	(v2sf) =	vpush @!p1 v18, $0xB;
	[tilespmem:s11+$0x10010] =	vst.add.f32.msk @!p2 $0xffff, v19  }
0x2b9: {  	v19 =	vld @!p2 [tilespmem:s3+$0xA0];
	_ =	sdelay $0x4  }
0x2ba: {  	[tilespmem:s11+$0x10020] =	vst.add.f32.msk @!p2 $0xffff, v19  }
0x2bb: {  	v19 =	vld @!p2 [tilespmem:s3+$0xB0];
	_ =	sdelay $0x4  }
0x2bc: {  	[tilespmem:s11+$0x10030] =	vst.add.f32.msk @!p2 $0xffff, v19;
	v19 =	vimm.f32 @!p2 $1.000000000e+00  }
0x2bd: {  	[tilespmem:s11+$0x10040] =	vst.add.f32.msk @!p2 $0xffff, v19  }
0x2be: {  	v19 =	vld @!p1 [tilespmem:s3+$0xC0]  }
0x2bf: {  	s11 =	spop @!p1 (v2sf)  }
0x2c0: {  	s11 =	smul.u32 @!p1 $0x140, s11;
	_ =	sdelay $0x1  }
0x2c1: {  	s11 =	sshra.s32 @!p1 s11, $0x2  }
0x2c2: {  	[tilespmem:s11+$0x10000] =	vst.add.f32.msk @!p1 $0xffff, v19  }
0x2c3: {  	v19 =	vld @!p1 [tilespmem:s3+$0xD0];
	_ =	sdelay $0x2  }
0x2c4: {  	s25 =	sadd.s32 $0xFFFFFFFD, s5  }
0x2c5: {  	p2 =	slt.s32 s25, s0  }
0x2c6: {  	(v2sf) =	vpush @!p2 v18, $0xC;
	[tilespmem:s11+$0x10010] =	vst.add.f32.msk @!p1 $0xffff, v19  }
0x2c7: {  	v19 =	vld @!p1 [tilespmem:s3+$0xE0];
	_ =	sdelay $0x4  }
0x2c8: {  	[tilespmem:s11+$0x10020] =	vst.add.f32.msk @!p1 $0xffff, v19  }
0x2c9: {  	v19 =	vld @!p1 [tilespmem:s3+$0xF0];
	_ =	sdelay $0x4  }
0x2ca: {  	[tilespmem:s11+$0x10030] =	vst.add.f32.msk @!p1 $0xffff, v19;
	v19 =	vimm.f32 @!p1 $1.000000000e+00  }
0x2cb: {  	[tilespmem:s11+$0x10040] =	vst.add.f32.msk @!p1 $0xffff, v19  }
0x2cc: {  	v19 =	vld @!p2 [tilespmem:s3+$0x100]  }
0x2cd: {  	s11 =	spop @!p2 (v2sf)  }
0x2ce: {  	s11 =	smul.u32 @!p2 $0x140, s11;
	_ =	sdelay $0x1  }
0x2cf: {  	s11 =	sshra.s32 @!p2 s11, $0x2  }
0x2d0: {  	[tilespmem:s11+$0x10000] =	vst.add.f32.msk @!p2 $0xffff, v19  }
0x2d1: {  	v19 =	vld @!p2 [tilespmem:s3+$0x110];
	_ =	sdelay $0x2  }
0x2d2: {  	s26 =	sadd.s32 $0xFFFFFFFE, s5  }
0x2d3: {  	p1 =	slt.s32 s26, s0  }
0x2d4: {  	(v2sf) =	vpush @!p1 v18, $0xD;
	[tilespmem:s11+$0x10010] =	vst.add.f32.msk @!p2 $0xffff, v19  }
0x2d5: {  	v19 =	vld @!p2 [tilespmem:s3+$0x120];
	_ =	sdelay $0x4  }
0x2d6: {  	[tilespmem:s11+$0x10020] =	vst.add.f32.msk @!p2 $0xffff, v19  }
0x2d7: {  	v19 =	vld @!p2 [tilespmem:s3+$0x130];
	_ =	sdelay $0x4  }
0x2d8: {  	[tilespmem:s11+$0x10030] =	vst.add.f32.msk @!p2 $0xffff, v19;
	v19 =	vimm.f32 @!p2 $1.000000000e+00  }
0x2d9: {  	[tilespmem:s11+$0x10040] =	vst.add.f32.msk @!p2 $0xffff, v19  }
0x2da: {  	v19 =	vld @!p1 [tilespmem:s3+$0x140]  }
0x2db: {  	s11 =	spop @!p1 (v2sf)  }
0x2dc: {  	s11 =	smul.u32 @!p1 $0x140, s11;
	_ =	sdelay $0x1  }
0x2dd: {  	s11 =	sshra.s32 @!p1 s11, $0x2  }
0x2de: {  	[tilespmem:s11+$0x10000] =	vst.add.f32.msk @!p1 $0xffff, v19  }
0x2df: {  	v19 =	vld @!p1 [tilespmem:s3+$0x150];
	_ =	sdelay $0x2  }
0x2e0: {  	s28 =	sadd.s32 $0xFFFFFFFF, s5  }
0x2e1: {  	p2 =	slt.s32 s28, s0  }
0x2e2: {  	(v2sf) =	vpush @!p2 v18, $0xE;
	[tilespmem:s11+$0x10010] =	vst.add.f32.msk @!p1 $0xffff, v19  }
0x2e3: {  	v18 =	vld @!p1 [tilespmem:s3+$0x160];
	_ =	sdelay $0x4  }
0x2e4: {  	[tilespmem:s11+$0x10020] =	vst.add.f32.msk @!p1 $0xffff, v18  }
0x2e5: {  	v18 =	vld @!p1 [tilespmem:s3+$0x170];
	_ =	sdelay $0x4  }
0x2e6: {  	[tilespmem:s11+$0x10030] =	vst.add.f32.msk @!p1 $0xffff, v18;
	v18 =	vimm.f32 @!p1 $1.000000000e+00  }
0x2e7: {  	[tilespmem:s11+$0x10040] =	vst.add.f32.msk @!p1 $0xffff, v18  }
0x2e8: {  	v18 =	vld @!p2 [tilespmem:s3+$0x180]  }
0x2e9: {  	s11 =	spop @!p2 (v2sf)  }
0x2ea: {  	s11 =	smul.u32 @!p2 $0x140, s11;
	_ =	sdelay $0x1  }
0x2eb: {  	s11 =	sshra.s32 @!p2 s11, $0x2  }
0x2ec: {  	[tilespmem:s11+$0x10000] =	vst.add.f32.msk @!p2 $0xffff, v18  }
0x2ed: {  	v18 =	vld @!p2 [tilespmem:s3+$0x190];
	_ =	sdelay $0x4  }
0x2ee: {  	[tilespmem:s11+$0x10010] =	vst.add.f32.msk @!p2 $0xffff, v18  }
0x2ef: {  	v18 =	vld @!p2 [tilespmem:s3+$0x1A0];
	_ =	sdelay $0x4  }
0x2f0: {  	[tilespmem:s11+$0x10020] =	vst.add.f32.msk @!p2 $0xffff, v18  }
0x2f1: {  	v18 =	vld @!p2 [tilespmem:s3+$0x1B0];
	_ =	sdelay $0x4  }
0x2f2: {  	[tilespmem:s11+$0x10030] =	vst.add.f32.msk @!p2 $0xffff, v18;
	v18 =	vimm.f32 @!p2 $1.000000000e+00  }
0x2f3: {  	p1 =	slt.s32 s5, s0;
	[tilespmem:s11+$0x10040] =	vst.add.f32.msk @!p2 $0xffff, v18  }
0x2f4: {  	v18 =	vld @!p1 [tilespmem:s3+$0x1C0];
	_ =	sdelay $0x1  }
0x2f5: {  	s10 =	smul.u32 @!p1 $0x140, s10;
	_ =	sdelay $0x1  }
0x2f6: {  	s10 =	sshra.s32 @!p1 s10, $0x2  }
0x2f7: {  	[tilespmem:s10+$0x10000] =	vst.add.f32.msk @!p1 $0xffff, v18  }
0x2f8: {  	v18 =	vld @!p1 [tilespmem:s3+$0x1D0];
	_ =	sdelay $0x4  }
0x2f9: {  	[tilespmem:s10+$0x10010] =	vst.add.f32.msk @!p1 $0xffff, v18  }
0x2fa: {  	v18 =	vld @!p1 [tilespmem:s3+$0x1E0];
	_ =	sdelay $0x4  }
0x2fb: {  	[tilespmem:s10+$0x10020] =	vst.add.f32.msk @!p1 $0xffff, v18  }
0x2fc: {  	v18 =	vld @!p1 [tilespmem:s3+$0x1F0];
	_ =	sdelay $0x4  }
0x2fd: {  	[tilespmem:s10+$0x10030] =	vst.add.f32.msk @!p1 $0xffff, v18;
	v18 =	vimm.f32 @!p1 $1.000000000e+00  }
0x2fe: {  	[tilespmem:s10+$0x10040] =	vst.add.f32.msk @!p1 $0xffff, v18  }
.LBB2_13:
0x2ff: {  	s5 =	sadd.s32 $0x10, s5  }
0x300: {  	p1 =	sne.s32 s5, $0x20F  }
.Ltmp10:
0x301: {  	_ = 	snop;
	(pc) =	sbr.rel @!p1 .LBB2_14-.Ltmp10, $2  }
0x302: {  	_ =	sdelay $0x2  }
0x303: {  	s16 =	sadd.s32 $0x10, s16;
	s3 =	sadd.s32 $0x400, s3  }
.LBB2_10:
0x304: {  	v18 =	vld [tilespmem:s16+$0x0];
	_ =	sdelay $0x4  }
0x305: {  	(v2sf) =	vpush v18, $0x0  }
0x306: {  	(v2sf) =	vpush v18, $0xF;
	_ =	sdelay $0xd  }
0x307: {  	s14 =	sadd.s32 $0xFFFFFFF1, s5;
	s11 =	spop (v2sf)  }
0x308: {  	p2 =	slt.s32 s14, s0;
	s10 =	spop (v2sf)  }
0x309: {  	p1 =	sne.s32 @!p2 s11, s10  }
0x30a: {  	p1 =	por p2, p1  }
.Ltmp11:
0x30b: {  	_ = 	snop;
	(pc) =	sbr.rel @p1 .LBB2_12-.Ltmp11, $1  }
0x30c: {  	_ =	sdelay $0x3  }
0x30d: {  	v18 =	vld [tilespmem:s3+$0xFFFFFE00]  }
0x30e: {  	v19 =	vld [tilespmem:s3+$0xFFFFFE10]  }
0x30f: {  	v20 =	vld [tilespmem:s3+$0xFFFFFE20]  }
0x310: {  	v21 =	vld [tilespmem:s3+$0xFFFFFE30]  }
0x311: {  	v22 =	vld [tilespmem:s3+$0xFFFFFE40]  }
0x312: {  	v23 =	vld [tilespmem:s3+$0xFFFFFE50]  }
0x313: {  	v24 =	vld [tilespmem:s3+$0xFFFFFE60]  }
0x314: {  	v25 =	vld [tilespmem:s3+$0xFFFFFE70]  }
0x315: {  	v26 =	vld [tilespmem:s3+$0xFFFFFE80]  }
0x316: {  	v27 =	vld [tilespmem:s3+$0xFFFFFE90]  }
0x317: {  	v28 =	vld [tilespmem:s3+$0xFFFFFEA0]  }
0x318: {  	v29 =	vld [tilespmem:s3+$0xFFFFFEB0]  }
0x319: {  	v30 =	vld [tilespmem:s3+$0xFFFFFEC0]  }
0x31a: {  	v31 =	vld [tilespmem:s3+$0xFFFFFED0]  }
0x31b: {  	v32 =	vld [tilespmem:s3+$0xFFFFFEE0]  }
0x31c: {  	v33 =	vld [tilespmem:s3+$0xFFFFFEF0]  }
0x31d: {  	v34 =	vld [tilespmem:s3+$0xFFFFFF00]  }
0x31e: {  	v35 =	vld [tilespmem:s3+$0xFFFFFF10]  }
0x31f: {  	v36 =	vld [tilespmem:s3+$0xFFFFFF20]  }
0x320: {  	v37 =	vld [tilespmem:s3+$0xFFFFFF30]  }
0x321: {  	v38 =	vld [tilespmem:s3+$0xFFFFFF40]  }
0x322: {  	v39 =	vld [tilespmem:s3+$0xFFFFFF50]  }
0x323: {  	v40 =	vld [tilespmem:s3+$0xFFFFFF60]  }
0x324: {  	v41 =	vld [tilespmem:s3+$0xFFFFFF70]  }
0x325: {  	v42 =	vld [tilespmem:s3+$0xFFFFFF80]  }
0x326: {  	v43 =	vld [tilespmem:s3+$0xFFFFFF90]  }
0x327: {  	v44 =	vld [tilespmem:s3+$0xFFFFFFA0]  }
0x328: {  	v45 =	vld [tilespmem:s3+$0xFFFFFFB0]  }
0x329: {  	v46 =	vld [tilespmem:s3+$0xFFFFFFC0]  }
0x32a: {  	v47 =	vld [tilespmem:s3+$0xFFFFFFD0]  }
0x32b: {  	v48 =	vld [tilespmem:s3+$0xFFFFFFE0]  }
0x32c: {  	v49 =	vld [tilespmem:s3+$0xFFFFFFF0]  }
0x32d: {  	v50 =	vld [tilespmem:s3+$0x0]  }
0x32e: {  	v51 =	vld [tilespmem:s3+$0x10]  }
0x32f: {  	v52 =	vld [tilespmem:s3+$0x20]  }
0x330: {  	v53 =	vld [tilespmem:s3+$0x30];
	v18 =	vadd.f32 $0.0e+00, v18  }
0x331: {  	v54 =	vld [tilespmem:s3+$0x40];
	v19 =	vadd.f32 $0.0e+00, v19  }
0x332: {  	v55 =	vld [tilespmem:s3+$0x60];
	v20 =	vadd.f32 $0.0e+00, v20;
	v18 =	vadd.f32 v22, v18  }
0x333: {  	v56 =	vld [tilespmem:s3+$0x70];
	v21 =	vadd.f32 $0.0e+00, v21;
	v19 =	vadd.f32 v23, v19  }
0x334: {  	v57 =	vld [tilespmem:s3+$0x80];
	v20 =	vadd.f32 v24, v20;
	v18 =	vadd.f32 v26, v18  }
0x335: {  	v58 =	vld [tilespmem:s3+$0x90];
	v21 =	vadd.f32 v25, v21;
	v19 =	vadd.f32 v27, v19  }
0x336: {  	v59 =	vld [tilespmem:s3+$0xA0];
	v20 =	vadd.f32 v28, v20;
	v18 =	vadd.f32 v30, v18  }
0x337: {  	v60 =	vld [tilespmem:s3+$0xB0];
	v21 =	vadd.f32 v29, v21;
	v19 =	vadd.f32 v31, v19  }
0x338: {  	v61 =	vld [tilespmem:s3+$0xC0];
	v20 =	vadd.f32 v32, v20;
	v18 =	vadd.f32 v34, v18  }
0x339: {  	v62 =	vld [tilespmem:s3+$0xD0];
	v21 =	vadd.f32 v33, v21;
	v19 =	vadd.f32 v35, v19  }
0x33a: {  	v63 =	vld [tilespmem:s3+$0xE0];
	v20 =	vadd.f32 v36, v20;
	v18 =	vadd.f32 v38, v18  }
0x33b: {  	v22 =	vld [tilespmem:s3+$0x50];
	v21 =	vadd.f32 v37, v21;
	v19 =	vadd.f32 v39, v19  }
0x33c: {  	v20 =	vadd.f32 v40, v20;
	v18 =	vadd.f32 v42, v18;
	v42 =	vld [tilespmem:s3+$0xF0]  }
0x33d: {  	v21 =	vadd.f32 v41, v21;
	v19 =	vadd.f32 v43, v19;
	v43 =	vld [tilespmem:s3+$0x100]  }
0x33e: {  	v20 =	vadd.f32 v44, v20;
	v18 =	vadd.f32 v46, v18;
	v46 =	vld [tilespmem:s3+$0x110]  }
0x33f: {  	v21 =	vadd.f32 v45, v21;
	v19 =	vadd.f32 v47, v19;
	v47 =	vld [tilespmem:s3+$0x120]  }
0x340: {  	v20 =	vadd.f32 v48, v20;
	v18 =	vadd.f32 v50, v18;
	v50 =	vld [tilespmem:s3+$0x130]  }
0x341: {  	v21 =	vadd.f32 v49, v21;
	v19 =	vadd.f32 v51, v19;
	v51 =	vld [tilespmem:s3+$0x140]  }
0x342: {  	v20 =	vadd.f32 v52, v20;
	v52 =	vld [tilespmem:s3+$0x150];
	v18 =	vadd.f32 v54, v18  }
0x343: {  	v21 =	vadd.f32 v53, v21;
	v19 =	vadd.f32 v22, v19;
	v54 =	vld [tilespmem:s3+$0x160]  }
0x344: {  	v20 =	vadd.f32 v55, v20;
	v55 =	vld [tilespmem:s3+$0x170];
	v18 =	vadd.f32 v57, v18  }
0x345: {  	v21 =	vadd.f32 v56, v21;
	v56 =	vld [tilespmem:s3+$0x180];
	v19 =	vadd.f32 v58, v19  }
0x346: {  	v20 =	vadd.f32 v59, v20;
	v57 =	vld [tilespmem:s3+$0x190];
	v18 =	vadd.f32 v61, v18  }
0x347: {  	v21 =	vadd.f32 v60, v21;
	v58 =	vld [tilespmem:s3+$0x1A0];
	v19 =	vadd.f32 v62, v19  }
0x348: {  	v59 =	vld [tilespmem:s3+$0x1B0];
	v20 =	vadd.f32 v63, v20;
	v18 =	vadd.f32 v43, v18  }
0x349: {  	v60 =	vld [tilespmem:s3+$0x1C0];
	v21 =	vadd.f32 v42, v21;
	v19 =	vadd.f32 v46, v19  }
0x34a: {  	v61 =	vld [tilespmem:s3+$0x1D0];
	v20 =	vadd.f32 v47, v20;
	v18 =	vadd.f32 v51, v18  }
0x34b: {  	v62 =	vld [tilespmem:s3+$0x1E0];
	v21 =	vadd.f32 v50, v21;
	v19 =	vadd.f32 v52, v19  }
0x34c: {  	s10 =	smul.u32 $0x140, s11;
	v63 =	vld [tilespmem:s3+$0x1F0];
	v20 =	vadd.f32 v54, v20;
	v18 =	vadd.f32 v56, v18  }
0x34d: {  	v21 =	vadd.f32 v55, v21;
	v19 =	vadd.f32 v57, v19  }
0x34e: {  	s10 =	sshra.s32 s10, $0x2;
	v20 =	vadd.f32 v58, v20;
	v18 =	vadd.f32 v60, v18  }
.Ltmp12:
0x34f: {  	[tilespmem:s10+$0x10040] =	vst.add.f32.msk $0xffff, v17;
	v21 =	vadd.f32 v59, v21;
	v19 =	vadd.f32 v61, v19;
	(pc) =	sbr.rel .LBB2_13-.Ltmp12, $4  }
0x350: {  	v20 =	vadd.f32 v62, v20;
	[tilespmem:s10+$0x10000] =	vst.add.f32.msk $0xffff, v18  }
0x351: {  	v18 =	vadd.f32 v63, v21;
	[tilespmem:s10+$0x10010] =	vst.add.f32.msk $0xffff, v19  }
0x352: {  	[tilespmem:s10+$0x10020] =	vst.add.f32.msk $0xffff, v20  }
0x353: {  	[tilespmem:s10+$0x10030] =	vst.add.f32.msk $0xffff, v18  }
.LBB2_16:
0x354: {  	_ =	sfence.sel $0x180000  }
0x355: {  	[bflag:$0x0] =	sbarrier.arrive $0xFFFF  }
0x356: {  	_ =	strace $0x90000047  }
0x357: {  	s0 =	stileid.u32;
	[bflag:$0x2] =	sbarrier.arrive $0xFFFF  }
0x358: {  	p0 =	sne.s32 s0, $0x0;
	s0 =	rddreg [dreg:$0x5]  }
0x359: {  	s0 =	sadd.s32 @!p0 $0x100000, s0  }
0x35a: {  	[sflag:s0] =	ssyncadd.tile.s32 @!p0 $0x1;
	_ =	shalt  }
.Lfunc_end2:
_tile_overlayer_lowered:
.L_overlay_start_2:
0x35b: {  	(tag) =	ssettag $0x2  }
0x35c: {  	s0 =	rddreg [dreg:$0x0];
	s2 =	stileid.u32  }
0x35d: {  	s1 =	rddreg [dreg:$0x1];
	p0 =	sne.s32 s2, $0x0  }
0x35e: {  	s3 =	rddreg [dreg:$0x2];
	[bflag:$0x3] =	sbarrier.arrive $0xFFFF;
	s2 =	simm.s32 @!p0 $0x1C03  }
0x35f: {  	[timem:s3], [sflag:s2] =	dma.local @!p0 [hbm:s0], s1  }
0x360: {  	s0 =	simm.s32 @!p0 $0x3  }
0x361: {  	_ =	swait.ge @!p0 [sflag:s0], s1  }
0x362: {  	s1 =	ssub.s32 @!p0 $0x0, s1;
	[sflag:s0] =	ssyncset.done @!p0 $0x0  }
0x363: {  	[sflag:s0] =	ssyncadd.s32 @!p0 s1  }
0x364: {  	[bflag:$0x3] =	sbarrier.arrive $0xFFFF  }
0x365: {  	_ =	shalt  }

</sc_bundles>
